<compile_context>
chip_gen: v7x
topology: tpu7x:2x2x1
jax: 0.10.2.dev20260603
libtpu: 0.0.44.dev20260713+nightly
codegen_flags: <defaults>
</compile_context>

<pallas_src>
import functools

import jax
import jax.numpy as jnp
from jax import lax
from jax.experimental import pallas as pl
from jax.experimental.pallas import tpu as pltpu
from jax.experimental.pallas import tpu_sc as plsc


_NUM_CORES = 2
_NUM_SUBCORES = 16
_NUM_WORKERS = _NUM_CORES * _NUM_SUBCORES
_CHUNK_ROWS = 32


def _sc_add_body(x_hbm, emb_hbm, out_hbm, xv, ev):
    batch, seq_len, dim = x_hbm.shape
    wid = lax.axis_index("s") * _NUM_CORES + lax.axis_index("c")
    rows_per_worker = seq_len // _NUM_WORKERS
    n_chunks = rows_per_worker // _CHUNK_ROWS
    vecs_per_chunk = _CHUNK_ROWS * dim // 16

    def chunk_body(c, carry):
        base = wid * rows_per_worker + c * _CHUNK_ROWS
        pltpu.sync_copy(emb_hbm.at[pl.ds(base, _CHUNK_ROWS)], ev)
        for b in range(batch):
            pltpu.sync_copy(x_hbm.at[b, pl.ds(base, _CHUNK_ROWS)], xv)

            def row_body(r, carry2):
                for j in range(dim // 16):
                    off = j * 16
                    xv[r, pl.ds(off, 16)] = xv[r, pl.ds(off, 16)] + ev[r, pl.ds(off, 16)]
                return carry2

            lax.fori_loop(0, _CHUNK_ROWS, row_body, 0)
            pltpu.sync_copy(xv, out_hbm.at[b, pl.ds(base, _CHUNK_ROWS)])
        return carry

    lax.fori_loop(0, n_chunks, chunk_body, 0)


def kernel(x, emb_weight):
    batch, seq_len, dim = x.shape
    mesh = plsc.VectorSubcoreMesh(core_axis_name="c", subcore_axis_name="s")
    sc_call = functools.partial(
        pl.kernel,
        mesh=mesh,
        out_type=jax.ShapeDtypeStruct(x.shape, x.dtype),
        scratch_types=[
            pltpu.VMEM((_CHUNK_ROWS, dim), jnp.float32),
            pltpu.VMEM((_CHUNK_ROWS, dim), jnp.float32),
        ],
    )(_sc_add_body)
    return sc_call(x, emb_weight)

# --- scband reference (transcript-rebuilt; emitter-appended) ---
"""Pipeline reference for scband-learned-positional-embedding-91311004713375 (READ-ONLY COPY).

The authoritative reference and input builder live on the scoring server;
editing this copy changes nothing except your own understanding.
"""

import jax, jax.numpy as jnp
import numpy as np

MAX_SEQ_LEN = 8192
DIM = 1024
INIT_STD = 0.02

def setup_inputs(seed: int = 0) -> dict:
    key = jax.random.key(seed)
    k1, k2 = jax.random.split(key)
    x = jax.random.normal(k1, (4, 8192, 1024), dtype=jnp.float32)
    emb_weight = jax.random.normal(k2, (MAX_SEQ_LEN, DIM), dtype=jnp.float32) * INIT_STD
    return {"x": x, "emb_weight": emb_weight}

def reference(x, emb_weight):
    seq_len = x.shape[1]
    positions = jnp.arange(seq_len)
    pos_emb = jnp.take(emb_weight, positions, axis=0)
    return x + pos_emb[None, :, :]

if __name__ == "__main__":
    import jax
    _d = setup_inputs()
    print(jax.jit(kernel)(*tuple(_d.values())))

</pallas_src>

<mosaic_0001>
#map = affine_map<(d0, d1) -> (0, 0, 0)>
#map1 = affine_map<(d0, d1) -> (0, 0)>
module attributes {stable_mosaic.version = 14 : i64} {
  func.func @_sc_add_body(%arg0: i32, %arg1: i32, %arg2: memref<4x8192x1024xf32, #tpu.memory_space<hbm>>, %arg3: memref<8192x1024xf32, #tpu.memory_space<hbm>>, %arg4: memref<4x8192x1024xf32, #tpu.memory_space<hbm>>, %arg5: memref<32x1024xf32, #tpu.memory_space<vmem>>, %arg6: memref<32x1024xf32, #tpu.memory_space<vmem>>) attributes {dimension_semantics = [#tpu.dimension_semantics<core_parallel>, #tpu.dimension_semantics<subcore_parallel>], iteration_bounds = array<i64: 2, 16>, scalar_prefetch = 0 : i64, scratch_operands = 2 : i64, tpu.core_type = #tpu.core_type<sc_vector_subcore>, window_params = [{transform_indices = #map}, {transform_indices = #map1}, {transform_indices = #map}]} {
    %mul3A = arith.constant 2 : i32
    %mul3A_0 = arith.muli %arg1, %mul3A : i32
    %add3A = arith.addi %mul3A_0, %arg0 : i32
    %scan3A = arith.constant 0 : i32
    %scan3A_1 = arith.constant 0 : i32
    %scan3A_2 = arith.constant 8 : i32
    %scan3A_3 = arith.addi %scan3A_1, %scan3A_2 : i32
    %scan3A_4 = arith.constant 1 : i32
    scf.for %scan3A_6 = %scan3A_1 to %scan3A_3 step %scan3A_4  : i32 {
      %mul3A_7 = arith.constant 256 : i32
      %mul3A_8 = arith.muli %add3A, %mul3A_7 : i32
      %mul3A_9 = arith.constant 32 : i32
      %mul3A_10 = arith.muli %scan3A_6, %mul3A_9 : i32
      %add3A_11 = arith.addi %mul3A_8, %mul3A_10 : i32
      "tpu.region"() ({
        %run_scoped3A_43 = tpu.sem_alloc : memref<!tpu.dma_semaphore, #tpu.memory_space<semaphore_mem>>
        %dma_start3A = arith.constant 0 : i32
        %dma_start3A_44 = tpu.memref_slice %arg3[%add3A_11, %dma_start3A] : memref<8192x1024xf32, #tpu.memory_space<hbm>> -> memref<32x1024xf32, #tpu.memory_space<hbm>>
        %dma_start3A_45 = arith.constant 0 : i32
        %dma_start3A_46 = tpu.memref_slice %arg3[%add3A_11, %dma_start3A_45] : memref<8192x1024xf32, #tpu.memory_space<hbm>> -> memref<32x1024xf32, #tpu.memory_space<hbm>>
        tpu.enqueue_dma source(%dma_start3A_46 : memref<32x1024xf32, #tpu.memory_space<hbm>>) target(%arg6 : memref<32x1024xf32, #tpu.memory_space<vmem>>) target_semaphore(%run_scoped3A_43 : memref<!tpu.dma_semaphore, #tpu.memory_space<semaphore_mem>>)
        %dma_wait3A = arith.constant 0 : i32
        %dma_wait3A_47 = tpu.memref_slice %arg3[%add3A_11, %dma_wait3A] : memref<8192x1024xf32, #tpu.memory_space<hbm>> -> memref<32x1024xf32, #tpu.memory_space<hbm>>
        %dma_wait3A_48 = arith.constant 0 : i32
        %dma_wait3A_49 = tpu.memref_slice %arg3[%add3A_11, %dma_wait3A_48] : memref<8192x1024xf32, #tpu.memory_space<hbm>> -> memref<32x1024xf32, #tpu.memory_space<hbm>>
        tpu.wait_dma2 semaphore(%run_scoped3A_43 : memref<!tpu.dma_semaphore, #tpu.memory_space<semaphore_mem>>) src(%dma_wait3A_49 : memref<32x1024xf32, #tpu.memory_space<hbm>>) dst(%arg6 : memref<32x1024xf32, #tpu.memory_space<vmem>>)
        tpu.yield
      }) : () -> ()
      %run_scoped3A = arith.constant 0 : i32
      "tpu.region"() ({
        %run_scoped3A_43 = tpu.sem_alloc : memref<!tpu.dma_semaphore, #tpu.memory_space<semaphore_mem>>
        %dma_start3A = arith.constant 0 : i32
        %dma_start3A_44 = tpu.memref_slice %arg2[%run_scoped3A, %add3A_11, %dma_start3A] : memref<4x8192x1024xf32, #tpu.memory_space<hbm>> -> memref<1x32x1024xf32, #tpu.memory_space<hbm>>
        %dma_start3A_45 = tpu.memref_squeeze %dma_start3A_44 : memref<1x32x1024xf32, #tpu.memory_space<hbm>> -> memref<32x1024xf32, #tpu.memory_space<hbm>>
        %dma_start3A_46 = arith.constant 0 : i32
        %dma_start3A_47 = tpu.memref_slice %arg2[%run_scoped3A, %add3A_11, %dma_start3A_46] : memref<4x8192x1024xf32, #tpu.memory_space<hbm>> -> memref<1x32x1024xf32, #tpu.memory_space<hbm>>
        %dma_start3A_48 = tpu.memref_squeeze %dma_start3A_47 : memref<1x32x1024xf32, #tpu.memory_space<hbm>> -> memref<32x1024xf32, #tpu.memory_space<hbm>>
        tpu.enqueue_dma source(%dma_start3A_48 : memref<32x1024xf32, #tpu.memory_space<hbm>>) target(%arg5 : memref<32x1024xf32, #tpu.memory_space<vmem>>) target_semaphore(%run_scoped3A_43 : memref<!tpu.dma_semaphore, #tpu.memory_space<semaphore_mem>>)
        %dma_wait3A = arith.constant 0 : i32
        %dma_wait3A_49 = tpu.memref_slice %arg2[%run_scoped3A, %add3A_11, %dma_wait3A] : memref<4x8192x1024xf32, #tpu.memory_space<hbm>> -> memref<1x32x1024xf32, #tpu.memory_space<hbm>>
        %dma_wait3A_50 = tpu.memref_squeeze %dma_wait3A_49 : memref<1x32x1024xf32, #tpu.memory_space<hbm>> -> memref<32x1024xf32, #tpu.memory_space<hbm>>
        %dma_wait3A_51 = arith.constant 0 : i32
        %dma_wait3A_52 = tpu.memref_slice %arg2[%run_scoped3A, %add3A_11, %dma_wait3A_51] : memref<4x8192x1024xf32, #tpu.memory_space<hbm>> -> memref<1x32x1024xf32, #tpu.memory_space<hbm>>
        %dma_wait3A_53 = tpu.memref_squeeze %dma_wait3A_52 : memref<1x32x1024xf32, #tpu.memory_space<hbm>> -> memref<32x1024xf32, #tpu.memory_space<hbm>>
        tpu.wait_dma2 semaphore(%run_scoped3A_43 : memref<!tpu.dma_semaphore, #tpu.memory_space<semaphore_mem>>) src(%dma_wait3A_53 : memref<32x1024xf32, #tpu.memory_space<hbm>>) dst(%arg5 : memref<32x1024xf32, #tpu.memory_space<vmem>>)
        tpu.yield
      }) : () -> ()
      %scan3A_12 = arith.constant 0 : i32
      %scan3A_13 = arith.constant 0 : i32
      %scan3A_14 = arith.constant 32 : i32
      %scan3A_15 = arith.addi %scan3A_13, %scan3A_14 : i32
      %scan3A_16 = arith.constant 1 : i32
      scf.for %scan3A_43 = %scan3A_13 to %scan3A_15 step %scan3A_16  : i32 {
        %get3A = arith.index_cast %scan3A_43 : i32 to index
        %get3A_44 = arith.constant 0 : index
        %get3A_45 = tpu.vector_load %arg5[%get3A, %get3A_44] {strides = array<i32>} : memref<32x1024xf32, #tpu.memory_space<vmem>>, vector<1x16xf32>,
        %get3A_46 = vector.shape_cast %get3A_45 : vector<1x16xf32> to vector<16xf32>
        %get3A_47 = arith.index_cast %scan3A_43 : i32 to index
        %get3A_48 = arith.constant 0 : index
        %get3A_49 = tpu.vector_load %arg6[%get3A_47, %get3A_48] {strides = array<i32>} : memref<32x1024xf32, #tpu.memory_space<vmem>>, vector<1x16xf32>,
        %get3A_50 = vector.shape_cast %get3A_49 : vector<1x16xf32> to vector<16xf32>
        %add3A_51 = arith.addf %get3A_46, %get3A_50 : vector<16xf32>
        %swap3A = arith.index_cast %scan3A_43 : i32 to index
        %swap3A_52 = arith.constant 0 : index
        %swap3A_53 = tpu.vector_load %arg5[%swap3A, %swap3A_52] {strides = array<i32>} : memref<32x1024xf32, #tpu.memory_space<vmem>>, vector<1x16xf32>,
        %swap3A_54 = vector.shape_cast %swap3A_53 : vector<1x16xf32> to vector<16xf32>
        %swap3A_55 = vector.shape_cast %add3A_51 : vector<16xf32> to vector<1x16xf32>
        tpu.vector_store %arg5[%swap3A, %swap3A_52], %swap3A_55 {strides = array<i32>} : memref<32x1024xf32, #tpu.memory_space<vmem>>, vector<1x16xf32>,
        %get3A_56 = arith.index_cast %scan3A_43 : i32 to index
        %get3A_57 = arith.constant 16 : index
        %get3A_58 = tpu.vector_load %arg5[%get3A_56, %get3A_57] {strides = array<i32>} : memref<32x1024xf32, #tpu.memory_space<vmem>>, vector<1x16xf32>,
        %get3A_59 = vector.shape_cast %get3A_58 : vector<1x16xf32> to vector<16xf32>
        %get3A_60 = arith.index_cast %scan3A_43 : i32 to index
        %get3A_61 = arith.constant 16 : index
        %get3A_62 = tpu.vector_load %arg6[%get3A_60, %get3A_61] {strides = array<i32>} : memref<32x1024xf32, #tpu.memory_space<vmem>>, vector<1x16xf32>,
        %get3A_63 = vector.shape_cast %get3A_62 : vector<1x16xf32> to vector<16xf32>
        %add3A_64 = arith.addf %get3A_59, %get3A_63 : vector<16xf32>
        %swap3A_65 = arith.index_cast %scan3A_43 : i32 to index
        %swap3A_66 = arith.constant 16 : index
        %swap3A_67 = tpu.vector_load %arg5[%swap3A_65, %swap3A_66] {strides = array<i32>} : memref<32x1024xf32, #tpu.memory_space<vmem>>, vector<1x16xf32>,
        %swap3A_68 = vector.shape_cast %swap3A_67 : vector<1x16xf32> to vector<16xf32>
        %swap3A_69 = vector.shape_cast %add3A_64 : vector<16xf32> to vector<1x16xf32>
        tpu.vector_store %arg5[%swap3A_65, %swap3A_66], %swap3A_69 {strides = array<i32>} : memref<32x1024xf32, #tpu.memory_space<vmem>>, vector<1x16xf32>,
        %get3A_70 = arith.index_cast %scan3A_43 : i32 to index
        %get3A_71 = arith.constant 32 : index
        %get3A_72 = tpu.vector_load %arg5[%get3A_70, %get3A_71] {strides = array<i32>} : memref<32x1024xf32, #tpu.memory_space<vmem>>, vector<1x16xf32>,
        %get3A_73 = vector.shape_cast %get3A_72 : vector<1x16xf32> to vector<16xf32>
        %get3A_74 = arith.index_cast %scan3A_43 : i32 to index
        %get3A_75 = arith.constant 32 : index
        %get3A_76 = tpu.vector_load %arg6[%get3A_74, %get3A_75] {strides = array<i32>} : memref<32x1024xf32, #tpu.memory_space<vmem>>, vector<1x16xf32>,
        %get3A_77 = vector.shape_cast %get3A_76 : vector<1x16xf32> to vector<16xf32>
        %add3A_78 = arith.addf %get3A_73, %get3A_77 : vector<16xf32>
        %swap3A_79 = arith.index_cast %scan3A_43 : i32 to index
        %swap3A_80 = arith.constant 32 : index
        %swap3A_81 = tpu.vector_load %arg5[%swap3A_79, %swap3A_80] {strides = array<i32>} : memref<32x1024xf32, #tpu.memory_space<vmem>>, vector<1x16xf32>,
        %swap3A_82 = vector.shape_cast %swap3A_81 : vector<1x16xf32> to vector<16xf32>
        %swap3A_83 = vector.shape_cast %add3A_78 : vector<16xf32> to vector<1x16xf32>
        tpu.vector_store %arg5[%swap3A_79, %swap3A_80], %swap3A_83 {strides = array<i32>} : memref<32x1024xf32, #tpu.memory_space<vmem>>, vector<1x16xf32>,
        %get3A_84 = arith.index_cast %scan3A_43 : i32 to index
        %get3A_85 = arith.constant 48 : index
        %get3A_86 = tpu.vector_load %arg5[%get3A_84, %get3A_85] {strides = array<i32>} : memref<32x1024xf32, #tpu.memory_space<vmem>>, vector<1x16xf32>,
        %get3A_87 = vector.shape_cast %get3A_86 : vector<1x16xf32> to vector<16xf32>
        %get3A_88 = arith.index_cast %scan3A_43 : i32 to index
        %get3A_89 = arith.constant 48 : index
        %get3A_90 = tpu.vector_load %arg6[%get3A_88, %get3A_89] {strides = array<i32>} : memref<32x1024xf32, #tpu.memory_space<vmem>>, vector<1x16xf32>,
        %get3A_91 = vector.shape_cast %get3A_90 : vector<1x16xf32> to vector<16xf32>
        %add3A_92 = arith.addf %get3A_87, %get3A_91 : vector<16xf32>
        %swap3A_93 = arith.index_cast %scan3A_43 : i32 to index
        %swap3A_94 = arith.constant 48 : index
        %swap3A_95 = tpu.vector_load %arg5[%swap3A_93, %swap3A_94] {strides = array<i32>} : memref<32x1024xf32, #tpu.memory_space<vmem>>, vector<1x16xf32>,
        %swap3A_96 = vector.shape_cast %swap3A_95 : vector<1x16xf32> to vector<16xf32>
        %swap3A_97 = vector.shape_cast %add3A_92 : vector<16xf32> to vector<1x16xf32>
        tpu.vector_store %arg5[%swap3A_93, %swap3A_94], %swap3A_97 {strides = array<i32>} : memref<32x1024xf32, #tpu.memory_space<vmem>>, vector<1x16xf32>,
        %get3A_98 = arith.index_cast %scan3A_43 : i32 to index
        %get3A_99 = arith.constant 64 : index
        %get3A_100 = tpu.vector_load %arg5[%get3A_98, %get3A_99] {strides = array<i32>} : memref<32x1024xf32, #tpu.memory_space<vmem>>, vector<1x16xf32>,
        %get3A_101 = vector.shape_cast %get3A_100 : vector<1x16xf32> to vector<16xf32>
        %get3A_102 = arith.index_cast %scan3A_43 : i32 to index
        %get3A_103 = arith.constant 64 : index
        %get3A_104 = tpu.vector_load %arg6[%get3A_102, %get3A_103] {strides = array<i32>} : memref<32x1024xf32, #tpu.memory_space<vmem>>, vector<1x16xf32>,
        %get3A_105 = vector.shape_cast %get3A_104 : vector<1x16xf32> to vector<16xf32>
        %add3A_106 = arith.addf %get3A_101, %get3A_105 : vector<16xf32>
        %swap3A_107 = arith.index_cast %scan3A_43 : i32 to index
        %swap3A_108 = arith.constant 64 : index
        %swap3A_109 = tpu.vector_load %arg5[%swap3A_107, %swap3A_108] {strides = array<i32>} : memref<32x1024xf32, #tpu.memory_space<vmem>>, vector<1x16xf32>,
        %swap3A_110 = vector.shape_cast %swap3A_109 : vector<1x16xf32> to vector<16xf32>
        %swap3A_111 = vector.shape_cast %add3A_106 : vector<16xf32> to vector<1x16xf32>
        tpu.vector_store %arg5[%swap3A_107, %swap3A_108], %swap3A_111 {strides = array<i32>} : memref<32x1024xf32, #tpu.memory_space<vmem>>, vector<1x16xf32>,
        %get3A_112 = arith.index_cast %scan3A_43 : i32 to index
        %get3A_113 = arith.constant 80 : index
        %get3A_114 = tpu.vector_load %arg5[%get3A_112, %get3A_113] {strides = array<i32>} : memref<32x1024xf32, #tpu.memory_space<vmem>>, vector<1x16xf32>,
        %get3A_115 = vector.shape_cast %get3A_114 : vector<1x16xf32> to vector<16xf32>
        %get3A_116 = arith.index_cast %scan3A_43 : i32 to index
        %get3A_117 = arith.constant 80 : index
        %get3A_118 = tpu.vector_load %arg6[%get3A_116, %get3A_117] {strides = array<i32>} : memref<32x1024xf32, #tpu.memory_space<vmem>>, vector<1x16xf32>,
        %get3A_119 = vector.shape_cast %get3A_118 : vector<1x16xf32> to vector<16xf32>
        %add3A_120 = arith.addf %get3A_115, %get3A_119 : vector<16xf32>
        %swap3A_121 = arith.index_cast %scan3A_43 : i32 to index
        %swap3A_122 = arith.constant 80 : index
        %swap3A_123 = tpu.vector_load %arg5[%swap3A_121, %swap3A_122] {strides = array<i32>} : memref<32x1024xf32, #tpu.memory_space<vmem>>, vector<1x16xf32>,
        %swap3A_124 = vector.shape_cast %swap3A_123 : vector<1x16xf32> to vector<16xf32>
        %swap3A_125 = vector.shape_cast %add3A_120 : vector<16xf32> to vector<1x16xf32>
        tpu.vector_store %arg5[%swap3A_121, %swap3A_122], %swap3A_125 {strides = array<i32>} : memref<32x1024xf32, #tpu.memory_space<vmem>>, vector<1x16xf32>,
        %get3A_126 = arith.index_cast %scan3A_43 : i32 to index
        %get3A_127 = arith.constant 96 : index
        %get3A_128 = tpu.vector_load %arg5[%get3A_126, %get3A_127] {strides = array<i32>} : memref<32x1024xf32, #tpu.memory_space<vmem>>, vector<1x16xf32>,
        %get3A_129 = vector.shape_cast %get3A_128 : vector<1x16xf32> to vector<16xf32>
        %get3A_130 = arith.index_cast %scan3A_43 : i32 to index
        %get3A_131 = arith.constant 96 : index
        %get3A_132 = tpu.vector_load %arg6[%get3A_130, %get3A_131] {strides = array<i32>} : memref<32x1024xf32, #tpu.memory_space<vmem>>, vector<1x16xf32>,
        %get3A_133 = vector.shape_cast %get3A_132 : vector<1x16xf32> to vector<16xf32>
        %add3A_134 = arith.addf %get3A_129, %get3A_133 : vector<16xf32>
        %swap3A_135 = arith.index_cast %scan3A_43 : i32 to index
        %swap3A_136 = arith.constant 96 : index
        %swap3A_137 = tpu.vector_load %arg5[%swap3A_135, %swap3A_136] {strides = array<i32>} : memref<32x1024xf32, #tpu.memory_space<vmem>>, vector<1x16xf32>,
        %swap3A_138 = vector.shape_cast %swap3A_137 : vector<1x16xf32> to vector<16xf32>
        %swap3A_139 = vector.shape_cast %add3A_134 : vector<16xf32> to vector<1x16xf32>
        tpu.vector_store %arg5[%swap3A_135, %swap3A_136], %swap3A_139 {strides = array<i32>} : memref<32x1024xf32, #tpu.memory_space<vmem>>, vector<1x16xf32>,
        %get3A_140 = arith.index_cast %scan3A_43 : i32 to index
        %get3A_141 = arith.constant 112 : index
        %get3A_142 = tpu.vector_load %arg5[%get3A_140, %get3A_141] {strides = array<i32>} : memref<32x1024xf32, #tpu.memory_space<vmem>>, vector<1x16xf32>,
        %get3A_143 = vector.shape_cast %get3A_142 : vector<1x16xf32> to vector<16xf32>
        %get3A_144 = arith.index_cast %scan3A_43 : i32 to index
        %get3A_145 = arith.constant 112 : index
        %get3A_146 = tpu.vector_load %arg6[%get3A_144, %get3A_145] {strides = array<i32>} : memref<32x1024xf32, #tpu.memory_space<vmem>>, vector<1x16xf32>,
        %get3A_147 = vector.shape_cast %get3A_146 : vector<1x16xf32> to vector<16xf32>
        %add3A_148 = arith.addf %get3A_143, %get3A_147 : vector<16xf32>
        %swap3A_149 = arith.index_cast %scan3A_43 : i32 to index
        %swap3A_150 = arith.constant 112 : index
        %swap3A_151 = tpu.vector_load %arg5[%swap3A_149, %swap3A_150] {strides = array<i32>} : memref<32x1024xf32, #tpu.memory_space<vmem>>, vector<1x16xf32>,
        %swap3A_152 = vector.shape_cast %swap3A_151 : vector<1x16xf32> to vector<16xf32>
        %swap3A_153 = vector.shape_cast %add3A_148 : vector<16xf32> to vector<1x16xf32>
        tpu.vector_store %arg5[%swap3A_149, %swap3A_150], %swap3A_153 {strides = array<i32>} : memref<32x1024xf32, #tpu.memory_space<vmem>>, vector<1x16xf32>,
        %get3A_154 = arith.index_cast %scan3A_43 : i32 to index
        %get3A_155 = arith.constant 128 : index
        %get3A_156 = tpu.vector_load %arg5[%get3A_154, %get3A_155] {strides = array<i32>} : memref<32x1024xf32, #tpu.memory_space<vmem>>, vector<1x16xf32>,
        %get3A_157 = vector.shape_cast %get3A_156 : vector<1x16xf32> to vector<16xf32>
        %get3A_158 = arith.index_cast %scan3A_43 : i32 to index
        %get3A_159 = arith.constant 128 : index
        %get3A_160 = tpu.vector_load %arg6[%get3A_158, %get3A_159] {strides = array<i32>} : memref<32x1024xf32, #tpu.memory_space<vmem>>, vector<1x16xf32>,
        %get3A_161 = vector.shape_cast %get3A_160 : vector<1x16xf32> to vector<16xf32>
        %add3A_162 = arith.addf %get3A_157, %get3A_161 : vector<16xf32>
        %swap3A_163 = arith.index_cast %scan3A_43 : i32 to index
        %swap3A_164 = arith.constant 128 : index
        %swap3A_165 = tpu.vector_load %arg5[%swap3A_163, %swap3A_164] {strides = array<i32>} : memref<32x1024xf32, #tpu.memory_space<vmem>>, vector<1x16xf32>,
        %swap3A_166 = vector.shape_cast %swap3A_165 : vector<1x16xf32> to vector<16xf32>
        %swap3A_167 = vector.shape_cast %add3A_162 : vector<16xf32> to vector<1x16xf32>
        tpu.vector_store %arg5[%swap3A_163, %swap3A_164], %swap3A_167 {strides = array<i32>} : memref<32x1024xf32, #tpu.memory_space<vmem>>, vector<1x16xf32>,
        %get3A_168 = arith.index_cast %scan3A_43 : i32 to index
        %get3A_169 = arith.constant 144 : index
        %get3A_170 = tpu.vector_load %arg5[%get3A_168, %get3A_169] {strides = array<i32>} : memref<32x1024xf32, #tpu.memory_space<vmem>>, vector<1x16xf32>,
        %get3A_171 = vector.shape_cast %get3A_170 : vector<1x16xf32> to vector<16xf32>
        %get3A_172 = arith.index_cast %scan3A_43 : i32 to index
        %get3A_173 = arith.constant 144 : index
        %get3A_174 = tpu.vector_load %arg6[%get3A_172, %get3A_173] {strides = array<i32>} : memref<32x1024xf32, #tpu.memory_space<vmem>>, vector<1x16xf32>,
        %get3A_175 = vector.shape_cast %get3A_174 : vector<1x16xf32> to vector<16xf32>
        %add3A_176 = arith.addf %get3A_171, %get3A_175 : vector<16xf32>
        %swap3A_177 = arith.index_cast %scan3A_43 : i32 to index
        %swap3A_178 = arith.constant 144 : index
        %swap3A_179 = tpu.vector_load %arg5[%swap3A_177, %swap3A_178] {strides = array<i32>} : memref<32x1024xf32, #tpu.memory_space<vmem>>, vector<1x16xf32>,
        %swap3A_180 = vector.shape_cast %swap3A_179 : vector<1x16xf32> to vector<16xf32>
        %swap3A_181 = vector.shape_cast %add3A_176 : vector<16xf32> to vector<1x16xf32>
        tpu.vector_store %arg5[%swap3A_177, %swap3A_178], %swap3A_181 {strides = array<i32>} : memref<32x1024xf32, #tpu.memory_space<vmem>>, vector<1x16xf32>,
        %get3A_182 = arith.index_cast %scan3A_43 : i32 to index
        %get3A_183 = arith.constant 160 : index
        %get3A_184 = tpu.vector_load %arg5[%get3A_182, %get3A_183] {strides = array<i32>} : memref<32x1024xf32, #tpu.memory_space<vmem>>, vector<1x16xf32>,
        %get3A_185 = vector.shape_cast %get3A_184 : vector<1x16xf32> to vector<16xf32>
        %get3A_186 = arith.index_cast %scan3A_43 : i32 to index
        %get3A_187 = arith.constant 160 : index
        %get3A_188 = tpu.vector_load %arg6[%get3A_186, %get3A_187] {strides = array<i32>} : memref<32x1024xf32, #tpu.memory_space<vmem>>, vector<1x16xf32>,
        %get3A_189 = vector.shape_cast %get3A_188 : vector<1x16xf32> to vector<16xf32>
        %add3A_190 = arith.addf %get3A_185, %get3A_189 : vector<16xf32>
        %swap3A_191 = arith.index_cast %scan3A_43 : i32 to index
        %swap3A_192 = arith.constant 160 : index
        %swap3A_193 = tpu.vector_load %arg5[%swap3A_191, %swap3A_192] {strides = array<i32>} : memref<32x1024xf32, #tpu.memory_space<vmem>>, vector<1x16xf32>,
        %swap3A_194 = vector.shape_cast %swap3A_193 : vector<1x16xf32> to vector<16xf32>
        %swap3A_195 = vector.shape_cast %add3A_190 : vector<16xf32> to vector<1x16xf32>
        tpu.vector_store %arg5[%swap3A_191, %swap3A_192], %swap3A_195 {strides = array<i32>} : memref<32x1024xf32, #tpu.memory_space<vmem>>, vector<1x16xf32>,
        %get3A_196 = arith.index_cast %scan3A_43 : i32 to index
        %get3A_197 = arith.constant 176 : index
        %get3A_198 = tpu.vector_load %arg5[%get3A_196, %get3A_197] {strides = array<i32>} : memref<32x1024xf32, #tpu.memory_space<vmem>>, vector<1x16xf32>,
        %get3A_199 = vector.shape_cast %get3A_198 : vector<1x16xf32> to vector<16xf32>
        %get3A_200 = arith.index_cast %scan3A_43 : i32 to index
        %get3A_201 = arith.constant 176 : index
        %get3A_202 = tpu.vector_load %arg6[%get3A_200, %get3A_201] {strides = array<i32>} : memref<32x1024xf32, #tpu.memory_space<vmem>>, vector<1x16xf32>,
        %get3A_203 = vector.shape_cast %get3A_202 : vector<1x16xf32> to vector<16xf32>
        %add3A_204 = arith.addf %get3A_199, %get3A_203 : vector<16xf32>
        %swap3A_205 = arith.index_cast %scan3A_43 : i32 to index
        %swap3A_206 = arith.constant 176 : index
        %swap3A_207 = tpu.vector_load %arg5[%swap3A_205, %swap3A_206] {strides = array<i32>} : memref<32x1024xf32, #tpu.memory_space<vmem>>, vector<1x16xf32>,
        %swap3A_208 = vector.shape_cast %swap3A_207 : vector<1x16xf32> to vector<16xf32>
        %swap3A_209 = vector.shape_cast %add3A_204 : vector<16xf32> to vector<1x16xf32>
        tpu.vector_store %arg5[%swap3A_205, %swap3A_206], %swap3A_209 {strides = array<i32>} : memref<32x1024xf32, #tpu.memory_space<vmem>>, vector<1x16xf32>,
        %get3A_210 = arith.index_cast %scan3A_43 : i32 to index
        %get3A_211 = arith.constant 192 : index
        %get3A_212 = tpu.vector_load %arg5[%get3A_210, %get3A_211] {strides = array<i32>} : memref<32x1024xf32, #tpu.memory_space<vmem>>, vector<1x16xf32>,
        %get3A_213 = vector.shape_cast %get3A_212 : vector<1x16xf32> to vector<16xf32>
        %get3A_214 = arith.index_cast %scan3A_43 : i32 to index
        %get3A_215 = arith.constant 192 : index
        %get3A_216 = tpu.vector_load %arg6[%get3A_214, %get3A_215] {strides = array<i32>} : memref<32x1024xf32, #tpu.memory_space<vmem>>, vector<1x16xf32>,
        %get3A_217 = vector.shape_cast %get3A_216 : vector<1x16xf32> to vector<16xf32>
        %add3A_218 = arith.addf %get3A_213, %get3A_217 : vector<16xf32>
        %swap3A_219 = arith.index_cast %scan3A_43 : i32 to index
        %swap3A_220 = arith.constant 192 : index
        %swap3A_221 = tpu.vector_load %arg5[%swap3A_219, %swap3A_220] {strides = array<i32>} : memref<32x1024xf32, #tpu.memory_space<vmem>>, vector<1x16xf32>,
        %swap3A_222 = vector.shape_cast %swap3A_221 : vector<1x16xf32> to vector<16xf32>
        %swap3A_223 = vector.shape_cast %add3A_218 : vector<16xf32> to vector<1x16xf32>
        tpu.vector_store %arg5[%swap3A_219, %swap3A_220], %swap3A_223 {strides = array<i32>} : memref<32x1024xf32, #tpu.memory_space<vmem>>, vector<1x16xf32>,
        %get3A_224 = arith.index_cast %scan3A_43 : i32 to index
        %get3A_225 = arith.constant 208 : index
        %get3A_226 = tpu.vector_load %arg5[%get3A_224, %get3A_225] {strides = array<i32>} : memref<32x1024xf32, #tpu.memory_space<vmem>>, vector<1x16xf32>,
        %get3A_227 = vector.shape_cast %get3A_226 : vector<1x16xf32> to vector<16xf32>
        %get3A_228 = arith.index_cast %scan3A_43 : i32 to index
        %get3A_229 = arith.constant 208 : index
        %get3A_230 = tpu.vector_load %arg6[%get3A_228, %get3A_229] {strides = array<i32>} : memref<32x1024xf32, #tpu.memory_space<vmem>>, vector<1x16xf32>,
        %get3A_231 = vector.shape_cast %get3A_230 : vector<1x16xf32> to vector<16xf32>
        %add3A_232 = arith.addf %get3A_227, %get3A_231 : vector<16xf32>
        %swap3A_233 = arith.index_cast %scan3A_43 : i32 to index
        %swap3A_234 = arith.constant 208 : index
        %swap3A_235 = tpu.vector_load %arg5[%swap3A_233, %swap3A_234] {strides = array<i32>} : memref<32x1024xf32, #tpu.memory_space<vmem>>, vector<1x16xf32>,
        %swap3A_236 = vector.shape_cast %swap3A_235 : vector<1x16xf32> to vector<16xf32>
        %swap3A_237 = vector.shape_cast %add3A_232 : vector<16xf32> to vector<1x16xf32>
        tpu.vector_store %arg5[%swap3A_233, %swap3A_234], %swap3A_237 {strides = array<i32>} : memref<32x1024xf32, #tpu.memory_space<vmem>>, vector<1x16xf32>,
        %get3A_238 = arith.index_cast %scan3A_43 : i32 to index
        %get3A_239 = arith.constant 224 : index
        %get3A_240 = tpu.vector_load %arg5[%get3A_238, %get3A_239] {strides = array<i32>} : memref<32x1024xf32, #tpu.memory_space<vmem>>, vector<1x16xf32>,
        %get3A_241 = vector.shape_cast %get3A_240 : vector<1x16xf32> to vector<16xf32>
        %get3A_242 = arith.index_cast %scan3A_43 : i32 to index
        %get3A_243 = arith.constant 224 : index
        %get3A_244 = tpu.vector_load %arg6[%get3A_242, %get3A_243] {strides = array<i32>} : memref<32x1024xf32, #tpu.memory_space<vmem>>, vector<1x16xf32>,
        %get3A_245 = vector.shape_cast %get3A_244 : vector<1x16xf32> to vector<16xf32>
        %add3A_246 = arith.addf %get3A_241, %get3A_245 : vector<16xf32>
        %swap3A_247 = arith.index_cast %scan3A_43 : i32 to index
        %swap3A_248 = arith.constant 224 : index
        %swap3A_249 = tpu.vector_load %arg5[%swap3A_247, %swap3A_248] {strides = array<i32>} : memref<32x1024xf32, #tpu.memory_space<vmem>>, vector<1x16xf32>,
        %swap3A_250 = vector.shape_cast %swap3A_249 : vector<1x16xf32> to vector<16xf32>
        %swap3A_251 = vector.shape_cast %add3A_246 : vector<16xf32> to vector<1x16xf32>
        tpu.vector_store %arg5[%swap3A_247, %swap3A_248], %swap3A_251 {strides = array<i32>} : memref<32x1024xf32, #tpu.memory_space<vmem>>, vector<1x16xf32>,
        %get3A_252 = arith.index_cast %scan3A_43 : i32 to index
        %get3A_253 = arith.constant 240 : index
        %get3A_254 = tpu.vector_load %arg5[%get3A_252, %get3A_253] {strides = array<i32>} : memref<32x1024xf32, #tpu.memory_space<vmem>>, vector<1x16xf32>,
        %get3A_255 = vector.shape_cast %get3A_254 : vector<1x16xf32> to vector<16xf32>
        %get3A_256 = arith.index_cast %scan3A_43 : i32 to index
        %get3A_257 = arith.constant 240 : index
        %get3A_258 = tpu.vector_load %arg6[%get3A_256, %get3A_257] {strides = array<i32>} : memref<32x1024xf32, #tpu.memory_space<vmem>>, vector<1x16xf32>,
        %get3A_259 = vector.shape_cast %get3A_258 : vector<1x16xf32> to vector<16xf32>
        %add3A_260 = arith.addf %get3A_255, %get3A_259 : vector<16xf32>
        %swap3A_261 = arith.index_cast %scan3A_43 : i32 to index
        %swap3A_262 = arith.constant 240 : index
        %swap3A_263 = tpu.vector_load %arg5[%swap3A_261, %swap3A_262] {strides = array<i32>} : memref<32x1024xf32, #tpu.memory_space<vmem>>, vector<1x16xf32>,
        %swap3A_264 = vector.shape_cast %swap3A_263 : vector<1x16xf32> to vector<16xf32>
        %swap3A_265 = vector.shape_cast %add3A_260 : vector<16xf32> to vector<1x16xf32>
        tpu.vector_store %arg5[%swap3A_261, %swap3A_262], %swap3A_265 {strides = array<i32>} : memref<32x1024xf32, #tpu.memory_space<vmem>>, vector<1x16xf32>,
        %get3A_266 = arith.index_cast %scan3A_43 : i32 to index
        %get3A_267 = arith.constant 256 : index
        %get3A_268 = tpu.vector_load %arg5[%get3A_266, %get3A_267] {strides = array<i32>} : memref<32x1024xf32, #tpu.memory_space<vmem>>, vector<1x16xf32>,
        %get3A_269 = vector.shape_cast %get3A_268 : vector<1x16xf32> to vector<16xf32>
        %get3A_270 = arith.index_cast %scan3A_43 : i32 to index
        %get3A_271 = arith.constant 256 : index
        %get3A_272 = tpu.vector_load %arg6[%get3A_270, %get3A_271] {strides = array<i32>} : memref<32x1024xf32, #tpu.memory_space<vmem>>, vector<1x16xf32>,
        %get3A_273 = vector.shape_cast %get3A_272 : vector<1x16xf32> to vector<16xf32>
        %add3A_274 = arith.addf %get3A_269, %get3A_273 : vector<16xf32>
        %swap3A_275 = arith.index_cast %scan3A_43 : i32 to index
        %swap3A_276 = arith.constant 256 : index
        %swap3A_277 = tpu.vector_load %arg5[%swap3A_275, %swap3A_276] {strides = array<i32>} : memref<32x1024xf32, #tpu.memory_space<vmem>>, vector<1x16xf32>,
        %swap3A_278 = vector.shape_cast %swap3A_277 : vector<1x16xf32> to vector<16xf32>
        %swap3A_279 = vector.shape_cast %add3A_274 : vector<16xf32> to vector<1x16xf32>
        tpu.vector_store %arg5[%swap3A_275, %swap3A_276], %swap3A_279 {strides = array<i32>} : memref<32x1024xf32, #tpu.memory_space<vmem>>, vector<1x16xf32>,
        %get3A_280 = arith.index_cast %scan3A_43 : i32 to index
        %get3A_281 = arith.constant 272 : index
        %get3A_282 = tpu.vector_load %arg5[%get3A_280, %get3A_281] {strides = array<i32>} : memref<32x1024xf32, #tpu.memory_space<vmem>>, vector<1x16xf32>,
        %get3A_283 = vector.shape_cast %get3A_282 : vector<1x16xf32> to vector<16xf32>
        %get3A_284 = arith.index_cast %scan3A_43 : i32 to index
        %get3A_285 = arith.constant 272 : index
        %get3A_286 = tpu.vector_load %arg6[%get3A_284, %get3A_285] {strides = array<i32>} : memref<32x1024xf32, #tpu.memory_space<vmem>>, vector<1x16xf32>,
        %get3A_287 = vector.shape_cast %get3A_286 : vector<1x16xf32> to vector<16xf32>
        %add3A_288 = arith.addf %get3A_283, %get3A_287 : vector<16xf32>
        %swap3A_289 = arith.index_cast %scan3A_43 : i32 to index
        %swap3A_290 = arith.constant 272 : index
        %swap3A_291 = tpu.vector_load %arg5[%swap3A_289, %swap3A_290] {strides = array<i32>} : memref<32x1024xf32, #tpu.memory_space<vmem>>, vector<1x16xf32>,
        %swap3A_292 = vector.shape_cast %swap3A_291 : vector<1x16xf32> to vector<16xf32>
        %swap3A_293 = vector.shape_cast %add3A_288 : vector<16xf32> to vector<1x16xf32>
        tpu.vector_store %arg5[%swap3A_289, %swap3A_290], %swap3A_293 {strides = array<i32>} : memref<32x1024xf32, #tpu.memory_space<vmem>>, vector<1x16xf32>,
        %get3A_294 = arith.index_cast %scan3A_43 : i32 to index
        %get3A_295 = arith.constant 288 : index
        %get3A_296 = tpu.vector_load %arg5[%get3A_294, %get3A_295] {strides = array<i32>} : memref<32x1024xf32, #tpu.memory_space<vmem>>, vector<1x16xf32>,
        %get3A_297 = vector.shape_cast %get3A_296 : vector<1x16xf32> to vector<16xf32>
        %get3A_298 = arith.index_cast %scan3A_43 : i32 to index
        %get3A_299 = arith.constant 288 : index
        %get3A_300 = tpu.vector_load %arg6[%get3A_298, %get3A_299] {strides = array<i32>} : memref<32x1024xf32, #tpu.memory_space<vmem>>, vector<1x16xf32>,
        %get3A_301 = vector.shape_cast %get3A_300 : vector<1x16xf32> to vector<16xf32>
        %add3A_302 = arith.addf %get3A_297, %get3A_301 : vector<16xf32>
        %swap3A_303 = arith.index_cast %scan3A_43 : i32 to index
        %swap3A_304 = arith.constant 288 : index
        %swap3A_305 = tpu.vector_load %arg5[%swap3A_303, %swap3A_304] {strides = array<i32>} : memref<32x1024xf32, #tpu.memory_space<vmem>>, vector<1x16xf32>,
        %swap3A_306 = vector.shape_cast %swap3A_305 : vector<1x16xf32> to vector<16xf32>
        %swap3A_307 = vector.shape_cast %add3A_302 : vector<16xf32> to vector<1x16xf32>
        tpu.vector_store %arg5[%swap3A_303, %swap3A_304], %swap3A_307 {strides = array<i32>} : memref<32x1024xf32, #tpu.memory_space<vmem>>, vector<1x16xf32>,
        %get3A_308 = arith.index_cast %scan3A_43 : i32 to index
        %get3A_309 = arith.constant 304 : index
        %get3A_310 = tpu.vector_load %arg5[%get3A_308, %get3A_309] {strides = array<i32>} : memref<32x1024xf32, #tpu.memory_space<vmem>>, vector<1x16xf32>,
        %get3A_311 = vector.shape_cast %get3A_310 : vector<1x16xf32> to vector<16xf32>
        %get3A_312 = arith.index_cast %scan3A_43 : i32 to index
        %get3A_313 = arith.constant 304 : index
        %get3A_314 = tpu.vector_load %arg6[%get3A_312, %get3A_313] {strides = array<i32>} : memref<32x1024xf32, #tpu.memory_space<vmem>>, vector<1x16xf32>,
        %get3A_315 = vector.shape_cast %get3A_314 : vector<1x16xf32> to vector<16xf32>
        %add3A_316 = arith.addf %get3A_311, %get3A_315 : vector<16xf32>
        %swap3A_317 = arith.index_cast %scan3A_43 : i32 to index
        %swap3A_318 = arith.constant 304 : index
        %swap3A_319 = tpu.vector_load %arg5[%swap3A_317, %swap3A_318] {strides = array<i32>} : memref<32x1024xf32, #tpu.memory_space<vmem>>, vector<1x16xf32>,
        %swap3A_320 = vector.shape_cast %swap3A_319 : vector<1x16xf32> to vector<16xf32>
        %swap3A_321 = vector.shape_cast %add3A_316 : vector<16xf32> to vector<1x16xf32>
        tpu.vector_store %arg5[%swap3A_317, %swap3A_318], %swap3A_321 {strides = array<i32>} : memref<32x1024xf32, #tpu.memory_space<vmem>>, vector<1x16xf32>,
        %get3A_322 = arith.index_cast %scan3A_43 : i32 to index
        %get3A_323 = arith.constant 320 : index
        %get3A_324 = tpu.vector_load %arg5[%get3A_322, %get3A_323] {strides = array<i32>} : memref<32x1024xf32, #tpu.memory_space<vmem>>, vector<1x16xf32>,
        %get3A_325 = vector.shape_cast %get3A_324 : vector<1x16xf32> to vector<16xf32>
        %get3A_326 = arith.index_cast %scan3A_43 : i32 to index
        %get3A_327 = arith.constant 320 : index
        %get3A_328 = tpu.vector_load %arg6[%get3A_326, %get3A_327] {strides = array<i32>} : memref<32x1024xf32, #tpu.memory_space<vmem>>, vector<1x16xf32>,
        %get3A_329 = vector.shape_cast %get3A_328 : vector<1x16xf32> to vector<16xf32>
        %add3A_330 = arith.addf %get3A_325, %get3A_329 : vector<16xf32>
        %swap3A_331 = arith.index_cast %scan3A_43 : i32 to index
        %swap3A_332 = arith.constant 320 : index
        %swap3A_333 = tpu.vector_load %arg5[%swap3A_331, %swap3A_332] {strides = array<i32>} : memref<32x1024xf32, #tpu.memory_space<vmem>>, vector<1x16xf32>,
        %swap3A_334 = vector.shape_cast %swap3A_333 : vector<1x16xf32> to vector<16xf32>
        %swap3A_335 = vector.shape_cast %add3A_330 : vector<16xf32> to vector<1x16xf32>
        tpu.vector_store %arg5[%swap3A_331, %swap3A_332], %swap3A_335 {strides = array<i32>} : memref<32x1024xf32, #tpu.memory_space<vmem>>, vector<1x16xf32>,
        %get3A_336 = arith.index_cast %scan3A_43 : i32 to index
        %get3A_337 = arith.constant 336 : index
        %get3A_338 = tpu.vector_load %arg5[%get3A_336, %get3A_337] {strides = array<i32>} : memref<32x1024xf32, #tpu.memory_space<vmem>>, vector<1x16xf32>,
        %get3A_339 = vector.shape_cast %get3A_338 : vector<1x16xf32> to vector<16xf32>
        %get3A_340 = arith.index_cast %scan3A_43 : i32 to index
        %get3A_341 = arith.constant 336 : index
        %get3A_342 = tpu.vector_load %arg6[%get3A_340, %get3A_341] {strides = array<i32>} : memref<32x1024xf32, #tpu.memory_space<vmem>>, vector<1x16xf32>,
        %get3A_343 = vector.shape_cast %get3A_342 : vector<1x16xf32> to vector<16xf32>
        %add3A_344 = arith.addf %get3A_339, %get3A_343 : vector<16xf32>
        %swap3A_345 = arith.index_cast %scan3A_43 : i32 to index
        %swap3A_346 = arith.constant 336 : index
        %swap3A_347 = tpu.vector_load %arg5[%swap3A_345, %swap3A_346] {strides = array<i32>} : memref<32x1024xf32, #tpu.memory_space<vmem>>, vector<1x16xf32>,
        %swap3A_348 = vector.shape_cast %swap3A_347 : vector<1x16xf32> to vector<16xf32>
        %swap3A_349 = vector.shape_cast %add3A_344 : vector<16xf32> to vector<1x16xf32>
        tpu.vector_store %arg5[%swap3A_345, %swap3A_346], %swap3A_349 {strides = array<i32>} : memref<32x1024xf32, #tpu.memory_space<vmem>>, vector<1x16xf32>,
        %get3A_350 = arith.index_cast %scan3A_43 : i32 to index
        %get3A_351 = arith.constant 352 : index
        %get3A_352 = tpu.vector_load %arg5[%get3A_350, %get3A_351] {strides = array<i32>} : memref<32x1024xf32, #tpu.memory_space<vmem>>, vector<1x16xf32>,
        %get3A_353 = vector.shape_cast %get3A_352 : vector<1x16xf32> to vector<16xf32>
        %get3A_354 = arith.index_cast %scan3A_43 : i32 to index
        %get3A_355 = arith.constant 352 : index
        %get3A_356 = tpu.vector_load %arg6[%get3A_354, %get3A_355] {strides = array<i32>} : memref<32x1024xf32, #tpu.memory_space<vmem>>, vector<1x16xf32>,
        %get3A_357 = vector.shape_cast %get3A_356 : vector<1x16xf32> to vector<16xf32>
        %add3A_358 = arith.addf %get3A_353, %get3A_357 : vector<16xf32>
        %swap3A_359 = arith.index_cast %scan3A_43 : i32 to index
        %swap3A_360 = arith.constant 352 : index
        %swap3A_361 = tpu.vector_load %arg5[%swap3A_359, %swap3A_360] {strides = array<i32>} : memref<32x1024xf32, #tpu.memory_space<vmem>>, vector<1x16xf32>,
        %swap3A_362 = vector.shape_cast %swap3A_361 : vector<1x16xf32> to vector<16xf32>
        %swap3A_363 = vector.shape_cast %add3A_358 : vector<16xf32> to vector<1x16xf32>
        tpu.vector_store %arg5[%swap3A_359, %swap3A_360], %swap3A_363 {strides = array<i32>} : memref<32x1024xf32, #tpu.memory_space<vmem>>, vector<1x16xf32>,
        %get3A_364 = arith.index_cast %scan3A_43 : i32 to index
        %get3A_365 = arith.constant 368 : index
        %get3A_366 = tpu.vector_load %arg5[%get3A_364, %get3A_365] {strides = array<i32>} : memref<32x1024xf32, #tpu.memory_space<vmem>>, vector<1x16xf32>,
        %get3A_367 = vector.shape_cast %get3A_366 : vector<1x16xf32> to vector<16xf32>
        %get3A_368 = arith.index_cast %scan3A_43 : i32 to index
        %get3A_369 = arith.constant 368 : index
        %get3A_370 = tpu.vector_load %arg6[%get3A_368, %get3A_369] {strides = array<i32>} : memref<32x1024xf32, #tpu.memory_space<vmem>>, vector<1x16xf32>,
        %get3A_371 = vector.shape_cast %get3A_370 : vector<1x16xf32> to vector<16xf32>
        %add3A_372 = arith.addf %get3A_367, %get3A_371 : vector<16xf32>
        %swap3A_373 = arith.index_cast %scan3A_43 : i32 to index
        %swap3A_374 = arith.constant 368 : index
        %swap3A_375 = tpu.vector_load %arg5[%swap3A_373, %swap3A_374] {strides = array<i32>} : memref<32x1024xf32, #tpu.memory_space<vmem>>, vector<1x16xf32>,
        %swap3A_376 = vector.shape_cast %swap3A_375 : vector<1x16xf32> to vector<16xf32>
        %swap3A_377 = vector.shape_cast %add3A_372 : vector<16xf32> to vector<1x16xf32>
        tpu.vector_store %arg5[%swap3A_373, %swap3A_374], %swap3A_377 {strides = array<i32>} : memref<32x1024xf32, #tpu.memory_space<vmem>>, vector<1x16xf32>,
        %get3A_378 = arith.index_cast %scan3A_43 : i32 to index
        %get3A_379 = arith.constant 384 : index
        %get3A_380 = tpu.vector_load %arg5[%get3A_378, %get3A_379] {strides = array<i32>} : memref<32x1024xf32, #tpu.memory_space<vmem>>, vector<1x16xf32>,
        %get3A_381 = vector.shape_cast %get3A_380 : vector<1x16xf32> to vector<16xf32>
        %get3A_382 = arith.index_cast %scan3A_43 : i32 to index
        %get3A_383 = arith.constant 384 : index
        %get3A_384 = tpu.vector_load %arg6[%get3A_382, %get3A_383] {strides = array<i32>} : memref<32x1024xf32, #tpu.memory_space<vmem>>, vector<1x16xf32>,
        %get3A_385 = vector.shape_cast %get3A_384 : vector<1x16xf32> to vector<16xf32>
        %add3A_386 = arith.addf %get3A_381, %get3A_385 : vector<16xf32>
        %swap3A_387 = arith.index_cast %scan3A_43 : i32 to index
        %swap3A_388 = arith.constant 384 : index
        %swap3A_389 = tpu.vector_load %arg5[%swap3A_387, %swap3A_388] {strides = array<i32>} : memref<32x1024xf32, #tpu.memory_space<vmem>>, vector<1x16xf32>,
        %swap3A_390 = vector.shape_cast %swap3A_389 : vector<1x16xf32> to vector<16xf32>
        %swap3A_391 = vector.shape_cast %add3A_386 : vector<16xf32> to vector<1x16xf32>
        tpu.vector_store %arg5[%swap3A_387, %swap3A_388], %swap3A_391 {strides = array<i32>} : memref<32x1024xf32, #tpu.memory_space<vmem>>, vector<1x16xf32>,
        %get3A_392 = arith.index_cast %scan3A_43 : i32 to index
        %get3A_393 = arith.constant 400 : index
        %get3A_394 = tpu.vector_load %arg5[%get3A_392, %get3A_393] {strides = array<i32>} : memref<32x1024xf32, #tpu.memory_space<vmem>>, vector<1x16xf32>,
        %get3A_395 = vector.shape_cast %get3A_394 : vector<1x16xf32> to vector<16xf32>
        %get3A_396 = arith.index_cast %scan3A_43 : i32 to index
        %get3A_397 = arith.constant 400 : index
        %get3A_398 = tpu.vector_load %arg6[%get3A_396, %get3A_397] {strides = array<i32>} : memref<32x1024xf32, #tpu.memory_space<vmem>>, vector<1x16xf32>,
        %get3A_399 = vector.shape_cast %get3A_398 : vector<1x16xf32> to vector<16xf32>
        %add3A_400 = arith.addf %get3A_395, %get3A_399 : vector<16xf32>
        %swap3A_401 = arith.index_cast %scan3A_43 : i32 to index
        %swap3A_402 = arith.constant 400 : index
        %swap3A_403 = tpu.vector_load %arg5[%swap3A_401, %swap3A_402] {strides = array<i32>} : memref<32x1024xf32, #tpu.memory_space<vmem>>, vector<1x16xf32>,
        %swap3A_404 = vector.shape_cast %swap3A_403 : vector<1x16xf32> to vector<16xf32>
        %swap3A_405 = vector.shape_cast %add3A_400 : vector<16xf32> to vector<1x16xf32>
        tpu.vector_store %arg5[%swap3A_401, %swap3A_402], %swap3A_405 {strides = array<i32>} : memref<32x1024xf32, #tpu.memory_space<vmem>>, vector<1x16xf32>,
        %get3A_406 = arith.index_cast %scan3A_43 : i32 to index
        %get3A_407 = arith.constant 416 : index
        %get3A_408 = tpu.vector_load %arg5[%get3A_406, %get3A_407] {strides = array<i32>} : memref<32x1024xf32, #tpu.memory_space<vmem>>, vector<1x16xf32>,
        %get3A_409 = vector.shape_cast %get3A_408 : vector<1x16xf32> to vector<16xf32>
        %get3A_410 = arith.index_cast %scan3A_43 : i32 to index
        %get3A_411 = arith.constant 416 : index
        %get3A_412 = tpu.vector_load %arg6[%get3A_410, %get3A_411] {strides = array<i32>} : memref<32x1024xf32, #tpu.memory_space<vmem>>, vector<1x16xf32>,
        %get3A_413 = vector.shape_cast %get3A_412 : vector<1x16xf32> to vector<16xf32>
        %add3A_414 = arith.addf %get3A_409, %get3A_413 : vector<16xf32>
        %swap3A_415 = arith.index_cast %scan3A_43 : i32 to index
        %swap3A_416 = arith.constant 416 : index
        %swap3A_417 = tpu.vector_load %arg5[%swap3A_415, %swap3A_416] {strides = array<i32>} : memref<32x1024xf32, #tpu.memory_space<vmem>>, vector<1x16xf32>,
        %swap3A_418 = vector.shape_cast %swap3A_417 : vector<1x16xf32> to vector<16xf32>
        %swap3A_419 = vector.shape_cast %add3A_414 : vector<16xf32> to vector<1x16xf32>
        tpu.vector_store %arg5[%swap3A_415, %swap3A_416], %swap3A_419 {strides = array<i32>} : memref<32x1024xf32, #tpu.memory_space<vmem>>, vector<1x16xf32>,
        %get3A_420 = arith.index_cast %scan3A_43 : i32 to index
        %get3A_421 = arith.constant 432 : index
        %get3A_422 = tpu.vector_load %arg5[%get3A_420, %get3A_421] {strides = array<i32>} : memref<32x1024xf32, #tpu.memory_space<vmem>>, vector<1x16xf32>,
        %get3A_423 = vector.shape_cast %get3A_422 : vector<1x16xf32> to vector<16xf32>
        %get3A_424 = arith.index_cast %scan3A_43 : i32 to index
        %get3A_425 = arith.constant 432 : index
        %get3A_426 = tpu.vector_load %arg6[%get3A_424, %get3A_425] {strides = array<i32>} : memref<32x1024xf32, #tpu.memory_space<vmem>>, vector<1x16xf32>,
        %get3A_427 = vector.shape_cast %get3A_426 : vector<1x16xf32> to vector<16xf32>
        %add3A_428 = arith.addf %get3A_423, %get3A_427 : vector<16xf32>
        %swap3A_429 = arith.index_cast %scan3A_43 : i32 to index
        %swap3A_430 = arith.constant 432 : index
        %swap3A_431 = tpu.vector_load %arg5[%swap3A_429, %swap3A_430] {strides = array<i32>} : memref<32x1024xf32, #tpu.memory_space<vmem>>, vector<1x16xf32>,
        %swap3A_432 = vector.shape_cast %swap3A_431 : vector<1x16xf32> to vector<16xf32>
        %swap3A_433 = vector.shape_cast %add3A_428 : vector<16xf32> to vector<1x16xf32>
        tpu.vector_store %arg5[%swap3A_429, %swap3A_430], %swap3A_433 {strides = array<i32>} : memref<32x1024xf32, #tpu.memory_space<vmem>>, vector<1x16xf32>,
        %get3A_434 = arith.index_cast %scan3A_43 : i32 to index
        %get3A_435 = arith.constant 448 : index
        %get3A_436 = tpu.vector_load %arg5[%get3A_434, %get3A_435] {strides = array<i32>} : memref<32x1024xf32, #tpu.memory_space<vmem>>, vector<1x16xf32>,
        %get3A_437 = vector.shape_cast %get3A_436 : vector<1x16xf32> to vector<16xf32>
        %get3A_438 = arith.index_cast %scan3A_43 : i32 to index
        %get3A_439 = arith.constant 448 : index
        %get3A_440 = tpu.vector_load %arg6[%get3A_438, %get3A_439] {strides = array<i32>} : memref<32x1024xf32, #tpu.memory_space<vmem>>, vector<1x16xf32>,
        %get3A_441 = vector.shape_cast %get3A_440 : vector<1x16xf32> to vector<16xf32>
        %add3A_442 = arith.addf %get3A_437, %get3A_441 : vector<16xf32>
        %swap3A_443 = arith.index_cast %scan3A_43 : i32 to index
        %swap3A_444 = arith.constant 448 : index
        %swap3A_445 = tpu.vector_load %arg5[%swap3A_443, %swap3A_444] {strides = array<i32>} : memref<32x1024xf32, #tpu.memory_space<vmem>>, vector<1x16xf32>,
        %swap3A_446 = vector.shape_cast %swap3A_445 : vector<1x16xf32> to vector<16xf32>
        %swap3A_447 = vector.shape_cast %add3A_442 : vector<16xf32> to vector<1x16xf32>
        tpu.vector_store %arg5[%swap3A_443, %swap3A_444], %swap3A_447 {strides = array<i32>} : memref<32x1024xf32, #tpu.memory_space<vmem>>, vector<1x16xf32>,
        %get3A_448 = arith.index_cast %scan3A_43 : i32 to index
        %get3A_449 = arith.constant 464 : index
        %get3A_450 = tpu.vector_load %arg5[%get3A_448, %get3A_449] {strides = array<i32>} : memref<32x1024xf32, #tpu.memory_space<vmem>>, vector<1x16xf32>,
        %get3A_451 = vector.shape_cast %get3A_450 : vector<1x16xf32> to vector<16xf32>
        %get3A_452 = arith.index_cast %scan3A_43 : i32 to index
        %get3A_453 = arith.constant 464 : index
        %get3A_454 = tpu.vector_load %arg6[%get3A_452, %get3A_453] {strides = array<i32>} : memref<32x1024xf32, #tpu.memory_space<vmem>>, vector<1x16xf32>,
        %get3A_455 = vector.shape_cast %get3A_454 : vector<1x16xf32> to vector<16xf32>
        %add3A_456 = arith.addf %get3A_451, %get3A_455 : vector<16xf32>
        %swap3A_457 = arith.index_cast %scan3A_43 : i32 to index
        %swap3A_458 = arith.constant 464 : index
        %swap3A_459 = tpu.vector_load %arg5[%swap3A_457, %swap3A_458] {strides = array<i32>} : memref<32x1024xf32, #tpu.memory_space<vmem>>, vector<1x16xf32>,
        %swap3A_460 = vector.shape_cast %swap3A_459 : vector<1x16xf32> to vector<16xf32>
        %swap3A_461 = vector.shape_cast %add3A_456 : vector<16xf32> to vector<1x16xf32>
        tpu.vector_store %arg5[%swap3A_457, %swap3A_458], %swap3A_461 {strides = array<i32>} : memref<32x1024xf32, #tpu.memory_space<vmem>>, vector<1x16xf32>,
        %get3A_462 = arith.index_cast %scan3A_43 : i32 to index
        %get3A_463 = arith.constant 480 : index
        %get3A_464 = tpu.vector_load %arg5[%get3A_462, %get3A_463] {strides = array<i32>} : memref<32x1024xf32, #tpu.memory_space<vmem>>, vector<1x16xf32>,
        %get3A_465 = vector.shape_cast %get3A_464 : vector<1x16xf32> to vector<16xf32>
        %get3A_466 = arith.index_cast %scan3A_43 : i32 to index
        %get3A_467 = arith.constant 480 : index
        %get3A_468 = tpu.vector_load %arg6[%get3A_466, %get3A_467] {strides = array<i32>} : memref<32x1024xf32, #tpu.memory_space<vmem>>, vector<1x16xf32>,
        %get3A_469 = vector.shape_cast %get3A_468 : vector<1x16xf32> to vector<16xf32>
        %add3A_470 = arith.addf %get3A_465, %get3A_469 : vector<16xf32>
        %swap3A_471 = arith.index_cast %scan3A_43 : i32 to index
        %swap3A_472 = arith.constant 480 : index
        %swap3A_473 = tpu.vector_load %arg5[%swap3A_471, %swap3A_472] {strides = array<i32>} : memref<32x1024xf32, #tpu.memory_space<vmem>>, vector<1x16xf32>,
        %swap3A_474 = vector.shape_cast %swap3A_473 : vector<1x16xf32> to vector<16xf32>
        %swap3A_475 = vector.shape_cast %add3A_470 : vector<16xf32> to vector<1x16xf32>
        tpu.vector_store %arg5[%swap3A_471, %swap3A_472], %swap3A_475 {strides = array<i32>} : memref<32x1024xf32, #tpu.memory_space<vmem>>, vector<1x16xf32>,
        %get3A_476 = arith.index_cast %scan3A_43 : i32 to index
        %get3A_477 = arith.constant 496 : index
        %get3A_478 = tpu.vector_load %arg5[%get3A_476, %get3A_477] {strides = array<i32>} : memref<32x1024xf32, #tpu.memory_space<vmem>>, vector<1x16xf32>,
        %get3A_479 = vector.shape_cast %get3A_478 : vector<1x16xf32> to vector<16xf32>
        %get3A_480 = arith.index_cast %scan3A_43 : i32 to index
        %get3A_481 = arith.constant 496 : index
        %get3A_482 = tpu.vector_load %arg6[%get3A_480, %get3A_481] {strides = array<i32>} : memref<32x1024xf32, #tpu.memory_space<vmem>>, vector<1x16xf32>,
        %get3A_483 = vector.shape_cast %get3A_482 : vector<1x16xf32> to vector<16xf32>
        %add3A_484 = arith.addf %get3A_479, %get3A_483 : vector<16xf32>
        %swap3A_485 = arith.index_cast %scan3A_43 : i32 to index
        %swap3A_486 = arith.constant 496 : index
        %swap3A_487 = tpu.vector_load %arg5[%swap3A_485, %swap3A_486] {strides = array<i32>} : memref<32x1024xf32, #tpu.memory_space<vmem>>, vector<1x16xf32>,
        %swap3A_488 = vector.shape_cast %swap3A_487 : vector<1x16xf32> to vector<16xf32>
        %swap3A_489 = vector.shape_cast %add3A_484 : vector<16xf32> to vector<1x16xf32>
        tpu.vector_store %arg5[%swap3A_485, %swap3A_486], %swap3A_489 {strides = array<i32>} : memref<32x1024xf32, #tpu.memory_space<vmem>>, vector<1x16xf32>,
        %get3A_490 = arith.index_cast %scan3A_43 : i32 to index
        %get3A_491 = arith.constant 512 : index
        %get3A_492 = tpu.vector_load %arg5[%get3A_490, %get3A_491] {strides = array<i32>} : memref<32x1024xf32, #tpu.memory_space<vmem>>, vector<1x16xf32>,
        %get3A_493 = vector.shape_cast %get3A_492 : vector<1x16xf32> to vector<16xf32>
        %get3A_494 = arith.index_cast %scan3A_43 : i32 to index
        %get3A_495 = arith.constant 512 : index
        %get3A_496 = tpu.vector_load %arg6[%get3A_494, %get3A_495] {strides = array<i32>} : memref<32x1024xf32, #tpu.memory_space<vmem>>, vector<1x16xf32>,
        %get3A_497 = vector.shape_cast %get3A_496 : vector<1x16xf32> to vector<16xf32>
        %add3A_498 = arith.addf %get3A_493, %get3A_497 : vector<16xf32>
        %swap3A_499 = arith.index_cast %scan3A_43 : i32 to index
        %swap3A_500 = arith.constant 512 : index
        %swap3A_501 = tpu.vector_load %arg5[%swap3A_499, %swap3A_500] {strides = array<i32>} : memref<32x1024xf32, #tpu.memory_space<vmem>>, vector<1x16xf32>,
        %swap3A_502 = vector.shape_cast %swap3A_501 : vector<1x16xf32> to vector<16xf32>
        %swap3A_503 = vector.shape_cast %add3A_498 : vector<16xf32> to vector<1x16xf32>
        tpu.vector_store %arg5[%swap3A_499, %swap3A_500], %swap3A_503 {strides = array<i32>} : memref<32x1024xf32, #tpu.memory_space<vmem>>, vector<1x16xf32>,
        %get3A_504 = arith.index_cast %scan3A_43 : i32 to index
        %get3A_505 = arith.constant 528 : index
        %get3A_506 = tpu.vector_load %arg5[%get3A_504, %get3A_505] {strides = array<i32>} : memref<32x1024xf32, #tpu.memory_space<vmem>>, vector<1x16xf32>,
        %get3A_507 = vector.shape_cast %get3A_506 : vector<1x16xf32> to vector<16xf32>
        %get3A_508 = arith.index_cast %scan3A_43 : i32 to index
        %get3A_509 = arith.constant 528 : index
        %get3A_510 = tpu.vector_load %arg6[%get3A_508, %get3A_509] {strides = array<i32>} : memref<32x1024xf32, #tpu.memory_space<vmem>>, vector<1x16xf32>,
        %get3A_511 = vector.shape_cast %get3A_510 : vector<1x16xf32> to vector<16xf32>
        %add3A_512 = arith.addf %get3A_507, %get3A_511 : vector<16xf32>
        %swap3A_513 = arith.index_cast %scan3A_43 : i32 to index
        %swap3A_514 = arith.constant 528 : index
        %swap3A_515 = tpu.vector_load %arg5[%swap3A_513, %swap3A_514] {strides = array<i32>} : memref<32x1024xf32, #tpu.memory_space<vmem>>, vector<1x16xf32>,
        %swap3A_516 = vector.shape_cast %swap3A_515 : vector<1x16xf32> to vector<16xf32>
        %swap3A_517 = vector.shape_cast %add3A_512 : vector<16xf32> to vector<1x16xf32>
        tpu.vector_store %arg5[%swap3A_513, %swap3A_514], %swap3A_517 {strides = array<i32>} : memref<32x1024xf32, #tpu.memory_space<vmem>>, vector<1x16xf32>,
        %get3A_518 = arith.index_cast %scan3A_43 : i32 to index
        %get3A_519 = arith.constant 544 : index
        %get3A_520 = tpu.vector_load %arg5[%get3A_518, %get3A_519] {strides = array<i32>} : memref<32x1024xf32, #tpu.memory_space<vmem>>, vector<1x16xf32>,
        %get3A_521 = vector.shape_cast %get3A_520 : vector<1x16xf32> to vector<16xf32>
        %get3A_522 = arith.index_cast %scan3A_43 : i32 to index
        %get3A_523 = arith.constant 544 : index
        %get3A_524 = tpu.vector_load %arg6[%get3A_522, %get3A_523] {strides = array<i32>} : memref<32x1024xf32, #tpu.memory_space<vmem>>, vector<1x16xf32>,
        %get3A_525 = vector.shape_cast %get3A_524 : vector<1x16xf32> to vector<16xf32>
        %add3A_526 = arith.addf %get3A_521, %get3A_525 : vector<16xf32>
        %swap3A_527 = arith.index_cast %scan3A_43 : i32 to index
        %swap3A_528 = arith.constant 544 : index
        %swap3A_529 = tpu.vector_load %arg5[%swap3A_527, %swap3A_528] {strides = array<i32>} : memref<32x1024xf32, #tpu.memory_space<vmem>>, vector<1x16xf32>,
        %swap3A_530 = vector.shape_cast %swap3A_529 : vector<1x16xf32> to vector<16xf32>
        %swap3A_531 = vector.shape_cast %add3A_526 : vector<16xf32> to vector<1x16xf32>
        tpu.vector_store %arg5[%swap3A_527, %swap3A_528], %swap3A_531 {strides = array<i32>} : memref<32x1024xf32, #tpu.memory_space<vmem>>, vector<1x16xf32>,
        %get3A_532 = arith.index_cast %scan3A_43 : i32 to index
        %get3A_533 = arith.constant 560 : index
        %get3A_534 = tpu.vector_load %arg5[%get3A_532, %get3A_533] {strides = array<i32>} : memref<32x1024xf32, #tpu.memory_space<vmem>>, vector<1x16xf32>,
        %get3A_535 = vector.shape_cast %get3A_534 : vector<1x16xf32> to vector<16xf32>
        %get3A_536 = arith.index_cast %scan3A_43 : i32 to index
        %get3A_537 = arith.constant 560 : index
        %get3A_538 = tpu.vector_load %arg6[%get3A_536, %get3A_537] {strides = array<i32>} : memref<32x1024xf32, #tpu.memory_space<vmem>>, vector<1x16xf32>,
        %get3A_539 = vector.shape_cast %get3A_538 : vector<1x16xf32> to vector<16xf32>
        %add3A_540 = arith.addf %get3A_535, %get3A_539 : vector<16xf32>
        %swap3A_541 = arith.index_cast %scan3A_43 : i32 to index
        %swap3A_542 = arith.constant 560 : index
        %swap3A_543 = tpu.vector_load %arg5[%swap3A_541, %swap3A_542] {strides = array<i32>} : memref<32x1024xf32, #tpu.memory_space<vmem>>, vector<1x16xf32>,
        %swap3A_544 = vector.shape_cast %swap3A_543 : vector<1x16xf32> to vector<16xf32>
        %swap3A_545 = vector.shape_cast %add3A_540 : vector<16xf32> to vector<1x16xf32>
        tpu.vector_store %arg5[%swap3A_541, %swap3A_542], %swap3A_545 {strides = array<i32>} : memref<32x1024xf32, #tpu.memory_space<vmem>>, vector<1x16xf32>,
        %get3A_546 = arith.index_cast %scan3A_43 : i32 to index
        %get3A_547 = arith.constant 576 : index
        %get3A_548 = tpu.vector_load %arg5[%get3A_546, %get3A_547] {strides = array<i32>} : memref<32x1024xf32, #tpu.memory_space<vmem>>, vector<1x16xf32>,
        %get3A_549 = vector.shape_cast %get3A_548 : vector<1x16xf32> to vector<16xf32>
        %get3A_550 = arith.index_cast %scan3A_43 : i32 to index
        %get3A_551 = arith.constant 576 : index
        %get3A_552 = tpu.vector_load %arg6[%get3A_550, %get3A_551] {strides = array<i32>} : memref<32x1024xf32, #tpu.memory_space<vmem>>, vector<1x16xf32>,
        %get3A_553 = vector.shape_cast %get3A_552 : vector<1x16xf32> to vector<16xf32>
        %add3A_554 = arith.addf %get3A_549, %get3A_553 : vector<16xf32>
        %swap3A_555 = arith.index_cast %scan3A_43 : i32 to index
        %swap3A_556 = arith.constant 576 : index
        %swap3A_557 = tpu.vector_load %arg5[%swap3A_555, %swap3A_556] {strides = array<i32>} : memref<32x1024xf32, #tpu.memory_space<vmem>>, vector<1x16xf32>,
        %swap3A_558 = vector.shape_cast %swap3A_557 : vector<1x16xf32> to vector<16xf32>
        %swap3A_559 = vector.shape_cast %add3A_554 : vector<16xf32> to vector<1x16xf32>
        tpu.vector_store %arg5[%swap3A_555, %swap3A_556], %swap3A_559 {strides = array<i32>} : memref<32x1024xf32, #tpu.memory_space<vmem>>, vector<1x16xf32>,
        %get3A_560 = arith.index_cast %scan3A_43 : i32 to index
        %get3A_561 = arith.constant 592 : index
        %get3A_562 = tpu.vector_load %arg5[%get3A_560, %get3A_561] {strides = array<i32>} : memref<32x1024xf32, #tpu.memory_space<vmem>>, vector<1x16xf32>,
        %get3A_563 = vector.shape_cast %get3A_562 : vector<1x16xf32> to vector<16xf32>
        %get3A_564 = arith.index_cast %scan3A_43 : i32 to index
        %get3A_565 = arith.constant 592 : index
        %get3A_566 = tpu.vector_load %arg6[%get3A_564, %get3A_565] {strides = array<i32>} : memref<32x1024xf32, #tpu.memory_space<vmem>>, vector<1x16xf32>,
        %get3A_567 = vector.shape_cast %get3A_566 : vector<1x16xf32> to vector<16xf32>
        %add3A_568 = arith.addf %get3A_563, %get3A_567 : vector<16xf32>
        %swap3A_569 = arith.index_cast %scan3A_43 : i32 to index
        %swap3A_570 = arith.constant 592 : index
        %swap3A_571 = tpu.vector_load %arg5[%swap3A_569, %swap3A_570] {strides = array<i32>} : memref<32x1024xf32, #tpu.memory_space<vmem>>, vector<1x16xf32>,
        %swap3A_572 = vector.shape_cast %swap3A_571 : vector<1x16xf32> to vector<16xf32>
        %swap3A_573 = vector.shape_cast %add3A_568 : vector<16xf32> to vector<1x16xf32>
        tpu.vector_store %arg5[%swap3A_569, %swap3A_570], %swap3A_573 {strides = array<i32>} : memref<32x1024xf32, #tpu.memory_space<vmem>>, vector<1x16xf32>,
        %get3A_574 = arith.index_cast %scan3A_43 : i32 to index
        %get3A_575 = arith.constant 608 : index
        %get3A_576 = tpu.vector_load %arg5[%get3A_574, %get3A_575] {strides = array<i32>} : memref<32x1024xf32, #tpu.memory_space<vmem>>, vector<1x16xf32>,
        %get3A_577 = vector.shape_cast %get3A_576 : vector<1x16xf32> to vector<16xf32>
        %get3A_578 = arith.index_cast %scan3A_43 : i32 to index
        %get3A_579 = arith.constant 608 : index
        %get3A_580 = tpu.vector_load %arg6[%get3A_578, %get3A_579] {strides = array<i32>} : memref<32x1024xf32, #tpu.memory_space<vmem>>, vector<1x16xf32>,
        %get3A_581 = vector.shape_cast %get3A_580 : vector<1x16xf32> to vector<16xf32>
        %add3A_582 = arith.addf %get3A_577, %get3A_581 : vector<16xf32>
        %swap3A_583 = arith.index_cast %scan3A_43 : i32 to index
        %swap3A_584 = arith.constant 608 : index
        %swap3A_585 = tpu.vector_load %arg5[%swap3A_583, %swap3A_584] {strides = array<i32>} : memref<32x1024xf32, #tpu.memory_space<vmem>>, vector<1x16xf32>,
        %swap3A_586 = vector.shape_cast %swap3A_585 : vector<1x16xf32> to vector<16xf32>
        %swap3A_587 = vector.shape_cast %add3A_582 : vector<16xf32> to vector<1x16xf32>
        tpu.vector_store %arg5[%swap3A_583, %swap3A_584], %swap3A_587 {strides = array<i32>} : memref<32x1024xf32, #tpu.memory_space<vmem>>, vector<1x16xf32>,
        %get3A_588 = arith.index_cast %scan3A_43 : i32 to index
        %get3A_589 = arith.constant 624 : index
        %get3A_590 = tpu.vector_load %arg5[%get3A_588, %get3A_589] {strides = array<i32>} : memref<32x1024xf32, #tpu.memory_space<vmem>>, vector<1x16xf32>,
        %get3A_591 = vector.shape_cast %get3A_590 : vector<1x16xf32> to vector<16xf32>
        %get3A_592 = arith.index_cast %scan3A_43 : i32 to index
        %get3A_593 = arith.constant 624 : index
        %get3A_594 = tpu.vector_load %arg6[%get3A_592, %get3A_593] {strides = array<i32>} : memref<32x1024xf32, #tpu.memory_space<vmem>>, vector<1x16xf32>,
        %get3A_595 = vector.shape_cast %get3A_594 : vector<1x16xf32> to vector<16xf32>
        %add3A_596 = arith.addf %get3A_591, %get3A_595 : vector<16xf32>
        %swap3A_597 = arith.index_cast %scan3A_43 : i32 to index
        %swap3A_598 = arith.constant 624 : index
        %swap3A_599 = tpu.vector_load %arg5[%swap3A_597, %swap3A_598] {strides = array<i32>} : memref<32x1024xf32, #tpu.memory_space<vmem>>, vector<1x16xf32>,
        %swap3A_600 = vector.shape_cast %swap3A_599 : vector<1x16xf32> to vector<16xf32>
        %swap3A_601 = vector.shape_cast %add3A_596 : vector<16xf32> to vector<1x16xf32>
        tpu.vector_store %arg5[%swap3A_597, %swap3A_598], %swap3A_601 {strides = array<i32>} : memref<32x1024xf32, #tpu.memory_space<vmem>>, vector<1x16xf32>,
        %get3A_602 = arith.index_cast %scan3A_43 : i32 to index
        %get3A_603 = arith.constant 640 : index
        %get3A_604 = tpu.vector_load %arg5[%get3A_602, %get3A_603] {strides = array<i32>} : memref<32x1024xf32, #tpu.memory_space<vmem>>, vector<1x16xf32>,
        %get3A_605 = vector.shape_cast %get3A_604 : vector<1x16xf32> to vector<16xf32>
        %get3A_606 = arith.index_cast %scan3A_43 : i32 to index
        %get3A_607 = arith.constant 640 : index
        %get3A_608 = tpu.vector_load %arg6[%get3A_606, %get3A_607] {strides = array<i32>} : memref<32x1024xf32, #tpu.memory_space<vmem>>, vector<1x16xf32>,
        %get3A_609 = vector.shape_cast %get3A_608 : vector<1x16xf32> to vector<16xf32>
        %add3A_610 = arith.addf %get3A_605, %get3A_609 : vector<16xf32>
        %swap3A_611 = arith.index_cast %scan3A_43 : i32 to index
        %swap3A_612 = arith.constant 640 : index
        %swap3A_613 = tpu.vector_load %arg5[%swap3A_611, %swap3A_612] {strides = array<i32>} : memref<32x1024xf32, #tpu.memory_space<vmem>>, vector<1x16xf32>,
        %swap3A_614 = vector.shape_cast %swap3A_613 : vector<1x16xf32> to vector<16xf32>
        %swap3A_615 = vector.shape_cast %add3A_610 : vector<16xf32> to vector<1x16xf32>
        tpu.vector_store %arg5[%swap3A_611, %swap3A_612], %swap3A_615 {strides = array<i32>} : memref<32x1024xf32, #tpu.memory_space<vmem>>, vector<1x16xf32>,
        %get3A_616 = arith.index_cast %scan3A_43 : i32 to index
        %get3A_617 = arith.constant 656 : index
        %get3A_618 = tpu.vector_load %arg5[%get3A_616, %get3A_617] {strides = array<i32>} : memref<32x1024xf32, #tpu.memory_space<vmem>>, vector<1x16xf32>,
        %get3A_619 = vector.shape_cast %get3A_618 : vector<1x16xf32> to vector<16xf32>
        %get3A_620 = arith.index_cast %scan3A_43 : i32 to index
        %get3A_621 = arith.constant 656 : index
        %get3A_622 = tpu.vector_load %arg6[%get3A_620, %get3A_621] {strides = array<i32>} : memref<32x1024xf32, #tpu.memory_space<vmem>>, vector<1x16xf32>,
        %get3A_623 = vector.shape_cast %get3A_622 : vector<1x16xf32> to vector<16xf32>
        %add3A_624 = arith.addf %get3A_619, %get3A_623 : vector<16xf32>
        %swap3A_625 = arith.index_cast %scan3A_43 : i32 to index
        %swap3A_626 = arith.constant 656 : index
        %swap3A_627 = tpu.vector_load %arg5[%swap3A_625, %swap3A_626] {strides = array<i32>} : memref<32x1024xf32, #tpu.memory_space<vmem>>, vector<1x16xf32>,
        %swap3A_628 = vector.shape_cast %swap3A_627 : vector<1x16xf32> to vector<16xf32>
        %swap3A_629 = vector.shape_cast %add3A_624 : vector<16xf32> to vector<1x16xf32>
        tpu.vector_store %arg5[%swap3A_625, %swap3A_626], %swap3A_629 {strides = array<i32>} : memref<32x1024xf32, #tpu.memory_space<vmem>>, vector<1x16xf32>,
        %get3A_630 = arith.index_cast %scan3A_43 : i32 to index
        %get3A_631 = arith.constant 672 : index
        %get3A_632 = tpu.vector_load %arg5[%get3A_630, %get3A_631] {strides = array<i32>} : memref<32x1024xf32, #tpu.memory_space<vmem>>, vector<1x16xf32>,
        %get3A_633 = vector.shape_cast %get3A_632 : vector<1x16xf32> to vector<16xf32>
        %get3A_634 = arith.index_cast %scan3A_43 : i32 to index
        %get3A_635 = arith.constant 672 : index
        %get3A_636 = tpu.vector_load %arg6[%get3A_634, %get3A_635] {strides = array<i32>} : memref<32x1024xf32, #tpu.memory_space<vmem>>, vector<1x16xf32>,
        %get3A_637 = vector.shape_cast %get3A_636 : vector<1x16xf32> to vector<16xf32>
        %add3A_638 = arith.addf %get3A_633, %get3A_637 : vector<16xf32>
        %swap3A_639 = arith.index_cast %scan3A_43 : i32 to index
        %swap3A_640 = arith.constant 672 : index
        %swap3A_641 = tpu.vector_load %arg5[%swap3A_639, %swap3A_640] {strides = array<i32>} : memref<32x1024xf32, #tpu.memory_space<vmem>>, vector<1x16xf32>,
        %swap3A_642 = vector.shape_cast %swap3A_641 : vector<1x16xf32> to vector<16xf32>
        %swap3A_643 = vector.shape_cast %add3A_638 : vector<16xf32> to vector<1x16xf32>
        tpu.vector_store %arg5[%swap3A_639, %swap3A_640], %swap3A_643 {strides = array<i32>} : memref<32x1024xf32, #tpu.memory_space<vmem>>, vector<1x16xf32>,
        %get3A_644 = arith.index_cast %scan3A_43 : i32 to index
        %get3A_645 = arith.constant 688 : index
        %get3A_646 = tpu.vector_load %arg5[%get3A_644, %get3A_645] {strides = array<i32>} : memref<32x1024xf32, #tpu.memory_space<vmem>>, vector<1x16xf32>,
        %get3A_647 = vector.shape_cast %get3A_646 : vector<1x16xf32> to vector<16xf32>
        %get3A_648 = arith.index_cast %scan3A_43 : i32 to index
        %get3A_649 = arith.constant 688 : index
        %get3A_650 = tpu.vector_load %arg6[%get3A_648, %get3A_649] {strides = array<i32>} : memref<32x1024xf32, #tpu.memory_space<vmem>>, vector<1x16xf32>,
        %get3A_651 = vector.shape_cast %get3A_650 : vector<1x16xf32> to vector<16xf32>
        %add3A_652 = arith.addf %get3A_647, %get3A_651 : vector<16xf32>
        %swap3A_653 = arith.index_cast %scan3A_43 : i32 to index
        %swap3A_654 = arith.constant 688 : index
        %swap3A_655 = tpu.vector_load %arg5[%swap3A_653, %swap3A_654] {strides = array<i32>} : memref<32x1024xf32, #tpu.memory_space<vmem>>, vector<1x16xf32>,
        %swap3A_656 = vector.shape_cast %swap3A_655 : vector<1x16xf32> to vector<16xf32>
        %swap3A_657 = vector.shape_cast %add3A_652 : vector<16xf32> to vector<1x16xf32>
        tpu.vector_store %arg5[%swap3A_653, %swap3A_654], %swap3A_657 {strides = array<i32>} : memref<32x1024xf32, #tpu.memory_space<vmem>>, vector<1x16xf32>,
        %get3A_658 = arith.index_cast %scan3A_43 : i32 to index
        %get3A_659 = arith.constant 704 : index
        %get3A_660 = tpu.vector_load %arg5[%get3A_658, %get3A_659] {strides = array<i32>} : memref<32x1024xf32, #tpu.memory_space<vmem>>, vector<1x16xf32>,
        %get3A_661 = vector.shape_cast %get3A_660 : vector<1x16xf32> to vector<16xf32>
        %get3A_662 = arith.index_cast %scan3A_43 : i32 to index
        %get3A_663 = arith.constant 704 : index
        %get3A_664 = tpu.vector_load %arg6[%get3A_662, %get3A_663] {strides = array<i32>} : memref<32x1024xf32, #tpu.memory_space<vmem>>, vector<1x16xf32>,
        %get3A_665 = vector.shape_cast %get3A_664 : vector<1x16xf32> to vector<16xf32>
        %add3A_666 = arith.addf %get3A_661, %get3A_665 : vector<16xf32>
        %swap3A_667 = arith.index_cast %scan3A_43 : i32 to index
        %swap3A_668 = arith.constant 704 : index
        %swap3A_669 = tpu.vector_load %arg5[%swap3A_667, %swap3A_668] {strides = array<i32>} : memref<32x1024xf32, #tpu.memory_space<vmem>>, vector<1x16xf32>,
        %swap3A_670 = vector.shape_cast %swap3A_669 : vector<1x16xf32> to vector<16xf32>
        %swap3A_671 = vector.shape_cast %add3A_666 : vector<16xf32> to vector<1x16xf32>
        tpu.vector_store %arg5[%swap3A_667, %swap3A_668], %swap3A_671 {strides = array<i32>} : memref<32x1024xf32, #tpu.memory_space<vmem>>, vector<1x16xf32>,
        %get3A_672 = arith.index_cast %scan3A_43 : i32 to index
        %get3A_673 = arith.constant 720 : index
        %get3A_674 = tpu.vector_load %arg5[%get3A_672, %get3A_673] {strides = array<i32>} : memref<32x1024xf32, #tpu.memory_space<vmem>>, vector<1x16xf32>,
        %get3A_675 = vector.shape_cast %get3A_674 : vector<1x16xf32> to vector<16xf32>
        %get3A_676 = arith.index_cast %scan3A_43 : i32 to index
        %get3A_677 = arith.constant 720 : index
        %get3A_678 = tpu.vector_load %arg6[%get3A_676, %get3A_677] {strides = array<i32>} : memref<32x1024xf32, #tpu.memory_space<vmem>>, vector<1x16xf32>,
        %get3A_679 = vector.shape_cast %get3A_678 : vector<1x16xf32> to vector<16xf32>
        %add3A_680 = arith.addf %get3A_675, %get3A_679 : vector<16xf32>
        %swap3A_681 = arith.index_cast %scan3A_43 : i32 to index
        %swap3A_682 = arith.constant 720 : index
        %swap3A_683 = tpu.vector_load %arg5[%swap3A_681, %swap3A_682] {strides = array<i32>} : memref<32x1024xf32, #tpu.memory_space<vmem>>, vector<1x16xf32>,
        %swap3A_684 = vector.shape_cast %swap3A_683 : vector<1x16xf32> to vector<16xf32>
        %swap3A_685 = vector.shape_cast %add3A_680 : vector<16xf32> to vector<1x16xf32>
        tpu.vector_store %arg5[%swap3A_681, %swap3A_682], %swap3A_685 {strides = array<i32>} : memref<32x1024xf32, #tpu.memory_space<vmem>>, vector<1x16xf32>,
        %get3A_686 = arith.index_cast %scan3A_43 : i32 to index
        %get3A_687 = arith.constant 736 : index
        %get3A_688 = tpu.vector_load %arg5[%get3A_686, %get3A_687] {strides = array<i32>} : memref<32x1024xf32, #tpu.memory_space<vmem>>, vector<1x16xf32>,
        %get3A_689 = vector.shape_cast %get3A_688 : vector<1x16xf32> to vector<16xf32>
        %get3A_690 = arith.index_cast %scan3A_43 : i32 to index
        %get3A_691 = arith.constant 736 : index
        %get3A_692 = tpu.vector_load %arg6[%get3A_690, %get3A_691] {strides = array<i32>} : memref<32x1024xf32, #tpu.memory_space<vmem>>, vector<1x16xf32>,
        %get3A_693 = vector.shape_cast %get3A_692 : vector<1x16xf32> to vector<16xf32>
        %add3A_694 = arith.addf %get3A_689, %get3A_693 : vector<16xf32>
        %swap3A_695 = arith.index_cast %scan3A_43 : i32 to index
        %swap3A_696 = arith.constant 736 : index
        %swap3A_697 = tpu.vector_load %arg5[%swap3A_695, %swap3A_696] {strides = array<i32>} : memref<32x1024xf32, #tpu.memory_space<vmem>>, vector<1x16xf32>,
        %swap3A_698 = vector.shape_cast %swap3A_697 : vector<1x16xf32> to vector<16xf32>
        %swap3A_699 = vector.shape_cast %add3A_694 : vector<16xf32> to vector<1x16xf32>
        tpu.vector_store %arg5[%swap3A_695, %swap3A_696], %swap3A_699 {strides = array<i32>} : memref<32x1024xf32, #tpu.memory_space<vmem>>, vector<1x16xf32>,
        %get3A_700 = arith.index_cast %scan3A_43 : i32 to index
        %get3A_701 = arith.constant 752 : index
        %get3A_702 = tpu.vector_load %arg5[%get3A_700, %get3A_701] {strides = array<i32>} : memref<32x1024xf32, #tpu.memory_space<vmem>>, vector<1x16xf32>,
        %get3A_703 = vector.shape_cast %get3A_702 : vector<1x16xf32> to vector<16xf32>
        %get3A_704 = arith.index_cast %scan3A_43 : i32 to index
        %get3A_705 = arith.constant 752 : index
        %get3A_706 = tpu.vector_load %arg6[%get3A_704, %get3A_705] {strides = array<i32>} : memref<32x1024xf32, #tpu.memory_space<vmem>>, vector<1x16xf32>,
        %get3A_707 = vector.shape_cast %get3A_706 : vector<1x16xf32> to vector<16xf32>
        %add3A_708 = arith.addf %get3A_703, %get3A_707 : vector<16xf32>
        %swap3A_709 = arith.index_cast %scan3A_43 : i32 to index
        %swap3A_710 = arith.constant 752 : index
        %swap3A_711 = tpu.vector_load %arg5[%swap3A_709, %swap3A_710] {strides = array<i32>} : memref<32x1024xf32, #tpu.memory_space<vmem>>, vector<1x16xf32>,
        %swap3A_712 = vector.shape_cast %swap3A_711 : vector<1x16xf32> to vector<16xf32>
        %swap3A_713 = vector.shape_cast %add3A_708 : vector<16xf32> to vector<1x16xf32>
        tpu.vector_store %arg5[%swap3A_709, %swap3A_710], %swap3A_713 {strides = array<i32>} : memref<32x1024xf32, #tpu.memory_space<vmem>>, vector<1x16xf32>,
        %get3A_714 = arith.index_cast %scan3A_43 : i32 to index
        %get3A_715 = arith.constant 768 : index
        %get3A_716 = tpu.vector_load %arg5[%get3A_714, %get3A_715] {strides = array<i32>} : memref<32x1024xf32, #tpu.memory_space<vmem>>, vector<1x16xf32>,
        %get3A_717 = vector.shape_cast %get3A_716 : vector<1x16xf32> to vector<16xf32>
        %get3A_718 = arith.index_cast %scan3A_43 : i32 to index
        %get3A_719 = arith.constant 768 : index
        %get3A_720 = tpu.vector_load %arg6[%get3A_718, %get3A_719] {strides = array<i32>} : memref<32x1024xf32, #tpu.memory_space<vmem>>, vector<1x16xf32>,
        %get3A_721 = vector.shape_cast %get3A_720 : vector<1x16xf32> to vector<16xf32>
        %add3A_722 = arith.addf %get3A_717, %get3A_721 : vector<16xf32>
        %swap3A_723 = arith.index_cast %scan3A_43 : i32 to index
        %swap3A_724 = arith.constant 768 : index
        %swap3A_725 = tpu.vector_load %arg5[%swap3A_723, %swap3A_724] {strides = array<i32>} : memref<32x1024xf32, #tpu.memory_space<vmem>>, vector<1x16xf32>,
        %swap3A_726 = vector.shape_cast %swap3A_725 : vector<1x16xf32> to vector<16xf32>
        %swap3A_727 = vector.shape_cast %add3A_722 : vector<16xf32> to vector<1x16xf32>
        tpu.vector_store %arg5[%swap3A_723, %swap3A_724], %swap3A_727 {strides = array<i32>} : memref<32x1024xf32, #tpu.memory_space<vmem>>, vector<1x16xf32>,
        %get3A_728 = arith.index_cast %scan3A_43 : i32 to index
        %get3A_729 = arith.constant 784 : index
        %get3A_730 = tpu.vector_load %arg5[%get3A_728, %get3A_729] {strides = array<i32>} : memref<32x1024xf32, #tpu.memory_space<vmem>>, vector<1x16xf32>,
        %get3A_731 = vector.shape_cast %get3A_730 : vector<1x16xf32> to vector<16xf32>
        %get3A_732 = arith.index_cast %scan3A_43 : i32 to index
        %get3A_733 = arith.constant 784 : index
        %get3A_734 = tpu.vector_load %arg6[%get3A_732, %get3A_733] {strides = array<i32>} : memref<32x1024xf32, #tpu.memory_space<vmem>>, vector<1x16xf32>,
        %get3A_735 = vector.shape_cast %get3A_734 : vector<1x16xf32> to vector<16xf32>
        %add3A_736 = arith.addf %get3A_731, %get3A_735 : vector<16xf32>
        %swap3A_737 = arith.index_cast %scan3A_43 : i32 to index
        %swap3A_738 = arith.constant 784 : index
        %swap3A_739 = tpu.vector_load %arg5[%swap3A_737, %swap3A_738] {strides = array<i32>} : memref<32x1024xf32, #tpu.memory_space<vmem>>, vector<1x16xf32>,
        %swap3A_740 = vector.shape_cast %swap3A_739 : vector<1x16xf32> to vector<16xf32>
        %swap3A_741 = vector.shape_cast %add3A_736 : vector<16xf32> to vector<1x16xf32>
        tpu.vector_store %arg5[%swap3A_737, %swap3A_738], %swap3A_741 {strides = array<i32>} : memref<32x1024xf32, #tpu.memory_space<vmem>>, vector<1x16xf32>,
        %get3A_742 = arith.index_cast %scan3A_43 : i32 to index
        %get3A_743 = arith.constant 800 : index
        %get3A_744 = tpu.vector_load %arg5[%get3A_742, %get3A_743] {strides = array<i32>} : memref<32x1024xf32, #tpu.memory_space<vmem>>, vector<1x16xf32>,
        %get3A_745 = vector.shape_cast %get3A_744 : vector<1x16xf32> to vector<16xf32>
        %get3A_746 = arith.index_cast %scan3A_43 : i32 to index
        %get3A_747 = arith.constant 800 : index
        %get3A_748 = tpu.vector_load %arg6[%get3A_746, %get3A_747] {strides = array<i32>} : memref<32x1024xf32, #tpu.memory_space<vmem>>, vector<1x16xf32>,
        %get3A_749 = vector.shape_cast %get3A_748 : vector<1x16xf32> to vector<16xf32>
        %add3A_750 = arith.addf %get3A_745, %get3A_749 : vector<16xf32>
        %swap3A_751 = arith.index_cast %scan3A_43 : i32 to index
        %swap3A_752 = arith.constant 800 : index
        %swap3A_753 = tpu.vector_load %arg5[%swap3A_751, %swap3A_752] {strides = array<i32>} : memref<32x1024xf32, #tpu.memory_space<vmem>>, vector<1x16xf32>,
        %swap3A_754 = vector.shape_cast %swap3A_753 : vector<1x16xf32> to vector<16xf32>
        %swap3A_755 = vector.shape_cast %add3A_750 : vector<16xf32> to vector<1x16xf32>
        tpu.vector_store %arg5[%swap3A_751, %swap3A_752], %swap3A_755 {strides = array<i32>} : memref<32x1024xf32, #tpu.memory_space<vmem>>, vector<1x16xf32>,
        %get3A_756 = arith.index_cast %scan3A_43 : i32 to index
        %get3A_757 = arith.constant 816 : index
        %get3A_758 = tpu.vector_load %arg5[%get3A_756, %get3A_757] {strides = array<i32>} : memref<32x1024xf32, #tpu.memory_space<vmem>>, vector<1x16xf32>,
        %get3A_759 = vector.shape_cast %get3A_758 : vector<1x16xf32> to vector<16xf32>
        %get3A_760 = arith.index_cast %scan3A_43 : i32 to index
        %get3A_761 = arith.constant 816 : index
        %get3A_762 = tpu.vector_load %arg6[%get3A_760, %get3A_761] {strides = array<i32>} : memref<32x1024xf32, #tpu.memory_space<vmem>>, vector<1x16xf32>,
        %get3A_763 = vector.shape_cast %get3A_762 : vector<1x16xf32> to vector<16xf32>
        %add3A_764 = arith.addf %get3A_759, %get3A_763 : vector<16xf32>
        %swap3A_765 = arith.index_cast %scan3A_43 : i32 to index
        %swap3A_766 = arith.constant 816 : index
        %swap3A_767 = tpu.vector_load %arg5[%swap3A_765, %swap3A_766] {strides = array<i32>} : memref<32x1024xf32, #tpu.memory_space<vmem>>, vector<1x16xf32>,
        %swap3A_768 = vector.shape_cast %swap3A_767 : vector<1x16xf32> to vector<16xf32>
        %swap3A_769 = vector.shape_cast %add3A_764 : vector<16xf32> to vector<1x16xf32>
        tpu.vector_store %arg5[%swap3A_765, %swap3A_766], %swap3A_769 {strides = array<i32>} : memref<32x1024xf32, #tpu.memory_space<vmem>>, vector<1x16xf32>,
        %get3A_770 = arith.index_cast %scan3A_43 : i32 to index
        %get3A_771 = arith.constant 832 : index
        %get3A_772 = tpu.vector_load %arg5[%get3A_770, %get3A_771] {strides = array<i32>} : memref<32x1024xf32, #tpu.memory_space<vmem>>, vector<1x16xf32>,
        %get3A_773 = vector.shape_cast %get3A_772 : vector<1x16xf32> to vector<16xf32>
        %get3A_774 = arith.index_cast %scan3A_43 : i32 to index
        %get3A_775 = arith.constant 832 : index
        %get3A_776 = tpu.vector_load %arg6[%get3A_774, %get3A_775] {strides = array<i32>} : memref<32x1024xf32, #tpu.memory_space<vmem>>, vector<1x16xf32>,
        %get3A_777 = vector.shape_cast %get3A_776 : vector<1x16xf32> to vector<16xf32>
        %add3A_778 = arith.addf %get3A_773, %get3A_777 : vector<16xf32>
        %swap3A_779 = arith.index_cast %scan3A_43 : i32 to index
        %swap3A_780 = arith.constant 832 : index
        %swap3A_781 = tpu.vector_load %arg5[%swap3A_779, %swap3A_780] {strides = array<i32>} : memref<32x1024xf32, #tpu.memory_space<vmem>>, vector<1x16xf32>,
        %swap3A_782 = vector.shape_cast %swap3A_781 : vector<1x16xf32> to vector<16xf32>
        %swap3A_783 = vector.shape_cast %add3A_778 : vector<16xf32> to vector<1x16xf32>
        tpu.vector_store %arg5[%swap3A_779, %swap3A_780], %swap3A_783 {strides = array<i32>} : memref<32x1024xf32, #tpu.memory_space<vmem>>, vector<1x16xf32>,
        %get3A_784 = arith.index_cast %scan3A_43 : i32 to index
        %get3A_785 = arith.constant 848 : index
        %get3A_786 = tpu.vector_load %arg5[%get3A_784, %get3A_785] {strides = array<i32>} : memref<32x1024xf32, #tpu.memory_space<vmem>>, vector<1x16xf32>,
        %get3A_787 = vector.shape_cast %get3A_786 : vector<1x16xf32> to vector<16xf32>
        %get3A_788 = arith.index_cast %scan3A_43 : i32 to index
        %get3A_789 = arith.constant 848 : index
        %get3A_790 = tpu.vector_load %arg6[%get3A_788, %get3A_789] {strides = array<i32>} : memref<32x1024xf32, #tpu.memory_space<vmem>>, vector<1x16xf32>,
        %get3A_791 = vector.shape_cast %get3A_790 : vector<1x16xf32> to vector<16xf32>
        %add3A_792 = arith.addf %get3A_787, %get3A_791 : vector<16xf32>
        %swap3A_793 = arith.index_cast %scan3A_43 : i32 to index
        %swap3A_794 = arith.constant 848 : index
        %swap3A_795 = tpu.vector_load %arg5[%swap3A_793, %swap3A_794] {strides = array<i32>} : memref<32x1024xf32, #tpu.memory_space<vmem>>, vector<1x16xf32>,
        %swap3A_796 = vector.shape_cast %swap3A_795 : vector<1x16xf32> to vector<16xf32>
        %swap3A_797 = vector.shape_cast %add3A_792 : vector<16xf32> to vector<1x16xf32>
        tpu.vector_store %arg5[%swap3A_793, %swap3A_794], %swap3A_797 {strides = array<i32>} : memref<32x1024xf32, #tpu.memory_space<vmem>>, vector<1x16xf32>,
        %get3A_798 = arith.index_cast %scan3A_43 : i32 to index
        %get3A_799 = arith.constant 864 : index
        %get3A_800 = tpu.vector_load %arg5[%get3A_798, %get3A_799] {strides = array<i32>} : memref<32x1024xf32, #tpu.memory_space<vmem>>, vector<1x16xf32>,
        %get3A_801 = vector.shape_cast %get3A_800 : vector<1x16xf32> to vector<16xf32>
        %get3A_802 = arith.index_cast %scan3A_43 : i32 to index
        %get3A_803 = arith.constant 864 : index
        %get3A_804 = tpu.vector_load %arg6[%get3A_802, %get3A_803] {strides = array<i32>} : memref<32x1024xf32, #tpu.memory_space<vmem>>, vector<1x16xf32>,
        %get3A_805 = vector.shape_cast %get3A_804 : vector<1x16xf32> to vector<16xf32>
        %add3A_806 = arith.addf %get3A_801, %get3A_805 : vector<16xf32>
        %swap3A_807 = arith.index_cast %scan3A_43 : i32 to index
        %swap3A_808 = arith.constant 864 : index
        %swap3A_809 = tpu.vector_load %arg5[%swap3A_807, %swap3A_808] {strides = array<i32>} : memref<32x1024xf32, #tpu.memory_space<vmem>>, vector<1x16xf32>,
        %swap3A_810 = vector.shape_cast %swap3A_809 : vector<1x16xf32> to vector<16xf32>
        %swap3A_811 = vector.shape_cast %add3A_806 : vector<16xf32> to vector<1x16xf32>
        tpu.vector_store %arg5[%swap3A_807, %swap3A_808], %swap3A_811 {strides = array<i32>} : memref<32x1024xf32, #tpu.memory_space<vmem>>, vector<1x16xf32>,
        %get3A_812 = arith.index_cast %scan3A_43 : i32 to index
        %get3A_813 = arith.constant 880 : index
        %get3A_814 = tpu.vector_load %arg5[%get3A_812, %get3A_813] {strides = array<i32>} : memref<32x1024xf32, #tpu.memory_space<vmem>>, vector<1x16xf32>,
        %get3A_815 = vector.shape_cast %get3A_814 : vector<1x16xf32> to vector<16xf32>
        %get3A_816 = arith.index_cast %scan3A_43 : i32 to index
        %get3A_817 = arith.constant 880 : index
        %get3A_818 = tpu.vector_load %arg6[%get3A_816, %get3A_817] {strides = array<i32>} : memref<32x1024xf32, #tpu.memory_space<vmem>>, vector<1x16xf32>,
        %get3A_819 = vector.shape_cast %get3A_818 : vector<1x16xf32> to vector<16xf32>
        %add3A_820 = arith.addf %get3A_815, %get3A_819 : vector<16xf32>
        %swap3A_821 = arith.index_cast %scan3A_43 : i32 to index
        %swap3A_822 = arith.constant 880 : index
        %swap3A_823 = tpu.vector_load %arg5[%swap3A_821, %swap3A_822] {strides = array<i32>} : memref<32x1024xf32, #tpu.memory_space<vmem>>, vector<1x16xf32>,
        %swap3A_824 = vector.shape_cast %swap3A_823 : vector<1x16xf32> to vector<16xf32>
        %swap3A_825 = vector.shape_cast %add3A_820 : vector<16xf32> to vector<1x16xf32>
        tpu.vector_store %arg5[%swap3A_821, %swap3A_822], %swap3A_825 {strides = array<i32>} : memref<32x1024xf32, #tpu.memory_space<vmem>>, vector<1x16xf32>,
        %get3A_826 = arith.index_cast %scan3A_43 : i32 to index
        %get3A_827 = arith.constant 896 : index
        %get3A_828 = tpu.vector_load %arg5[%get3A_826, %get3A_827] {strides = array<i32>} : memref<32x1024xf32, #tpu.memory_space<vmem>>, vector<1x16xf32>,
        %get3A_829 = vector.shape_cast %get3A_828 : vector<1x16xf32> to vector<16xf32>
        %get3A_830 = arith.index_cast %scan3A_43 : i32 to index
        %get3A_831 = arith.constant 896 : index
        %get3A_832 = tpu.vector_load %arg6[%get3A_830, %get3A_831] {strides = array<i32>} : memref<32x1024xf32, #tpu.memory_space<vmem>>, vector<1x16xf32>,
        %get3A_833 = vector.shape_cast %get3A_832 : vector<1x16xf32> to vector<16xf32>
        %add3A_834 = arith.addf %get3A_829, %get3A_833 : vector<16xf32>
        %swap3A_835 = arith.index_cast %scan3A_43 : i32 to index
        %swap3A_836 = arith.constant 896 : index
        %swap3A_837 = tpu.vector_load %arg5[%swap3A_835, %swap3A_836] {strides = array<i32>} : memref<32x1024xf32, #tpu.memory_space<vmem>>, vector<1x16xf32>,
        %swap3A_838 = vector.shape_cast %swap3A_837 : vector<1x16xf32> to vector<16xf32>
        %swap3A_839 = vector.shape_cast %add3A_834 : vector<16xf32> to vector<1x16xf32>
        tpu.vector_store %arg5[%swap3A_835, %swap3A_836], %swap3A_839 {strides = array<i32>} : memref<32x1024xf32, #tpu.memory_space<vmem>>, vector<1x16xf32>,
        %get3A_840 = arith.index_cast %scan3A_43 : i32 to index
        %get3A_841 = arith.constant 912 : index
        %get3A_842 = tpu.vector_load %arg5[%get3A_840, %get3A_841] {strides = array<i32>} : memref<32x1024xf32, #tpu.memory_space<vmem>>, vector<1x16xf32>,
        %get3A_843 = vector.shape_cast %get3A_842 : vector<1x16xf32> to vector<16xf32>
        %get3A_844 = arith.index_cast %scan3A_43 : i32 to index
        %get3A_845 = arith.constant 912 : index
        %get3A_846 = tpu.vector_load %arg6[%get3A_844, %get3A_845] {strides = array<i32>} : memref<32x1024xf32, #tpu.memory_space<vmem>>, vector<1x16xf32>,
        %get3A_847 = vector.shape_cast %get3A_846 : vector<1x16xf32> to vector<16xf32>
        %add3A_848 = arith.addf %get3A_843, %get3A_847 : vector<16xf32>
        %swap3A_849 = arith.index_cast %scan3A_43 : i32 to index
        %swap3A_850 = arith.constant 912 : index
        %swap3A_851 = tpu.vector_load %arg5[%swap3A_849, %swap3A_850] {strides = array<i32>} : memref<32x1024xf32, #tpu.memory_space<vmem>>, vector<1x16xf32>,
        %swap3A_852 = vector.shape_cast %swap3A_851 : vector<1x16xf32> to vector<16xf32>
        %swap3A_853 = vector.shape_cast %add3A_848 : vector<16xf32> to vector<1x16xf32>
        tpu.vector_store %arg5[%swap3A_849, %swap3A_850], %swap3A_853 {strides = array<i32>} : memref<32x1024xf32, #tpu.memory_space<vmem>>, vector<1x16xf32>,
        %get3A_854 = arith.index_cast %scan3A_43 : i32 to index
        %get3A_855 = arith.constant 928 : index
        %get3A_856 = tpu.vector_load %arg5[%get3A_854, %get3A_855] {strides = array<i32>} : memref<32x1024xf32, #tpu.memory_space<vmem>>, vector<1x16xf32>,
        %get3A_857 = vector.shape_cast %get3A_856 : vector<1x16xf32> to vector<16xf32>
        %get3A_858 = arith.index_cast %scan3A_43 : i32 to index
        %get3A_859 = arith.constant 928 : index
        %get3A_860 = tpu.vector_load %arg6[%get3A_858, %get3A_859] {strides = array<i32>} : memref<32x1024xf32, #tpu.memory_space<vmem>>, vector<1x16xf32>,
        %get3A_861 = vector.shape_cast %get3A_860 : vector<1x16xf32> to vector<16xf32>
        %add3A_862 = arith.addf %get3A_857, %get3A_861 : vector<16xf32>
        %swap3A_863 = arith.index_cast %scan3A_43 : i32 to index
        %swap3A_864 = arith.constant 928 : index
        %swap3A_865 = tpu.vector_load %arg5[%swap3A_863, %swap3A_864] {strides = array<i32>} : memref<32x1024xf32, #tpu.memory_space<vmem>>, vector<1x16xf32>,
        %swap3A_866 = vector.shape_cast %swap3A_865 : vector<1x16xf32> to vector<16xf32>
        %swap3A_867 = vector.shape_cast %add3A_862 : vector<16xf32> to vector<1x16xf32>
        tpu.vector_store %arg5[%swap3A_863, %swap3A_864], %swap3A_867 {strides = array<i32>} : memref<32x1024xf32, #tpu.memory_space<vmem>>, vector<1x16xf32>,
        %get3A_868 = arith.index_cast %scan3A_43 : i32 to index
        %get3A_869 = arith.constant 944 : index
        %get3A_870 = tpu.vector_load %arg5[%get3A_868, %get3A_869] {strides = array<i32>} : memref<32x1024xf32, #tpu.memory_space<vmem>>, vector<1x16xf32>,
        %get3A_871 = vector.shape_cast %get3A_870 : vector<1x16xf32> to vector<16xf32>
        %get3A_872 = arith.index_cast %scan3A_43 : i32 to index
        %get3A_873 = arith.constant 944 : index
        %get3A_874 = tpu.vector_load %arg6[%get3A_872, %get3A_873] {strides = array<i32>} : memref<32x1024xf32, #tpu.memory_space<vmem>>, vector<1x16xf32>,
        %get3A_875 = vector.shape_cast %get3A_874 : vector<1x16xf32> to vector<16xf32>
        %add3A_876 = arith.addf %get3A_871, %get3A_875 : vector<16xf32>
        %swap3A_877 = arith.index_cast %scan3A_43 : i32 to index
        %swap3A_878 = arith.constant 944 : index
        %swap3A_879 = tpu.vector_load %arg5[%swap3A_877, %swap3A_878] {strides = array<i32>} : memref<32x1024xf32, #tpu.memory_space<vmem>>, vector<1x16xf32>,
        %swap3A_880 = vector.shape_cast %swap3A_879 : vector<1x16xf32> to vector<16xf32>
        %swap3A_881 = vector.shape_cast %add3A_876 : vector<16xf32> to vector<1x16xf32>
        tpu.vector_store %arg5[%swap3A_877, %swap3A_878], %swap3A_881 {strides = array<i32>} : memref<32x1024xf32, #tpu.memory_space<vmem>>, vector<1x16xf32>,
        %get3A_882 = arith.index_cast %scan3A_43 : i32 to index
        %get3A_883 = arith.constant 960 : index
        %get3A_884 = tpu.vector_load %arg5[%get3A_882, %get3A_883] {strides = array<i32>} : memref<32x1024xf32, #tpu.memory_space<vmem>>, vector<1x16xf32>,
        %get3A_885 = vector.shape_cast %get3A_884 : vector<1x16xf32> to vector<16xf32>
        %get3A_886 = arith.index_cast %scan3A_43 : i32 to index
        %get3A_887 = arith.constant 960 : index
        %get3A_888 = tpu.vector_load %arg6[%get3A_886, %get3A_887] {strides = array<i32>} : memref<32x1024xf32, #tpu.memory_space<vmem>>, vector<1x16xf32>,
        %get3A_889 = vector.shape_cast %get3A_888 : vector<1x16xf32> to vector<16xf32>
        %add3A_890 = arith.addf %get3A_885, %get3A_889 : vector<16xf32>
        %swap3A_891 = arith.index_cast %scan3A_43 : i32 to index
        %swap3A_892 = arith.constant 960 : index
        %swap3A_893 = tpu.vector_load %arg5[%swap3A_891, %swap3A_892] {strides = array<i32>} : memref<32x1024xf32, #tpu.memory_space<vmem>>, vector<1x16xf32>,
        %swap3A_894 = vector.shape_cast %swap3A_893 : vector<1x16xf32> to vector<16xf32>
        %swap3A_895 = vector.shape_cast %add3A_890 : vector<16xf32> to vector<1x16xf32>
        tpu.vector_store %arg5[%swap3A_891, %swap3A_892], %swap3A_895 {strides = array<i32>} : memref<32x1024xf32, #tpu.memory_space<vmem>>, vector<1x16xf32>,
        %get3A_896 = arith.index_cast %scan3A_43 : i32 to index
        %get3A_897 = arith.constant 976 : index
        %get3A_898 = tpu.vector_load %arg5[%get3A_896, %get3A_897] {strides = array<i32>} : memref<32x1024xf32, #tpu.memory_space<vmem>>, vector<1x16xf32>,
        %get3A_899 = vector.shape_cast %get3A_898 : vector<1x16xf32> to vector<16xf32>
        %get3A_900 = arith.index_cast %scan3A_43 : i32 to index
        %get3A_901 = arith.constant 976 : index
        %get3A_902 = tpu.vector_load %arg6[%get3A_900, %get3A_901] {strides = array<i32>} : memref<32x1024xf32, #tpu.memory_space<vmem>>, vector<1x16xf32>,
        %get3A_903 = vector.shape_cast %get3A_902 : vector<1x16xf32> to vector<16xf32>
        %add3A_904 = arith.addf %get3A_899, %get3A_903 : vector<16xf32>
        %swap3A_905 = arith.index_cast %scan3A_43 : i32 to index
        %swap3A_906 = arith.constant 976 : index
        %swap3A_907 = tpu.vector_load %arg5[%swap3A_905, %swap3A_906] {strides = array<i32>} : memref<32x1024xf32, #tpu.memory_space<vmem>>, vector<1x16xf32>,
        %swap3A_908 = vector.shape_cast %swap3A_907 : vector<1x16xf32> to vector<16xf32>
        %swap3A_909 = vector.shape_cast %add3A_904 : vector<16xf32> to vector<1x16xf32>
        tpu.vector_store %arg5[%swap3A_905, %swap3A_906], %swap3A_909 {strides = array<i32>} : memref<32x1024xf32, #tpu.memory_space<vmem>>, vector<1x16xf32>,
        %get3A_910 = arith.index_cast %scan3A_43 : i32 to index
        %get3A_911 = arith.constant 992 : index
        %get3A_912 = tpu.vector_load %arg5[%get3A_910, %get3A_911] {strides = array<i32>} : memref<32x1024xf32, #tpu.memory_space<vmem>>, vector<1x16xf32>,
        %get3A_913 = vector.shape_cast %get3A_912 : vector<1x16xf32> to vector<16xf32>
        %get3A_914 = arith.index_cast %scan3A_43 : i32 to index
        %get3A_915 = arith.constant 992 : index
        %get3A_916 = tpu.vector_load %arg6[%get3A_914, %get3A_915] {strides = array<i32>} : memref<32x1024xf32, #tpu.memory_space<vmem>>, vector<1x16xf32>,
        %get3A_917 = vector.shape_cast %get3A_916 : vector<1x16xf32> to vector<16xf32>
        %add3A_918 = arith.addf %get3A_913, %get3A_917 : vector<16xf32>
        %swap3A_919 = arith.index_cast %scan3A_43 : i32 to index
        %swap3A_920 = arith.constant 992 : index
        %swap3A_921 = tpu.vector_load %arg5[%swap3A_919, %swap3A_920] {strides = array<i32>} : memref<32x1024xf32, #tpu.memory_space<vmem>>, vector<1x16xf32>,
        %swap3A_922 = vector.shape_cast %swap3A_921 : vector<1x16xf32> to vector<16xf32>
        %swap3A_923 = vector.shape_cast %add3A_918 : vector<16xf32> to vector<1x16xf32>
        tpu.vector_store %arg5[%swap3A_919, %swap3A_920], %swap3A_923 {strides = array<i32>} : memref<32x1024xf32, #tpu.memory_space<vmem>>, vector<1x16xf32>,
        %get3A_924 = arith.index_cast %scan3A_43 : i32 to index
        %get3A_925 = arith.constant 1008 : index
        %get3A_926 = tpu.vector_load %arg5[%get3A_924, %get3A_925] {strides = array<i32>} : memref<32x1024xf32, #tpu.memory_space<vmem>>, vector<1x16xf32>,
        %get3A_927 = vector.shape_cast %get3A_926 : vector<1x16xf32> to vector<16xf32>
        %get3A_928 = arith.index_cast %scan3A_43 : i32 to index
        %get3A_929 = arith.constant 1008 : index
        %get3A_930 = tpu.vector_load %arg6[%get3A_928, %get3A_929] {strides = array<i32>} : memref<32x1024xf32, #tpu.memory_space<vmem>>, vector<1x16xf32>,
        %get3A_931 = vector.shape_cast %get3A_930 : vector<1x16xf32> to vector<16xf32>
        %add3A_932 = arith.addf %get3A_927, %get3A_931 : vector<16xf32>
        %swap3A_933 = arith.index_cast %scan3A_43 : i32 to index
        %swap3A_934 = arith.constant 1008 : index
        %swap3A_935 = tpu.vector_load %arg5[%swap3A_933, %swap3A_934] {strides = array<i32>} : memref<32x1024xf32, #tpu.memory_space<vmem>>, vector<1x16xf32>,
        %swap3A_936 = vector.shape_cast %swap3A_935 : vector<1x16xf32> to vector<16xf32>
        %swap3A_937 = vector.shape_cast %add3A_932 : vector<16xf32> to vector<1x16xf32>
        tpu.vector_store %arg5[%swap3A_933, %swap3A_934], %swap3A_937 {strides = array<i32>} : memref<32x1024xf32, #tpu.memory_space<vmem>>, vector<1x16xf32>,
      }
      %scan3A_17 = arith.constant 32 : i32
      %run_scoped3A_18 = arith.constant 0 : i32
      "tpu.region"() ({
        %run_scoped3A_43 = tpu.sem_alloc : memref<!tpu.dma_semaphore, #tpu.memory_space<semaphore_mem>>
        %dma_start3A = arith.constant 0 : i32
        %dma_start3A_44 = tpu.memref_slice %arg4[%run_scoped3A_18, %add3A_11, %dma_start3A] : memref<4x8192x1024xf32, #tpu.memory_space<hbm>> -> memref<1x32x1024xf32, #tpu.memory_space<hbm>>
        %dma_start3A_45 = tpu.memref_squeeze %dma_start3A_44 : memref<1x32x1024xf32, #tpu.memory_space<hbm>> -> memref<32x1024xf32, #tpu.memory_space<hbm>>
        %dma_start3A_46 = arith.constant 0 : i32
        %dma_start3A_47 = tpu.memref_slice %arg4[%run_scoped3A_18, %add3A_11, %dma_start3A_46] : memref<4x8192x1024xf32, #tpu.memory_space<hbm>> -> memref<1x32x1024xf32, #tpu.memory_space<hbm>>
        %dma_start3A_48 = tpu.memref_squeeze %dma_start3A_47 : memref<1x32x1024xf32, #tpu.memory_space<hbm>> -> memref<32x1024xf32, #tpu.memory_space<hbm>>
        tpu.enqueue_dma source(%arg5 : memref<32x1024xf32, #tpu.memory_space<vmem>>) target(%dma_start3A_48 : memref<32x1024xf32, #tpu.memory_space<hbm>>) target_semaphore(%run_scoped3A_43 : memref<!tpu.dma_semaphore, #tpu.memory_space<semaphore_mem>>)
        %dma_wait3A = arith.constant 0 : i32
        %dma_wait3A_49 = tpu.memref_slice %arg4[%run_scoped3A_18, %add3A_11, %dma_wait3A] : memref<4x8192x1024xf32, #tpu.memory_space<hbm>> -> memref<1x32x1024xf32, #tpu.memory_space<hbm>>
        %dma_wait3A_50 = tpu.memref_squeeze %dma_wait3A_49 : memref<1x32x1024xf32, #tpu.memory_space<hbm>> -> memref<32x1024xf32, #tpu.memory_space<hbm>>
        %dma_wait3A_51 = arith.constant 0 : i32
        %dma_wait3A_52 = tpu.memref_slice %arg4[%run_scoped3A_18, %add3A_11, %dma_wait3A_51] : memref<4x8192x1024xf32, #tpu.memory_space<hbm>> -> memref<1x32x1024xf32, #tpu.memory_space<hbm>>
        %dma_wait3A_53 = tpu.memref_squeeze %dma_wait3A_52 : memref<1x32x1024xf32, #tpu.memory_space<hbm>> -> memref<32x1024xf32, #tpu.memory_space<hbm>>
        tpu.wait_dma2 semaphore(%run_scoped3A_43 : memref<!tpu.dma_semaphore, #tpu.memory_space<semaphore_mem>>) src(%arg5 : memref<32x1024xf32, #tpu.memory_space<vmem>>) dst(%dma_wait3A_53 : memref<32x1024xf32, #tpu.memory_space<hbm>>)
        tpu.yield
      }) : () -> ()
      %run_scoped3A_19 = arith.constant 1 : i32
      "tpu.region"() ({
        %run_scoped3A_43 = tpu.sem_alloc : memref<!tpu.dma_semaphore, #tpu.memory_space<semaphore_mem>>
        %dma_start3A = arith.constant 0 : i32
        %dma_start3A_44 = tpu.memref_slice %arg2[%run_scoped3A_19, %add3A_11, %dma_start3A] : memref<4x8192x1024xf32, #tpu.memory_space<hbm>> -> memref<1x32x1024xf32, #tpu.memory_space<hbm>>
        %dma_start3A_45 = tpu.memref_squeeze %dma_start3A_44 : memref<1x32x1024xf32, #tpu.memory_space<hbm>> -> memref<32x1024xf32, #tpu.memory_space<hbm>>
        %dma_start3A_46 = arith.constant 0 : i32
        %dma_start3A_47 = tpu.memref_slice %arg2[%run_scoped3A_19, %add3A_11, %dma_start3A_46] : memref<4x8192x1024xf32, #tpu.memory_space<hbm>> -> memref<1x32x1024xf32, #tpu.memory_space<hbm>>
        %dma_start3A_48 = tpu.memref_squeeze %dma_start3A_47 : memref<1x32x1024xf32, #tpu.memory_space<hbm>> -> memref<32x1024xf32, #tpu.memory_space<hbm>>
        tpu.enqueue_dma source(%dma_start3A_48 : memref<32x1024xf32, #tpu.memory_space<hbm>>) target(%arg5 : memref<32x1024xf32, #tpu.memory_space<vmem>>) target_semaphore(%run_scoped3A_43 : memref<!tpu.dma_semaphore, #tpu.memory_space<semaphore_mem>>)
        %dma_wait3A = arith.constant 0 : i32
        %dma_wait3A_49 = tpu.memref_slice %arg2[%run_scoped3A_19, %add3A_11, %dma_wait3A] : memref<4x8192x1024xf32, #tpu.memory_space<hbm>> -> memref<1x32x1024xf32, #tpu.memory_space<hbm>>
        %dma_wait3A_50 = tpu.memref_squeeze %dma_wait3A_49 : memref<1x32x1024xf32, #tpu.memory_space<hbm>> -> memref<32x1024xf32, #tpu.memory_space<hbm>>
        %dma_wait3A_51 = arith.constant 0 : i32
        %dma_wait3A_52 = tpu.memref_slice %arg2[%run_scoped3A_19, %add3A_11, %dma_wait3A_51] : memref<4x8192x1024xf32, #tpu.memory_space<hbm>> -> memref<1x32x1024xf32, #tpu.memory_space<hbm>>
        %dma_wait3A_53 = tpu.memref_squeeze %dma_wait3A_52 : memref<1x32x1024xf32, #tpu.memory_space<hbm>> -> memref<32x1024xf32, #tpu.memory_space<hbm>>
        tpu.wait_dma2 semaphore(%run_scoped3A_43 : memref<!tpu.dma_semaphore, #tpu.memory_space<semaphore_mem>>) src(%dma_wait3A_53 : memref<32x1024xf32, #tpu.memory_space<hbm>>) dst(%arg5 : memref<32x1024xf32, #tpu.memory_space<vmem>>)
        tpu.yield
      }) : () -> ()
      %scan3A_20 = arith.constant 0 : i32
      %scan3A_21 = arith.constant 0 : i32
      %scan3A_22 = arith.constant 32 : i32
      %scan3A_23 = arith.addi %scan3A_21, %scan3A_22 : i32
      %scan3A_24 = arith.constant 1 : i32
      scf.for %scan3A_43 = %scan3A_21 to %scan3A_23 step %scan3A_24  : i32 {
        %get3A = arith.index_cast %scan3A_43 : i32 to index
        %get3A_44 = arith.constant 0 : index
        %get3A_45 = tpu.vector_load %arg5[%get3A, %get3A_44] {strides = array<i32>} : memref<32x1024xf32, #tpu.memory_space<vmem>>, vector<1x16xf32>,
        %get3A_46 = vector.shape_cast %get3A_45 : vector<1x16xf32> to vector<16xf32>
        %get3A_47 = arith.index_cast %scan3A_43 : i32 to index
        %get3A_48 = arith.constant 0 : index
        %get3A_49 = tpu.vector_load %arg6[%get3A_47, %get3A_48] {strides = array<i32>} : memref<32x1024xf32, #tpu.memory_space<vmem>>, vector<1x16xf32>,
        %get3A_50 = vector.shape_cast %get3A_49 : vector<1x16xf32> to vector<16xf32>
        %add3A_51 = arith.addf %get3A_46, %get3A_50 : vector<16xf32>
        %swap3A = arith.index_cast %scan3A_43 : i32 to index
        %swap3A_52 = arith.constant 0 : index
        %swap3A_53 = tpu.vector_load %arg5[%swap3A, %swap3A_52] {strides = array<i32>} : memref<32x1024xf32, #tpu.memory_space<vmem>>, vector<1x16xf32>,
        %swap3A_54 = vector.shape_cast %swap3A_53 : vector<1x16xf32> to vector<16xf32>
        %swap3A_55 = vector.shape_cast %add3A_51 : vector<16xf32> to vector<1x16xf32>
        tpu.vector_store %arg5[%swap3A, %swap3A_52], %swap3A_55 {strides = array<i32>} : memref<32x1024xf32, #tpu.memory_space<vmem>>, vector<1x16xf32>,
        %get3A_56 = arith.index_cast %scan3A_43 : i32 to index
        %get3A_57 = arith.constant 16 : index
        %get3A_58 = tpu.vector_load %arg5[%get3A_56, %get3A_57] {strides = array<i32>} : memref<32x1024xf32, #tpu.memory_space<vmem>>, vector<1x16xf32>,
        %get3A_59 = vector.shape_cast %get3A_58 : vector<1x16xf32> to vector<16xf32>
        %get3A_60 = arith.index_cast %scan3A_43 : i32 to index
        %get3A_61 = arith.constant 16 : index
        %get3A_62 = tpu.vector_load %arg6[%get3A_60, %get3A_61] {strides = array<i32>} : memref<32x1024xf32, #tpu.memory_space<vmem>>, vector<1x16xf32>,
        %get3A_63 = vector.shape_cast %get3A_62 : vector<1x16xf32> to vector<16xf32>
        %add3A_64 = arith.addf %get3A_59, %get3A_63 : vector<16xf32>
        %swap3A_65 = arith.index_cast %scan3A_43 : i32 to index
        %swap3A_66 = arith.constant 16 : index
        %swap3A_67 = tpu.vector_load %arg5[%swap3A_65, %swap3A_66] {strides = array<i32>} : memref<32x1024xf32, #tpu.memory_space<vmem>>, vector<1x16xf32>,
        %swap3A_68 = vector.shape_cast %swap3A_67 : vector<1x16xf32> to vector<16xf32>
        %swap3A_69 = vector.shape_cast %add3A_64 : vector<16xf32> to vector<1x16xf32>
        tpu.vector_store %arg5[%swap3A_65, %swap3A_66], %swap3A_69 {strides = array<i32>} : memref<32x1024xf32, #tpu.memory_space<vmem>>, vector<1x16xf32>,
        %get3A_70 = arith.index_cast %scan3A_43 : i32 to index
        %get3A_71 = arith.constant 32 : index
        %get3A_72 = tpu.vector_load %arg5[%get3A_70, %get3A_71] {strides = array<i32>} : memref<32x1024xf32, #tpu.memory_space<vmem>>, vector<1x16xf32>,
        %get3A_73 = vector.shape_cast %get3A_72 : vector<1x16xf32> to vector<16xf32>
        %get3A_74 = arith.index_cast %scan3A_43 : i32 to index
        %get3A_75 = arith.constant 32 : index
        %get3A_76 = tpu.vector_load %arg6[%get3A_74, %get3A_75] {strides = array<i32>} : memref<32x1024xf32, #tpu.memory_space<vmem>>, vector<1x16xf32>,
        %get3A_77 = vector.shape_cast %get3A_76 : vector<1x16xf32> to vector<16xf32>
        %add3A_78 = arith.addf %get3A_73, %get3A_77 : vector<16xf32>
        %swap3A_79 = arith.index_cast %scan3A_43 : i32 to index
        %swap3A_80 = arith.constant 32 : index
        %swap3A_81 = tpu.vector_load %arg5[%swap3A_79, %swap3A_80] {strides = array<i32>} : memref<32x1024xf32, #tpu.memory_space<vmem>>, vector<1x16xf32>,
        %swap3A_82 = vector.shape_cast %swap3A_81 : vector<1x16xf32> to vector<16xf32>
        %swap3A_83 = vector.shape_cast %add3A_78 : vector<16xf32> to vector<1x16xf32>
        tpu.vector_store %arg5[%swap3A_79, %swap3A_80], %swap3A_83 {strides = array<i32>} : memref<32x1024xf32, #tpu.memory_space<vmem>>, vector<1x16xf32>,
        %get3A_84 = arith.index_cast %scan3A_43 : i32 to index
        %get3A_85 = arith.constant 48 : index
        %get3A_86 = tpu.vector_load %arg5[%get3A_84, %get3A_85] {strides = array<i32>} : memref<32x1024xf32, #tpu.memory_space<vmem>>, vector<1x16xf32>,
        %get3A_87 = vector.shape_cast %get3A_86 : vector<1x16xf32> to vector<16xf32>
        %get3A_88 = arith.index_cast %scan3A_43 : i32 to index
        %get3A_89 = arith.constant 48 : index
        %get3A_90 = tpu.vector_load %arg6[%get3A_88, %get3A_89] {strides = array<i32>} : memref<32x1024xf32, #tpu.memory_space<vmem>>, vector<1x16xf32>,
        %get3A_91 = vector.shape_cast %get3A_90 : vector<1x16xf32> to vector<16xf32>
        %add3A_92 = arith.addf %get3A_87, %get3A_91 : vector<16xf32>
        %swap3A_93 = arith.index_cast %scan3A_43 : i32 to index
        %swap3A_94 = arith.constant 48 : index
        %swap3A_95 = tpu.vector_load %arg5[%swap3A_93, %swap3A_94] {strides = array<i32>} : memref<32x1024xf32, #tpu.memory_space<vmem>>, vector<1x16xf32>,
        %swap3A_96 = vector.shape_cast %swap3A_95 : vector<1x16xf32> to vector<16xf32>
        %swap3A_97 = vector.shape_cast %add3A_92 : vector<16xf32> to vector<1x16xf32>
        tpu.vector_store %arg5[%swap3A_93, %swap3A_94], %swap3A_97 {strides = array<i32>} : memref<32x1024xf32, #tpu.memory_space<vmem>>, vector<1x16xf32>,
        %get3A_98 = arith.index_cast %scan3A_43 : i32 to index
        %get3A_99 = arith.constant 64 : index
        %get3A_100 = tpu.vector_load %arg5[%get3A_98, %get3A_99] {strides = array<i32>} : memref<32x1024xf32, #tpu.memory_space<vmem>>, vector<1x16xf32>,
        %get3A_101 = vector.shape_cast %get3A_100 : vector<1x16xf32> to vector<16xf32>
        %get3A_102 = arith.index_cast %scan3A_43 : i32 to index
        %get3A_103 = arith.constant 64 : index
        %get3A_104 = tpu.vector_load %arg6[%get3A_102, %get3A_103] {strides = array<i32>} : memref<32x1024xf32, #tpu.memory_space<vmem>>, vector<1x16xf32>,
        %get3A_105 = vector.shape_cast %get3A_104 : vector<1x16xf32> to vector<16xf32>
        %add3A_106 = arith.addf %get3A_101, %get3A_105 : vector<16xf32>
        %swap3A_107 = arith.index_cast %scan3A_43 : i32 to index
        %swap3A_108 = arith.constant 64 : index
        %swap3A_109 = tpu.vector_load %arg5[%swap3A_107, %swap3A_108] {strides = array<i32>} : memref<32x1024xf32, #tpu.memory_space<vmem>>, vector<1x16xf32>,
        %swap3A_110 = vector.shape_cast %swap3A_109 : vector<1x16xf32> to vector<16xf32>
        %swap3A_111 = vector.shape_cast %add3A_106 : vector<16xf32> to vector<1x16xf32>
        tpu.vector_store %arg5[%swap3A_107, %swap3A_108], %swap3A_111 {strides = array<i32>} : memref<32x1024xf32, #tpu.memory_space<vmem>>, vector<1x16xf32>,
        %get3A_112 = arith.index_cast %scan3A_43 : i32 to index
        %get3A_113 = arith.constant 80 : index
        %get3A_114 = tpu.vector_load %arg5[%get3A_112, %get3A_113] {strides = array<i32>} : memref<32x1024xf32, #tpu.memory_space<vmem>>, vector<1x16xf32>,
        %get3A_115 = vector.shape_cast %get3A_114 : vector<1x16xf32> to vector<16xf32>
        %get3A_116 = arith.index_cast %scan3A_43 : i32 to index
        %get3A_117 = arith.constant 80 : index
        %get3A_118 = tpu.vector_load %arg6[%get3A_116, %get3A_117] {strides = array<i32>} : memref<32x1024xf32, #tpu.memory_space<vmem>>, vector<1x16xf32>,
        %get3A_119 = vector.shape_cast %get3A_118 : vector<1x16xf32> to vector<16xf32>
        %add3A_120 = arith.addf %get3A_115, %get3A_119 : vector<16xf32>
        %swap3A_121 = arith.index_cast %scan3A_43 : i32 to index
        %swap3A_122 = arith.constant 80 : index
        %swap3A_123 = tpu.vector_load %arg5[%swap3A_121, %swap3A_122] {strides = array<i32>} : memref<32x1024xf32, #tpu.memory_space<vmem>>, vector<1x16xf32>,
        %swap3A_124 = vector.shape_cast %swap3A_123 : vector<1x16xf32> to vector<16xf32>
        %swap3A_125 = vector.shape_cast %add3A_120 : vector<16xf32> to vector<1x16xf32>
        tpu.vector_store %arg5[%swap3A_121, %swap3A_122], %swap3A_125 {strides = array<i32>} : memref<32x1024xf32, #tpu.memory_space<vmem>>, vector<1x16xf32>,
        %get3A_126 = arith.index_cast %scan3A_43 : i32 to index
        %get3A_127 = arith.constant 96 : index
        %get3A_128 = tpu.vector_load %arg5[%get3A_126, %get3A_127] {strides = array<i32>} : memref<32x1024xf32, #tpu.memory_space<vmem>>, vector<1x16xf32>,
        %get3A_129 = vector.shape_cast %get3A_128 : vector<1x16xf32> to vector<16xf32>
        %get3A_130 = arith.index_cast %scan3A_43 : i32 to index
        %get3A_131 = arith.constant 96 : index
        %get3A_132 = tpu.vector_load %arg6[%get3A_130, %get3A_131] {strides = array<i32>} : memref<32x1024xf32, #tpu.memory_space<vmem>>, vector<1x16xf32>,
        %get3A_133 = vector.shape_cast %get3A_132 : vector<1x16xf32> to vector<16xf32>
        %add3A_134 = arith.addf %get3A_129, %get3A_133 : vector<16xf32>
        %swap3A_135 = arith.index_cast %scan3A_43 : i32 to index
        %swap3A_136 = arith.constant 96 : index
        %swap3A_137 = tpu.vector_load %arg5[%swap3A_135, %swap3A_136] {strides = array<i32>} : memref<32x1024xf32, #tpu.memory_space<vmem>>, vector<1x16xf32>,
        %swap3A_138 = vector.shape_cast %swap3A_137 : vector<1x16xf32> to vector<16xf32>
        %swap3A_139 = vector.shape_cast %add3A_134 : vector<16xf32> to vector<1x16xf32>
        tpu.vector_store %arg5[%swap3A_135, %swap3A_136], %swap3A_139 {strides = array<i32>} : memref<32x1024xf32, #tpu.memory_space<vmem>>, vector<1x16xf32>,
        %get3A_140 = arith.index_cast %scan3A_43 : i32 to index
        %get3A_141 = arith.constant 112 : index
        %get3A_142 = tpu.vector_load %arg5[%get3A_140, %get3A_141] {strides = array<i32>} : memref<32x1024xf32, #tpu.memory_space<vmem>>, vector<1x16xf32>,
        %get3A_143 = vector.shape_cast %get3A_142 : vector<1x16xf32> to vector<16xf32>
        %get3A_144 = arith.index_cast %scan3A_43 : i32 to index
        %get3A_145 = arith.constant 112 : index
        %get3A_146 = tpu.vector_load %arg6[%get3A_144, %get3A_145] {strides = array<i32>} : memref<32x1024xf32, #tpu.memory_space<vmem>>, vector<1x16xf32>,
        %get3A_147 = vector.shape_cast %get3A_146 : vector<1x16xf32> to vector<16xf32>
        %add3A_148 = arith.addf %get3A_143, %get3A_147 : vector<16xf32>
        %swap3A_149 = arith.index_cast %scan3A_43 : i32 to index
        %swap3A_150 = arith.constant 112 : index
        %swap3A_151 = tpu.vector_load %arg5[%swap3A_149, %swap3A_150] {strides = array<i32>} : memref<32x1024xf32, #tpu.memory_space<vmem>>, vector<1x16xf32>,
        %swap3A_152 = vector.shape_cast %swap3A_151 : vector<1x16xf32> to vector<16xf32>
        %swap3A_153 = vector.shape_cast %add3A_148 : vector<16xf32> to vector<1x16xf32>
        tpu.vector_store %arg5[%swap3A_149, %swap3A_150], %swap3A_153 {strides = array<i32>} : memref<32x1024xf32, #tpu.memory_space<vmem>>, vector<1x16xf32>,
        %get3A_154 = arith.index_cast %scan3A_43 : i32 to index
        %get3A_155 = arith.constant 128 : index
        %get3A_156 = tpu.vector_load %arg5[%get3A_154, %get3A_155] {strides = array<i32>} : memref<32x1024xf32, #tpu.memory_space<vmem>>, vector<1x16xf32>,
        %get3A_157 = vector.shape_cast %get3A_156 : vector<1x16xf32> to vector<16xf32>
        %get3A_158 = arith.index_cast %scan3A_43 : i32 to index
        %get3A_159 = arith.constant 128 : index
        %get3A_160 = tpu.vector_load %arg6[%get3A_158, %get3A_159] {strides = array<i32>} : memref<32x1024xf32, #tpu.memory_space<vmem>>, vector<1x16xf32>,
        %get3A_161 = vector.shape_cast %get3A_160 : vector<1x16xf32> to vector<16xf32>
        %add3A_162 = arith.addf %get3A_157, %get3A_161 : vector<16xf32>
        %swap3A_163 = arith.index_cast %scan3A_43 : i32 to index
        %swap3A_164 = arith.constant 128 : index
        %swap3A_165 = tpu.vector_load %arg5[%swap3A_163, %swap3A_164] {strides = array<i32>} : memref<32x1024xf32, #tpu.memory_space<vmem>>, vector<1x16xf32>,
        %swap3A_166 = vector.shape_cast %swap3A_165 : vector<1x16xf32> to vector<16xf32>
        %swap3A_167 = vector.shape_cast %add3A_162 : vector<16xf32> to vector<1x16xf32>
        tpu.vector_store %arg5[%swap3A_163, %swap3A_164], %swap3A_167 {strides = array<i32>} : memref<32x1024xf32, #tpu.memory_space<vmem>>, vector<1x16xf32>,
        %get3A_168 = arith.index_cast %scan3A_43 : i32 to index
        %get3A_169 = arith.constant 144 : index
        %get3A_170 = tpu.vector_load %arg5[%get3A_168, %get3A_169] {strides = array<i32>} : memref<32x1024xf32, #tpu.memory_space<vmem>>, vector<1x16xf32>,
        %get3A_171 = vector.shape_cast %get3A_170 : vector<1x16xf32> to vector<16xf32>
        %get3A_172 = arith.index_cast %scan3A_43 : i32 to index
        %get3A_173 = arith.constant 144 : index
        %get3A_174 = tpu.vector_load %arg6[%get3A_172, %get3A_173] {strides = array<i32>} : memref<32x1024xf32, #tpu.memory_space<vmem>>, vector<1x16xf32>,
        %get3A_175 = vector.shape_cast %get3A_174 : vector<1x16xf32> to vector<16xf32>
        %add3A_176 = arith.addf %get3A_171, %get3A_175 : vector<16xf32>
        %swap3A_177 = arith.index_cast %scan3A_43 : i32 to index
        %swap3A_178 = arith.constant 144 : index
        %swap3A_179 = tpu.vector_load %arg5[%swap3A_177, %swap3A_178] {strides = array<i32>} : memref<32x1024xf32, #tpu.memory_space<vmem>>, vector<1x16xf32>,
        %swap3A_180 = vector.shape_cast %swap3A_179 : vector<1x16xf32> to vector<16xf32>
        %swap3A_181 = vector.shape_cast %add3A_176 : vector<16xf32> to vector<1x16xf32>
        tpu.vector_store %arg5[%swap3A_177, %swap3A_178], %swap3A_181 {strides = array<i32>} : memref<32x1024xf32, #tpu.memory_space<vmem>>, vector<1x16xf32>,
        %get3A_182 = arith.index_cast %scan3A_43 : i32 to index
        %get3A_183 = arith.constant 160 : index
        %get3A_184 = tpu.vector_load %arg5[%get3A_182, %get3A_183] {strides = array<i32>} : memref<32x1024xf32, #tpu.memory_space<vmem>>, vector<1x16xf32>,
        %get3A_185 = vector.shape_cast %get3A_184 : vector<1x16xf32> to vector<16xf32>
        %get3A_186 = arith.index_cast %scan3A_43 : i32 to index
        %get3A_187 = arith.constant 160 : index
        %get3A_188 = tpu.vector_load %arg6[%get3A_186, %get3A_187] {strides = array<i32>} : memref<32x1024xf32, #tpu.memory_space<vmem>>, vector<1x16xf32>,
        %get3A_189 = vector.shape_cast %get3A_188 : vector<1x16xf32> to vector<16xf32>
        %add3A_190 = arith.addf %get3A_185, %get3A_189 : vector<16xf32>
        %swap3A_191 = arith.index_cast %scan3A_43 : i32 to index
        %swap3A_192 = arith.constant 160 : index
        %swap3A_193 = tpu.vector_load %arg5[%swap3A_191, %swap3A_192] {strides = array<i32>} : memref<32x1024xf32, #tpu.memory_space<vmem>>, vector<1x16xf32>,
        %swap3A_194 = vector.shape_cast %swap3A_193 : vector<1x16xf32> to vector<16xf32>
        %swap3A_195 = vector.shape_cast %add3A_190 : vector<16xf32> to vector<1x16xf32>
        tpu.vector_store %arg5[%swap3A_191, %swap3A_192], %swap3A_195 {strides = array<i32>} : memref<32x1024xf32, #tpu.memory_space<vmem>>, vector<1x16xf32>,
        %get3A_196 = arith.index_cast %scan3A_43 : i32 to index
        %get3A_197 = arith.constant 176 : index
        %get3A_198 = tpu.vector_load %arg5[%get3A_196, %get3A_197] {strides = array<i32>} : memref<32x1024xf32, #tpu.memory_space<vmem>>, vector<1x16xf32>,
        %get3A_199 = vector.shape_cast %get3A_198 : vector<1x16xf32> to vector<16xf32>
        %get3A_200 = arith.index_cast %scan3A_43 : i32 to index
        %get3A_201 = arith.constant 176 : index
        %get3A_202 = tpu.vector_load %arg6[%get3A_200, %get3A_201] {strides = array<i32>} : memref<32x1024xf32, #tpu.memory_space<vmem>>, vector<1x16xf32>,
        %get3A_203 = vector.shape_cast %get3A_202 : vector<1x16xf32> to vector<16xf32>
        %add3A_204 = arith.addf %get3A_199, %get3A_203 : vector<16xf32>
        %swap3A_205 = arith.index_cast %scan3A_43 : i32 to index
        %swap3A_206 = arith.constant 176 : index
        %swap3A_207 = tpu.vector_load %arg5[%swap3A_205, %swap3A_206] {strides = array<i32>} : memref<32x1024xf32, #tpu.memory_space<vmem>>, vector<1x16xf32>,
        %swap3A_208 = vector.shape_cast %swap3A_207 : vector<1x16xf32> to vector<16xf32>
        %swap3A_209 = vector.shape_cast %add3A_204 : vector<16xf32> to vector<1x16xf32>
        tpu.vector_store %arg5[%swap3A_205, %swap3A_206], %swap3A_209 {strides = array<i32>} : memref<32x1024xf32, #tpu.memory_space<vmem>>, vector<1x16xf32>,
        %get3A_210 = arith.index_cast %scan3A_43 : i32 to index
        %get3A_211 = arith.constant 192 : index
        %get3A_212 = tpu.vector_load %arg5[%get3A_210, %get3A_211] {strides = array<i32>} : memref<32x1024xf32, #tpu.memory_space<vmem>>, vector<1x16xf32>,
        %get3A_213 = vector.shape_cast %get3A_212 : vector<1x16xf32> to vector<16xf32>
        %get3A_214 = arith.index_cast %scan3A_43 : i32 to index
        %get3A_215 = arith.constant 192 : index
        %get3A_216 = tpu.vector_load %arg6[%get3A_214, %get3A_215] {strides = array<i32>} : memref<32x1024xf32, #tpu.memory_space<vmem>>, vector<1x16xf32>,
        %get3A_217 = vector.shape_cast %get3A_216 : vector<1x16xf32> to vector<16xf32>
        %add3A_218 = arith.addf %get3A_213, %get3A_217 : vector<16xf32>
        %swap3A_219 = arith.index_cast %scan3A_43 : i32 to index
        %swap3A_220 = arith.constant 192 : index
        %swap3A_221 = tpu.vector_load %arg5[%swap3A_219, %swap3A_220] {strides = array<i32>} : memref<32x1024xf32, #tpu.memory_space<vmem>>, vector<1x16xf32>,
        %swap3A_222 = vector.shape_cast %swap3A_221 : vector<1x16xf32> to vector<16xf32>
        %swap3A_223 = vector.shape_cast %add3A_218 : vector<16xf32> to vector<1x16xf32>
        tpu.vector_store %arg5[%swap3A_219, %swap3A_220], %swap3A_223 {strides = array<i32>} : memref<32x1024xf32, #tpu.memory_space<vmem>>, vector<1x16xf32>,
        %get3A_224 = arith.index_cast %scan3A_43 : i32 to index
        %get3A_225 = arith.constant 208 : index
        %get3A_226 = tpu.vector_load %arg5[%get3A_224, %get3A_225] {strides = array<i32>} : memref<32x1024xf32, #tpu.memory_space<vmem>>, vector<1x16xf32>,
        %get3A_227 = vector.shape_cast %get3A_226 : vector<1x16xf32> to vector<16xf32>
        %get3A_228 = arith.index_cast %scan3A_43 : i32 to index
        %get3A_229 = arith.constant 208 : index
        %get3A_230 = tpu.vector_load %arg6[%get3A_228, %get3A_229] {strides = array<i32>} : memref<32x1024xf32, #tpu.memory_space<vmem>>, vector<1x16xf32>,
        %get3A_231 = vector.shape_cast %get3A_230 : vector<1x16xf32> to vector<16xf32>
        %add3A_232 = arith.addf %get3A_227, %get3A_231 : vector<16xf32>
        %swap3A_233 = arith.index_cast %scan3A_43 : i32 to index
        %swap3A_234 = arith.constant 208 : index
        %swap3A_235 = tpu.vector_load %arg5[%swap3A_233, %swap3A_234] {strides = array<i32>} : memref<32x1024xf32, #tpu.memory_space<vmem>>, vector<1x16xf32>,
        %swap3A_236 = vector.shape_cast %swap3A_235 : vector<1x16xf32> to vector<16xf32>
        %swap3A_237 = vector.shape_cast %add3A_232 : vector<16xf32> to vector<1x16xf32>
        tpu.vector_store %arg5[%swap3A_233, %swap3A_234], %swap3A_237 {strides = array<i32>} : memref<32x1024xf32, #tpu.memory_space<vmem>>, vector<1x16xf32>,
        %get3A_238 = arith.index_cast %scan3A_43 : i32 to index
        %get3A_239 = arith.constant 224 : index
        %get3A_240 = tpu.vector_load %arg5[%get3A_238, %get3A_239] {strides = array<i32>} : memref<32x1024xf32, #tpu.memory_space<vmem>>, vector<1x16xf32>,
        %get3A_241 = vector.shape_cast %get3A_240 : vector<1x16xf32> to vector<16xf32>
        %get3A_242 = arith.index_cast %scan3A_43 : i32 to index
        %get3A_243 = arith.constant 224 : index
        %get3A_244 = tpu.vector_load %arg6[%get3A_242, %get3A_243] {strides = array<i32>} : memref<32x1024xf32, #tpu.memory_space<vmem>>, vector<1x16xf32>,
        %get3A_245 = vector.shape_cast %get3A_244 : vector<1x16xf32> to vector<16xf32>
        %add3A_246 = arith.addf %get3A_241, %get3A_245 : vector<16xf32>
        %swap3A_247 = arith.index_cast %scan3A_43 : i32 to index
        %swap3A_248 = arith.constant 224 : index
        %swap3A_249 = tpu.vector_load %arg5[%swap3A_247, %swap3A_248] {strides = array<i32>} : memref<32x1024xf32, #tpu.memory_space<vmem>>, vector<1x16xf32>,
        %swap3A_250 = vector.shape_cast %swap3A_249 : vector<1x16xf32> to vector<16xf32>
        %swap3A_251 = vector.shape_cast %add3A_246 : vector<16xf32> to vector<1x16xf32>
        tpu.vector_store %arg5[%swap3A_247, %swap3A_248], %swap3A_251 {strides = array<i32>} : memref<32x1024xf32, #tpu.memory_space<vmem>>, vector<1x16xf32>,
        %get3A_252 = arith.index_cast %scan3A_43 : i32 to index
        %get3A_253 = arith.constant 240 : index
        %get3A_254 = tpu.vector_load %arg5[%get3A_252, %get3A_253] {strides = array<i32>} : memref<32x1024xf32, #tpu.memory_space<vmem>>, vector<1x16xf32>,
        %get3A_255 = vector.shape_cast %get3A_254 : vector<1x16xf32> to vector<16xf32>
        %get3A_256 = arith.index_cast %scan3A_43 : i32 to index
        %get3A_257 = arith.constant 240 : index
        %get3A_258 = tpu.vector_load %arg6[%get3A_256, %get3A_257] {strides = array<i32>} : memref<32x1024xf32, #tpu.memory_space<vmem>>, vector<1x16xf32>,
        %get3A_259 = vector.shape_cast %get3A_258 : vector<1x16xf32> to vector<16xf32>
        %add3A_260 = arith.addf %get3A_255, %get3A_259 : vector<16xf32>
        %swap3A_261 = arith.index_cast %scan3A_43 : i32 to index
        %swap3A_262 = arith.constant 240 : index
        %swap3A_263 = tpu.vector_load %arg5[%swap3A_261, %swap3A_262] {strides = array<i32>} : memref<32x1024xf32, #tpu.memory_space<vmem>>, vector<1x16xf32>,
        %swap3A_264 = vector.shape_cast %swap3A_263 : vector<1x16xf32> to vector<16xf32>
        %swap3A_265 = vector.shape_cast %add3A_260 : vector<16xf32> to vector<1x16xf32>
        tpu.vector_store %arg5[%swap3A_261, %swap3A_262], %swap3A_265 {strides = array<i32>} : memref<32x1024xf32, #tpu.memory_space<vmem>>, vector<1x16xf32>,
        %get3A_266 = arith.index_cast %scan3A_43 : i32 to index
        %get3A_267 = arith.constant 256 : index
        %get3A_268 = tpu.vector_load %arg5[%get3A_266, %get3A_267] {strides = array<i32>} : memref<32x1024xf32, #tpu.memory_space<vmem>>, vector<1x16xf32>,
        %get3A_269 = vector.shape_cast %get3A_268 : vector<1x16xf32> to vector<16xf32>
        %get3A_270 = arith.index_cast %scan3A_43 : i32 to index
        %get3A_271 = arith.constant 256 : index
        %get3A_272 = tpu.vector_load %arg6[%get3A_270, %get3A_271] {strides = array<i32>} : memref<32x1024xf32, #tpu.memory_space<vmem>>, vector<1x16xf32>,
        %get3A_273 = vector.shape_cast %get3A_272 : vector<1x16xf32> to vector<16xf32>
        %add3A_274 = arith.addf %get3A_269, %get3A_273 : vector<16xf32>
        %swap3A_275 = arith.index_cast %scan3A_43 : i32 to index
        %swap3A_276 = arith.constant 256 : index
        %swap3A_277 = tpu.vector_load %arg5[%swap3A_275, %swap3A_276] {strides = array<i32>} : memref<32x1024xf32, #tpu.memory_space<vmem>>, vector<1x16xf32>,
        %swap3A_278 = vector.shape_cast %swap3A_277 : vector<1x16xf32> to vector<16xf32>
        %swap3A_279 = vector.shape_cast %add3A_274 : vector<16xf32> to vector<1x16xf32>
        tpu.vector_store %arg5[%swap3A_275, %swap3A_276], %swap3A_279 {strides = array<i32>} : memref<32x1024xf32, #tpu.memory_space<vmem>>, vector<1x16xf32>,
        %get3A_280 = arith.index_cast %scan3A_43 : i32 to index
        %get3A_281 = arith.constant 272 : index
        %get3A_282 = tpu.vector_load %arg5[%get3A_280, %get3A_281] {strides = array<i32>} : memref<32x1024xf32, #tpu.memory_space<vmem>>, vector<1x16xf32>,
        %get3A_283 = vector.shape_cast %get3A_282 : vector<1x16xf32> to vector<16xf32>
        %get3A_284 = arith.index_cast %scan3A_43 : i32 to index
        %get3A_285 = arith.constant 272 : index
        %get3A_286 = tpu.vector_load %arg6[%get3A_284, %get3A_285] {strides = array<i32>} : memref<32x1024xf32, #tpu.memory_space<vmem>>, vector<1x16xf32>,
        %get3A_287 = vector.shape_cast %get3A_286 : vector<1x16xf32> to vector<16xf32>
        %add3A_288 = arith.addf %get3A_283, %get3A_287 : vector<16xf32>
        %swap3A_289 = arith.index_cast %scan3A_43 : i32 to index
        %swap3A_290 = arith.constant 272 : index
        %swap3A_291 = tpu.vector_load %arg5[%swap3A_289, %swap3A_290] {strides = array<i32>} : memref<32x1024xf32, #tpu.memory_space<vmem>>, vector<1x16xf32>,
        %swap3A_292 = vector.shape_cast %swap3A_291 : vector<1x16xf32> to vector<16xf32>
        %swap3A_293 = vector.shape_cast %add3A_288 : vector<16xf32> to vector<1x16xf32>
        tpu.vector_store %arg5[%swap3A_289, %swap3A_290], %swap3A_293 {strides = array<i32>} : memref<32x1024xf32, #tpu.memory_space<vmem>>, vector<1x16xf32>,
        %get3A_294 = arith.index_cast %scan3A_43 : i32 to index
        %get3A_295 = arith.constant 288 : index
        %get3A_296 = tpu.vector_load %arg5[%get3A_294, %get3A_295] {strides = array<i32>} : memref<32x1024xf32, #tpu.memory_space<vmem>>, vector<1x16xf32>,
        %get3A_297 = vector.shape_cast %get3A_296 : vector<1x16xf32> to vector<16xf32>
        %get3A_298 = arith.index_cast %scan3A_43 : i32 to index
        %get3A_299 = arith.constant 288 : index
        %get3A_300 = tpu.vector_load %arg6[%get3A_298, %get3A_299] {strides = array<i32>} : memref<32x1024xf32, #tpu.memory_space<vmem>>, vector<1x16xf32>,
        %get3A_301 = vector.shape_cast %get3A_300 : vector<1x16xf32> to vector<16xf32>
        %add3A_302 = arith.addf %get3A_297, %get3A_301 : vector<16xf32>
        %swap3A_303 = arith.index_cast %scan3A_43 : i32 to index
        %swap3A_304 = arith.constant 288 : index
        %swap3A_305 = tpu.vector_load %arg5[%swap3A_303, %swap3A_304] {strides = array<i32>} : memref<32x1024xf32, #tpu.memory_space<vmem>>, vector<1x16xf32>,
        %swap3A_306 = vector.shape_cast %swap3A_305 : vector<1x16xf32> to vector<16xf32>
        %swap3A_307 = vector.shape_cast %add3A_302 : vector<16xf32> to vector<1x16xf32>
        tpu.vector_store %arg5[%swap3A_303, %swap3A_304], %swap3A_307 {strides = array<i32>} : memref<32x1024xf32, #tpu.memory_space<vmem>>, vector<1x16xf32>,
        %get3A_308 = arith.index_cast %scan3A_43 : i32 to index
        %get3A_309 = arith.constant 304 : index
        %get3A_310 = tpu.vector_load %arg5[%get3A_308, %get3A_309] {strides = array<i32>} : memref<32x1024xf32, #tpu.memory_space<vmem>>, vector<1x16xf32>,
        %get3A_311 = vector.shape_cast %get3A_310 : vector<1x16xf32> to vector<16xf32>
        %get3A_312 = arith.index_cast %scan3A_43 : i32 to index
        %get3A_313 = arith.constant 304 : index
        %get3A_314 = tpu.vector_load %arg6[%get3A_312, %get3A_313] {strides = array<i32>} : memref<32x1024xf32, #tpu.memory_space<vmem>>, vector<1x16xf32>,
        %get3A_315 = vector.shape_cast %get3A_314 : vector<1x16xf32> to vector<16xf32>
        %add3A_316 = arith.addf %get3A_311, %get3A_315 : vector<16xf32>
        %swap3A_317 = arith.index_cast %scan3A_43 : i32 to index
        %swap3A_318 = arith.constant 304 : index
        %swap3A_319 = tpu.vector_load %arg5[%swap3A_317, %swap3A_318] {strides = array<i32>} : memref<32x1024xf32, #tpu.memory_space<vmem>>, vector<1x16xf32>,
        %swap3A_320 = vector.shape_cast %swap3A_319 : vector<1x16xf32> to vector<16xf32>
        %swap3A_321 = vector.shape_cast %add3A_316 : vector<16xf32> to vector<1x16xf32>
        tpu.vector_store %arg5[%swap3A_317, %swap3A_318], %swap3A_321 {strides = array<i32>} : memref<32x1024xf32, #tpu.memory_space<vmem>>, vector<1x16xf32>,
        %get3A_322 = arith.index_cast %scan3A_43 : i32 to index
        %get3A_323 = arith.constant 320 : index
        %get3A_324 = tpu.vector_load %arg5[%get3A_322, %get3A_323] {strides = array<i32>} : memref<32x1024xf32, #tpu.memory_space<vmem>>, vector<1x16xf32>,
        %get3A_325 = vector.shape_cast %get3A_324 : vector<1x16xf32> to vector<16xf32>
        %get3A_326 = arith.index_cast %scan3A_43 : i32 to index
        %get3A_327 = arith.constant 320 : index
        %get3A_328 = tpu.vector_load %arg6[%get3A_326, %get3A_327] {strides = array<i32>} : memref<32x1024xf32, #tpu.memory_space<vmem>>, vector<1x16xf32>,
        %get3A_329 = vector.shape_cast %get3A_328 : vector<1x16xf32> to vector<16xf32>
        %add3A_330 = arith.addf %get3A_325, %get3A_329 : vector<16xf32>
        %swap3A_331 = arith.index_cast %scan3A_43 : i32 to index
        %swap3A_332 = arith.constant 320 : index
        %swap3A_333 = tpu.vector_load %arg5[%swap3A_331, %swap3A_332] {strides = array<i32>} : memref<32x1024xf32, #tpu.memory_space<vmem>>, vector<1x16xf32>,
        %swap3A_334 = vector.shape_cast %swap3A_333 : vector<1x16xf32> to vector<16xf32>
        %swap3A_335 = vector.shape_cast %add3A_330 : vector<16xf32> to vector<1x16xf32>
        tpu.vector_store %arg5[%swap3A_331, %swap3A_332], %swap3A_335 {strides = array<i32>} : memref<32x1024xf32, #tpu.memory_space<vmem>>, vector<1x16xf32>,
        %get3A_336 = arith.index_cast %scan3A_43 : i32 to index
        %get3A_337 = arith.constant 336 : index
        %get3A_338 = tpu.vector_load %arg5[%get3A_336, %get3A_337] {strides = array<i32>} : memref<32x1024xf32, #tpu.memory_space<vmem>>, vector<1x16xf32>,
        %get3A_339 = vector.shape_cast %get3A_338 : vector<1x16xf32> to vector<16xf32>
        %get3A_340 = arith.index_cast %scan3A_43 : i32 to index
        %get3A_341 = arith.constant 336 : index
        %get3A_342 = tpu.vector_load %arg6[%get3A_340, %get3A_341] {strides = array<i32>} : memref<32x1024xf32, #tpu.memory_space<vmem>>, vector<1x16xf32>,
        %get3A_343 = vector.shape_cast %get3A_342 : vector<1x16xf32> to vector<16xf32>
        %add3A_344 = arith.addf %get3A_339, %get3A_343 : vector<16xf32>
        %swap3A_345 = arith.index_cast %scan3A_43 : i32 to index
        %swap3A_346 = arith.constant 336 : index
        %swap3A_347 = tpu.vector_load %arg5[%swap3A_345, %swap3A_346] {strides = array<i32>} : memref<32x1024xf32, #tpu.memory_space<vmem>>, vector<1x16xf32>,
        %swap3A_348 = vector.shape_cast %swap3A_347 : vector<1x16xf32> to vector<16xf32>
        %swap3A_349 = vector.shape_cast %add3A_344 : vector<16xf32> to vector<1x16xf32>
        tpu.vector_store %arg5[%swap3A_345, %swap3A_346], %swap3A_349 {strides = array<i32>} : memref<32x1024xf32, #tpu.memory_space<vmem>>, vector<1x16xf32>,
        %get3A_350 = arith.index_cast %scan3A_43 : i32 to index
        %get3A_351 = arith.constant 352 : index
        %get3A_352 = tpu.vector_load %arg5[%get3A_350, %get3A_351] {strides = array<i32>} : memref<32x1024xf32, #tpu.memory_space<vmem>>, vector<1x16xf32>,
        %get3A_353 = vector.shape_cast %get3A_352 : vector<1x16xf32> to vector<16xf32>
        %get3A_354 = arith.index_cast %scan3A_43 : i32 to index
        %get3A_355 = arith.constant 352 : index
        %get3A_356 = tpu.vector_load %arg6[%get3A_354, %get3A_355] {strides = array<i32>} : memref<32x1024xf32, #tpu.memory_space<vmem>>, vector<1x16xf32>,
        %get3A_357 = vector.shape_cast %get3A_356 : vector<1x16xf32> to vector<16xf32>
        %add3A_358 = arith.addf %get3A_353, %get3A_357 : vector<16xf32>
        %swap3A_359 = arith.index_cast %scan3A_43 : i32 to index
        %swap3A_360 = arith.constant 352 : index
        %swap3A_361 = tpu.vector_load %arg5[%swap3A_359, %swap3A_360] {strides = array<i32>} : memref<32x1024xf32, #tpu.memory_space<vmem>>, vector<1x16xf32>,
        %swap3A_362 = vector.shape_cast %swap3A_361 : vector<1x16xf32> to vector<16xf32>
        %swap3A_363 = vector.shape_cast %add3A_358 : vector<16xf32> to vector<1x16xf32>
        tpu.vector_store %arg5[%swap3A_359, %swap3A_360], %swap3A_363 {strides = array<i32>} : memref<32x1024xf32, #tpu.memory_space<vmem>>, vector<1x16xf32>,
        %get3A_364 = arith.index_cast %scan3A_43 : i32 to index
        %get3A_365 = arith.constant 368 : index
        %get3A_366 = tpu.vector_load %arg5[%get3A_364, %get3A_365] {strides = array<i32>} : memref<32x1024xf32, #tpu.memory_space<vmem>>, vector<1x16xf32>,
        %get3A_367 = vector.shape_cast %get3A_366 : vector<1x16xf32> to vector<16xf32>
        %get3A_368 = arith.index_cast %scan3A_43 : i32 to index
        %get3A_369 = arith.constant 368 : index
        %get3A_370 = tpu.vector_load %arg6[%get3A_368, %get3A_369] {strides = array<i32>} : memref<32x1024xf32, #tpu.memory_space<vmem>>, vector<1x16xf32>,
        %get3A_371 = vector.shape_cast %get3A_370 : vector<1x16xf32> to vector<16xf32>
        %add3A_372 = arith.addf %get3A_367, %get3A_371 : vector<16xf32>
        %swap3A_373 = arith.index_cast %scan3A_43 : i32 to index
        %swap3A_374 = arith.constant 368 : index
        %swap3A_375 = tpu.vector_load %arg5[%swap3A_373, %swap3A_374] {strides = array<i32>} : memref<32x1024xf32, #tpu.memory_space<vmem>>, vector<1x16xf32>,
        %swap3A_376 = vector.shape_cast %swap3A_375 : vector<1x16xf32> to vector<16xf32>
        %swap3A_377 = vector.shape_cast %add3A_372 : vector<16xf32> to vector<1x16xf32>
        tpu.vector_store %arg5[%swap3A_373, %swap3A_374], %swap3A_377 {strides = array<i32>} : memref<32x1024xf32, #tpu.memory_space<vmem>>, vector<1x16xf32>,
        %get3A_378 = arith.index_cast %scan3A_43 : i32 to index
        %get3A_379 = arith.constant 384 : index
        %get3A_380 = tpu.vector_load %arg5[%get3A_378, %get3A_379] {strides = array<i32>} : memref<32x1024xf32, #tpu.memory_space<vmem>>, vector<1x16xf32>,
        %get3A_381 = vector.shape_cast %get3A_380 : vector<1x16xf32> to vector<16xf32>
        %get3A_382 = arith.index_cast %scan3A_43 : i32 to index
        %get3A_383 = arith.constant 384 : index
        %get3A_384 = tpu.vector_load %arg6[%get3A_382, %get3A_383] {strides = array<i32>} : memref<32x1024xf32, #tpu.memory_space<vmem>>, vector<1x16xf32>,
        %get3A_385 = vector.shape_cast %get3A_384 : vector<1x16xf32> to vector<16xf32>
        %add3A_386 = arith.addf %get3A_381, %get3A_385 : vector<16xf32>
        %swap3A_387 = arith.index_cast %scan3A_43 : i32 to index
        %swap3A_388 = arith.constant 384 : index
        %swap3A_389 = tpu.vector_load %arg5[%swap3A_387, %swap3A_388] {strides = array<i32>} : memref<32x1024xf32, #tpu.memory_space<vmem>>, vector<1x16xf32>,
        %swap3A_390 = vector.shape_cast %swap3A_389 : vector<1x16xf32> to vector<16xf32>
        %swap3A_391 = vector.shape_cast %add3A_386 : vector<16xf32> to vector<1x16xf32>
        tpu.vector_store %arg5[%swap3A_387, %swap3A_388], %swap3A_391 {strides = array<i32>} : memref<32x1024xf32, #tpu.memory_space<vmem>>, vector<1x16xf32>,
        %get3A_392 = arith.index_cast %scan3A_43 : i32 to index
        %get3A_393 = arith.constant 400 : index
        %get3A_394 = tpu.vector_load %arg5[%get3A_392, %get3A_393] {strides = array<i32>} : memref<32x1024xf32, #tpu.memory_space<vmem>>, vector<1x16xf32>,
        %get3A_395 = vector.shape_cast %get3A_394 : vector<1x16xf32> to vector<16xf32>
        %get3A_396 = arith.index_cast %scan3A_43 : i32 to index
        %get3A_397 = arith.constant 400 : index
        %get3A_398 = tpu.vector_load %arg6[%get3A_396, %get3A_397] {strides = array<i32>} : memref<32x1024xf32, #tpu.memory_space<vmem>>, vector<1x16xf32>,
        %get3A_399 = vector.shape_cast %get3A_398 : vector<1x16xf32> to vector<16xf32>
        %add3A_400 = arith.addf %get3A_395, %get3A_399 : vector<16xf32>
        %swap3A_401 = arith.index_cast %scan3A_43 : i32 to index
        %swap3A_402 = arith.constant 400 : index
        %swap3A_403 = tpu.vector_load %arg5[%swap3A_401, %swap3A_402] {strides = array<i32>} : memref<32x1024xf32, #tpu.memory_space<vmem>>, vector<1x16xf32>,
        %swap3A_404 = vector.shape_cast %swap3A_403 : vector<1x16xf32> to vector<16xf32>
        %swap3A_405 = vector.shape_cast %add3A_400 : vector<16xf32> to vector<1x16xf32>
        tpu.vector_store %arg5[%swap3A_401, %swap3A_402], %swap3A_405 {strides = array<i32>} : memref<32x1024xf32, #tpu.memory_space<vmem>>, vector<1x16xf32>,
        %get3A_406 = arith.index_cast %scan3A_43 : i32 to index
        %get3A_407 = arith.constant 416 : index
        %get3A_408 = tpu.vector_load %arg5[%get3A_406, %get3A_407] {strides = array<i32>} : memref<32x1024xf32, #tpu.memory_space<vmem>>, vector<1x16xf32>,
        %get3A_409 = vector.shape_cast %get3A_408 : vector<1x16xf32> to vector<16xf32>
        %get3A_410 = arith.index_cast %scan3A_43 : i32 to index
        %get3A_411 = arith.constant 416 : index
        %get3A_412 = tpu.vector_load %arg6[%get3A_410, %get3A_411] {strides = array<i32>} : memref<32x1024xf32, #tpu.memory_space<vmem>>, vector<1x16xf32>,
        %get3A_413 = vector.shape_cast %get3A_412 : vector<1x16xf32> to vector<16xf32>
        %add3A_414 = arith.addf %get3A_409, %get3A_413 : vector<16xf32>
        %swap3A_415 = arith.index_cast %scan3A_43 : i32 to index
        %swap3A_416 = arith.constant 416 : index
        %swap3A_417 = tpu.vector_load %arg5[%swap3A_415, %swap3A_416] {strides = array<i32>} : memref<32x1024xf32, #tpu.memory_space<vmem>>, vector<1x16xf32>,
        %swap3A_418 = vector.shape_cast %swap3A_417 : vector<1x16xf32> to vector<16xf32>
        %swap3A_419 = vector.shape_cast %add3A_414 : vector<16xf32> to vector<1x16xf32>
        tpu.vector_store %arg5[%swap3A_415, %swap3A_416], %swap3A_419 {strides = array<i32>} : memref<32x1024xf32, #tpu.memory_space<vmem>>, vector<1x16xf32>,
        %get3A_420 = arith.index_cast %scan3A_43 : i32 to index
        %get3A_421 = arith.constant 432 : index
        %get3A_422 = tpu.vector_load %arg5[%get3A_420, %get3A_421] {strides = array<i32>} : memref<32x1024xf32, #tpu.memory_space<vmem>>, vector<1x16xf32>,
        %get3A_423 = vector.shape_cast %get3A_422 : vector<1x16xf32> to vector<16xf32>
        %get3A_424 = arith.index_cast %scan3A_43 : i32 to index
        %get3A_425 = arith.constant 432 : index
        %get3A_426 = tpu.vector_load %arg6[%get3A_424, %get3A_425] {strides = array<i32>} : memref<32x1024xf32, #tpu.memory_space<vmem>>, vector<1x16xf32>,
        %get3A_427 = vector.shape_cast %get3A_426 : vector<1x16xf32> to vector<16xf32>
        %add3A_428 = arith.addf %get3A_423, %get3A_427 : vector<16xf32>
        %swap3A_429 = arith.index_cast %scan3A_43 : i32 to index
        %swap3A_430 = arith.constant 432 : index
        %swap3A_431 = tpu.vector_load %arg5[%swap3A_429, %swap3A_430] {strides = array<i32>} : memref<32x1024xf32, #tpu.memory_space<vmem>>, vector<1x16xf32>,
        %swap3A_432 = vector.shape_cast %swap3A_431 : vector<1x16xf32> to vector<16xf32>
        %swap3A_433 = vector.shape_cast %add3A_428 : vector<16xf32> to vector<1x16xf32>
        tpu.vector_store %arg5[%swap3A_429, %swap3A_430], %swap3A_433 {strides = array<i32>} : memref<32x1024xf32, #tpu.memory_space<vmem>>, vector<1x16xf32>,
        %get3A_434 = arith.index_cast %scan3A_43 : i32 to index
        %get3A_435 = arith.constant 448 : index
        %get3A_436 = tpu.vector_load %arg5[%get3A_434, %get3A_435] {strides = array<i32>} : memref<32x1024xf32, #tpu.memory_space<vmem>>, vector<1x16xf32>,
        %get3A_437 = vector.shape_cast %get3A_436 : vector<1x16xf32> to vector<16xf32>
        %get3A_438 = arith.index_cast %scan3A_43 : i32 to index
        %get3A_439 = arith.constant 448 : index
        %get3A_440 = tpu.vector_load %arg6[%get3A_438, %get3A_439] {strides = array<i32>} : memref<32x1024xf32, #tpu.memory_space<vmem>>, vector<1x16xf32>,
        %get3A_441 = vector.shape_cast %get3A_440 : vector<1x16xf32> to vector<16xf32>
        %add3A_442 = arith.addf %get3A_437, %get3A_441 : vector<16xf32>
        %swap3A_443 = arith.index_cast %scan3A_43 : i32 to index
        %swap3A_444 = arith.constant 448 : index
        %swap3A_445 = tpu.vector_load %arg5[%swap3A_443, %swap3A_444] {strides = array<i32>} : memref<32x1024xf32, #tpu.memory_space<vmem>>, vector<1x16xf32>,
        %swap3A_446 = vector.shape_cast %swap3A_445 : vector<1x16xf32> to vector<16xf32>
        %swap3A_447 = vector.shape_cast %add3A_442 : vector<16xf32> to vector<1x16xf32>
        tpu.vector_store %arg5[%swap3A_443, %swap3A_444], %swap3A_447 {strides = array<i32>} : memref<32x1024xf32, #tpu.memory_space<vmem>>, vector<1x16xf32>,
        %get3A_448 = arith.index_cast %scan3A_43 : i32 to index
        %get3A_449 = arith.constant 464 : index
        %get3A_450 = tpu.vector_load %arg5[%get3A_448, %get3A_449] {strides = array<i32>} : memref<32x1024xf32, #tpu.memory_space<vmem>>, vector<1x16xf32>,
        %get3A_451 = vector.shape_cast %get3A_450 : vector<1x16xf32> to vector<16xf32>
        %get3A_452 = arith.index_cast %scan3A_43 : i32 to index
        %get3A_453 = arith.constant 464 : index
        %get3A_454 = tpu.vector_load %arg6[%get3A_452, %get3A_453] {strides = array<i32>} : memref<32x1024xf32, #tpu.memory_space<vmem>>, vector<1x16xf32>,
        %get3A_455 = vector.shape_cast %get3A_454 : vector<1x16xf32> to vector<16xf32>
        %add3A_456 = arith.addf %get3A_451, %get3A_455 : vector<16xf32>
        %swap3A_457 = arith.index_cast %scan3A_43 : i32 to index
        %swap3A_458 = arith.constant 464 : index
        %swap3A_459 = tpu.vector_load %arg5[%swap3A_457, %swap3A_458] {strides = array<i32>} : memref<32x1024xf32, #tpu.memory_space<vmem>>, vector<1x16xf32>,
        %swap3A_460 = vector.shape_cast %swap3A_459 : vector<1x16xf32> to vector<16xf32>
        %swap3A_461 = vector.shape_cast %add3A_456 : vector<16xf32> to vector<1x16xf32>
        tpu.vector_store %arg5[%swap3A_457, %swap3A_458], %swap3A_461 {strides = array<i32>} : memref<32x1024xf32, #tpu.memory_space<vmem>>, vector<1x16xf32>,
        %get3A_462 = arith.index_cast %scan3A_43 : i32 to index
        %get3A_463 = arith.constant 480 : index
        %get3A_464 = tpu.vector_load %arg5[%get3A_462, %get3A_463] {strides = array<i32>} : memref<32x1024xf32, #tpu.memory_space<vmem>>, vector<1x16xf32>,
        %get3A_465 = vector.shape_cast %get3A_464 : vector<1x16xf32> to vector<16xf32>
        %get3A_466 = arith.index_cast %scan3A_43 : i32 to index
        %get3A_467 = arith.constant 480 : index
        %get3A_468 = tpu.vector_load %arg6[%get3A_466, %get3A_467] {strides = array<i32>} : memref<32x1024xf32, #tpu.memory_space<vmem>>, vector<1x16xf32>,
        %get3A_469 = vector.shape_cast %get3A_468 : vector<1x16xf32> to vector<16xf32>
        %add3A_470 = arith.addf %get3A_465, %get3A_469 : vector<16xf32>
        %swap3A_471 = arith.index_cast %scan3A_43 : i32 to index
        %swap3A_472 = arith.constant 480 : index
        %swap3A_473 = tpu.vector_load %arg5[%swap3A_471, %swap3A_472] {strides = array<i32>} : memref<32x1024xf32, #tpu.memory_space<vmem>>, vector<1x16xf32>,
        %swap3A_474 = vector.shape_cast %swap3A_473 : vector<1x16xf32> to vector<16xf32>
        %swap3A_475 = vector.shape_cast %add3A_470 : vector<16xf32> to vector<1x16xf32>
        tpu.vector_store %arg5[%swap3A_471, %swap3A_472], %swap3A_475 {strides = array<i32>} : memref<32x1024xf32, #tpu.memory_space<vmem>>, vector<1x16xf32>,
        %get3A_476 = arith.index_cast %scan3A_43 : i32 to index
        %get3A_477 = arith.constant 496 : index
        %get3A_478 = tpu.vector_load %arg5[%get3A_476, %get3A_477] {strides = array<i32>} : memref<32x1024xf32, #tpu.memory_space<vmem>>, vector<1x16xf32>,
        %get3A_479 = vector.shape_cast %get3A_478 : vector<1x16xf32> to vector<16xf32>
        %get3A_480 = arith.index_cast %scan3A_43 : i32 to index
        %get3A_481 = arith.constant 496 : index
        %get3A_482 = tpu.vector_load %arg6[%get3A_480, %get3A_481] {strides = array<i32>} : memref<32x1024xf32, #tpu.memory_space<vmem>>, vector<1x16xf32>,
        %get3A_483 = vector.shape_cast %get3A_482 : vector<1x16xf32> to vector<16xf32>
        %add3A_484 = arith.addf %get3A_479, %get3A_483 : vector<16xf32>
        %swap3A_485 = arith.index_cast %scan3A_43 : i32 to index
        %swap3A_486 = arith.constant 496 : index
        %swap3A_487 = tpu.vector_load %arg5[%swap3A_485, %swap3A_486] {strides = array<i32>} : memref<32x1024xf32, #tpu.memory_space<vmem>>, vector<1x16xf32>,
        %swap3A_488 = vector.shape_cast %swap3A_487 : vector<1x16xf32> to vector<16xf32>
        %swap3A_489 = vector.shape_cast %add3A_484 : vector<16xf32> to vector<1x16xf32>
        tpu.vector_store %arg5[%swap3A_485, %swap3A_486], %swap3A_489 {strides = array<i32>} : memref<32x1024xf32, #tpu.memory_space<vmem>>, vector<1x16xf32>,
        %get3A_490 = arith.index_cast %scan3A_43 : i32 to index
        %get3A_491 = arith.constant 512 : index
        %get3A_492 = tpu.vector_load %arg5[%get3A_490, %get3A_491] {strides = array<i32>} : memref<32x1024xf32, #tpu.memory_space<vmem>>, vector<1x16xf32>,
        %get3A_493 = vector.shape_cast %get3A_492 : vector<1x16xf32> to vector<16xf32>
        %get3A_494 = arith.index_cast %scan3A_43 : i32 to index
        %get3A_495 = arith.constant 512 : index
        %get3A_496 = tpu.vector_load %arg6[%get3A_494, %get3A_495] {strides = array<i32>} : memref<32x1024xf32, #tpu.memory_space<vmem>>, vector<1x16xf32>,
        %get3A_497 = vector.shape_cast %get3A_496 : vector<1x16xf32> to vector<16xf32>
        %add3A_498 = arith.addf %get3A_493, %get3A_497 : vector<16xf32>
        %swap3A_499 = arith.index_cast %scan3A_43 : i32 to index
        %swap3A_500 = arith.constant 512 : index
        %swap3A_501 = tpu.vector_load %arg5[%swap3A_499, %swap3A_500] {strides = array<i32>} : memref<32x1024xf32, #tpu.memory_space<vmem>>, vector<1x16xf32>,
        %swap3A_502 = vector.shape_cast %swap3A_501 : vector<1x16xf32> to vector<16xf32>
        %swap3A_503 = vector.shape_cast %add3A_498 : vector<16xf32> to vector<1x16xf32>
        tpu.vector_store %arg5[%swap3A_499, %swap3A_500], %swap3A_503 {strides = array<i32>} : memref<32x1024xf32, #tpu.memory_space<vmem>>, vector<1x16xf32>,
        %get3A_504 = arith.index_cast %scan3A_43 : i32 to index
        %get3A_505 = arith.constant 528 : index
        %get3A_506 = tpu.vector_load %arg5[%get3A_504, %get3A_505] {strides = array<i32>} : memref<32x1024xf32, #tpu.memory_space<vmem>>, vector<1x16xf32>,
        %get3A_507 = vector.shape_cast %get3A_506 : vector<1x16xf32> to vector<16xf32>
        %get3A_508 = arith.index_cast %scan3A_43 : i32 to index
        %get3A_509 = arith.constant 528 : index
        %get3A_510 = tpu.vector_load %arg6[%get3A_508, %get3A_509] {strides = array<i32>} : memref<32x1024xf32, #tpu.memory_space<vmem>>, vector<1x16xf32>,
        %get3A_511 = vector.shape_cast %get3A_510 : vector<1x16xf32> to vector<16xf32>
        %add3A_512 = arith.addf %get3A_507, %get3A_511 : vector<16xf32>
        %swap3A_513 = arith.index_cast %scan3A_43 : i32 to index
        %swap3A_514 = arith.constant 528 : index
        %swap3A_515 = tpu.vector_load %arg5[%swap3A_513, %swap3A_514] {strides = array<i32>} : memref<32x1024xf32, #tpu.memory_space<vmem>>, vector<1x16xf32>,
        %swap3A_516 = vector.shape_cast %swap3A_515 : vector<1x16xf32> to vector<16xf32>
        %swap3A_517 = vector.shape_cast %add3A_512 : vector<16xf32> to vector<1x16xf32>
        tpu.vector_store %arg5[%swap3A_513, %swap3A_514], %swap3A_517 {strides = array<i32>} : memref<32x1024xf32, #tpu.memory_space<vmem>>, vector<1x16xf32>,
        %get3A_518 = arith.index_cast %scan3A_43 : i32 to index
        %get3A_519 = arith.constant 544 : index
        %get3A_520 = tpu.vector_load %arg5[%get3A_518, %get3A_519] {strides = array<i32>} : memref<32x1024xf32, #tpu.memory_space<vmem>>, vector<1x16xf32>,
        %get3A_521 = vector.shape_cast %get3A_520 : vector<1x16xf32> to vector<16xf32>
        %get3A_522 = arith.index_cast %scan3A_43 : i32 to index
        %get3A_523 = arith.constant 544 : index
        %get3A_524 = tpu.vector_load %arg6[%get3A_522, %get3A_523] {strides = array<i32>} : memref<32x1024xf32, #tpu.memory_space<vmem>>, vector<1x16xf32>,
        %get3A_525 = vector.shape_cast %get3A_524 : vector<1x16xf32> to vector<16xf32>
        %add3A_526 = arith.addf %get3A_521, %get3A_525 : vector<16xf32>
        %swap3A_527 = arith.index_cast %scan3A_43 : i32 to index
        %swap3A_528 = arith.constant 544 : index
        %swap3A_529 = tpu.vector_load %arg5[%swap3A_527, %swap3A_528] {strides = array<i32>} : memref<32x1024xf32, #tpu.memory_space<vmem>>, vector<1x16xf32>,
        %swap3A_530 = vector.shape_cast %swap3A_529 : vector<1x16xf32> to vector<16xf32>
        %swap3A_531 = vector.shape_cast %add3A_526 : vector<16xf32> to vector<1x16xf32>
        tpu.vector_store %arg5[%swap3A_527, %swap3A_528], %swap3A_531 {strides = array<i32>} : memref<32x1024xf32, #tpu.memory_space<vmem>>, vector<1x16xf32>,
        %get3A_532 = arith.index_cast %scan3A_43 : i32 to index
        %get3A_533 = arith.constant 560 : index
        %get3A_534 = tpu.vector_load %arg5[%get3A_532, %get3A_533] {strides = array<i32>} : memref<32x1024xf32, #tpu.memory_space<vmem>>, vector<1x16xf32>,
        %get3A_535 = vector.shape_cast %get3A_534 : vector<1x16xf32> to vector<16xf32>
        %get3A_536 = arith.index_cast %scan3A_43 : i32 to index
        %get3A_537 = arith.constant 560 : index
        %get3A_538 = tpu.vector_load %arg6[%get3A_536, %get3A_537] {strides = array<i32>} : memref<32x1024xf32, #tpu.memory_space<vmem>>, vector<1x16xf32>,
        %get3A_539 = vector.shape_cast %get3A_538 : vector<1x16xf32> to vector<16xf32>
        %add3A_540 = arith.addf %get3A_535, %get3A_539 : vector<16xf32>
        %swap3A_541 = arith.index_cast %scan3A_43 : i32 to index
        %swap3A_542 = arith.constant 560 : index
        %swap3A_543 = tpu.vector_load %arg5[%swap3A_541, %swap3A_542] {strides = array<i32>} : memref<32x1024xf32, #tpu.memory_space<vmem>>, vector<1x16xf32>,
        %swap3A_544 = vector.shape_cast %swap3A_543 : vector<1x16xf32> to vector<16xf32>
        %swap3A_545 = vector.shape_cast %add3A_540 : vector<16xf32> to vector<1x16xf32>
        tpu.vector_store %arg5[%swap3A_541, %swap3A_542], %swap3A_545 {strides = array<i32>} : memref<32x1024xf32, #tpu.memory_space<vmem>>, vector<1x16xf32>,
        %get3A_546 = arith.index_cast %scan3A_43 : i32 to index
        %get3A_547 = arith.constant 576 : index
        %get3A_548 = tpu.vector_load %arg5[%get3A_546, %get3A_547] {strides = array<i32>} : memref<32x1024xf32, #tpu.memory_space<vmem>>, vector<1x16xf32>,
        %get3A_549 = vector.shape_cast %get3A_548 : vector<1x16xf32> to vector<16xf32>
        %get3A_550 = arith.index_cast %scan3A_43 : i32 to index
        %get3A_551 = arith.constant 576 : index
        %get3A_552 = tpu.vector_load %arg6[%get3A_550, %get3A_551] {strides = array<i32>} : memref<32x1024xf32, #tpu.memory_space<vmem>>, vector<1x16xf32>,
        %get3A_553 = vector.shape_cast %get3A_552 : vector<1x16xf32> to vector<16xf32>
        %add3A_554 = arith.addf %get3A_549, %get3A_553 : vector<16xf32>
        %swap3A_555 = arith.index_cast %scan3A_43 : i32 to index
        %swap3A_556 = arith.constant 576 : index
        %swap3A_557 = tpu.vector_load %arg5[%swap3A_555, %swap3A_556] {strides = array<i32>} : memref<32x1024xf32, #tpu.memory_space<vmem>>, vector<1x16xf32>,
        %swap3A_558 = vector.shape_cast %swap3A_557 : vector<1x16xf32> to vector<16xf32>
        %swap3A_559 = vector.shape_cast %add3A_554 : vector<16xf32> to vector<1x16xf32>
        tpu.vector_store %arg5[%swap3A_555, %swap3A_556], %swap3A_559 {strides = array<i32>} : memref<32x1024xf32, #tpu.memory_space<vmem>>, vector<1x16xf32>,
        %get3A_560 = arith.index_cast %scan3A_43 : i32 to index
        %get3A_561 = arith.constant 592 : index
        %get3A_562 = tpu.vector_load %arg5[%get3A_560, %get3A_561] {strides = array<i32>} : memref<32x1024xf32, #tpu.memory_space<vmem>>, vector<1x16xf32>,
        %get3A_563 = vector.shape_cast %get3A_562 : vector<1x16xf32> to vector<16xf32>
        %get3A_564 = arith.index_cast %scan3A_43 : i32 to index
        %get3A_565 = arith.constant 592 : index
        %get3A_566 = tpu.vector_load %arg6[%get3A_564, %get3A_565] {strides = array<i32>} : memref<32x1024xf32, #tpu.memory_space<vmem>>, vector<1x16xf32>,
        %get3A_567 = vector.shape_cast %get3A_566 : vector<1x16xf32> to vector<16xf32>
        %add3A_568 = arith.addf %get3A_563, %get3A_567 : vector<16xf32>
        %swap3A_569 = arith.index_cast %scan3A_43 : i32 to index
        %swap3A_570 = arith.constant 592 : index
        %swap3A_571 = tpu.vector_load %arg5[%swap3A_569, %swap3A_570] {strides = array<i32>} : memref<32x1024xf32, #tpu.memory_space<vmem>>, vector<1x16xf32>,
        %swap3A_572 = vector.shape_cast %swap3A_571 : vector<1x16xf32> to vector<16xf32>
        %swap3A_573 = vector.shape_cast %add3A_568 : vector<16xf32> to vector<1x16xf32>
        tpu.vector_store %arg5[%swap3A_569, %swap3A_570], %swap3A_573 {strides = array<i32>} : memref<32x1024xf32, #tpu.memory_space<vmem>>, vector<1x16xf32>,
        %get3A_574 = arith.index_cast %scan3A_43 : i32 to index
        %get3A_575 = arith.constant 608 : index
        %get3A_576 = tpu.vector_load %arg5[%get3A_574, %get3A_575] {strides = array<i32>} : memref<32x1024xf32, #tpu.memory_space<vmem>>, vector<1x16xf32>,
        %get3A_577 = vector.shape_cast %get3A_576 : vector<1x16xf32> to vector<16xf32>
        %get3A_578 = arith.index_cast %scan3A_43 : i32 to index
        %get3A_579 = arith.constant 608 : index
        %get3A_580 = tpu.vector_load %arg6[%get3A_578, %get3A_579] {strides = array<i32>} : memref<32x1024xf32, #tpu.memory_space<vmem>>, vector<1x16xf32>,
        %get3A_581 = vector.shape_cast %get3A_580 : vector<1x16xf32> to vector<16xf32>
        %add3A_582 = arith.addf %get3A_577, %get3A_581 : vector<16xf32>
        %swap3A_583 = arith.index_cast %scan3A_43 : i32 to index
        %swap3A_584 = arith.constant 608 : index
        %swap3A_585 = tpu.vector_load %arg5[%swap3A_583, %swap3A_584] {strides = array<i32>} : memref<32x1024xf32, #tpu.memory_space<vmem>>, vector<1x16xf32>,
        %swap3A_586 = vector.shape_cast %swap3A_585 : vector<1x16xf32> to vector<16xf32>
        %swap3A_587 = vector.shape_cast %add3A_582 : vector<16xf32> to vector<1x16xf32>
        tpu.vector_store %arg5[%swap3A_583, %swap3A_584], %swap3A_587 {strides = array<i32>} : memref<32x1024xf32, #tpu.memory_space<vmem>>, vector<1x16xf32>,
        %get3A_588 = arith.index_cast %scan3A_43 : i32 to index
        %get3A_589 = arith.constant 624 : index
        %get3A_590 = tpu.vector_load %arg5[%get3A_588, %get3A_589] {strides = array<i32>} : memref<32x1024xf32, #tpu.memory_space<vmem>>, vector<1x16xf32>,
        %get3A_591 = vector.shape_cast %get3A_590 : vector<1x16xf32> to vector<16xf32>
        %get3A_592 = arith.index_cast %scan3A_43 : i32 to index
        %get3A_593 = arith.constant 624 : index
        %get3A_594 = tpu.vector_load %arg6[%get3A_592, %get3A_593] {strides = array<i32>} : memref<32x1024xf32, #tpu.memory_space<vmem>>, vector<1x16xf32>,
        %get3A_595 = vector.shape_cast %get3A_594 : vector<1x16xf32> to vector<16xf32>
        %add3A_596 = arith.addf %get3A_591, %get3A_595 : vector<16xf32>
        %swap3A_597 = arith.index_cast %scan3A_43 : i32 to index
        %swap3A_598 = arith.constant 624 : index
        %swap3A_599 = tpu.vector_load %arg5[%swap3A_597, %swap3A_598] {strides = array<i32>} : memref<32x1024xf32, #tpu.memory_space<vmem>>, vector<1x16xf32>,
        %swap3A_600 = vector.shape_cast %swap3A_599 : vector<1x16xf32> to vector<16xf32>
        %swap3A_601 = vector.shape_cast %add3A_596 : vector<16xf32> to vector<1x16xf32>
        tpu.vector_store %arg5[%swap3A_597, %swap3A_598], %swap3A_601 {strides = array<i32>} : memref<32x1024xf32, #tpu.memory_space<vmem>>, vector<1x16xf32>,
        %get3A_602 = arith.index_cast %scan3A_43 : i32 to index
        %get3A_603 = arith.constant 640 : index
        %get3A_604 = tpu.vector_load %arg5[%get3A_602, %get3A_603] {strides = array<i32>} : memref<32x1024xf32, #tpu.memory_space<vmem>>, vector<1x16xf32>,
        %get3A_605 = vector.shape_cast %get3A_604 : vector<1x16xf32> to vector<16xf32>
        %get3A_606 = arith.index_cast %scan3A_43 : i32 to index
        %get3A_607 = arith.constant 640 : index
        %get3A_608 = tpu.vector_load %arg6[%get3A_606, %get3A_607] {strides = array<i32>} : memref<32x1024xf32, #tpu.memory_space<vmem>>, vector<1x16xf32>,
        %get3A_609 = vector.shape_cast %get3A_608 : vector<1x16xf32> to vector<16xf32>
        %add3A_610 = arith.addf %get3A_605, %get3A_609 : vector<16xf32>
        %swap3A_611 = arith.index_cast %scan3A_43 : i32 to index
        %swap3A_612 = arith.constant 640 : index
        %swap3A_613 = tpu.vector_load %arg5[%swap3A_611, %swap3A_612] {strides = array<i32>} : memref<32x1024xf32, #tpu.memory_space<vmem>>, vector<1x16xf32>,
        %swap3A_614 = vector.shape_cast %swap3A_613 : vector<1x16xf32> to vector<16xf32>
        %swap3A_615 = vector.shape_cast %add3A_610 : vector<16xf32> to vector<1x16xf32>
        tpu.vector_store %arg5[%swap3A_611, %swap3A_612], %swap3A_615 {strides = array<i32>} : memref<32x1024xf32, #tpu.memory_space<vmem>>, vector<1x16xf32>,
        %get3A_616 = arith.index_cast %scan3A_43 : i32 to index
        %get3A_617 = arith.constant 656 : index
        %get3A_618 = tpu.vector_load %arg5[%get3A_616, %get3A_617] {strides = array<i32>} : memref<32x1024xf32, #tpu.memory_space<vmem>>, vector<1x16xf32>,
        %get3A_619 = vector.shape_cast %get3A_618 : vector<1x16xf32> to vector<16xf32>
        %get3A_620 = arith.index_cast %scan3A_43 : i32 to index
        %get3A_621 = arith.constant 656 : index
        %get3A_622 = tpu.vector_load %arg6[%get3A_620, %get3A_621] {strides = array<i32>} : memref<32x1024xf32, #tpu.memory_space<vmem>>, vector<1x16xf32>,
        %get3A_623 = vector.shape_cast %get3A_622 : vector<1x16xf32> to vector<16xf32>
        %add3A_624 = arith.addf %get3A_619, %get3A_623 : vector<16xf32>
        %swap3A_625 = arith.index_cast %scan3A_43 : i32 to index
        %swap3A_626 = arith.constant 656 : index
        %swap3A_627 = tpu.vector_load %arg5[%swap3A_625, %swap3A_626] {strides = array<i32>} : memref<32x1024xf32, #tpu.memory_space<vmem>>, vector<1x16xf32>,
        %swap3A_628 = vector.shape_cast %swap3A_627 : vector<1x16xf32> to vector<16xf32>
        %swap3A_629 = vector.shape_cast %add3A_624 : vector<16xf32> to vector<1x16xf32>
        tpu.vector_store %arg5[%swap3A_625, %swap3A_626], %swap3A_629 {strides = array<i32>} : memref<32x1024xf32, #tpu.memory_space<vmem>>, vector<1x16xf32>,
        %get3A_630 = arith.index_cast %scan3A_43 : i32 to index
        %get3A_631 = arith.constant 672 : index
        %get3A_632 = tpu.vector_load %arg5[%get3A_630, %get3A_631] {strides = array<i32>} : memref<32x1024xf32, #tpu.memory_space<vmem>>, vector<1x16xf32>,
        %get3A_633 = vector.shape_cast %get3A_632 : vector<1x16xf32> to vector<16xf32>
        %get3A_634 = arith.index_cast %scan3A_43 : i32 to index
        %get3A_635 = arith.constant 672 : index
        %get3A_636 = tpu.vector_load %arg6[%get3A_634, %get3A_635] {strides = array<i32>} : memref<32x1024xf32, #tpu.memory_space<vmem>>, vector<1x16xf32>,
        %get3A_637 = vector.shape_cast %get3A_636 : vector<1x16xf32> to vector<16xf32>
        %add3A_638 = arith.addf %get3A_633, %get3A_637 : vector<16xf32>
        %swap3A_639 = arith.index_cast %scan3A_43 : i32 to index
        %swap3A_640 = arith.constant 672 : index
        %swap3A_641 = tpu.vector_load %arg5[%swap3A_639, %swap3A_640] {strides = array<i32>} : memref<32x1024xf32, #tpu.memory_space<vmem>>, vector<1x16xf32>,
        %swap3A_642 = vector.shape_cast %swap3A_641 : vector<1x16xf32> to vector<16xf32>
        %swap3A_643 = vector.shape_cast %add3A_638 : vector<16xf32> to vector<1x16xf32>
        tpu.vector_store %arg5[%swap3A_639, %swap3A_640], %swap3A_643 {strides = array<i32>} : memref<32x1024xf32, #tpu.memory_space<vmem>>, vector<1x16xf32>,
        %get3A_644 = arith.index_cast %scan3A_43 : i32 to index
        %get3A_645 = arith.constant 688 : index
        %get3A_646 = tpu.vector_load %arg5[%get3A_644, %get3A_645] {strides = array<i32>} : memref<32x1024xf32, #tpu.memory_space<vmem>>, vector<1x16xf32>,
        %get3A_647 = vector.shape_cast %get3A_646 : vector<1x16xf32> to vector<16xf32>
        %get3A_648 = arith.index_cast %scan3A_43 : i32 to index
        %get3A_649 = arith.constant 688 : index
        %get3A_650 = tpu.vector_load %arg6[%get3A_648, %get3A_649] {strides = array<i32>} : memref<32x1024xf32, #tpu.memory_space<vmem>>, vector<1x16xf32>,
        %get3A_651 = vector.shape_cast %get3A_650 : vector<1x16xf32> to vector<16xf32>
        %add3A_652 = arith.addf %get3A_647, %get3A_651 : vector<16xf32>
        %swap3A_653 = arith.index_cast %scan3A_43 : i32 to index
        %swap3A_654 = arith.constant 688 : index
        %swap3A_655 = tpu.vector_load %arg5[%swap3A_653, %swap3A_654] {strides = array<i32>} : memref<32x1024xf32, #tpu.memory_space<vmem>>, vector<1x16xf32>,
        %swap3A_656 = vector.shape_cast %swap3A_655 : vector<1x16xf32> to vector<16xf32>
        %swap3A_657 = vector.shape_cast %add3A_652 : vector<16xf32> to vector<1x16xf32>
        tpu.vector_store %arg5[%swap3A_653, %swap3A_654], %swap3A_657 {strides = array<i32>} : memref<32x1024xf32, #tpu.memory_space<vmem>>, vector<1x16xf32>,
        %get3A_658 = arith.index_cast %scan3A_43 : i32 to index
        %get3A_659 = arith.constant 704 : index
        %get3A_660 = tpu.vector_load %arg5[%get3A_658, %get3A_659] {strides = array<i32>} : memref<32x1024xf32, #tpu.memory_space<vmem>>, vector<1x16xf32>,
        %get3A_661 = vector.shape_cast %get3A_660 : vector<1x16xf32> to vector<16xf32>
        %get3A_662 = arith.index_cast %scan3A_43 : i32 to index
        %get3A_663 = arith.constant 704 : index
        %get3A_664 = tpu.vector_load %arg6[%get3A_662, %get3A_663] {strides = array<i32>} : memref<32x1024xf32, #tpu.memory_space<vmem>>, vector<1x16xf32>,
        %get3A_665 = vector.shape_cast %get3A_664 : vector<1x16xf32> to vector<16xf32>
        %add3A_666 = arith.addf %get3A_661, %get3A_665 : vector<16xf32>
        %swap3A_667 = arith.index_cast %scan3A_43 : i32 to index
        %swap3A_668 = arith.constant 704 : index
        %swap3A_669 = tpu.vector_load %arg5[%swap3A_667, %swap3A_668] {strides = array<i32>} : memref<32x1024xf32, #tpu.memory_space<vmem>>, vector<1x16xf32>,
        %swap3A_670 = vector.shape_cast %swap3A_669 : vector<1x16xf32> to vector<16xf32>
        %swap3A_671 = vector.shape_cast %add3A_666 : vector<16xf32> to vector<1x16xf32>
        tpu.vector_store %arg5[%swap3A_667, %swap3A_668], %swap3A_671 {strides = array<i32>} : memref<32x1024xf32, #tpu.memory_space<vmem>>, vector<1x16xf32>,
        %get3A_672 = arith.index_cast %scan3A_43 : i32 to index
        %get3A_673 = arith.constant 720 : index
        %get3A_674 = tpu.vector_load %arg5[%get3A_672, %get3A_673] {strides = array<i32>} : memref<32x1024xf32, #tpu.memory_space<vmem>>, vector<1x16xf32>,
        %get3A_675 = vector.shape_cast %get3A_674 : vector<1x16xf32> to vector<16xf32>
        %get3A_676 = arith.index_cast %scan3A_43 : i32 to index
        %get3A_677 = arith.constant 720 : index
        %get3A_678 = tpu.vector_load %arg6[%get3A_676, %get3A_677] {strides = array<i32>} : memref<32x1024xf32, #tpu.memory_space<vmem>>, vector<1x16xf32>,
        %get3A_679 = vector.shape_cast %get3A_678 : vector<1x16xf32> to vector<16xf32>
        %add3A_680 = arith.addf %get3A_675, %get3A_679 : vector<16xf32>
        %swap3A_681 = arith.index_cast %scan3A_43 : i32 to index
        %swap3A_682 = arith.constant 720 : index
        %swap3A_683 = tpu.vector_load %arg5[%swap3A_681, %swap3A_682] {strides = array<i32>} : memref<32x1024xf32, #tpu.memory_space<vmem>>, vector<1x16xf32>,
        %swap3A_684 = vector.shape_cast %swap3A_683 : vector<1x16xf32> to vector<16xf32>
        %swap3A_685 = vector.shape_cast %add3A_680 : vector<16xf32> to vector<1x16xf32>
        tpu.vector_store %arg5[%swap3A_681, %swap3A_682], %swap3A_685 {strides = array<i32>} : memref<32x1024xf32, #tpu.memory_space<vmem>>, vector<1x16xf32>,
        %get3A_686 = arith.index_cast %scan3A_43 : i32 to index
        %get3A_687 = arith.constant 736 : index
        %get3A_688 = tpu.vector_load %arg5[%get3A_686, %get3A_687] {strides = array<i32>} : memref<32x1024xf32, #tpu.memory_space<vmem>>, vector<1x16xf32>,
        %get3A_689 = vector.shape_cast %get3A_688 : vector<1x16xf32> to vector<16xf32>
        %get3A_690 = arith.index_cast %scan3A_43 : i32 to index
        %get3A_691 = arith.constant 736 : index
        %get3A_692 = tpu.vector_load %arg6[%get3A_690, %get3A_691] {strides = array<i32>} : memref<32x1024xf32, #tpu.memory_space<vmem>>, vector<1x16xf32>,
        %get3A_693 = vector.shape_cast %get3A_692 : vector<1x16xf32> to vector<16xf32>
        %add3A_694 = arith.addf %get3A_689, %get3A_693 : vector<16xf32>
        %swap3A_695 = arith.index_cast %scan3A_43 : i32 to index
        %swap3A_696 = arith.constant 736 : index
        %swap3A_697 = tpu.vector_load %arg5[%swap3A_695, %swap3A_696] {strides = array<i32>} : memref<32x1024xf32, #tpu.memory_space<vmem>>, vector<1x16xf32>,
        %swap3A_698 = vector.shape_cast %swap3A_697 : vector<1x16xf32> to vector<16xf32>
        %swap3A_699 = vector.shape_cast %add3A_694 : vector<16xf32> to vector<1x16xf32>
        tpu.vector_store %arg5[%swap3A_695, %swap3A_696], %swap3A_699 {strides = array<i32>} : memref<32x1024xf32, #tpu.memory_space<vmem>>, vector<1x16xf32>,
        %get3A_700 = arith.index_cast %scan3A_43 : i32 to index
        %get3A_701 = arith.constant 752 : index
        %get3A_702 = tpu.vector_load %arg5[%get3A_700, %get3A_701] {strides = array<i32>} : memref<32x1024xf32, #tpu.memory_space<vmem>>, vector<1x16xf32>,
        %get3A_703 = vector.shape_cast %get3A_702 : vector<1x16xf32> to vector<16xf32>
        %get3A_704 = arith.index_cast %scan3A_43 : i32 to index
        %get3A_705 = arith.constant 752 : index
        %get3A_706 = tpu.vector_load %arg6[%get3A_704, %get3A_705] {strides = array<i32>} : memref<32x1024xf32, #tpu.memory_space<vmem>>, vector<1x16xf32>,
        %get3A_707 = vector.shape_cast %get3A_706 : vector<1x16xf32> to vector<16xf32>
        %add3A_708 = arith.addf %get3A_703, %get3A_707 : vector<16xf32>
        %swap3A_709 = arith.index_cast %scan3A_43 : i32 to index
        %swap3A_710 = arith.constant 752 : index
        %swap3A_711 = tpu.vector_load %arg5[%swap3A_709, %swap3A_710] {strides = array<i32>} : memref<32x1024xf32, #tpu.memory_space<vmem>>, vector<1x16xf32>,
        %swap3A_712 = vector.shape_cast %swap3A_711 : vector<1x16xf32> to vector<16xf32>
        %swap3A_713 = vector.shape_cast %add3A_708 : vector<16xf32> to vector<1x16xf32>
        tpu.vector_store %arg5[%swap3A_709, %swap3A_710], %swap3A_713 {strides = array<i32>} : memref<32x1024xf32, #tpu.memory_space<vmem>>, vector<1x16xf32>,
        %get3A_714 = arith.index_cast %scan3A_43 : i32 to index
        %get3A_715 = arith.constant 768 : index
        %get3A_716 = tpu.vector_load %arg5[%get3A_714, %get3A_715] {strides = array<i32>} : memref<32x1024xf32, #tpu.memory_space<vmem>>, vector<1x16xf32>,
        %get3A_717 = vector.shape_cast %get3A_716 : vector<1x16xf32> to vector<16xf32>
        %get3A_718 = arith.index_cast %scan3A_43 : i32 to index
        %get3A_719 = arith.constant 768 : index
        %get3A_720 = tpu.vector_load %arg6[%get3A_718, %get3A_719] {strides = array<i32>} : memref<32x1024xf32, #tpu.memory_space<vmem>>, vector<1x16xf32>,
        %get3A_721 = vector.shape_cast %get3A_720 : vector<1x16xf32> to vector<16xf32>
        %add3A_722 = arith.addf %get3A_717, %get3A_721 : vector<16xf32>
        %swap3A_723 = arith.index_cast %scan3A_43 : i32 to index
        %swap3A_724 = arith.constant 768 : index
        %swap3A_725 = tpu.vector_load %arg5[%swap3A_723, %swap3A_724] {strides = array<i32>} : memref<32x1024xf32, #tpu.memory_space<vmem>>, vector<1x16xf32>,
        %swap3A_726 = vector.shape_cast %swap3A_725 : vector<1x16xf32> to vector<16xf32>
        %swap3A_727 = vector.shape_cast %add3A_722 : vector<16xf32> to vector<1x16xf32>
        tpu.vector_store %arg5[%swap3A_723, %swap3A_724], %swap3A_727 {strides = array<i32>} : memref<32x1024xf32, #tpu.memory_space<vmem>>, vector<1x16xf32>,
        %get3A_728 = arith.index_cast %scan3A_43 : i32 to index
        %get3A_729 = arith.constant 784 : index
        %get3A_730 = tpu.vector_load %arg5[%get3A_728, %get3A_729] {strides = array<i32>} : memref<32x1024xf32, #tpu.memory_space<vmem>>, vector<1x16xf32>,
        %get3A_731 = vector.shape_cast %get3A_730 : vector<1x16xf32> to vector<16xf32>
        %get3A_732 = arith.index_cast %scan3A_43 : i32 to index
        %get3A_733 = arith.constant 784 : index
        %get3A_734 = tpu.vector_load %arg6[%get3A_732, %get3A_733] {strides = array<i32>} : memref<32x1024xf32, #tpu.memory_space<vmem>>, vector<1x16xf32>,
        %get3A_735 = vector.shape_cast %get3A_734 : vector<1x16xf32> to vector<16xf32>
        %add3A_736 = arith.addf %get3A_731, %get3A_735 : vector<16xf32>
        %swap3A_737 = arith.index_cast %scan3A_43 : i32 to index
        %swap3A_738 = arith.constant 784 : index
        %swap3A_739 = tpu.vector_load %arg5[%swap3A_737, %swap3A_738] {strides = array<i32>} : memref<32x1024xf32, #tpu.memory_space<vmem>>, vector<1x16xf32>,
        %swap3A_740 = vector.shape_cast %swap3A_739 : vector<1x16xf32> to vector<16xf32>
        %swap3A_741 = vector.shape_cast %add3A_736 : vector<16xf32> to vector<1x16xf32>
        tpu.vector_store %arg5[%swap3A_737, %swap3A_738], %swap3A_741 {strides = array<i32>} : memref<32x1024xf32, #tpu.memory_space<vmem>>, vector<1x16xf32>,
        %get3A_742 = arith.index_cast %scan3A_43 : i32 to index
        %get3A_743 = arith.constant 800 : index
        %get3A_744 = tpu.vector_load %arg5[%get3A_742, %get3A_743] {strides = array<i32>} : memref<32x1024xf32, #tpu.memory_space<vmem>>, vector<1x16xf32>,
        %get3A_745 = vector.shape_cast %get3A_744 : vector<1x16xf32> to vector<16xf32>
        %get3A_746 = arith.index_cast %scan3A_43 : i32 to index
        %get3A_747 = arith.constant 800 : index
        %get3A_748 = tpu.vector_load %arg6[%get3A_746, %get3A_747] {strides = array<i32>} : memref<32x1024xf32, #tpu.memory_space<vmem>>, vector<1x16xf32>,
        %get3A_749 = vector.shape_cast %get3A_748 : vector<1x16xf32> to vector<16xf32>
        %add3A_750 = arith.addf %get3A_745, %get3A_749 : vector<16xf32>
        %swap3A_751 = arith.index_cast %scan3A_43 : i32 to index
        %swap3A_752 = arith.constant 800 : index
        %swap3A_753 = tpu.vector_load %arg5[%swap3A_751, %swap3A_752] {strides = array<i32>} : memref<32x1024xf32, #tpu.memory_space<vmem>>, vector<1x16xf32>,
        %swap3A_754 = vector.shape_cast %swap3A_753 : vector<1x16xf32> to vector<16xf32>
        %swap3A_755 = vector.shape_cast %add3A_750 : vector<16xf32> to vector<1x16xf32>
        tpu.vector_store %arg5[%swap3A_751, %swap3A_752], %swap3A_755 {strides = array<i32>} : memref<32x1024xf32, #tpu.memory_space<vmem>>, vector<1x16xf32>,
        %get3A_756 = arith.index_cast %scan3A_43 : i32 to index
        %get3A_757 = arith.constant 816 : index
        %get3A_758 = tpu.vector_load %arg5[%get3A_756, %get3A_757] {strides = array<i32>} : memref<32x1024xf32, #tpu.memory_space<vmem>>, vector<1x16xf32>,
        %get3A_759 = vector.shape_cast %get3A_758 : vector<1x16xf32> to vector<16xf32>
        %get3A_760 = arith.index_cast %scan3A_43 : i32 to index
        %get3A_761 = arith.constant 816 : index
        %get3A_762 = tpu.vector_load %arg6[%get3A_760, %get3A_761] {strides = array<i32>} : memref<32x1024xf32, #tpu.memory_space<vmem>>, vector<1x16xf32>,
        %get3A_763 = vector.shape_cast %get3A_762 : vector<1x16xf32> to vector<16xf32>
        %add3A_764 = arith.addf %get3A_759, %get3A_763 : vector<16xf32>
        %swap3A_765 = arith.index_cast %scan3A_43 : i32 to index
        %swap3A_766 = arith.constant 816 : index
        %swap3A_767 = tpu.vector_load %arg5[%swap3A_765, %swap3A_766] {strides = array<i32>} : memref<32x1024xf32, #tpu.memory_space<vmem>>, vector<1x16xf32>,
        %swap3A_768 = vector.shape_cast %swap3A_767 : vector<1x16xf32> to vector<16xf32>
        %swap3A_769 = vector.shape_cast %add3A_764 : vector<16xf32> to vector<1x16xf32>
        tpu.vector_store %arg5[%swap3A_765, %swap3A_766], %swap3A_769 {strides = array<i32>} : memref<32x1024xf32, #tpu.memory_space<vmem>>, vector<1x16xf32>,
        %get3A_770 = arith.index_cast %scan3A_43 : i32 to index
        %get3A_771 = arith.constant 832 : index
        %get3A_772 = tpu.vector_load %arg5[%get3A_770, %get3A_771] {strides = array<i32>} : memref<32x1024xf32, #tpu.memory_space<vmem>>, vector<1x16xf32>,
        %get3A_773 = vector.shape_cast %get3A_772 : vector<1x16xf32> to vector<16xf32>
        %get3A_774 = arith.index_cast %scan3A_43 : i32 to index
        %get3A_775 = arith.constant 832 : index
        %get3A_776 = tpu.vector_load %arg6[%get3A_774, %get3A_775] {strides = array<i32>} : memref<32x1024xf32, #tpu.memory_space<vmem>>, vector<1x16xf32>,
        %get3A_777 = vector.shape_cast %get3A_776 : vector<1x16xf32> to vector<16xf32>
        %add3A_778 = arith.addf %get3A_773, %get3A_777 : vector<16xf32>
        %swap3A_779 = arith.index_cast %scan3A_43 : i32 to index
        %swap3A_780 = arith.constant 832 : index
        %swap3A_781 = tpu.vector_load %arg5[%swap3A_779, %swap3A_780] {strides = array<i32>} : memref<32x1024xf32, #tpu.memory_space<vmem>>, vector<1x16xf32>,
        %swap3A_782 = vector.shape_cast %swap3A_781 : vector<1x16xf32> to vector<16xf32>
        %swap3A_783 = vector.shape_cast %add3A_778 : vector<16xf32> to vector<1x16xf32>
        tpu.vector_store %arg5[%swap3A_779, %swap3A_780], %swap3A_783 {strides = array<i32>} : memref<32x1024xf32, #tpu.memory_space<vmem>>, vector<1x16xf32>,
        %get3A_784 = arith.index_cast %scan3A_43 : i32 to index
        %get3A_785 = arith.constant 848 : index
        %get3A_786 = tpu.vector_load %arg5[%get3A_784, %get3A_785] {strides = array<i32>} : memref<32x1024xf32, #tpu.memory_space<vmem>>, vector<1x16xf32>,
        %get3A_787 = vector.shape_cast %get3A_786 : vector<1x16xf32> to vector<16xf32>
        %get3A_788 = arith.index_cast %scan3A_43 : i32 to index
        %get3A_789 = arith.constant 848 : index
        %get3A_790 = tpu.vector_load %arg6[%get3A_788, %get3A_789] {strides = array<i32>} : memref<32x1024xf32, #tpu.memory_space<vmem>>, vector<1x16xf32>,
        %get3A_791 = vector.shape_cast %get3A_790 : vector<1x16xf32> to vector<16xf32>
        %add3A_792 = arith.addf %get3A_787, %get3A_791 : vector<16xf32>
        %swap3A_793 = arith.index_cast %scan3A_43 : i32 to index
        %swap3A_794 = arith.constant 848 : index
        %swap3A_795 = tpu.vector_load %arg5[%swap3A_793, %swap3A_794] {strides = array<i32>} : memref<32x1024xf32, #tpu.memory_space<vmem>>, vector<1x16xf32>,
        %swap3A_796 = vector.shape_cast %swap3A_795 : vector<1x16xf32> to vector<16xf32>
        %swap3A_797 = vector.shape_cast %add3A_792 : vector<16xf32> to vector<1x16xf32>
        tpu.vector_store %arg5[%swap3A_793, %swap3A_794], %swap3A_797 {strides = array<i32>} : memref<32x1024xf32, #tpu.memory_space<vmem>>, vector<1x16xf32>,
        %get3A_798 = arith.index_cast %scan3A_43 : i32 to index
        %get3A_799 = arith.constant 864 : index
        %get3A_800 = tpu.vector_load %arg5[%get3A_798, %get3A_799] {strides = array<i32>} : memref<32x1024xf32, #tpu.memory_space<vmem>>, vector<1x16xf32>,
        %get3A_801 = vector.shape_cast %get3A_800 : vector<1x16xf32> to vector<16xf32>
        %get3A_802 = arith.index_cast %scan3A_43 : i32 to index
        %get3A_803 = arith.constant 864 : index
        %get3A_804 = tpu.vector_load %arg6[%get3A_802, %get3A_803] {strides = array<i32>} : memref<32x1024xf32, #tpu.memory_space<vmem>>, vector<1x16xf32>,
        %get3A_805 = vector.shape_cast %get3A_804 : vector<1x16xf32> to vector<16xf32>
        %add3A_806 = arith.addf %get3A_801, %get3A_805 : vector<16xf32>
        %swap3A_807 = arith.index_cast %scan3A_43 : i32 to index
        %swap3A_808 = arith.constant 864 : index
        %swap3A_809 = tpu.vector_load %arg5[%swap3A_807, %swap3A_808] {strides = array<i32>} : memref<32x1024xf32, #tpu.memory_space<vmem>>, vector<1x16xf32>,
        %swap3A_810 = vector.shape_cast %swap3A_809 : vector<1x16xf32> to vector<16xf32>
        %swap3A_811 = vector.shape_cast %add3A_806 : vector<16xf32> to vector<1x16xf32>
        tpu.vector_store %arg5[%swap3A_807, %swap3A_808], %swap3A_811 {strides = array<i32>} : memref<32x1024xf32, #tpu.memory_space<vmem>>, vector<1x16xf32>,
        %get3A_812 = arith.index_cast %scan3A_43 : i32 to index
        %get3A_813 = arith.constant 880 : index
        %get3A_814 = tpu.vector_load %arg5[%get3A_812, %get3A_813] {strides = array<i32>} : memref<32x1024xf32, #tpu.memory_space<vmem>>, vector<1x16xf32>,
        %get3A_815 = vector.shape_cast %get3A_814 : vector<1x16xf32> to vector<16xf32>
        %get3A_816 = arith.index_cast %scan3A_43 : i32 to index
        %get3A_817 = arith.constant 880 : index
        %get3A_818 = tpu.vector_load %arg6[%get3A_816, %get3A_817] {strides = array<i32>} : memref<32x1024xf32, #tpu.memory_space<vmem>>, vector<1x16xf32>,
        %get3A_819 = vector.shape_cast %get3A_818 : vector<1x16xf32> to vector<16xf32>
        %add3A_820 = arith.addf %get3A_815, %get3A_819 : vector<16xf32>
        %swap3A_821 = arith.index_cast %scan3A_43 : i32 to index
        %swap3A_822 = arith.constant 880 : index
        %swap3A_823 = tpu.vector_load %arg5[%swap3A_821, %swap3A_822] {strides = array<i32>} : memref<32x1024xf32, #tpu.memory_space<vmem>>, vector<1x16xf32>,
        %swap3A_824 = vector.shape_cast %swap3A_823 : vector<1x16xf32> to vector<16xf32>
        %swap3A_825 = vector.shape_cast %add3A_820 : vector<16xf32> to vector<1x16xf32>
        tpu.vector_store %arg5[%swap3A_821, %swap3A_822], %swap3A_825 {strides = array<i32>} : memref<32x1024xf32, #tpu.memory_space<vmem>>, vector<1x16xf32>,
        %get3A_826 = arith.index_cast %scan3A_43 : i32 to index
        %get3A_827 = arith.constant 896 : index
        %get3A_828 = tpu.vector_load %arg5[%get3A_826, %get3A_827] {strides = array<i32>} : memref<32x1024xf32, #tpu.memory_space<vmem>>, vector<1x16xf32>,
        %get3A_829 = vector.shape_cast %get3A_828 : vector<1x16xf32> to vector<16xf32>
        %get3A_830 = arith.index_cast %scan3A_43 : i32 to index
        %get3A_831 = arith.constant 896 : index
        %get3A_832 = tpu.vector_load %arg6[%get3A_830, %get3A_831] {strides = array<i32>} : memref<32x1024xf32, #tpu.memory_space<vmem>>, vector<1x16xf32>,
        %get3A_833 = vector.shape_cast %get3A_832 : vector<1x16xf32> to vector<16xf32>
        %add3A_834 = arith.addf %get3A_829, %get3A_833 : vector<16xf32>
        %swap3A_835 = arith.index_cast %scan3A_43 : i32 to index
        %swap3A_836 = arith.constant 896 : index
        %swap3A_837 = tpu.vector_load %arg5[%swap3A_835, %swap3A_836] {strides = array<i32>} : memref<32x1024xf32, #tpu.memory_space<vmem>>, vector<1x16xf32>,
        %swap3A_838 = vector.shape_cast %swap3A_837 : vector<1x16xf32> to vector<16xf32>
        %swap3A_839 = vector.shape_cast %add3A_834 : vector<16xf32> to vector<1x16xf32>
        tpu.vector_store %arg5[%swap3A_835, %swap3A_836], %swap3A_839 {strides = array<i32>} : memref<32x1024xf32, #tpu.memory_space<vmem>>, vector<1x16xf32>,
        %get3A_840 = arith.index_cast %scan3A_43 : i32 to index
        %get3A_841 = arith.constant 912 : index
        %get3A_842 = tpu.vector_load %arg5[%get3A_840, %get3A_841] {strides = array<i32>} : memref<32x1024xf32, #tpu.memory_space<vmem>>, vector<1x16xf32>,
        %get3A_843 = vector.shape_cast %get3A_842 : vector<1x16xf32> to vector<16xf32>
        %get3A_844 = arith.index_cast %scan3A_43 : i32 to index
        %get3A_845 = arith.constant 912 : index
        %get3A_846 = tpu.vector_load %arg6[%get3A_844, %get3A_845] {strides = array<i32>} : memref<32x1024xf32, #tpu.memory_space<vmem>>, vector<1x16xf32>,
        %get3A_847 = vector.shape_cast %get3A_846 : vector<1x16xf32> to vector<16xf32>
        %add3A_848 = arith.addf %get3A_843, %get3A_847 : vector<16xf32>
        %swap3A_849 = arith.index_cast %scan3A_43 : i32 to index
        %swap3A_850 = arith.constant 912 : index
        %swap3A_851 = tpu.vector_load %arg5[%swap3A_849, %swap3A_850] {strides = array<i32>} : memref<32x1024xf32, #tpu.memory_space<vmem>>, vector<1x16xf32>,
        %swap3A_852 = vector.shape_cast %swap3A_851 : vector<1x16xf32> to vector<16xf32>
        %swap3A_853 = vector.shape_cast %add3A_848 : vector<16xf32> to vector<1x16xf32>
        tpu.vector_store %arg5[%swap3A_849, %swap3A_850], %swap3A_853 {strides = array<i32>} : memref<32x1024xf32, #tpu.memory_space<vmem>>, vector<1x16xf32>,
        %get3A_854 = arith.index_cast %scan3A_43 : i32 to index
        %get3A_855 = arith.constant 928 : index
        %get3A_856 = tpu.vector_load %arg5[%get3A_854, %get3A_855] {strides = array<i32>} : memref<32x1024xf32, #tpu.memory_space<vmem>>, vector<1x16xf32>,
        %get3A_857 = vector.shape_cast %get3A_856 : vector<1x16xf32> to vector<16xf32>
        %get3A_858 = arith.index_cast %scan3A_43 : i32 to index
        %get3A_859 = arith.constant 928 : index
        %get3A_860 = tpu.vector_load %arg6[%get3A_858, %get3A_859] {strides = array<i32>} : memref<32x1024xf32, #tpu.memory_space<vmem>>, vector<1x16xf32>,
        %get3A_861 = vector.shape_cast %get3A_860 : vector<1x16xf32> to vector<16xf32>
        %add3A_862 = arith.addf %get3A_857, %get3A_861 : vector<16xf32>
        %swap3A_863 = arith.index_cast %scan3A_43 : i32 to index
        %swap3A_864 = arith.constant 928 : index
        %swap3A_865 = tpu.vector_load %arg5[%swap3A_863, %swap3A_864] {strides = array<i32>} : memref<32x1024xf32, #tpu.memory_space<vmem>>, vector<1x16xf32>,
        %swap3A_866 = vector.shape_cast %swap3A_865 : vector<1x16xf32> to vector<16xf32>
        %swap3A_867 = vector.shape_cast %add3A_862 : vector<16xf32> to vector<1x16xf32>
        tpu.vector_store %arg5[%swap3A_863, %swap3A_864], %swap3A_867 {strides = array<i32>} : memref<32x1024xf32, #tpu.memory_space<vmem>>, vector<1x16xf32>,
        %get3A_868 = arith.index_cast %scan3A_43 : i32 to index
        %get3A_869 = arith.constant 944 : index
        %get3A_870 = tpu.vector_load %arg5[%get3A_868, %get3A_869] {strides = array<i32>} : memref<32x1024xf32, #tpu.memory_space<vmem>>, vector<1x16xf32>,
        %get3A_871 = vector.shape_cast %get3A_870 : vector<1x16xf32> to vector<16xf32>
        %get3A_872 = arith.index_cast %scan3A_43 : i32 to index
        %get3A_873 = arith.constant 944 : index
        %get3A_874 = tpu.vector_load %arg6[%get3A_872, %get3A_873] {strides = array<i32>} : memref<32x1024xf32, #tpu.memory_space<vmem>>, vector<1x16xf32>,
        %get3A_875 = vector.shape_cast %get3A_874 : vector<1x16xf32> to vector<16xf32>
        %add3A_876 = arith.addf %get3A_871, %get3A_875 : vector<16xf32>
        %swap3A_877 = arith.index_cast %scan3A_43 : i32 to index
        %swap3A_878 = arith.constant 944 : index
        %swap3A_879 = tpu.vector_load %arg5[%swap3A_877, %swap3A_878] {strides = array<i32>} : memref<32x1024xf32, #tpu.memory_space<vmem>>, vector<1x16xf32>,
        %swap3A_880 = vector.shape_cast %swap3A_879 : vector<1x16xf32> to vector<16xf32>
        %swap3A_881 = vector.shape_cast %add3A_876 : vector<16xf32> to vector<1x16xf32>
        tpu.vector_store %arg5[%swap3A_877, %swap3A_878], %swap3A_881 {strides = array<i32>} : memref<32x1024xf32, #tpu.memory_space<vmem>>, vector<1x16xf32>,
        %get3A_882 = arith.index_cast %scan3A_43 : i32 to index
        %get3A_883 = arith.constant 960 : index
        %get3A_884 = tpu.vector_load %arg5[%get3A_882, %get3A_883] {strides = array<i32>} : memref<32x1024xf32, #tpu.memory_space<vmem>>, vector<1x16xf32>,
        %get3A_885 = vector.shape_cast %get3A_884 : vector<1x16xf32> to vector<16xf32>
        %get3A_886 = arith.index_cast %scan3A_43 : i32 to index
        %get3A_887 = arith.constant 960 : index
        %get3A_888 = tpu.vector_load %arg6[%get3A_886, %get3A_887] {strides = array<i32>} : memref<32x1024xf32, #tpu.memory_space<vmem>>, vector<1x16xf32>,
        %get3A_889 = vector.shape_cast %get3A_888 : vector<1x16xf32> to vector<16xf32>
        %add3A_890 = arith.addf %get3A_885, %get3A_889 : vector<16xf32>
        %swap3A_891 = arith.index_cast %scan3A_43 : i32 to index
        %swap3A_892 = arith.constant 960 : index
        %swap3A_893 = tpu.vector_load %arg5[%swap3A_891, %swap3A_892] {strides = array<i32>} : memref<32x1024xf32, #tpu.memory_space<vmem>>, vector<1x16xf32>,
        %swap3A_894 = vector.shape_cast %swap3A_893 : vector<1x16xf32> to vector<16xf32>
        %swap3A_895 = vector.shape_cast %add3A_890 : vector<16xf32> to vector<1x16xf32>
        tpu.vector_store %arg5[%swap3A_891, %swap3A_892], %swap3A_895 {strides = array<i32>} : memref<32x1024xf32, #tpu.memory_space<vmem>>, vector<1x16xf32>,
        %get3A_896 = arith.index_cast %scan3A_43 : i32 to index
        %get3A_897 = arith.constant 976 : index
        %get3A_898 = tpu.vector_load %arg5[%get3A_896, %get3A_897] {strides = array<i32>} : memref<32x1024xf32, #tpu.memory_space<vmem>>, vector<1x16xf32>,
        %get3A_899 = vector.shape_cast %get3A_898 : vector<1x16xf32> to vector<16xf32>
        %get3A_900 = arith.index_cast %scan3A_43 : i32 to index
        %get3A_901 = arith.constant 976 : index
        %get3A_902 = tpu.vector_load %arg6[%get3A_900, %get3A_901] {strides = array<i32>} : memref<32x1024xf32, #tpu.memory_space<vmem>>, vector<1x16xf32>,
        %get3A_903 = vector.shape_cast %get3A_902 : vector<1x16xf32> to vector<16xf32>
        %add3A_904 = arith.addf %get3A_899, %get3A_903 : vector<16xf32>
        %swap3A_905 = arith.index_cast %scan3A_43 : i32 to index
        %swap3A_906 = arith.constant 976 : index
        %swap3A_907 = tpu.vector_load %arg5[%swap3A_905, %swap3A_906] {strides = array<i32>} : memref<32x1024xf32, #tpu.memory_space<vmem>>, vector<1x16xf32>,
        %swap3A_908 = vector.shape_cast %swap3A_907 : vector<1x16xf32> to vector<16xf32>
        %swap3A_909 = vector.shape_cast %add3A_904 : vector<16xf32> to vector<1x16xf32>
        tpu.vector_store %arg5[%swap3A_905, %swap3A_906], %swap3A_909 {strides = array<i32>} : memref<32x1024xf32, #tpu.memory_space<vmem>>, vector<1x16xf32>,
        %get3A_910 = arith.index_cast %scan3A_43 : i32 to index
        %get3A_911 = arith.constant 992 : index
        %get3A_912 = tpu.vector_load %arg5[%get3A_910, %get3A_911] {strides = array<i32>} : memref<32x1024xf32, #tpu.memory_space<vmem>>, vector<1x16xf32>,
        %get3A_913 = vector.shape_cast %get3A_912 : vector<1x16xf32> to vector<16xf32>
        %get3A_914 = arith.index_cast %scan3A_43 : i32 to index
        %get3A_915 = arith.constant 992 : index
        %get3A_916 = tpu.vector_load %arg6[%get3A_914, %get3A_915] {strides = array<i32>} : memref<32x1024xf32, #tpu.memory_space<vmem>>, vector<1x16xf32>,
        %get3A_917 = vector.shape_cast %get3A_916 : vector<1x16xf32> to vector<16xf32>
        %add3A_918 = arith.addf %get3A_913, %get3A_917 : vector<16xf32>
        %swap3A_919 = arith.index_cast %scan3A_43 : i32 to index
        %swap3A_920 = arith.constant 992 : index
        %swap3A_921 = tpu.vector_load %arg5[%swap3A_919, %swap3A_920] {strides = array<i32>} : memref<32x1024xf32, #tpu.memory_space<vmem>>, vector<1x16xf32>,
        %swap3A_922 = vector.shape_cast %swap3A_921 : vector<1x16xf32> to vector<16xf32>
        %swap3A_923 = vector.shape_cast %add3A_918 : vector<16xf32> to vector<1x16xf32>
        tpu.vector_store %arg5[%swap3A_919, %swap3A_920], %swap3A_923 {strides = array<i32>} : memref<32x1024xf32, #tpu.memory_space<vmem>>, vector<1x16xf32>,
        %get3A_924 = arith.index_cast %scan3A_43 : i32 to index
        %get3A_925 = arith.constant 1008 : index
        %get3A_926 = tpu.vector_load %arg5[%get3A_924, %get3A_925] {strides = array<i32>} : memref<32x1024xf32, #tpu.memory_space<vmem>>, vector<1x16xf32>,
        %get3A_927 = vector.shape_cast %get3A_926 : vector<1x16xf32> to vector<16xf32>
        %get3A_928 = arith.index_cast %scan3A_43 : i32 to index
        %get3A_929 = arith.constant 1008 : index
        %get3A_930 = tpu.vector_load %arg6[%get3A_928, %get3A_929] {strides = array<i32>} : memref<32x1024xf32, #tpu.memory_space<vmem>>, vector<1x16xf32>,
        %get3A_931 = vector.shape_cast %get3A_930 : vector<1x16xf32> to vector<16xf32>
        %add3A_932 = arith.addf %get3A_927, %get3A_931 : vector<16xf32>
        %swap3A_933 = arith.index_cast %scan3A_43 : i32 to index
        %swap3A_934 = arith.constant 1008 : index
        %swap3A_935 = tpu.vector_load %arg5[%swap3A_933, %swap3A_934] {strides = array<i32>} : memref<32x1024xf32, #tpu.memory_space<vmem>>, vector<1x16xf32>,
        %swap3A_936 = vector.shape_cast %swap3A_935 : vector<1x16xf32> to vector<16xf32>
        %swap3A_937 = vector.shape_cast %add3A_932 : vector<16xf32> to vector<1x16xf32>
        tpu.vector_store %arg5[%swap3A_933, %swap3A_934], %swap3A_937 {strides = array<i32>} : memref<32x1024xf32, #tpu.memory_space<vmem>>, vector<1x16xf32>,
      }
      %scan3A_25 = arith.constant 32 : i32
      %run_scoped3A_26 = arith.constant 1 : i32
      "tpu.region"() ({
        %run_scoped3A_43 = tpu.sem_alloc : memref<!tpu.dma_semaphore, #tpu.memory_space<semaphore_mem>>
        %dma_start3A = arith.constant 0 : i32
        %dma_start3A_44 = tpu.memref_slice %arg4[%run_scoped3A_26, %add3A_11, %dma_start3A] : memref<4x8192x1024xf32, #tpu.memory_space<hbm>> -> memref<1x32x1024xf32, #tpu.memory_space<hbm>>
        %dma_start3A_45 = tpu.memref_squeeze %dma_start3A_44 : memref<1x32x1024xf32, #tpu.memory_space<hbm>> -> memref<32x1024xf32, #tpu.memory_space<hbm>>
        %dma_start3A_46 = arith.constant 0 : i32
        %dma_start3A_47 = tpu.memref_slice %arg4[%run_scoped3A_26, %add3A_11, %dma_start3A_46] : memref<4x8192x1024xf32, #tpu.memory_space<hbm>> -> memref<1x32x1024xf32, #tpu.memory_space<hbm>>
        %dma_start3A_48 = tpu.memref_squeeze %dma_start3A_47 : memref<1x32x1024xf32, #tpu.memory_space<hbm>> -> memref<32x1024xf32, #tpu.memory_space<hbm>>
        tpu.enqueue_dma source(%arg5 : memref<32x1024xf32, #tpu.memory_space<vmem>>) target(%dma_start3A_48 : memref<32x1024xf32, #tpu.memory_space<hbm>>) target_semaphore(%run_scoped3A_43 : memref<!tpu.dma_semaphore, #tpu.memory_space<semaphore_mem>>)
        %dma_wait3A = arith.constant 0 : i32
        %dma_wait3A_49 = tpu.memref_slice %arg4[%run_scoped3A_26, %add3A_11, %dma_wait3A] : memref<4x8192x1024xf32, #tpu.memory_space<hbm>> -> memref<1x32x1024xf32, #tpu.memory_space<hbm>>
        %dma_wait3A_50 = tpu.memref_squeeze %dma_wait3A_49 : memref<1x32x1024xf32, #tpu.memory_space<hbm>> -> memref<32x1024xf32, #tpu.memory_space<hbm>>
        %dma_wait3A_51 = arith.constant 0 : i32
        %dma_wait3A_52 = tpu.memref_slice %arg4[%run_scoped3A_26, %add3A_11, %dma_wait3A_51] : memref<4x8192x1024xf32, #tpu.memory_space<hbm>> -> memref<1x32x1024xf32, #tpu.memory_space<hbm>>
        %dma_wait3A_53 = tpu.memref_squeeze %dma_wait3A_52 : memref<1x32x1024xf32, #tpu.memory_space<hbm>> -> memref<32x1024xf32, #tpu.memory_space<hbm>>
        tpu.wait_dma2 semaphore(%run_scoped3A_43 : memref<!tpu.dma_semaphore, #tpu.memory_space<semaphore_mem>>) src(%arg5 : memref<32x1024xf32, #tpu.memory_space<vmem>>) dst(%dma_wait3A_53 : memref<32x1024xf32, #tpu.memory_space<hbm>>)
        tpu.yield
      }) : () -> ()
      %run_scoped3A_27 = arith.constant 2 : i32
      "tpu.region"() ({
        %run_scoped3A_43 = tpu.sem_alloc : memref<!tpu.dma_semaphore, #tpu.memory_space<semaphore_mem>>
        %dma_start3A = arith.constant 0 : i32
        %dma_start3A_44 = tpu.memref_slice %arg2[%run_scoped3A_27, %add3A_11, %dma_start3A] : memref<4x8192x1024xf32, #tpu.memory_space<hbm>> -> memref<1x32x1024xf32, #tpu.memory_space<hbm>>
        %dma_start3A_45 = tpu.memref_squeeze %dma_start3A_44 : memref<1x32x1024xf32, #tpu.memory_space<hbm>> -> memref<32x1024xf32, #tpu.memory_space<hbm>>
        %dma_start3A_46 = arith.constant 0 : i32
        %dma_start3A_47 = tpu.memref_slice %arg2[%run_scoped3A_27, %add3A_11, %dma_start3A_46] : memref<4x8192x1024xf32, #tpu.memory_space<hbm>> -> memref<1x32x1024xf32, #tpu.memory_space<hbm>>
        %dma_start3A_48 = tpu.memref_squeeze %dma_start3A_47 : memref<1x32x1024xf32, #tpu.memory_space<hbm>> -> memref<32x1024xf32, #tpu.memory_space<hbm>>
        tpu.enqueue_dma source(%dma_start3A_48 : memref<32x1024xf32, #tpu.memory_space<hbm>>) target(%arg5 : memref<32x1024xf32, #tpu.memory_space<vmem>>) target_semaphore(%run_scoped3A_43 : memref<!tpu.dma_semaphore, #tpu.memory_space<semaphore_mem>>)
        %dma_wait3A = arith.constant 0 : i32
        %dma_wait3A_49 = tpu.memref_slice %arg2[%run_scoped3A_27, %add3A_11, %dma_wait3A] : memref<4x8192x1024xf32, #tpu.memory_space<hbm>> -> memref<1x32x1024xf32, #tpu.memory_space<hbm>>
        %dma_wait3A_50 = tpu.memref_squeeze %dma_wait3A_49 : memref<1x32x1024xf32, #tpu.memory_space<hbm>> -> memref<32x1024xf32, #tpu.memory_space<hbm>>
        %dma_wait3A_51 = arith.constant 0 : i32
        %dma_wait3A_52 = tpu.memref_slice %arg2[%run_scoped3A_27, %add3A_11, %dma_wait3A_51] : memref<4x8192x1024xf32, #tpu.memory_space<hbm>> -> memref<1x32x1024xf32, #tpu.memory_space<hbm>>
        %dma_wait3A_53 = tpu.memref_squeeze %dma_wait3A_52 : memref<1x32x1024xf32, #tpu.memory_space<hbm>> -> memref<32x1024xf32, #tpu.memory_space<hbm>>
        tpu.wait_dma2 semaphore(%run_scoped3A_43 : memref<!tpu.dma_semaphore, #tpu.memory_space<semaphore_mem>>) src(%dma_wait3A_53 : memref<32x1024xf32, #tpu.memory_space<hbm>>) dst(%arg5 : memref<32x1024xf32, #tpu.memory_space<vmem>>)
        tpu.yield
      }) : () -> ()
      %scan3A_28 = arith.constant 0 : i32
      %scan3A_29 = arith.constant 0 : i32
      %scan3A_30 = arith.constant 32 : i32
      %scan3A_31 = arith.addi %scan3A_29, %scan3A_30 : i32
      %scan3A_32 = arith.constant 1 : i32
      scf.for %scan3A_43 = %scan3A_29 to %scan3A_31 step %scan3A_32  : i32 {
        %get3A = arith.index_cast %scan3A_43 : i32 to index
        %get3A_44 = arith.constant 0 : index
        %get3A_45 = tpu.vector_load %arg5[%get3A, %get3A_44] {strides = array<i32>} : memref<32x1024xf32, #tpu.memory_space<vmem>>, vector<1x16xf32>,
        %get3A_46 = vector.shape_cast %get3A_45 : vector<1x16xf32> to vector<16xf32>
        %get3A_47 = arith.index_cast %scan3A_43 : i32 to index
        %get3A_48 = arith.constant 0 : index
        %get3A_49 = tpu.vector_load %arg6[%get3A_47, %get3A_48] {strides = array<i32>} : memref<32x1024xf32, #tpu.memory_space<vmem>>, vector<1x16xf32>,
        %get3A_50 = vector.shape_cast %get3A_49 : vector<1x16xf32> to vector<16xf32>
        %add3A_51 = arith.addf %get3A_46, %get3A_50 : vector<16xf32>
        %swap3A = arith.index_cast %scan3A_43 : i32 to index
        %swap3A_52 = arith.constant 0 : index
        %swap3A_53 = tpu.vector_load %arg5[%swap3A, %swap3A_52] {strides = array<i32>} : memref<32x1024xf32, #tpu.memory_space<vmem>>, vector<1x16xf32>,
        %swap3A_54 = vector.shape_cast %swap3A_53 : vector<1x16xf32> to vector<16xf32>
        %swap3A_55 = vector.shape_cast %add3A_51 : vector<16xf32> to vector<1x16xf32>
        tpu.vector_store %arg5[%swap3A, %swap3A_52], %swap3A_55 {strides = array<i32>} : memref<32x1024xf32, #tpu.memory_space<vmem>>, vector<1x16xf32>,
        %get3A_56 = arith.index_cast %scan3A_43 : i32 to index
        %get3A_57 = arith.constant 16 : index
        %get3A_58 = tpu.vector_load %arg5[%get3A_56, %get3A_57] {strides = array<i32>} : memref<32x1024xf32, #tpu.memory_space<vmem>>, vector<1x16xf32>,
        %get3A_59 = vector.shape_cast %get3A_58 : vector<1x16xf32> to vector<16xf32>
        %get3A_60 = arith.index_cast %scan3A_43 : i32 to index
        %get3A_61 = arith.constant 16 : index
        %get3A_62 = tpu.vector_load %arg6[%get3A_60, %get3A_61] {strides = array<i32>} : memref<32x1024xf32, #tpu.memory_space<vmem>>, vector<1x16xf32>,
        %get3A_63 = vector.shape_cast %get3A_62 : vector<1x16xf32> to vector<16xf32>
        %add3A_64 = arith.addf %get3A_59, %get3A_63 : vector<16xf32>
        %swap3A_65 = arith.index_cast %scan3A_43 : i32 to index
        %swap3A_66 = arith.constant 16 : index
        %swap3A_67 = tpu.vector_load %arg5[%swap3A_65, %swap3A_66] {strides = array<i32>} : memref<32x1024xf32, #tpu.memory_space<vmem>>, vector<1x16xf32>,
        %swap3A_68 = vector.shape_cast %swap3A_67 : vector<1x16xf32> to vector<16xf32>
        %swap3A_69 = vector.shape_cast %add3A_64 : vector<16xf32> to vector<1x16xf32>
        tpu.vector_store %arg5[%swap3A_65, %swap3A_66], %swap3A_69 {strides = array<i32>} : memref<32x1024xf32, #tpu.memory_space<vmem>>, vector<1x16xf32>,
        %get3A_70 = arith.index_cast %scan3A_43 : i32 to index
        %get3A_71 = arith.constant 32 : index
        %get3A_72 = tpu.vector_load %arg5[%get3A_70, %get3A_71] {strides = array<i32>} : memref<32x1024xf32, #tpu.memory_space<vmem>>, vector<1x16xf32>,
        %get3A_73 = vector.shape_cast %get3A_72 : vector<1x16xf32> to vector<16xf32>
        %get3A_74 = arith.index_cast %scan3A_43 : i32 to index
        %get3A_75 = arith.constant 32 : index
        %get3A_76 = tpu.vector_load %arg6[%get3A_74, %get3A_75] {strides = array<i32>} : memref<32x1024xf32, #tpu.memory_space<vmem>>, vector<1x16xf32>,
        %get3A_77 = vector.shape_cast %get3A_76 : vector<1x16xf32> to vector<16xf32>
        %add3A_78 = arith.addf %get3A_73, %get3A_77 : vector<16xf32>
        %swap3A_79 = arith.index_cast %scan3A_43 : i32 to index
        %swap3A_80 = arith.constant 32 : index
        %swap3A_81 = tpu.vector_load %arg5[%swap3A_79, %swap3A_80] {strides = array<i32>} : memref<32x1024xf32, #tpu.memory_space<vmem>>, vector<1x16xf32>,
        %swap3A_82 = vector.shape_cast %swap3A_81 : vector<1x16xf32> to vector<16xf32>
        %swap3A_83 = vector.shape_cast %add3A_78 : vector<16xf32> to vector<1x16xf32>
        tpu.vector_store %arg5[%swap3A_79, %swap3A_80], %swap3A_83 {strides = array<i32>} : memref<32x1024xf32, #tpu.memory_space<vmem>>, vector<1x16xf32>,
        %get3A_84 = arith.index_cast %scan3A_43 : i32 to index
        %get3A_85 = arith.constant 48 : index
        %get3A_86 = tpu.vector_load %arg5[%get3A_84, %get3A_85] {strides = array<i32>} : memref<32x1024xf32, #tpu.memory_space<vmem>>, vector<1x16xf32>,
        %get3A_87 = vector.shape_cast %get3A_86 : vector<1x16xf32> to vector<16xf32>
        %get3A_88 = arith.index_cast %scan3A_43 : i32 to index
        %get3A_89 = arith.constant 48 : index
        %get3A_90 = tpu.vector_load %arg6[%get3A_88, %get3A_89] {strides = array<i32>} : memref<32x1024xf32, #tpu.memory_space<vmem>>, vector<1x16xf32>,
        %get3A_91 = vector.shape_cast %get3A_90 : vector<1x16xf32> to vector<16xf32>
        %add3A_92 = arith.addf %get3A_87, %get3A_91 : vector<16xf32>
        %swap3A_93 = arith.index_cast %scan3A_43 : i32 to index
        %swap3A_94 = arith.constant 48 : index
        %swap3A_95 = tpu.vector_load %arg5[%swap3A_93, %swap3A_94] {strides = array<i32>} : memref<32x1024xf32, #tpu.memory_space<vmem>>, vector<1x16xf32>,
        %swap3A_96 = vector.shape_cast %swap3A_95 : vector<1x16xf32> to vector<16xf32>
        %swap3A_97 = vector.shape_cast %add3A_92 : vector<16xf32> to vector<1x16xf32>
        tpu.vector_store %arg5[%swap3A_93, %swap3A_94], %swap3A_97 {strides = array<i32>} : memref<32x1024xf32, #tpu.memory_space<vmem>>, vector<1x16xf32>,
        %get3A_98 = arith.index_cast %scan3A_43 : i32 to index
        %get3A_99 = arith.constant 64 : index
        %get3A_100 = tpu.vector_load %arg5[%get3A_98, %get3A_99] {strides = array<i32>} : memref<32x1024xf32, #tpu.memory_space<vmem>>, vector<1x16xf32>,
        %get3A_101 = vector.shape_cast %get3A_100 : vector<1x16xf32> to vector<16xf32>
        %get3A_102 = arith.index_cast %scan3A_43 : i32 to index
        %get3A_103 = arith.constant 64 : index
        %get3A_104 = tpu.vector_load %arg6[%get3A_102, %get3A_103] {strides = array<i32>} : memref<32x1024xf32, #tpu.memory_space<vmem>>, vector<1x16xf32>,
        %get3A_105 = vector.shape_cast %get3A_104 : vector<1x16xf32> to vector<16xf32>
        %add3A_106 = arith.addf %get3A_101, %get3A_105 : vector<16xf32>
        %swap3A_107 = arith.index_cast %scan3A_43 : i32 to index
        %swap3A_108 = arith.constant 64 : index
        %swap3A_109 = tpu.vector_load %arg5[%swap3A_107, %swap3A_108] {strides = array<i32>} : memref<32x1024xf32, #tpu.memory_space<vmem>>, vector<1x16xf32>,
        %swap3A_110 = vector.shape_cast %swap3A_109 : vector<1x16xf32> to vector<16xf32>
        %swap3A_111 = vector.shape_cast %add3A_106 : vector<16xf32> to vector<1x16xf32>
        tpu.vector_store %arg5[%swap3A_107, %swap3A_108], %swap3A_111 {strides = array<i32>} : memref<32x1024xf32, #tpu.memory_space<vmem>>, vector<1x16xf32>,
        %get3A_112 = arith.index_cast %scan3A_43 : i32 to index
        %get3A_113 = arith.constant 80 : index
        %get3A_114 = tpu.vector_load %arg5[%get3A_112, %get3A_113] {strides = array<i32>} : memref<32x1024xf32, #tpu.memory_space<vmem>>, vector<1x16xf32>,
        %get3A_115 = vector.shape_cast %get3A_114 : vector<1x16xf32> to vector<16xf32>
        %get3A_116 = arith.index_cast %scan3A_43 : i32 to index
        %get3A_117 = arith.constant 80 : index
        %get3A_118 = tpu.vector_load %arg6[%get3A_116, %get3A_117] {strides = array<i32>} : memref<32x1024xf32, #tpu.memory_space<vmem>>, vector<1x16xf32>,
        %get3A_119 = vector.shape_cast %get3A_118 : vector<1x16xf32> to vector<16xf32>
        %add3A_120 = arith.addf %get3A_115, %get3A_119 : vector<16xf32>
        %swap3A_121 = arith.index_cast %scan3A_43 : i32 to index
        %swap3A_122 = arith.constant 80 : index
        %swap3A_123 = tpu.vector_load %arg5[%swap3A_121, %swap3A_122] {strides = array<i32>} : memref<32x1024xf32, #tpu.memory_space<vmem>>, vector<1x16xf32>,
        %swap3A_124 = vector.shape_cast %swap3A_123 : vector<1x16xf32> to vector<16xf32>
        %swap3A_125 = vector.shape_cast %add3A_120 : vector<16xf32> to vector<1x16xf32>
        tpu.vector_store %arg5[%swap3A_121, %swap3A_122], %swap3A_125 {strides = array<i32>} : memref<32x1024xf32, #tpu.memory_space<vmem>>, vector<1x16xf32>,
        %get3A_126 = arith.index_cast %scan3A_43 : i32 to index
        %get3A_127 = arith.constant 96 : index
        %get3A_128 = tpu.vector_load %arg5[%get3A_126, %get3A_127] {strides = array<i32>} : memref<32x1024xf32, #tpu.memory_space<vmem>>, vector<1x16xf32>,
        %get3A_129 = vector.shape_cast %get3A_128 : vector<1x16xf32> to vector<16xf32>
        %get3A_130 = arith.index_cast %scan3A_43 : i32 to index
        %get3A_131 = arith.constant 96 : index
        %get3A_132 = tpu.vector_load %arg6[%get3A_130, %get3A_131] {strides = array<i32>} : memref<32x1024xf32, #tpu.memory_space<vmem>>, vector<1x16xf32>,
        %get3A_133 = vector.shape_cast %get3A_132 : vector<1x16xf32> to vector<16xf32>
        %add3A_134 = arith.addf %get3A_129, %get3A_133 : vector<16xf32>
        %swap3A_135 = arith.index_cast %scan3A_43 : i32 to index
        %swap3A_136 = arith.constant 96 : index
        %swap3A_137 = tpu.vector_load %arg5[%swap3A_135, %swap3A_136] {strides = array<i32>} : memref<32x1024xf32, #tpu.memory_space<vmem>>, vector<1x16xf32>,
        %swap3A_138 = vector.shape_cast %swap3A_137 : vector<1x16xf32> to vector<16xf32>
        %swap3A_139 = vector.shape_cast %add3A_134 : vector<16xf32> to vector<1x16xf32>
        tpu.vector_store %arg5[%swap3A_135, %swap3A_136], %swap3A_139 {strides = array<i32>} : memref<32x1024xf32, #tpu.memory_space<vmem>>, vector<1x16xf32>,
        %get3A_140 = arith.index_cast %scan3A_43 : i32 to index
        %get3A_141 = arith.constant 112 : index
        %get3A_142 = tpu.vector_load %arg5[%get3A_140, %get3A_141] {strides = array<i32>} : memref<32x1024xf32, #tpu.memory_space<vmem>>, vector<1x16xf32>,
        %get3A_143 = vector.shape_cast %get3A_142 : vector<1x16xf32> to vector<16xf32>
        %get3A_144 = arith.index_cast %scan3A_43 : i32 to index
        %get3A_145 = arith.constant 112 : index
        %get3A_146 = tpu.vector_load %arg6[%get3A_144, %get3A_145] {strides = array<i32>} : memref<32x1024xf32, #tpu.memory_space<vmem>>, vector<1x16xf32>,
        %get3A_147 = vector.shape_cast %get3A_146 : vector<1x16xf32> to vector<16xf32>
        %add3A_148 = arith.addf %get3A_143, %get3A_147 : vector<16xf32>
        %swap3A_149 = arith.index_cast %scan3A_43 : i32 to index
        %swap3A_150 = arith.constant 112 : index
        %swap3A_151 = tpu.vector_load %arg5[%swap3A_149, %swap3A_150] {strides = array<i32>} : memref<32x1024xf32, #tpu.memory_space<vmem>>, vector<1x16xf32>,
        %swap3A_152 = vector.shape_cast %swap3A_151 : vector<1x16xf32> to vector<16xf32>
        %swap3A_153 = vector.shape_cast %add3A_148 : vector<16xf32> to vector<1x16xf32>
        tpu.vector_store %arg5[%swap3A_149, %swap3A_150], %swap3A_153 {strides = array<i32>} : memref<32x1024xf32, #tpu.memory_space<vmem>>, vector<1x16xf32>,
        %get3A_154 = arith.index_cast %scan3A_43 : i32 to index
        %get3A_155 = arith.constant 128 : index
        %get3A_156 = tpu.vector_load %arg5[%get3A_154, %get3A_155] {strides = array<i32>} : memref<32x1024xf32, #tpu.memory_space<vmem>>, vector<1x16xf32>,
        %get3A_157 = vector.shape_cast %get3A_156 : vector<1x16xf32> to vector<16xf32>
        %get3A_158 = arith.index_cast %scan3A_43 : i32 to index
        %get3A_159 = arith.constant 128 : index
        %get3A_160 = tpu.vector_load %arg6[%get3A_158, %get3A_159] {strides = array<i32>} : memref<32x1024xf32, #tpu.memory_space<vmem>>, vector<1x16xf32>,
        %get3A_161 = vector.shape_cast %get3A_160 : vector<1x16xf32> to vector<16xf32>
        %add3A_162 = arith.addf %get3A_157, %get3A_161 : vector<16xf32>
        %swap3A_163 = arith.index_cast %scan3A_43 : i32 to index
        %swap3A_164 = arith.constant 128 : index
        %swap3A_165 = tpu.vector_load %arg5[%swap3A_163, %swap3A_164] {strides = array<i32>} : memref<32x1024xf32, #tpu.memory_space<vmem>>, vector<1x16xf32>,
        %swap3A_166 = vector.shape_cast %swap3A_165 : vector<1x16xf32> to vector<16xf32>
        %swap3A_167 = vector.shape_cast %add3A_162 : vector<16xf32> to vector<1x16xf32>
        tpu.vector_store %arg5[%swap3A_163, %swap3A_164], %swap3A_167 {strides = array<i32>} : memref<32x1024xf32, #tpu.memory_space<vmem>>, vector<1x16xf32>,
        %get3A_168 = arith.index_cast %scan3A_43 : i32 to index
        %get3A_169 = arith.constant 144 : index
        %get3A_170 = tpu.vector_load %arg5[%get3A_168, %get3A_169] {strides = array<i32>} : memref<32x1024xf32, #tpu.memory_space<vmem>>, vector<1x16xf32>,
        %get3A_171 = vector.shape_cast %get3A_170 : vector<1x16xf32> to vector<16xf32>
        %get3A_172 = arith.index_cast %scan3A_43 : i32 to index
        %get3A_173 = arith.constant 144 : index
        %get3A_174 = tpu.vector_load %arg6[%get3A_172, %get3A_173] {strides = array<i32>} : memref<32x1024xf32, #tpu.memory_space<vmem>>, vector<1x16xf32>,
        %get3A_175 = vector.shape_cast %get3A_174 : vector<1x16xf32> to vector<16xf32>
        %add3A_176 = arith.addf %get3A_171, %get3A_175 : vector<16xf32>
        %swap3A_177 = arith.index_cast %scan3A_43 : i32 to index
        %swap3A_178 = arith.constant 144 : index
        %swap3A_179 = tpu.vector_load %arg5[%swap3A_177, %swap3A_178] {strides = array<i32>} : memref<32x1024xf32, #tpu.memory_space<vmem>>, vector<1x16xf32>,
        %swap3A_180 = vector.shape_cast %swap3A_179 : vector<1x16xf32> to vector<16xf32>
        %swap3A_181 = vector.shape_cast %add3A_176 : vector<16xf32> to vector<1x16xf32>
        tpu.vector_store %arg5[%swap3A_177, %swap3A_178], %swap3A_181 {strides = array<i32>} : memref<32x1024xf32, #tpu.memory_space<vmem>>, vector<1x16xf32>,
        %get3A_182 = arith.index_cast %scan3A_43 : i32 to index
        %get3A_183 = arith.constant 160 : index
        %get3A_184 = tpu.vector_load %arg5[%get3A_182, %get3A_183] {strides = array<i32>} : memref<32x1024xf32, #tpu.memory_space<vmem>>, vector<1x16xf32>,
        %get3A_185 = vector.shape_cast %get3A_184 : vector<1x16xf32> to vector<16xf32>
        %get3A_186 = arith.index_cast %scan3A_43 : i32 to index
        %get3A_187 = arith.constant 160 : index
        %get3A_188 = tpu.vector_load %arg6[%get3A_186, %get3A_187] {strides = array<i32>} : memref<32x1024xf32, #tpu.memory_space<vmem>>, vector<1x16xf32>,
        %get3A_189 = vector.shape_cast %get3A_188 : vector<1x16xf32> to vector<16xf32>
        %add3A_190 = arith.addf %get3A_185, %get3A_189 : vector<16xf32>
        %swap3A_191 = arith.index_cast %scan3A_43 : i32 to index
        %swap3A_192 = arith.constant 160 : index
        %swap3A_193 = tpu.vector_load %arg5[%swap3A_191, %swap3A_192] {strides = array<i32>} : memref<32x1024xf32, #tpu.memory_space<vmem>>, vector<1x16xf32>,
        %swap3A_194 = vector.shape_cast %swap3A_193 : vector<1x16xf32> to vector<16xf32>
        %swap3A_195 = vector.shape_cast %add3A_190 : vector<16xf32> to vector<1x16xf32>
        tpu.vector_store %arg5[%swap3A_191, %swap3A_192], %swap3A_195 {strides = array<i32>} : memref<32x1024xf32, #tpu.memory_space<vmem>>, vector<1x16xf32>,
        %get3A_196 = arith.index_cast %scan3A_43 : i32 to index
        %get3A_197 = arith.constant 176 : index
        %get3A_198 = tpu.vector_load %arg5[%get3A_196, %get3A_197] {strides = array<i32>} : memref<32x1024xf32, #tpu.memory_space<vmem>>, vector<1x16xf32>,
        %get3A_199 = vector.shape_cast %get3A_198 : vector<1x16xf32> to vector<16xf32>
        %get3A_200 = arith.index_cast %scan3A_43 : i32 to index
        %get3A_201 = arith.constant 176 : index
        %get3A_202 = tpu.vector_load %arg6[%get3A_200, %get3A_201] {strides = array<i32>} : memref<32x1024xf32, #tpu.memory_space<vmem>>, vector<1x16xf32>,
        %get3A_203 = vector.shape_cast %get3A_202 : vector<1x16xf32> to vector<16xf32>
        %add3A_204 = arith.addf %get3A_199, %get3A_203 : vector<16xf32>
        %swap3A_205 = arith.index_cast %scan3A_43 : i32 to index
        %swap3A_206 = arith.constant 176 : index
        %swap3A_207 = tpu.vector_load %arg5[%swap3A_205, %swap3A_206] {strides = array<i32>} : memref<32x1024xf32, #tpu.memory_space<vmem>>, vector<1x16xf32>,
        %swap3A_208 = vector.shape_cast %swap3A_207 : vector<1x16xf32> to vector<16xf32>
        %swap3A_209 = vector.shape_cast %add3A_204 : vector<16xf32> to vector<1x16xf32>
        tpu.vector_store %arg5[%swap3A_205, %swap3A_206], %swap3A_209 {strides = array<i32>} : memref<32x1024xf32, #tpu.memory_space<vmem>>, vector<1x16xf32>,
        %get3A_210 = arith.index_cast %scan3A_43 : i32 to index
        %get3A_211 = arith.constant 192 : index
        %get3A_212 = tpu.vector_load %arg5[%get3A_210, %get3A_211] {strides = array<i32>} : memref<32x1024xf32, #tpu.memory_space<vmem>>, vector<1x16xf32>,
        %get3A_213 = vector.shape_cast %get3A_212 : vector<1x16xf32> to vector<16xf32>
        %get3A_214 = arith.index_cast %scan3A_43 : i32 to index
        %get3A_215 = arith.constant 192 : index
        %get3A_216 = tpu.vector_load %arg6[%get3A_214, %get3A_215] {strides = array<i32>} : memref<32x1024xf32, #tpu.memory_space<vmem>>, vector<1x16xf32>,
        %get3A_217 = vector.shape_cast %get3A_216 : vector<1x16xf32> to vector<16xf32>
        %add3A_218 = arith.addf %get3A_213, %get3A_217 : vector<16xf32>
        %swap3A_219 = arith.index_cast %scan3A_43 : i32 to index
        %swap3A_220 = arith.constant 192 : index
        %swap3A_221 = tpu.vector_load %arg5[%swap3A_219, %swap3A_220] {strides = array<i32>} : memref<32x1024xf32, #tpu.memory_space<vmem>>, vector<1x16xf32>,
        %swap3A_222 = vector.shape_cast %swap3A_221 : vector<1x16xf32> to vector<16xf32>
        %swap3A_223 = vector.shape_cast %add3A_218 : vector<16xf32> to vector<1x16xf32>
        tpu.vector_store %arg5[%swap3A_219, %swap3A_220], %swap3A_223 {strides = array<i32>} : memref<32x1024xf32, #tpu.memory_space<vmem>>, vector<1x16xf32>,
        %get3A_224 = arith.index_cast %scan3A_43 : i32 to index
        %get3A_225 = arith.constant 208 : index
        %get3A_226 = tpu.vector_load %arg5[%get3A_224, %get3A_225] {strides = array<i32>} : memref<32x1024xf32, #tpu.memory_space<vmem>>, vector<1x16xf32>,
        %get3A_227 = vector.shape_cast %get3A_226 : vector<1x16xf32> to vector<16xf32>
        %get3A_228 = arith.index_cast %scan3A_43 : i32 to index
        %get3A_229 = arith.constant 208 : index
        %get3A_230 = tpu.vector_load %arg6[%get3A_228, %get3A_229] {strides = array<i32>} : memref<32x1024xf32, #tpu.memory_space<vmem>>, vector<1x16xf32>,
        %get3A_231 = vector.shape_cast %get3A_230 : vector<1x16xf32> to vector<16xf32>
        %add3A_232 = arith.addf %get3A_227, %get3A_231 : vector<16xf32>
        %swap3A_233 = arith.index_cast %scan3A_43 : i32 to index
        %swap3A_234 = arith.constant 208 : index
        %swap3A_235 = tpu.vector_load %arg5[%swap3A_233, %swap3A_234] {strides = array<i32>} : memref<32x1024xf32, #tpu.memory_space<vmem>>, vector<1x16xf32>,
        %swap3A_236 = vector.shape_cast %swap3A_235 : vector<1x16xf32> to vector<16xf32>
        %swap3A_237 = vector.shape_cast %add3A_232 : vector<16xf32> to vector<1x16xf32>
        tpu.vector_store %arg5[%swap3A_233, %swap3A_234], %swap3A_237 {strides = array<i32>} : memref<32x1024xf32, #tpu.memory_space<vmem>>, vector<1x16xf32>,
        %get3A_238 = arith.index_cast %scan3A_43 : i32 to index
        %get3A_239 = arith.constant 224 : index
        %get3A_240 = tpu.vector_load %arg5[%get3A_238, %get3A_239] {strides = array<i32>} : memref<32x1024xf32, #tpu.memory_space<vmem>>, vector<1x16xf32>,
        %get3A_241 = vector.shape_cast %get3A_240 : vector<1x16xf32> to vector<16xf32>
        %get3A_242 = arith.index_cast %scan3A_43 : i32 to index
        %get3A_243 = arith.constant 224 : index
        %get3A_244 = tpu.vector_load %arg6[%get3A_242, %get3A_243] {strides = array<i32>} : memref<32x1024xf32, #tpu.memory_space<vmem>>, vector<1x16xf32>,
        %get3A_245 = vector.shape_cast %get3A_244 : vector<1x16xf32> to vector<16xf32>
        %add3A_246 = arith.addf %get3A_241, %get3A_245 : vector<16xf32>
        %swap3A_247 = arith.index_cast %scan3A_43 : i32 to index
        %swap3A_248 = arith.constant 224 : index
        %swap3A_249 = tpu.vector_load %arg5[%swap3A_247, %swap3A_248] {strides = array<i32>} : memref<32x1024xf32, #tpu.memory_space<vmem>>, vector<1x16xf32>,
        %swap3A_250 = vector.shape_cast %swap3A_249 : vector<1x16xf32> to vector<16xf32>
        %swap3A_251 = vector.shape_cast %add3A_246 : vector<16xf32> to vector<1x16xf32>
        tpu.vector_store %arg5[%swap3A_247, %swap3A_248], %swap3A_251 {strides = array<i32>} : memref<32x1024xf32, #tpu.memory_space<vmem>>, vector<1x16xf32>,
        %get3A_252 = arith.index_cast %scan3A_43 : i32 to index
        %get3A_253 = arith.constant 240 : index
        %get3A_254 = tpu.vector_load %arg5[%get3A_252, %get3A_253] {strides = array<i32>} : memref<32x1024xf32, #tpu.memory_space<vmem>>, vector<1x16xf32>,
        %get3A_255 = vector.shape_cast %get3A_254 : vector<1x16xf32> to vector<16xf32>
        %get3A_256 = arith.index_cast %scan3A_43 : i32 to index
        %get3A_257 = arith.constant 240 : index
        %get3A_258 = tpu.vector_load %arg6[%get3A_256, %get3A_257] {strides = array<i32>} : memref<32x1024xf32, #tpu.memory_space<vmem>>, vector<1x16xf32>,
        %get3A_259 = vector.shape_cast %get3A_258 : vector<1x16xf32> to vector<16xf32>
        %add3A_260 = arith.addf %get3A_255, %get3A_259 : vector<16xf32>
        %swap3A_261 = arith.index_cast %scan3A_43 : i32 to index
        %swap3A_262 = arith.constant 240 : index
        %swap3A_263 = tpu.vector_load %arg5[%swap3A_261, %swap3A_262] {strides = array<i32>} : memref<32x1024xf32, #tpu.memory_space<vmem>>, vector<1x16xf32>,
        %swap3A_264 = vector.shape_cast %swap3A_263 : vector<1x16xf32> to vector<16xf32>
        %swap3A_265 = vector.shape_cast %add3A_260 : vector<16xf32> to vector<1x16xf32>
        tpu.vector_store %arg5[%swap3A_261, %swap3A_262], %swap3A_265 {strides = array<i32>} : memref<32x1024xf32, #tpu.memory_space<vmem>>, vector<1x16xf32>,
        %get3A_266 = arith.index_cast %scan3A_43 : i32 to index
        %get3A_267 = arith.constant 256 : index
        %get3A_268 = tpu.vector_load %arg5[%get3A_266, %get3A_267] {strides = array<i32>} : memref<32x1024xf32, #tpu.memory_space<vmem>>, vector<1x16xf32>,
        %get3A_269 = vector.shape_cast %get3A_268 : vector<1x16xf32> to vector<16xf32>
        %get3A_270 = arith.index_cast %scan3A_43 : i32 to index
        %get3A_271 = arith.constant 256 : index
        %get3A_272 = tpu.vector_load %arg6[%get3A_270, %get3A_271] {strides = array<i32>} : memref<32x1024xf32, #tpu.memory_space<vmem>>, vector<1x16xf32>,
        %get3A_273 = vector.shape_cast %get3A_272 : vector<1x16xf32> to vector<16xf32>
        %add3A_274 = arith.addf %get3A_269, %get3A_273 : vector<16xf32>
        %swap3A_275 = arith.index_cast %scan3A_43 : i32 to index
        %swap3A_276 = arith.constant 256 : index
        %swap3A_277 = tpu.vector_load %arg5[%swap3A_275, %swap3A_276] {strides = array<i32>} : memref<32x1024xf32, #tpu.memory_space<vmem>>, vector<1x16xf32>,
        %swap3A_278 = vector.shape_cast %swap3A_277 : vector<1x16xf32> to vector<16xf32>
        %swap3A_279 = vector.shape_cast %add3A_274 : vector<16xf32> to vector<1x16xf32>
        tpu.vector_store %arg5[%swap3A_275, %swap3A_276], %swap3A_279 {strides = array<i32>} : memref<32x1024xf32, #tpu.memory_space<vmem>>, vector<1x16xf32>,
        %get3A_280 = arith.index_cast %scan3A_43 : i32 to index
        %get3A_281 = arith.constant 272 : index
        %get3A_282 = tpu.vector_load %arg5[%get3A_280, %get3A_281] {strides = array<i32>} : memref<32x1024xf32, #tpu.memory_space<vmem>>, vector<1x16xf32>,
        %get3A_283 = vector.shape_cast %get3A_282 : vector<1x16xf32> to vector<16xf32>
        %get3A_284 = arith.index_cast %scan3A_43 : i32 to index
        %get3A_285 = arith.constant 272 : index
        %get3A_286 = tpu.vector_load %arg6[%get3A_284, %get3A_285] {strides = array<i32>} : memref<32x1024xf32, #tpu.memory_space<vmem>>, vector<1x16xf32>,
        %get3A_287 = vector.shape_cast %get3A_286 : vector<1x16xf32> to vector<16xf32>
        %add3A_288 = arith.addf %get3A_283, %get3A_287 : vector<16xf32>
        %swap3A_289 = arith.index_cast %scan3A_43 : i32 to index
        %swap3A_290 = arith.constant 272 : index
        %swap3A_291 = tpu.vector_load %arg5[%swap3A_289, %swap3A_290] {strides = array<i32>} : memref<32x1024xf32, #tpu.memory_space<vmem>>, vector<1x16xf32>,
        %swap3A_292 = vector.shape_cast %swap3A_291 : vector<1x16xf32> to vector<16xf32>
        %swap3A_293 = vector.shape_cast %add3A_288 : vector<16xf32> to vector<1x16xf32>
        tpu.vector_store %arg5[%swap3A_289, %swap3A_290], %swap3A_293 {strides = array<i32>} : memref<32x1024xf32, #tpu.memory_space<vmem>>, vector<1x16xf32>,
        %get3A_294 = arith.index_cast %scan3A_43 : i32 to index
        %get3A_295 = arith.constant 288 : index
        %get3A_296 = tpu.vector_load %arg5[%get3A_294, %get3A_295] {strides = array<i32>} : memref<32x1024xf32, #tpu.memory_space<vmem>>, vector<1x16xf32>,
        %get3A_297 = vector.shape_cast %get3A_296 : vector<1x16xf32> to vector<16xf32>
        %get3A_298 = arith.index_cast %scan3A_43 : i32 to index
        %get3A_299 = arith.constant 288 : index
        %get3A_300 = tpu.vector_load %arg6[%get3A_298, %get3A_299] {strides = array<i32>} : memref<32x1024xf32, #tpu.memory_space<vmem>>, vector<1x16xf32>,
        %get3A_301 = vector.shape_cast %get3A_300 : vector<1x16xf32> to vector<16xf32>
        %add3A_302 = arith.addf %get3A_297, %get3A_301 : vector<16xf32>
        %swap3A_303 = arith.index_cast %scan3A_43 : i32 to index
        %swap3A_304 = arith.constant 288 : index
        %swap3A_305 = tpu.vector_load %arg5[%swap3A_303, %swap3A_304] {strides = array<i32>} : memref<32x1024xf32, #tpu.memory_space<vmem>>, vector<1x16xf32>,
        %swap3A_306 = vector.shape_cast %swap3A_305 : vector<1x16xf32> to vector<16xf32>
        %swap3A_307 = vector.shape_cast %add3A_302 : vector<16xf32> to vector<1x16xf32>
        tpu.vector_store %arg5[%swap3A_303, %swap3A_304], %swap3A_307 {strides = array<i32>} : memref<32x1024xf32, #tpu.memory_space<vmem>>, vector<1x16xf32>,
        %get3A_308 = arith.index_cast %scan3A_43 : i32 to index
        %get3A_309 = arith.constant 304 : index
        %get3A_310 = tpu.vector_load %arg5[%get3A_308, %get3A_309] {strides = array<i32>} : memref<32x1024xf32, #tpu.memory_space<vmem>>, vector<1x16xf32>,
        %get3A_311 = vector.shape_cast %get3A_310 : vector<1x16xf32> to vector<16xf32>
        %get3A_312 = arith.index_cast %scan3A_43 : i32 to index
        %get3A_313 = arith.constant 304 : index
        %get3A_314 = tpu.vector_load %arg6[%get3A_312, %get3A_313] {strides = array<i32>} : memref<32x1024xf32, #tpu.memory_space<vmem>>, vector<1x16xf32>,
        %get3A_315 = vector.shape_cast %get3A_314 : vector<1x16xf32> to vector<16xf32>
        %add3A_316 = arith.addf %get3A_311, %get3A_315 : vector<16xf32>
        %swap3A_317 = arith.index_cast %scan3A_43 : i32 to index
        %swap3A_318 = arith.constant 304 : index
        %swap3A_319 = tpu.vector_load %arg5[%swap3A_317, %swap3A_318] {strides = array<i32>} : memref<32x1024xf32, #tpu.memory_space<vmem>>, vector<1x16xf32>,
        %swap3A_320 = vector.shape_cast %swap3A_319 : vector<1x16xf32> to vector<16xf32>
        %swap3A_321 = vector.shape_cast %add3A_316 : vector<16xf32> to vector<1x16xf32>
        tpu.vector_store %arg5[%swap3A_317, %swap3A_318], %swap3A_321 {strides = array<i32>} : memref<32x1024xf32, #tpu.memory_space<vmem>>, vector<1x16xf32>,
        %get3A_322 = arith.index_cast %scan3A_43 : i32 to index
        %get3A_323 = arith.constant 320 : index
        %get3A_324 = tpu.vector_load %arg5[%get3A_322, %get3A_323] {strides = array<i32>} : memref<32x1024xf32, #tpu.memory_space<vmem>>, vector<1x16xf32>,
        %get3A_325 = vector.shape_cast %get3A_324 : vector<1x16xf32> to vector<16xf32>
        %get3A_326 = arith.index_cast %scan3A_43 : i32 to index
        %get3A_327 = arith.constant 320 : index
        %get3A_328 = tpu.vector_load %arg6[%get3A_326, %get3A_327] {strides = array<i32>} : memref<32x1024xf32, #tpu.memory_space<vmem>>, vector<1x16xf32>,
        %get3A_329 = vector.shape_cast %get3A_328 : vector<1x16xf32> to vector<16xf32>
        %add3A_330 = arith.addf %get3A_325, %get3A_329 : vector<16xf32>
        %swap3A_331 = arith.index_cast %scan3A_43 : i32 to index
        %swap3A_332 = arith.constant 320 : index
        %swap3A_333 = tpu.vector_load %arg5[%swap3A_331, %swap3A_332] {strides = array<i32>} : memref<32x1024xf32, #tpu.memory_space<vmem>>, vector<1x16xf32>,
        %swap3A_334 = vector.shape_cast %swap3A_333 : vector<1x16xf32> to vector<16xf32>
        %swap3A_335 = vector.shape_cast %add3A_330 : vector<16xf32> to vector<1x16xf32>
        tpu.vector_store %arg5[%swap3A_331, %swap3A_332], %swap3A_335 {strides = array<i32>} : memref<32x1024xf32, #tpu.memory_space<vmem>>, vector<1x16xf32>,
        %get3A_336 = arith.index_cast %scan3A_43 : i32 to index
        %get3A_337 = arith.constant 336 : index
        %get3A_338 = tpu.vector_load %arg5[%get3A_336, %get3A_337] {strides = array<i32>} : memref<32x1024xf32, #tpu.memory_space<vmem>>, vector<1x16xf32>,
        %get3A_339 = vector.shape_cast %get3A_338 : vector<1x16xf32> to vector<16xf32>
        %get3A_340 = arith.index_cast %scan3A_43 : i32 to index
        %get3A_341 = arith.constant 336 : index
        %get3A_342 = tpu.vector_load %arg6[%get3A_340, %get3A_341] {strides = array<i32>} : memref<32x1024xf32, #tpu.memory_space<vmem>>, vector<1x16xf32>,
        %get3A_343 = vector.shape_cast %get3A_342 : vector<1x16xf32> to vector<16xf32>
        %add3A_344 = arith.addf %get3A_339, %get3A_343 : vector<16xf32>
        %swap3A_345 = arith.index_cast %scan3A_43 : i32 to index
        %swap3A_346 = arith.constant 336 : index
        %swap3A_347 = tpu.vector_load %arg5[%swap3A_345, %swap3A_346] {strides = array<i32>} : memref<32x1024xf32, #tpu.memory_space<vmem>>, vector<1x16xf32>,
        %swap3A_348 = vector.shape_cast %swap3A_347 : vector<1x16xf32> to vector<16xf32>
        %swap3A_349 = vector.shape_cast %add3A_344 : vector<16xf32> to vector<1x16xf32>
        tpu.vector_store %arg5[%swap3A_345, %swap3A_346], %swap3A_349 {strides = array<i32>} : memref<32x1024xf32, #tpu.memory_space<vmem>>, vector<1x16xf32>,
        %get3A_350 = arith.index_cast %scan3A_43 : i32 to index
        %get3A_351 = arith.constant 352 : index
        %get3A_352 = tpu.vector_load %arg5[%get3A_350, %get3A_351] {strides = array<i32>} : memref<32x1024xf32, #tpu.memory_space<vmem>>, vector<1x16xf32>,
        %get3A_353 = vector.shape_cast %get3A_352 : vector<1x16xf32> to vector<16xf32>
        %get3A_354 = arith.index_cast %scan3A_43 : i32 to index
        %get3A_355 = arith.constant 352 : index
        %get3A_356 = tpu.vector_load %arg6[%get3A_354, %get3A_355] {strides = array<i32>} : memref<32x1024xf32, #tpu.memory_space<vmem>>, vector<1x16xf32>,
        %get3A_357 = vector.shape_cast %get3A_356 : vector<1x16xf32> to vector<16xf32>
        %add3A_358 = arith.addf %get3A_353, %get3A_357 : vector<16xf32>
        %swap3A_359 = arith.index_cast %scan3A_43 : i32 to index
        %swap3A_360 = arith.constant 352 : index
        %swap3A_361 = tpu.vector_load %arg5[%swap3A_359, %swap3A_360] {strides = array<i32>} : memref<32x1024xf32, #tpu.memory_space<vmem>>, vector<1x16xf32>,
        %swap3A_362 = vector.shape_cast %swap3A_361 : vector<1x16xf32> to vector<16xf32>
        %swap3A_363 = vector.shape_cast %add3A_358 : vector<16xf32> to vector<1x16xf32>
        tpu.vector_store %arg5[%swap3A_359, %swap3A_360], %swap3A_363 {strides = array<i32>} : memref<32x1024xf32, #tpu.memory_space<vmem>>, vector<1x16xf32>,
        %get3A_364 = arith.index_cast %scan3A_43 : i32 to index
        %get3A_365 = arith.constant 368 : index
        %get3A_366 = tpu.vector_load %arg5[%get3A_364, %get3A_365] {strides = array<i32>} : memref<32x1024xf32, #tpu.memory_space<vmem>>, vector<1x16xf32>,
        %get3A_367 = vector.shape_cast %get3A_366 : vector<1x16xf32> to vector<16xf32>
        %get3A_368 = arith.index_cast %scan3A_43 : i32 to index
        %get3A_369 = arith.constant 368 : index
        %get3A_370 = tpu.vector_load %arg6[%get3A_368, %get3A_369] {strides = array<i32>} : memref<32x1024xf32, #tpu.memory_space<vmem>>, vector<1x16xf32>,
        %get3A_371 = vector.shape_cast %get3A_370 : vector<1x16xf32> to vector<16xf32>
        %add3A_372 = arith.addf %get3A_367, %get3A_371 : vector<16xf32>
        %swap3A_373 = arith.index_cast %scan3A_43 : i32 to index
        %swap3A_374 = arith.constant 368 : index
        %swap3A_375 = tpu.vector_load %arg5[%swap3A_373, %swap3A_374] {strides = array<i32>} : memref<32x1024xf32, #tpu.memory_space<vmem>>, vector<1x16xf32>,
        %swap3A_376 = vector.shape_cast %swap3A_375 : vector<1x16xf32> to vector<16xf32>
        %swap3A_377 = vector.shape_cast %add3A_372 : vector<16xf32> to vector<1x16xf32>
        tpu.vector_store %arg5[%swap3A_373, %swap3A_374], %swap3A_377 {strides = array<i32>} : memref<32x1024xf32, #tpu.memory_space<vmem>>, vector<1x16xf32>,
        %get3A_378 = arith.index_cast %scan3A_43 : i32 to index
        %get3A_379 = arith.constant 384 : index
        %get3A_380 = tpu.vector_load %arg5[%get3A_378, %get3A_379] {strides = array<i32>} : memref<32x1024xf32, #tpu.memory_space<vmem>>, vector<1x16xf32>,
        %get3A_381 = vector.shape_cast %get3A_380 : vector<1x16xf32> to vector<16xf32>
        %get3A_382 = arith.index_cast %scan3A_43 : i32 to index
        %get3A_383 = arith.constant 384 : index
        %get3A_384 = tpu.vector_load %arg6[%get3A_382, %get3A_383] {strides = array<i32>} : memref<32x1024xf32, #tpu.memory_space<vmem>>, vector<1x16xf32>,
        %get3A_385 = vector.shape_cast %get3A_384 : vector<1x16xf32> to vector<16xf32>
        %add3A_386 = arith.addf %get3A_381, %get3A_385 : vector<16xf32>
        %swap3A_387 = arith.index_cast %scan3A_43 : i32 to index
        %swap3A_388 = arith.constant 384 : index
        %swap3A_389 = tpu.vector_load %arg5[%swap3A_387, %swap3A_388] {strides = array<i32>} : memref<32x1024xf32, #tpu.memory_space<vmem>>, vector<1x16xf32>,
        %swap3A_390 = vector.shape_cast %swap3A_389 : vector<1x16xf32> to vector<16xf32>
        %swap3A_391 = vector.shape_cast %add3A_386 : vector<16xf32> to vector<1x16xf32>
        tpu.vector_store %arg5[%swap3A_387, %swap3A_388], %swap3A_391 {strides = array<i32>} : memref<32x1024xf32, #tpu.memory_space<vmem>>, vector<1x16xf32>,
        %get3A_392 = arith.index_cast %scan3A_43 : i32 to index
        %get3A_393 = arith.constant 400 : index
        %get3A_394 = tpu.vector_load %arg5[%get3A_392, %get3A_393] {strides = array<i32>} : memref<32x1024xf32, #tpu.memory_space<vmem>>, vector<1x16xf32>,
        %get3A_395 = vector.shape_cast %get3A_394 : vector<1x16xf32> to vector<16xf32>
        %get3A_396 = arith.index_cast %scan3A_43 : i32 to index
        %get3A_397 = arith.constant 400 : index
        %get3A_398 = tpu.vector_load %arg6[%get3A_396, %get3A_397] {strides = array<i32>} : memref<32x1024xf32, #tpu.memory_space<vmem>>, vector<1x16xf32>,
        %get3A_399 = vector.shape_cast %get3A_398 : vector<1x16xf32> to vector<16xf32>
        %add3A_400 = arith.addf %get3A_395, %get3A_399 : vector<16xf32>
        %swap3A_401 = arith.index_cast %scan3A_43 : i32 to index
        %swap3A_402 = arith.constant 400 : index
        %swap3A_403 = tpu.vector_load %arg5[%swap3A_401, %swap3A_402] {strides = array<i32>} : memref<32x1024xf32, #tpu.memory_space<vmem>>, vector<1x16xf32>,
        %swap3A_404 = vector.shape_cast %swap3A_403 : vector<1x16xf32> to vector<16xf32>
        %swap3A_405 = vector.shape_cast %add3A_400 : vector<16xf32> to vector<1x16xf32>
        tpu.vector_store %arg5[%swap3A_401, %swap3A_402], %swap3A_405 {strides = array<i32>} : memref<32x1024xf32, #tpu.memory_space<vmem>>, vector<1x16xf32>,
        %get3A_406 = arith.index_cast %scan3A_43 : i32 to index
        %get3A_407 = arith.constant 416 : index
        %get3A_408 = tpu.vector_load %arg5[%get3A_406, %get3A_407] {strides = array<i32>} : memref<32x1024xf32, #tpu.memory_space<vmem>>, vector<1x16xf32>,
        %get3A_409 = vector.shape_cast %get3A_408 : vector<1x16xf32> to vector<16xf32>
        %get3A_410 = arith.index_cast %scan3A_43 : i32 to index
        %get3A_411 = arith.constant 416 : index
        %get3A_412 = tpu.vector_load %arg6[%get3A_410, %get3A_411] {strides = array<i32>} : memref<32x1024xf32, #tpu.memory_space<vmem>>, vector<1x16xf32>,
        %get3A_413 = vector.shape_cast %get3A_412 : vector<1x16xf32> to vector<16xf32>
        %add3A_414 = arith.addf %get3A_409, %get3A_413 : vector<16xf32>
        %swap3A_415 = arith.index_cast %scan3A_43 : i32 to index
        %swap3A_416 = arith.constant 416 : index
        %swap3A_417 = tpu.vector_load %arg5[%swap3A_415, %swap3A_416] {strides = array<i32>} : memref<32x1024xf32, #tpu.memory_space<vmem>>, vector<1x16xf32>,
        %swap3A_418 = vector.shape_cast %swap3A_417 : vector<1x16xf32> to vector<16xf32>
        %swap3A_419 = vector.shape_cast %add3A_414 : vector<16xf32> to vector<1x16xf32>
        tpu.vector_store %arg5[%swap3A_415, %swap3A_416], %swap3A_419 {strides = array<i32>} : memref<32x1024xf32, #tpu.memory_space<vmem>>, vector<1x16xf32>,
        %get3A_420 = arith.index_cast %scan3A_43 : i32 to index
        %get3A_421 = arith.constant 432 : index
        %get3A_422 = tpu.vector_load %arg5[%get3A_420, %get3A_421] {strides = array<i32>} : memref<32x1024xf32, #tpu.memory_space<vmem>>, vector<1x16xf32>,
        %get3A_423 = vector.shape_cast %get3A_422 : vector<1x16xf32> to vector<16xf32>
        %get3A_424 = arith.index_cast %scan3A_43 : i32 to index
        %get3A_425 = arith.constant 432 : index
        %get3A_426 = tpu.vector_load %arg6[%get3A_424, %get3A_425] {strides = array<i32>} : memref<32x1024xf32, #tpu.memory_space<vmem>>, vector<1x16xf32>,
        %get3A_427 = vector.shape_cast %get3A_426 : vector<1x16xf32> to vector<16xf32>
        %add3A_428 = arith.addf %get3A_423, %get3A_427 : vector<16xf32>
        %swap3A_429 = arith.index_cast %scan3A_43 : i32 to index
        %swap3A_430 = arith.constant 432 : index
        %swap3A_431 = tpu.vector_load %arg5[%swap3A_429, %swap3A_430] {strides = array<i32>} : memref<32x1024xf32, #tpu.memory_space<vmem>>, vector<1x16xf32>,
        %swap3A_432 = vector.shape_cast %swap3A_431 : vector<1x16xf32> to vector<16xf32>
        %swap3A_433 = vector.shape_cast %add3A_428 : vector<16xf32> to vector<1x16xf32>
        tpu.vector_store %arg5[%swap3A_429, %swap3A_430], %swap3A_433 {strides = array<i32>} : memref<32x1024xf32, #tpu.memory_space<vmem>>, vector<1x16xf32>,
        %get3A_434 = arith.index_cast %scan3A_43 : i32 to index
        %get3A_435 = arith.constant 448 : index
        %get3A_436 = tpu.vector_load %arg5[%get3A_434, %get3A_435] {strides = array<i32>} : memref<32x1024xf32, #tpu.memory_space<vmem>>, vector<1x16xf32>,
        %get3A_437 = vector.shape_cast %get3A_436 : vector<1x16xf32> to vector<16xf32>
        %get3A_438 = arith.index_cast %scan3A_43 : i32 to index
        %get3A_439 = arith.constant 448 : index
        %get3A_440 = tpu.vector_load %arg6[%get3A_438, %get3A_439] {strides = array<i32>} : memref<32x1024xf32, #tpu.memory_space<vmem>>, vector<1x16xf32>,
        %get3A_441 = vector.shape_cast %get3A_440 : vector<1x16xf32> to vector<16xf32>
        %add3A_442 = arith.addf %get3A_437, %get3A_441 : vector<16xf32>
        %swap3A_443 = arith.index_cast %scan3A_43 : i32 to index
        %swap3A_444 = arith.constant 448 : index
        %swap3A_445 = tpu.vector_load %arg5[%swap3A_443, %swap3A_444] {strides = array<i32>} : memref<32x1024xf32, #tpu.memory_space<vmem>>, vector<1x16xf32>,
        %swap3A_446 = vector.shape_cast %swap3A_445 : vector<1x16xf32> to vector<16xf32>
        %swap3A_447 = vector.shape_cast %add3A_442 : vector<16xf32> to vector<1x16xf32>
        tpu.vector_store %arg5[%swap3A_443, %swap3A_444], %swap3A_447 {strides = array<i32>} : memref<32x1024xf32, #tpu.memory_space<vmem>>, vector<1x16xf32>,
        %get3A_448 = arith.index_cast %scan3A_43 : i32 to index
        %get3A_449 = arith.constant 464 : index
        %get3A_450 = tpu.vector_load %arg5[%get3A_448, %get3A_449] {strides = array<i32>} : memref<32x1024xf32, #tpu.memory_space<vmem>>, vector<1x16xf32>,
        %get3A_451 = vector.shape_cast %get3A_450 : vector<1x16xf32> to vector<16xf32>
        %get3A_452 = arith.index_cast %scan3A_43 : i32 to index
        %get3A_453 = arith.constant 464 : index
        %get3A_454 = tpu.vector_load %arg6[%get3A_452, %get3A_453] {strides = array<i32>} : memref<32x1024xf32, #tpu.memory_space<vmem>>, vector<1x16xf32>,
        %get3A_455 = vector.shape_cast %get3A_454 : vector<1x16xf32> to vector<16xf32>
        %add3A_456 = arith.addf %get3A_451, %get3A_455 : vector<16xf32>
        %swap3A_457 = arith.index_cast %scan3A_43 : i32 to index
        %swap3A_458 = arith.constant 464 : index
        %swap3A_459 = tpu.vector_load %arg5[%swap3A_457, %swap3A_458] {strides = array<i32>} : memref<32x1024xf32, #tpu.memory_space<vmem>>, vector<1x16xf32>,
        %swap3A_460 = vector.shape_cast %swap3A_459 : vector<1x16xf32> to vector<16xf32>
        %swap3A_461 = vector.shape_cast %add3A_456 : vector<16xf32> to vector<1x16xf32>
        tpu.vector_store %arg5[%swap3A_457, %swap3A_458], %swap3A_461 {strides = array<i32>} : memref<32x1024xf32, #tpu.memory_space<vmem>>, vector<1x16xf32>,
        %get3A_462 = arith.index_cast %scan3A_43 : i32 to index
        %get3A_463 = arith.constant 480 : index
        %get3A_464 = tpu.vector_load %arg5[%get3A_462, %get3A_463] {strides = array<i32>} : memref<32x1024xf32, #tpu.memory_space<vmem>>, vector<1x16xf32>,
        %get3A_465 = vector.shape_cast %get3A_464 : vector<1x16xf32> to vector<16xf32>
        %get3A_466 = arith.index_cast %scan3A_43 : i32 to index
        %get3A_467 = arith.constant 480 : index
        %get3A_468 = tpu.vector_load %arg6[%get3A_466, %get3A_467] {strides = array<i32>} : memref<32x1024xf32, #tpu.memory_space<vmem>>, vector<1x16xf32>,
        %get3A_469 = vector.shape_cast %get3A_468 : vector<1x16xf32> to vector<16xf32>
        %add3A_470 = arith.addf %get3A_465, %get3A_469 : vector<16xf32>
        %swap3A_471 = arith.index_cast %scan3A_43 : i32 to index
        %swap3A_472 = arith.constant 480 : index
        %swap3A_473 = tpu.vector_load %arg5[%swap3A_471, %swap3A_472] {strides = array<i32>} : memref<32x1024xf32, #tpu.memory_space<vmem>>, vector<1x16xf32>,
        %swap3A_474 = vector.shape_cast %swap3A_473 : vector<1x16xf32> to vector<16xf32>
        %swap3A_475 = vector.shape_cast %add3A_470 : vector<16xf32> to vector<1x16xf32>
        tpu.vector_store %arg5[%swap3A_471, %swap3A_472], %swap3A_475 {strides = array<i32>} : memref<32x1024xf32, #tpu.memory_space<vmem>>, vector<1x16xf32>,
        %get3A_476 = arith.index_cast %scan3A_43 : i32 to index
        %get3A_477 = arith.constant 496 : index
        %get3A_478 = tpu.vector_load %arg5[%get3A_476, %get3A_477] {strides = array<i32>} : memref<32x1024xf32, #tpu.memory_space<vmem>>, vector<1x16xf32>,
        %get3A_479 = vector.shape_cast %get3A_478 : vector<1x16xf32> to vector<16xf32>
        %get3A_480 = arith.index_cast %scan3A_43 : i32 to index
        %get3A_481 = arith.constant 496 : index
        %get3A_482 = tpu.vector_load %arg6[%get3A_480, %get3A_481] {strides = array<i32>} : memref<32x1024xf32, #tpu.memory_space<vmem>>, vector<1x16xf32>,
        %get3A_483 = vector.shape_cast %get3A_482 : vector<1x16xf32> to vector<16xf32>
        %add3A_484 = arith.addf %get3A_479, %get3A_483 : vector<16xf32>
        %swap3A_485 = arith.index_cast %scan3A_43 : i32 to index
        %swap3A_486 = arith.constant 496 : index
        %swap3A_487 = tpu.vector_load %arg5[%swap3A_485, %swap3A_486] {strides = array<i32>} : memref<32x1024xf32, #tpu.memory_space<vmem>>, vector<1x16xf32>,
        %swap3A_488 = vector.shape_cast %swap3A_487 : vector<1x16xf32> to vector<16xf32>
        %swap3A_489 = vector.shape_cast %add3A_484 : vector<16xf32> to vector<1x16xf32>
        tpu.vector_store %arg5[%swap3A_485, %swap3A_486], %swap3A_489 {strides = array<i32>} : memref<32x1024xf32, #tpu.memory_space<vmem>>, vector<1x16xf32>,
        %get3A_490 = arith.index_cast %scan3A_43 : i32 to index
        %get3A_491 = arith.constant 512 : index
        %get3A_492 = tpu.vector_load %arg5[%get3A_490, %get3A_491] {strides = array<i32>} : memref<32x1024xf32, #tpu.memory_space<vmem>>, vector<1x16xf32>,
        %get3A_493 = vector.shape_cast %get3A_492 : vector<1x16xf32> to vector<16xf32>
        %get3A_494 = arith.index_cast %scan3A_43 : i32 to index
        %get3A_495 = arith.constant 512 : index
        %get3A_496 = tpu.vector_load %arg6[%get3A_494, %get3A_495] {strides = array<i32>} : memref<32x1024xf32, #tpu.memory_space<vmem>>, vector<1x16xf32>,
        %get3A_497 = vector.shape_cast %get3A_496 : vector<1x16xf32> to vector<16xf32>
        %add3A_498 = arith.addf %get3A_493, %get3A_497 : vector<16xf32>
        %swap3A_499 = arith.index_cast %scan3A_43 : i32 to index
        %swap3A_500 = arith.constant 512 : index
        %swap3A_501 = tpu.vector_load %arg5[%swap3A_499, %swap3A_500] {strides = array<i32>} : memref<32x1024xf32, #tpu.memory_space<vmem>>, vector<1x16xf32>,
        %swap3A_502 = vector.shape_cast %swap3A_501 : vector<1x16xf32> to vector<16xf32>
        %swap3A_503 = vector.shape_cast %add3A_498 : vector<16xf32> to vector<1x16xf32>
        tpu.vector_store %arg5[%swap3A_499, %swap3A_500], %swap3A_503 {strides = array<i32>} : memref<32x1024xf32, #tpu.memory_space<vmem>>, vector<1x16xf32>,
        %get3A_504 = arith.index_cast %scan3A_43 : i32 to index
        %get3A_505 = arith.constant 528 : index
        %get3A_506 = tpu.vector_load %arg5[%get3A_504, %get3A_505] {strides = array<i32>} : memref<32x1024xf32, #tpu.memory_space<vmem>>, vector<1x16xf32>,
        %get3A_507 = vector.shape_cast %get3A_506 : vector<1x16xf32> to vector<16xf32>
        %get3A_508 = arith.index_cast %scan3A_43 : i32 to index
        %get3A_509 = arith.constant 528 : index
        %get3A_510 = tpu.vector_load %arg6[%get3A_508, %get3A_509] {strides = array<i32>} : memref<32x1024xf32, #tpu.memory_space<vmem>>, vector<1x16xf32>,
        %get3A_511 = vector.shape_cast %get3A_510 : vector<1x16xf32> to vector<16xf32>
        %add3A_512 = arith.addf %get3A_507, %get3A_511 : vector<16xf32>
        %swap3A_513 = arith.index_cast %scan3A_43 : i32 to index
        %swap3A_514 = arith.constant 528 : index
        %swap3A_515 = tpu.vector_load %arg5[%swap3A_513, %swap3A_514] {strides = array<i32>} : memref<32x1024xf32, #tpu.memory_space<vmem>>, vector<1x16xf32>,
        %swap3A_516 = vector.shape_cast %swap3A_515 : vector<1x16xf32> to vector<16xf32>
        %swap3A_517 = vector.shape_cast %add3A_512 : vector<16xf32> to vector<1x16xf32>
        tpu.vector_store %arg5[%swap3A_513, %swap3A_514], %swap3A_517 {strides = array<i32>} : memref<32x1024xf32, #tpu.memory_space<vmem>>, vector<1x16xf32>,
        %get3A_518 = arith.index_cast %scan3A_43 : i32 to index
        %get3A_519 = arith.constant 544 : index
        %get3A_520 = tpu.vector_load %arg5[%get3A_518, %get3A_519] {strides = array<i32>} : memref<32x1024xf32, #tpu.memory_space<vmem>>, vector<1x16xf32>,
        %get3A_521 = vector.shape_cast %get3A_520 : vector<1x16xf32> to vector<16xf32>
        %get3A_522 = arith.index_cast %scan3A_43 : i32 to index
        %get3A_523 = arith.constant 544 : index
        %get3A_524 = tpu.vector_load %arg6[%get3A_522, %get3A_523] {strides = array<i32>} : memref<32x1024xf32, #tpu.memory_space<vmem>>, vector<1x16xf32>,
        %get3A_525 = vector.shape_cast %get3A_524 : vector<1x16xf32> to vector<16xf32>
        %add3A_526 = arith.addf %get3A_521, %get3A_525 : vector<16xf32>
        %swap3A_527 = arith.index_cast %scan3A_43 : i32 to index
        %swap3A_528 = arith.constant 544 : index
        %swap3A_529 = tpu.vector_load %arg5[%swap3A_527, %swap3A_528] {strides = array<i32>} : memref<32x1024xf32, #tpu.memory_space<vmem>>, vector<1x16xf32>,
        %swap3A_530 = vector.shape_cast %swap3A_529 : vector<1x16xf32> to vector<16xf32>
        %swap3A_531 = vector.shape_cast %add3A_526 : vector<16xf32> to vector<1x16xf32>
        tpu.vector_store %arg5[%swap3A_527, %swap3A_528], %swap3A_531 {strides = array<i32>} : memref<32x1024xf32, #tpu.memory_space<vmem>>, vector<1x16xf32>,
        %get3A_532 = arith.index_cast %scan3A_43 : i32 to index
        %get3A_533 = arith.constant 560 : index
        %get3A_534 = tpu.vector_load %arg5[%get3A_532, %get3A_533] {strides = array<i32>} : memref<32x1024xf32, #tpu.memory_space<vmem>>, vector<1x16xf32>,
        %get3A_535 = vector.shape_cast %get3A_534 : vector<1x16xf32> to vector<16xf32>
        %get3A_536 = arith.index_cast %scan3A_43 : i32 to index
        %get3A_537 = arith.constant 560 : index
        %get3A_538 = tpu.vector_load %arg6[%get3A_536, %get3A_537] {strides = array<i32>} : memref<32x1024xf32, #tpu.memory_space<vmem>>, vector<1x16xf32>,
        %get3A_539 = vector.shape_cast %get3A_538 : vector<1x16xf32> to vector<16xf32>
        %add3A_540 = arith.addf %get3A_535, %get3A_539 : vector<16xf32>
        %swap3A_541 = arith.index_cast %scan3A_43 : i32 to index
        %swap3A_542 = arith.constant 560 : index
        %swap3A_543 = tpu.vector_load %arg5[%swap3A_541, %swap3A_542] {strides = array<i32>} : memref<32x1024xf32, #tpu.memory_space<vmem>>, vector<1x16xf32>,
        %swap3A_544 = vector.shape_cast %swap3A_543 : vector<1x16xf32> to vector<16xf32>
        %swap3A_545 = vector.shape_cast %add3A_540 : vector<16xf32> to vector<1x16xf32>
        tpu.vector_store %arg5[%swap3A_541, %swap3A_542], %swap3A_545 {strides = array<i32>} : memref<32x1024xf32, #tpu.memory_space<vmem>>, vector<1x16xf32>,
        %get3A_546 = arith.index_cast %scan3A_43 : i32 to index
        %get3A_547 = arith.constant 576 : index
        %get3A_548 = tpu.vector_load %arg5[%get3A_546, %get3A_547] {strides = array<i32>} : memref<32x1024xf32, #tpu.memory_space<vmem>>, vector<1x16xf32>,
        %get3A_549 = vector.shape_cast %get3A_548 : vector<1x16xf32> to vector<16xf32>
        %get3A_550 = arith.index_cast %scan3A_43 : i32 to index
        %get3A_551 = arith.constant 576 : index
        %get3A_552 = tpu.vector_load %arg6[%get3A_550, %get3A_551] {strides = array<i32>} : memref<32x1024xf32, #tpu.memory_space<vmem>>, vector<1x16xf32>,
        %get3A_553 = vector.shape_cast %get3A_552 : vector<1x16xf32> to vector<16xf32>
        %add3A_554 = arith.addf %get3A_549, %get3A_553 : vector<16xf32>
        %swap3A_555 = arith.index_cast %scan3A_43 : i32 to index
        %swap3A_556 = arith.constant 576 : index
        %swap3A_557 = tpu.vector_load %arg5[%swap3A_555, %swap3A_556] {strides = array<i32>} : memref<32x1024xf32, #tpu.memory_space<vmem>>, vector<1x16xf32>,
        %swap3A_558 = vector.shape_cast %swap3A_557 : vector<1x16xf32> to vector<16xf32>
        %swap3A_559 = vector.shape_cast %add3A_554 : vector<16xf32> to vector<1x16xf32>
        tpu.vector_store %arg5[%swap3A_555, %swap3A_556], %swap3A_559 {strides = array<i32>} : memref<32x1024xf32, #tpu.memory_space<vmem>>, vector<1x16xf32>,
        %get3A_560 = arith.index_cast %scan3A_43 : i32 to index
        %get3A_561 = arith.constant 592 : index
        %get3A_562 = tpu.vector_load %arg5[%get3A_560, %get3A_561] {strides = array<i32>} : memref<32x1024xf32, #tpu.memory_space<vmem>>, vector<1x16xf32>,
        %get3A_563 = vector.shape_cast %get3A_562 : vector<1x16xf32> to vector<16xf32>
        %get3A_564 = arith.index_cast %scan3A_43 : i32 to index
        %get3A_565 = arith.constant 592 : index
        %get3A_566 = tpu.vector_load %arg6[%get3A_564, %get3A_565] {strides = array<i32>} : memref<32x1024xf32, #tpu.memory_space<vmem>>, vector<1x16xf32>,
        %get3A_567 = vector.shape_cast %get3A_566 : vector<1x16xf32> to vector<16xf32>
        %add3A_568 = arith.addf %get3A_563, %get3A_567 : vector<16xf32>
        %swap3A_569 = arith.index_cast %scan3A_43 : i32 to index
        %swap3A_570 = arith.constant 592 : index
        %swap3A_571 = tpu.vector_load %arg5[%swap3A_569, %swap3A_570] {strides = array<i32>} : memref<32x1024xf32, #tpu.memory_space<vmem>>, vector<1x16xf32>,
        %swap3A_572 = vector.shape_cast %swap3A_571 : vector<1x16xf32> to vector<16xf32>
        %swap3A_573 = vector.shape_cast %add3A_568 : vector<16xf32> to vector<1x16xf32>
        tpu.vector_store %arg5[%swap3A_569, %swap3A_570], %swap3A_573 {strides = array<i32>} : memref<32x1024xf32, #tpu.memory_space<vmem>>, vector<1x16xf32>,
        %get3A_574 = arith.index_cast %scan3A_43 : i32 to index
        %get3A_575 = arith.constant 608 : index
        %get3A_576 = tpu.vector_load %arg5[%get3A_574, %get3A_575] {strides = array<i32>} : memref<32x1024xf32, #tpu.memory_space<vmem>>, vector<1x16xf32>,
        %get3A_577 = vector.shape_cast %get3A_576 : vector<1x16xf32> to vector<16xf32>
        %get3A_578 = arith.index_cast %scan3A_43 : i32 to index
        %get3A_579 = arith.constant 608 : index
        %get3A_580 = tpu.vector_load %arg6[%get3A_578, %get3A_579] {strides = array<i32>} : memref<32x1024xf32, #tpu.memory_space<vmem>>, vector<1x16xf32>,
        %get3A_581 = vector.shape_cast %get3A_580 : vector<1x16xf32> to vector<16xf32>
        %add3A_582 = arith.addf %get3A_577, %get3A_581 : vector<16xf32>
        %swap3A_583 = arith.index_cast %scan3A_43 : i32 to index
        %swap3A_584 = arith.constant 608 : index
        %swap3A_585 = tpu.vector_load %arg5[%swap3A_583, %swap3A_584] {strides = array<i32>} : memref<32x1024xf32, #tpu.memory_space<vmem>>, vector<1x16xf32>,
        %swap3A_586 = vector.shape_cast %swap3A_585 : vector<1x16xf32> to vector<16xf32>
        %swap3A_587 = vector.shape_cast %add3A_582 : vector<16xf32> to vector<1x16xf32>
        tpu.vector_store %arg5[%swap3A_583, %swap3A_584], %swap3A_587 {strides = array<i32>} : memref<32x1024xf32, #tpu.memory_space<vmem>>, vector<1x16xf32>,
        %get3A_588 = arith.index_cast %scan3A_43 : i32 to index
        %get3A_589 = arith.constant 624 : index
        %get3A_590 = tpu.vector_load %arg5[%get3A_588, %get3A_589] {strides = array<i32>} : memref<32x1024xf32, #tpu.memory_space<vmem>>, vector<1x16xf32>,
        %get3A_591 = vector.shape_cast %get3A_590 : vector<1x16xf32> to vector<16xf32>
        %get3A_592 = arith.index_cast %scan3A_43 : i32 to index
        %get3A_593 = arith.constant 624 : index
        %get3A_594 = tpu.vector_load %arg6[%get3A_592, %get3A_593] {strides = array<i32>} : memref<32x1024xf32, #tpu.memory_space<vmem>>, vector<1x16xf32>,
        %get3A_595 = vector.shape_cast %get3A_594 : vector<1x16xf32> to vector<16xf32>
        %add3A_596 = arith.addf %get3A_591, %get3A_595 : vector<16xf32>
        %swap3A_597 = arith.index_cast %scan3A_43 : i32 to index
        %swap3A_598 = arith.constant 624 : index
        %swap3A_599 = tpu.vector_load %arg5[%swap3A_597, %swap3A_598] {strides = array<i32>} : memref<32x1024xf32, #tpu.memory_space<vmem>>, vector<1x16xf32>,
        %swap3A_600 = vector.shape_cast %swap3A_599 : vector<1x16xf32> to vector<16xf32>
        %swap3A_601 = vector.shape_cast %add3A_596 : vector<16xf32> to vector<1x16xf32>
        tpu.vector_store %arg5[%swap3A_597, %swap3A_598], %swap3A_601 {strides = array<i32>} : memref<32x1024xf32, #tpu.memory_space<vmem>>, vector<1x16xf32>,
        %get3A_602 = arith.index_cast %scan3A_43 : i32 to index
        %get3A_603 = arith.constant 640 : index
        %get3A_604 = tpu.vector_load %arg5[%get3A_602, %get3A_603] {strides = array<i32>} : memref<32x1024xf32, #tpu.memory_space<vmem>>, vector<1x16xf32>,
        %get3A_605 = vector.shape_cast %get3A_604 : vector<1x16xf32> to vector<16xf32>
        %get3A_606 = arith.index_cast %scan3A_43 : i32 to index
        %get3A_607 = arith.constant 640 : index
        %get3A_608 = tpu.vector_load %arg6[%get3A_606, %get3A_607] {strides = array<i32>} : memref<32x1024xf32, #tpu.memory_space<vmem>>, vector<1x16xf32>,
        %get3A_609 = vector.shape_cast %get3A_608 : vector<1x16xf32> to vector<16xf32>
        %add3A_610 = arith.addf %get3A_605, %get3A_609 : vector<16xf32>
        %swap3A_611 = arith.index_cast %scan3A_43 : i32 to index
        %swap3A_612 = arith.constant 640 : index
        %swap3A_613 = tpu.vector_load %arg5[%swap3A_611, %swap3A_612] {strides = array<i32>} : memref<32x1024xf32, #tpu.memory_space<vmem>>, vector<1x16xf32>,
        %swap3A_614 = vector.shape_cast %swap3A_613 : vector<1x16xf32> to vector<16xf32>
        %swap3A_615 = vector.shape_cast %add3A_610 : vector<16xf32> to vector<1x16xf32>
        tpu.vector_store %arg5[%swap3A_611, %swap3A_612], %swap3A_615 {strides = array<i32>} : memref<32x1024xf32, #tpu.memory_space<vmem>>, vector<1x16xf32>,
        %get3A_616 = arith.index_cast %scan3A_43 : i32 to index
        %get3A_617 = arith.constant 656 : index
        %get3A_618 = tpu.vector_load %arg5[%get3A_616, %get3A_617] {strides = array<i32>} : memref<32x1024xf32, #tpu.memory_space<vmem>>, vector<1x16xf32>,
        %get3A_619 = vector.shape_cast %get3A_618 : vector<1x16xf32> to vector<16xf32>
        %get3A_620 = arith.index_cast %scan3A_43 : i32 to index
        %get3A_621 = arith.constant 656 : index
        %get3A_622 = tpu.vector_load %arg6[%get3A_620, %get3A_621] {strides = array<i32>} : memref<32x1024xf32, #tpu.memory_space<vmem>>, vector<1x16xf32>,
        %get3A_623 = vector.shape_cast %get3A_622 : vector<1x16xf32> to vector<16xf32>
        %add3A_624 = arith.addf %get3A_619, %get3A_623 : vector<16xf32>
        %swap3A_625 = arith.index_cast %scan3A_43 : i32 to index
        %swap3A_626 = arith.constant 656 : index
        %swap3A_627 = tpu.vector_load %arg5[%swap3A_625, %swap3A_626] {strides = array<i32>} : memref<32x1024xf32, #tpu.memory_space<vmem>>, vector<1x16xf32>,
        %swap3A_628 = vector.shape_cast %swap3A_627 : vector<1x16xf32> to vector<16xf32>
        %swap3A_629 = vector.shape_cast %add3A_624 : vector<16xf32> to vector<1x16xf32>
        tpu.vector_store %arg5[%swap3A_625, %swap3A_626], %swap3A_629 {strides = array<i32>} : memref<32x1024xf32, #tpu.memory_space<vmem>>, vector<1x16xf32>,
        %get3A_630 = arith.index_cast %scan3A_43 : i32 to index
        %get3A_631 = arith.constant 672 : index
        %get3A_632 = tpu.vector_load %arg5[%get3A_630, %get3A_631] {strides = array<i32>} : memref<32x1024xf32, #tpu.memory_space<vmem>>, vector<1x16xf32>,
        %get3A_633 = vector.shape_cast %get3A_632 : vector<1x16xf32> to vector<16xf32>
        %get3A_634 = arith.index_cast %scan3A_43 : i32 to index
        %get3A_635 = arith.constant 672 : index
        %get3A_636 = tpu.vector_load %arg6[%get3A_634, %get3A_635] {strides = array<i32>} : memref<32x1024xf32, #tpu.memory_space<vmem>>, vector<1x16xf32>,
        %get3A_637 = vector.shape_cast %get3A_636 : vector<1x16xf32> to vector<16xf32>
        %add3A_638 = arith.addf %get3A_633, %get3A_637 : vector<16xf32>
        %swap3A_639 = arith.index_cast %scan3A_43 : i32 to index
        %swap3A_640 = arith.constant 672 : index
        %swap3A_641 = tpu.vector_load %arg5[%swap3A_639, %swap3A_640] {strides = array<i32>} : memref<32x1024xf32, #tpu.memory_space<vmem>>, vector<1x16xf32>,
        %swap3A_642 = vector.shape_cast %swap3A_641 : vector<1x16xf32> to vector<16xf32>
        %swap3A_643 = vector.shape_cast %add3A_638 : vector<16xf32> to vector<1x16xf32>
        tpu.vector_store %arg5[%swap3A_639, %swap3A_640], %swap3A_643 {strides = array<i32>} : memref<32x1024xf32, #tpu.memory_space<vmem>>, vector<1x16xf32>,
        %get3A_644 = arith.index_cast %scan3A_43 : i32 to index
        %get3A_645 = arith.constant 688 : index
        %get3A_646 = tpu.vector_load %arg5[%get3A_644, %get3A_645] {strides = array<i32>} : memref<32x1024xf32, #tpu.memory_space<vmem>>, vector<1x16xf32>,
        %get3A_647 = vector.shape_cast %get3A_646 : vector<1x16xf32> to vector<16xf32>
        %get3A_648 = arith.index_cast %scan3A_43 : i32 to index
        %get3A_649 = arith.constant 688 : index
        %get3A_650 = tpu.vector_load %arg6[%get3A_648, %get3A_649] {strides = array<i32>} : memref<32x1024xf32, #tpu.memory_space<vmem>>, vector<1x16xf32>,
        %get3A_651 = vector.shape_cast %get3A_650 : vector<1x16xf32> to vector<16xf32>
        %add3A_652 = arith.addf %get3A_647, %get3A_651 : vector<16xf32>
        %swap3A_653 = arith.index_cast %scan3A_43 : i32 to index
        %swap3A_654 = arith.constant 688 : index
        %swap3A_655 = tpu.vector_load %arg5[%swap3A_653, %swap3A_654] {strides = array<i32>} : memref<32x1024xf32, #tpu.memory_space<vmem>>, vector<1x16xf32>,
        %swap3A_656 = vector.shape_cast %swap3A_655 : vector<1x16xf32> to vector<16xf32>
        %swap3A_657 = vector.shape_cast %add3A_652 : vector<16xf32> to vector<1x16xf32>
        tpu.vector_store %arg5[%swap3A_653, %swap3A_654], %swap3A_657 {strides = array<i32>} : memref<32x1024xf32, #tpu.memory_space<vmem>>, vector<1x16xf32>,
        %get3A_658 = arith.index_cast %scan3A_43 : i32 to index
        %get3A_659 = arith.constant 704 : index
        %get3A_660 = tpu.vector_load %arg5[%get3A_658, %get3A_659] {strides = array<i32>} : memref<32x1024xf32, #tpu.memory_space<vmem>>, vector<1x16xf32>,
        %get3A_661 = vector.shape_cast %get3A_660 : vector<1x16xf32> to vector<16xf32>
        %get3A_662 = arith.index_cast %scan3A_43 : i32 to index
        %get3A_663 = arith.constant 704 : index
        %get3A_664 = tpu.vector_load %arg6[%get3A_662, %get3A_663] {strides = array<i32>} : memref<32x1024xf32, #tpu.memory_space<vmem>>, vector<1x16xf32>,
        %get3A_665 = vector.shape_cast %get3A_664 : vector<1x16xf32> to vector<16xf32>
        %add3A_666 = arith.addf %get3A_661, %get3A_665 : vector<16xf32>
        %swap3A_667 = arith.index_cast %scan3A_43 : i32 to index
        %swap3A_668 = arith.constant 704 : index
        %swap3A_669 = tpu.vector_load %arg5[%swap3A_667, %swap3A_668] {strides = array<i32>} : memref<32x1024xf32, #tpu.memory_space<vmem>>, vector<1x16xf32>,
        %swap3A_670 = vector.shape_cast %swap3A_669 : vector<1x16xf32> to vector<16xf32>
        %swap3A_671 = vector.shape_cast %add3A_666 : vector<16xf32> to vector<1x16xf32>
        tpu.vector_store %arg5[%swap3A_667, %swap3A_668], %swap3A_671 {strides = array<i32>} : memref<32x1024xf32, #tpu.memory_space<vmem>>, vector<1x16xf32>,
        %get3A_672 = arith.index_cast %scan3A_43 : i32 to index
        %get3A_673 = arith.constant 720 : index
        %get3A_674 = tpu.vector_load %arg5[%get3A_672, %get3A_673] {strides = array<i32>} : memref<32x1024xf32, #tpu.memory_space<vmem>>, vector<1x16xf32>,
        %get3A_675 = vector.shape_cast %get3A_674 : vector<1x16xf32> to vector<16xf32>
        %get3A_676 = arith.index_cast %scan3A_43 : i32 to index
        %get3A_677 = arith.constant 720 : index
        %get3A_678 = tpu.vector_load %arg6[%get3A_676, %get3A_677] {strides = array<i32>} : memref<32x1024xf32, #tpu.memory_space<vmem>>, vector<1x16xf32>,
        %get3A_679 = vector.shape_cast %get3A_678 : vector<1x16xf32> to vector<16xf32>
        %add3A_680 = arith.addf %get3A_675, %get3A_679 : vector<16xf32>
        %swap3A_681 = arith.index_cast %scan3A_43 : i32 to index
        %swap3A_682 = arith.constant 720 : index
        %swap3A_683 = tpu.vector_load %arg5[%swap3A_681, %swap3A_682] {strides = array<i32>} : memref<32x1024xf32, #tpu.memory_space<vmem>>, vector<1x16xf32>,
        %swap3A_684 = vector.shape_cast %swap3A_683 : vector<1x16xf32> to vector<16xf32>
        %swap3A_685 = vector.shape_cast %add3A_680 : vector<16xf32> to vector<1x16xf32>
        tpu.vector_store %arg5[%swap3A_681, %swap3A_682], %swap3A_685 {strides = array<i32>} : memref<32x1024xf32, #tpu.memory_space<vmem>>, vector<1x16xf32>,
        %get3A_686 = arith.index_cast %scan3A_43 : i32 to index
        %get3A_687 = arith.constant 736 : index
        %get3A_688 = tpu.vector_load %arg5[%get3A_686, %get3A_687] {strides = array<i32>} : memref<32x1024xf32, #tpu.memory_space<vmem>>, vector<1x16xf32>,
        %get3A_689 = vector.shape_cast %get3A_688 : vector<1x16xf32> to vector<16xf32>
        %get3A_690 = arith.index_cast %scan3A_43 : i32 to index
        %get3A_691 = arith.constant 736 : index
        %get3A_692 = tpu.vector_load %arg6[%get3A_690, %get3A_691] {strides = array<i32>} : memref<32x1024xf32, #tpu.memory_space<vmem>>, vector<1x16xf32>,
        %get3A_693 = vector.shape_cast %get3A_692 : vector<1x16xf32> to vector<16xf32>
        %add3A_694 = arith.addf %get3A_689, %get3A_693 : vector<16xf32>
        %swap3A_695 = arith.index_cast %scan3A_43 : i32 to index
        %swap3A_696 = arith.constant 736 : index
        %swap3A_697 = tpu.vector_load %arg5[%swap3A_695, %swap3A_696] {strides = array<i32>} : memref<32x1024xf32, #tpu.memory_space<vmem>>, vector<1x16xf32>,
        %swap3A_698 = vector.shape_cast %swap3A_697 : vector<1x16xf32> to vector<16xf32>
        %swap3A_699 = vector.shape_cast %add3A_694 : vector<16xf32> to vector<1x16xf32>
        tpu.vector_store %arg5[%swap3A_695, %swap3A_696], %swap3A_699 {strides = array<i32>} : memref<32x1024xf32, #tpu.memory_space<vmem>>, vector<1x16xf32>,
        %get3A_700 = arith.index_cast %scan3A_43 : i32 to index
        %get3A_701 = arith.constant 752 : index
        %get3A_702 = tpu.vector_load %arg5[%get3A_700, %get3A_701] {strides = array<i32>} : memref<32x1024xf32, #tpu.memory_space<vmem>>, vector<1x16xf32>,
        %get3A_703 = vector.shape_cast %get3A_702 : vector<1x16xf32> to vector<16xf32>
        %get3A_704 = arith.index_cast %scan3A_43 : i32 to index
        %get3A_705 = arith.constant 752 : index
        %get3A_706 = tpu.vector_load %arg6[%get3A_704, %get3A_705] {strides = array<i32>} : memref<32x1024xf32, #tpu.memory_space<vmem>>, vector<1x16xf32>,
        %get3A_707 = vector.shape_cast %get3A_706 : vector<1x16xf32> to vector<16xf32>
        %add3A_708 = arith.addf %get3A_703, %get3A_707 : vector<16xf32>
        %swap3A_709 = arith.index_cast %scan3A_43 : i32 to index
        %swap3A_710 = arith.constant 752 : index
        %swap3A_711 = tpu.vector_load %arg5[%swap3A_709, %swap3A_710] {strides = array<i32>} : memref<32x1024xf32, #tpu.memory_space<vmem>>, vector<1x16xf32>,
        %swap3A_712 = vector.shape_cast %swap3A_711 : vector<1x16xf32> to vector<16xf32>
        %swap3A_713 = vector.shape_cast %add3A_708 : vector<16xf32> to vector<1x16xf32>
        tpu.vector_store %arg5[%swap3A_709, %swap3A_710], %swap3A_713 {strides = array<i32>} : memref<32x1024xf32, #tpu.memory_space<vmem>>, vector<1x16xf32>,
        %get3A_714 = arith.index_cast %scan3A_43 : i32 to index
        %get3A_715 = arith.constant 768 : index
        %get3A_716 = tpu.vector_load %arg5[%get3A_714, %get3A_715] {strides = array<i32>} : memref<32x1024xf32, #tpu.memory_space<vmem>>, vector<1x16xf32>,
        %get3A_717 = vector.shape_cast %get3A_716 : vector<1x16xf32> to vector<16xf32>
        %get3A_718 = arith.index_cast %scan3A_43 : i32 to index
        %get3A_719 = arith.constant 768 : index
        %get3A_720 = tpu.vector_load %arg6[%get3A_718, %get3A_719] {strides = array<i32>} : memref<32x1024xf32, #tpu.memory_space<vmem>>, vector<1x16xf32>,
        %get3A_721 = vector.shape_cast %get3A_720 : vector<1x16xf32> to vector<16xf32>
        %add3A_722 = arith.addf %get3A_717, %get3A_721 : vector<16xf32>
        %swap3A_723 = arith.index_cast %scan3A_43 : i32 to index
        %swap3A_724 = arith.constant 768 : index
        %swap3A_725 = tpu.vector_load %arg5[%swap3A_723, %swap3A_724] {strides = array<i32>} : memref<32x1024xf32, #tpu.memory_space<vmem>>, vector<1x16xf32>,
        %swap3A_726 = vector.shape_cast %swap3A_725 : vector<1x16xf32> to vector<16xf32>
        %swap3A_727 = vector.shape_cast %add3A_722 : vector<16xf32> to vector<1x16xf32>
        tpu.vector_store %arg5[%swap3A_723, %swap3A_724], %swap3A_727 {strides = array<i32>} : memref<32x1024xf32, #tpu.memory_space<vmem>>, vector<1x16xf32>,
        %get3A_728 = arith.index_cast %scan3A_43 : i32 to index
        %get3A_729 = arith.constant 784 : index
        %get3A_730 = tpu.vector_load %arg5[%get3A_728, %get3A_729] {strides = array<i32>} : memref<32x1024xf32, #tpu.memory_space<vmem>>, vector<1x16xf32>,
        %get3A_731 = vector.shape_cast %get3A_730 : vector<1x16xf32> to vector<16xf32>
        %get3A_732 = arith.index_cast %scan3A_43 : i32 to index
        %get3A_733 = arith.constant 784 : index
        %get3A_734 = tpu.vector_load %arg6[%get3A_732, %get3A_733] {strides = array<i32>} : memref<32x1024xf32, #tpu.memory_space<vmem>>, vector<1x16xf32>,
        %get3A_735 = vector.shape_cast %get3A_734 : vector<1x16xf32> to vector<16xf32>
        %add3A_736 = arith.addf %get3A_731, %get3A_735 : vector<16xf32>
        %swap3A_737 = arith.index_cast %scan3A_43 : i32 to index
        %swap3A_738 = arith.constant 784 : index
        %swap3A_739 = tpu.vector_load %arg5[%swap3A_737, %swap3A_738] {strides = array<i32>} : memref<32x1024xf32, #tpu.memory_space<vmem>>, vector<1x16xf32>,
        %swap3A_740 = vector.shape_cast %swap3A_739 : vector<1x16xf32> to vector<16xf32>
        %swap3A_741 = vector.shape_cast %add3A_736 : vector<16xf32> to vector<1x16xf32>
        tpu.vector_store %arg5[%swap3A_737, %swap3A_738], %swap3A_741 {strides = array<i32>} : memref<32x1024xf32, #tpu.memory_space<vmem>>, vector<1x16xf32>,
        %get3A_742 = arith.index_cast %scan3A_43 : i32 to index
        %get3A_743 = arith.constant 800 : index
        %get3A_744 = tpu.vector_load %arg5[%get3A_742, %get3A_743] {strides = array<i32>} : memref<32x1024xf32, #tpu.memory_space<vmem>>, vector<1x16xf32>,
        %get3A_745 = vector.shape_cast %get3A_744 : vector<1x16xf32> to vector<16xf32>
        %get3A_746 = arith.index_cast %scan3A_43 : i32 to index
        %get3A_747 = arith.constant 800 : index
        %get3A_748 = tpu.vector_load %arg6[%get3A_746, %get3A_747] {strides = array<i32>} : memref<32x1024xf32, #tpu.memory_space<vmem>>, vector<1x16xf32>,
        %get3A_749 = vector.shape_cast %get3A_748 : vector<1x16xf32> to vector<16xf32>
        %add3A_750 = arith.addf %get3A_745, %get3A_749 : vector<16xf32>
        %swap3A_751 = arith.index_cast %scan3A_43 : i32 to index
        %swap3A_752 = arith.constant 800 : index
        %swap3A_753 = tpu.vector_load %arg5[%swap3A_751, %swap3A_752] {strides = array<i32>} : memref<32x1024xf32, #tpu.memory_space<vmem>>, vector<1x16xf32>,
        %swap3A_754 = vector.shape_cast %swap3A_753 : vector<1x16xf32> to vector<16xf32>
        %swap3A_755 = vector.shape_cast %add3A_750 : vector<16xf32> to vector<1x16xf32>
        tpu.vector_store %arg5[%swap3A_751, %swap3A_752], %swap3A_755 {strides = array<i32>} : memref<32x1024xf32, #tpu.memory_space<vmem>>, vector<1x16xf32>,
        %get3A_756 = arith.index_cast %scan3A_43 : i32 to index
        %get3A_757 = arith.constant 816 : index
        %get3A_758 = tpu.vector_load %arg5[%get3A_756, %get3A_757] {strides = array<i32>} : memref<32x1024xf32, #tpu.memory_space<vmem>>, vector<1x16xf32>,
        %get3A_759 = vector.shape_cast %get3A_758 : vector<1x16xf32> to vector<16xf32>
        %get3A_760 = arith.index_cast %scan3A_43 : i32 to index
        %get3A_761 = arith.constant 816 : index
        %get3A_762 = tpu.vector_load %arg6[%get3A_760, %get3A_761] {strides = array<i32>} : memref<32x1024xf32, #tpu.memory_space<vmem>>, vector<1x16xf32>,
        %get3A_763 = vector.shape_cast %get3A_762 : vector<1x16xf32> to vector<16xf32>
        %add3A_764 = arith.addf %get3A_759, %get3A_763 : vector<16xf32>
        %swap3A_765 = arith.index_cast %scan3A_43 : i32 to index
        %swap3A_766 = arith.constant 816 : index
        %swap3A_767 = tpu.vector_load %arg5[%swap3A_765, %swap3A_766] {strides = array<i32>} : memref<32x1024xf32, #tpu.memory_space<vmem>>, vector<1x16xf32>,
        %swap3A_768 = vector.shape_cast %swap3A_767 : vector<1x16xf32> to vector<16xf32>
        %swap3A_769 = vector.shape_cast %add3A_764 : vector<16xf32> to vector<1x16xf32>
        tpu.vector_store %arg5[%swap3A_765, %swap3A_766], %swap3A_769 {strides = array<i32>} : memref<32x1024xf32, #tpu.memory_space<vmem>>, vector<1x16xf32>,
        %get3A_770 = arith.index_cast %scan3A_43 : i32 to index
        %get3A_771 = arith.constant 832 : index
        %get3A_772 = tpu.vector_load %arg5[%get3A_770, %get3A_771] {strides = array<i32>} : memref<32x1024xf32, #tpu.memory_space<vmem>>, vector<1x16xf32>,
        %get3A_773 = vector.shape_cast %get3A_772 : vector<1x16xf32> to vector<16xf32>
        %get3A_774 = arith.index_cast %scan3A_43 : i32 to index
        %get3A_775 = arith.constant 832 : index
        %get3A_776 = tpu.vector_load %arg6[%get3A_774, %get3A_775] {strides = array<i32>} : memref<32x1024xf32, #tpu.memory_space<vmem>>, vector<1x16xf32>,
        %get3A_777 = vector.shape_cast %get3A_776 : vector<1x16xf32> to vector<16xf32>
        %add3A_778 = arith.addf %get3A_773, %get3A_777 : vector<16xf32>
        %swap3A_779 = arith.index_cast %scan3A_43 : i32 to index
        %swap3A_780 = arith.constant 832 : index
        %swap3A_781 = tpu.vector_load %arg5[%swap3A_779, %swap3A_780] {strides = array<i32>} : memref<32x1024xf32, #tpu.memory_space<vmem>>, vector<1x16xf32>,
        %swap3A_782 = vector.shape_cast %swap3A_781 : vector<1x16xf32> to vector<16xf32>
        %swap3A_783 = vector.shape_cast %add3A_778 : vector<16xf32> to vector<1x16xf32>
        tpu.vector_store %arg5[%swap3A_779, %swap3A_780], %swap3A_783 {strides = array<i32>} : memref<32x1024xf32, #tpu.memory_space<vmem>>, vector<1x16xf32>,
        %get3A_784 = arith.index_cast %scan3A_43 : i32 to index
        %get3A_785 = arith.constant 848 : index
        %get3A_786 = tpu.vector_load %arg5[%get3A_784, %get3A_785] {strides = array<i32>} : memref<32x1024xf32, #tpu.memory_space<vmem>>, vector<1x16xf32>,
        %get3A_787 = vector.shape_cast %get3A_786 : vector<1x16xf32> to vector<16xf32>
        %get3A_788 = arith.index_cast %scan3A_43 : i32 to index
        %get3A_789 = arith.constant 848 : index
        %get3A_790 = tpu.vector_load %arg6[%get3A_788, %get3A_789] {strides = array<i32>} : memref<32x1024xf32, #tpu.memory_space<vmem>>, vector<1x16xf32>,
        %get3A_791 = vector.shape_cast %get3A_790 : vector<1x16xf32> to vector<16xf32>
        %add3A_792 = arith.addf %get3A_787, %get3A_791 : vector<16xf32>
        %swap3A_793 = arith.index_cast %scan3A_43 : i32 to index
        %swap3A_794 = arith.constant 848 : index
        %swap3A_795 = tpu.vector_load %arg5[%swap3A_793, %swap3A_794] {strides = array<i32>} : memref<32x1024xf32, #tpu.memory_space<vmem>>, vector<1x16xf32>,
        %swap3A_796 = vector.shape_cast %swap3A_795 : vector<1x16xf32> to vector<16xf32>
        %swap3A_797 = vector.shape_cast %add3A_792 : vector<16xf32> to vector<1x16xf32>
        tpu.vector_store %arg5[%swap3A_793, %swap3A_794], %swap3A_797 {strides = array<i32>} : memref<32x1024xf32, #tpu.memory_space<vmem>>, vector<1x16xf32>,
        %get3A_798 = arith.index_cast %scan3A_43 : i32 to index
        %get3A_799 = arith.constant 864 : index
        %get3A_800 = tpu.vector_load %arg5[%get3A_798, %get3A_799] {strides = array<i32>} : memref<32x1024xf32, #tpu.memory_space<vmem>>, vector<1x16xf32>,
        %get3A_801 = vector.shape_cast %get3A_800 : vector<1x16xf32> to vector<16xf32>
        %get3A_802 = arith.index_cast %scan3A_43 : i32 to index
        %get3A_803 = arith.constant 864 : index
        %get3A_804 = tpu.vector_load %arg6[%get3A_802, %get3A_803] {strides = array<i32>} : memref<32x1024xf32, #tpu.memory_space<vmem>>, vector<1x16xf32>,
        %get3A_805 = vector.shape_cast %get3A_804 : vector<1x16xf32> to vector<16xf32>
        %add3A_806 = arith.addf %get3A_801, %get3A_805 : vector<16xf32>
        %swap3A_807 = arith.index_cast %scan3A_43 : i32 to index
        %swap3A_808 = arith.constant 864 : index
        %swap3A_809 = tpu.vector_load %arg5[%swap3A_807, %swap3A_808] {strides = array<i32>} : memref<32x1024xf32, #tpu.memory_space<vmem>>, vector<1x16xf32>,
        %swap3A_810 = vector.shape_cast %swap3A_809 : vector<1x16xf32> to vector<16xf32>
        %swap3A_811 = vector.shape_cast %add3A_806 : vector<16xf32> to vector<1x16xf32>
        tpu.vector_store %arg5[%swap3A_807, %swap3A_808], %swap3A_811 {strides = array<i32>} : memref<32x1024xf32, #tpu.memory_space<vmem>>, vector<1x16xf32>,
        %get3A_812 = arith.index_cast %scan3A_43 : i32 to index
        %get3A_813 = arith.constant 880 : index
        %get3A_814 = tpu.vector_load %arg5[%get3A_812, %get3A_813] {strides = array<i32>} : memref<32x1024xf32, #tpu.memory_space<vmem>>, vector<1x16xf32>,
        %get3A_815 = vector.shape_cast %get3A_814 : vector<1x16xf32> to vector<16xf32>
        %get3A_816 = arith.index_cast %scan3A_43 : i32 to index
        %get3A_817 = arith.constant 880 : index
        %get3A_818 = tpu.vector_load %arg6[%get3A_816, %get3A_817] {strides = array<i32>} : memref<32x1024xf32, #tpu.memory_space<vmem>>, vector<1x16xf32>,
        %get3A_819 = vector.shape_cast %get3A_818 : vector<1x16xf32> to vector<16xf32>
        %add3A_820 = arith.addf %get3A_815, %get3A_819 : vector<16xf32>
        %swap3A_821 = arith.index_cast %scan3A_43 : i32 to index
        %swap3A_822 = arith.constant 880 : index
        %swap3A_823 = tpu.vector_load %arg5[%swap3A_821, %swap3A_822] {strides = array<i32>} : memref<32x1024xf32, #tpu.memory_space<vmem>>, vector<1x16xf32>,
        %swap3A_824 = vector.shape_cast %swap3A_823 : vector<1x16xf32> to vector<16xf32>
        %swap3A_825 = vector.shape_cast %add3A_820 : vector<16xf32> to vector<1x16xf32>
        tpu.vector_store %arg5[%swap3A_821, %swap3A_822], %swap3A_825 {strides = array<i32>} : memref<32x1024xf32, #tpu.memory_space<vmem>>, vector<1x16xf32>,
        %get3A_826 = arith.index_cast %scan3A_43 : i32 to index
        %get3A_827 = arith.constant 896 : index
        %get3A_828 = tpu.vector_load %arg5[%get3A_826, %get3A_827] {strides = array<i32>} : memref<32x1024xf32, #tpu.memory_space<vmem>>, vector<1x16xf32>,
        %get3A_829 = vector.shape_cast %get3A_828 : vector<1x16xf32> to vector<16xf32>
        %get3A_830 = arith.index_cast %scan3A_43 : i32 to index
        %get3A_831 = arith.constant 896 : index
        %get3A_832 = tpu.vector_load %arg6[%get3A_830, %get3A_831] {strides = array<i32>} : memref<32x1024xf32, #tpu.memory_space<vmem>>, vector<1x16xf32>,
        %get3A_833 = vector.shape_cast %get3A_832 : vector<1x16xf32> to vector<16xf32>
        %add3A_834 = arith.addf %get3A_829, %get3A_833 : vector<16xf32>
        %swap3A_835 = arith.index_cast %scan3A_43 : i32 to index
        %swap3A_836 = arith.constant 896 : index
        %swap3A_837 = tpu.vector_load %arg5[%swap3A_835, %swap3A_836] {strides = array<i32>} : memref<32x1024xf32, #tpu.memory_space<vmem>>, vector<1x16xf32>,
        %swap3A_838 = vector.shape_cast %swap3A_837 : vector<1x16xf32> to vector<16xf32>
        %swap3A_839 = vector.shape_cast %add3A_834 : vector<16xf32> to vector<1x16xf32>
        tpu.vector_store %arg5[%swap3A_835, %swap3A_836], %swap3A_839 {strides = array<i32>} : memref<32x1024xf32, #tpu.memory_space<vmem>>, vector<1x16xf32>,
        %get3A_840 = arith.index_cast %scan3A_43 : i32 to index
        %get3A_841 = arith.constant 912 : index
        %get3A_842 = tpu.vector_load %arg5[%get3A_840, %get3A_841] {strides = array<i32>} : memref<32x1024xf32, #tpu.memory_space<vmem>>, vector<1x16xf32>,
        %get3A_843 = vector.shape_cast %get3A_842 : vector<1x16xf32> to vector<16xf32>
        %get3A_844 = arith.index_cast %scan3A_43 : i32 to index
        %get3A_845 = arith.constant 912 : index
        %get3A_846 = tpu.vector_load %arg6[%get3A_844, %get3A_845] {strides = array<i32>} : memref<32x1024xf32, #tpu.memory_space<vmem>>, vector<1x16xf32>,
        %get3A_847 = vector.shape_cast %get3A_846 : vector<1x16xf32> to vector<16xf32>
        %add3A_848 = arith.addf %get3A_843, %get3A_847 : vector<16xf32>
        %swap3A_849 = arith.index_cast %scan3A_43 : i32 to index
        %swap3A_850 = arith.constant 912 : index
        %swap3A_851 = tpu.vector_load %arg5[%swap3A_849, %swap3A_850] {strides = array<i32>} : memref<32x1024xf32, #tpu.memory_space<vmem>>, vector<1x16xf32>,
        %swap3A_852 = vector.shape_cast %swap3A_851 : vector<1x16xf32> to vector<16xf32>
        %swap3A_853 = vector.shape_cast %add3A_848 : vector<16xf32> to vector<1x16xf32>
        tpu.vector_store %arg5[%swap3A_849, %swap3A_850], %swap3A_853 {strides = array<i32>} : memref<32x1024xf32, #tpu.memory_space<vmem>>, vector<1x16xf32>,
        %get3A_854 = arith.index_cast %scan3A_43 : i32 to index
        %get3A_855 = arith.constant 928 : index
        %get3A_856 = tpu.vector_load %arg5[%get3A_854, %get3A_855] {strides = array<i32>} : memref<32x1024xf32, #tpu.memory_space<vmem>>, vector<1x16xf32>,
        %get3A_857 = vector.shape_cast %get3A_856 : vector<1x16xf32> to vector<16xf32>
        %get3A_858 = arith.index_cast %scan3A_43 : i32 to index
        %get3A_859 = arith.constant 928 : index
        %get3A_860 = tpu.vector_load %arg6[%get3A_858, %get3A_859] {strides = array<i32>} : memref<32x1024xf32, #tpu.memory_space<vmem>>, vector<1x16xf32>,
        %get3A_861 = vector.shape_cast %get3A_860 : vector<1x16xf32> to vector<16xf32>
        %add3A_862 = arith.addf %get3A_857, %get3A_861 : vector<16xf32>
        %swap3A_863 = arith.index_cast %scan3A_43 : i32 to index
        %swap3A_864 = arith.constant 928 : index
        %swap3A_865 = tpu.vector_load %arg5[%swap3A_863, %swap3A_864] {strides = array<i32>} : memref<32x1024xf32, #tpu.memory_space<vmem>>, vector<1x16xf32>,
        %swap3A_866 = vector.shape_cast %swap3A_865 : vector<1x16xf32> to vector<16xf32>
        %swap3A_867 = vector.shape_cast %add3A_862 : vector<16xf32> to vector<1x16xf32>
        tpu.vector_store %arg5[%swap3A_863, %swap3A_864], %swap3A_867 {strides = array<i32>} : memref<32x1024xf32, #tpu.memory_space<vmem>>, vector<1x16xf32>,
        %get3A_868 = arith.index_cast %scan3A_43 : i32 to index
        %get3A_869 = arith.constant 944 : index
        %get3A_870 = tpu.vector_load %arg5[%get3A_868, %get3A_869] {strides = array<i32>} : memref<32x1024xf32, #tpu.memory_space<vmem>>, vector<1x16xf32>,
        %get3A_871 = vector.shape_cast %get3A_870 : vector<1x16xf32> to vector<16xf32>
        %get3A_872 = arith.index_cast %scan3A_43 : i32 to index
        %get3A_873 = arith.constant 944 : index
        %get3A_874 = tpu.vector_load %arg6[%get3A_872, %get3A_873] {strides = array<i32>} : memref<32x1024xf32, #tpu.memory_space<vmem>>, vector<1x16xf32>,
        %get3A_875 = vector.shape_cast %get3A_874 : vector<1x16xf32> to vector<16xf32>
        %add3A_876 = arith.addf %get3A_871, %get3A_875 : vector<16xf32>
        %swap3A_877 = arith.index_cast %scan3A_43 : i32 to index
        %swap3A_878 = arith.constant 944 : index
        %swap3A_879 = tpu.vector_load %arg5[%swap3A_877, %swap3A_878] {strides = array<i32>} : memref<32x1024xf32, #tpu.memory_space<vmem>>, vector<1x16xf32>,
        %swap3A_880 = vector.shape_cast %swap3A_879 : vector<1x16xf32> to vector<16xf32>
        %swap3A_881 = vector.shape_cast %add3A_876 : vector<16xf32> to vector<1x16xf32>
        tpu.vector_store %arg5[%swap3A_877, %swap3A_878], %swap3A_881 {strides = array<i32>} : memref<32x1024xf32, #tpu.memory_space<vmem>>, vector<1x16xf32>,
        %get3A_882 = arith.index_cast %scan3A_43 : i32 to index
        %get3A_883 = arith.constant 960 : index
        %get3A_884 = tpu.vector_load %arg5[%get3A_882, %get3A_883] {strides = array<i32>} : memref<32x1024xf32, #tpu.memory_space<vmem>>, vector<1x16xf32>,
        %get3A_885 = vector.shape_cast %get3A_884 : vector<1x16xf32> to vector<16xf32>
        %get3A_886 = arith.index_cast %scan3A_43 : i32 to index
        %get3A_887 = arith.constant 960 : index
        %get3A_888 = tpu.vector_load %arg6[%get3A_886, %get3A_887] {strides = array<i32>} : memref<32x1024xf32, #tpu.memory_space<vmem>>, vector<1x16xf32>,
        %get3A_889 = vector.shape_cast %get3A_888 : vector<1x16xf32> to vector<16xf32>
        %add3A_890 = arith.addf %get3A_885, %get3A_889 : vector<16xf32>
        %swap3A_891 = arith.index_cast %scan3A_43 : i32 to index
        %swap3A_892 = arith.constant 960 : index
        %swap3A_893 = tpu.vector_load %arg5[%swap3A_891, %swap3A_892] {strides = array<i32>} : memref<32x1024xf32, #tpu.memory_space<vmem>>, vector<1x16xf32>,
        %swap3A_894 = vector.shape_cast %swap3A_893 : vector<1x16xf32> to vector<16xf32>
        %swap3A_895 = vector.shape_cast %add3A_890 : vector<16xf32> to vector<1x16xf32>
        tpu.vector_store %arg5[%swap3A_891, %swap3A_892], %swap3A_895 {strides = array<i32>} : memref<32x1024xf32, #tpu.memory_space<vmem>>, vector<1x16xf32>,
        %get3A_896 = arith.index_cast %scan3A_43 : i32 to index
        %get3A_897 = arith.constant 976 : index
        %get3A_898 = tpu.vector_load %arg5[%get3A_896, %get3A_897] {strides = array<i32>} : memref<32x1024xf32, #tpu.memory_space<vmem>>, vector<1x16xf32>,
        %get3A_899 = vector.shape_cast %get3A_898 : vector<1x16xf32> to vector<16xf32>
        %get3A_900 = arith.index_cast %scan3A_43 : i32 to index
        %get3A_901 = arith.constant 976 : index
        %get3A_902 = tpu.vector_load %arg6[%get3A_900, %get3A_901] {strides = array<i32>} : memref<32x1024xf32, #tpu.memory_space<vmem>>, vector<1x16xf32>,
        %get3A_903 = vector.shape_cast %get3A_902 : vector<1x16xf32> to vector<16xf32>
        %add3A_904 = arith.addf %get3A_899, %get3A_903 : vector<16xf32>
        %swap3A_905 = arith.index_cast %scan3A_43 : i32 to index
        %swap3A_906 = arith.constant 976 : index
        %swap3A_907 = tpu.vector_load %arg5[%swap3A_905, %swap3A_906] {strides = array<i32>} : memref<32x1024xf32, #tpu.memory_space<vmem>>, vector<1x16xf32>,
        %swap3A_908 = vector.shape_cast %swap3A_907 : vector<1x16xf32> to vector<16xf32>
        %swap3A_909 = vector.shape_cast %add3A_904 : vector<16xf32> to vector<1x16xf32>
        tpu.vector_store %arg5[%swap3A_905, %swap3A_906], %swap3A_909 {strides = array<i32>} : memref<32x1024xf32, #tpu.memory_space<vmem>>, vector<1x16xf32>,
        %get3A_910 = arith.index_cast %scan3A_43 : i32 to index
        %get3A_911 = arith.constant 992 : index
        %get3A_912 = tpu.vector_load %arg5[%get3A_910, %get3A_911] {strides = array<i32>} : memref<32x1024xf32, #tpu.memory_space<vmem>>, vector<1x16xf32>,
        %get3A_913 = vector.shape_cast %get3A_912 : vector<1x16xf32> to vector<16xf32>
        %get3A_914 = arith.index_cast %scan3A_43 : i32 to index
        %get3A_915 = arith.constant 992 : index
        %get3A_916 = tpu.vector_load %arg6[%get3A_914, %get3A_915] {strides = array<i32>} : memref<32x1024xf32, #tpu.memory_space<vmem>>, vector<1x16xf32>,
        %get3A_917 = vector.shape_cast %get3A_916 : vector<1x16xf32> to vector<16xf32>
        %add3A_918 = arith.addf %get3A_913, %get3A_917 : vector<16xf32>
        %swap3A_919 = arith.index_cast %scan3A_43 : i32 to index
        %swap3A_920 = arith.constant 992 : index
        %swap3A_921 = tpu.vector_load %arg5[%swap3A_919, %swap3A_920] {strides = array<i32>} : memref<32x1024xf32, #tpu.memory_space<vmem>>, vector<1x16xf32>,
        %swap3A_922 = vector.shape_cast %swap3A_921 : vector<1x16xf32> to vector<16xf32>
        %swap3A_923 = vector.shape_cast %add3A_918 : vector<16xf32> to vector<1x16xf32>
        tpu.vector_store %arg5[%swap3A_919, %swap3A_920], %swap3A_923 {strides = array<i32>} : memref<32x1024xf32, #tpu.memory_space<vmem>>, vector<1x16xf32>,
        %get3A_924 = arith.index_cast %scan3A_43 : i32 to index
        %get3A_925 = arith.constant 1008 : index
        %get3A_926 = tpu.vector_load %arg5[%get3A_924, %get3A_925] {strides = array<i32>} : memref<32x1024xf32, #tpu.memory_space<vmem>>, vector<1x16xf32>,
        %get3A_927 = vector.shape_cast %get3A_926 : vector<1x16xf32> to vector<16xf32>
        %get3A_928 = arith.index_cast %scan3A_43 : i32 to index
        %get3A_929 = arith.constant 1008 : index
        %get3A_930 = tpu.vector_load %arg6[%get3A_928, %get3A_929] {strides = array<i32>} : memref<32x1024xf32, #tpu.memory_space<vmem>>, vector<1x16xf32>,
        %get3A_931 = vector.shape_cast %get3A_930 : vector<1x16xf32> to vector<16xf32>
        %add3A_932 = arith.addf %get3A_927, %get3A_931 : vector<16xf32>
        %swap3A_933 = arith.index_cast %scan3A_43 : i32 to index
        %swap3A_934 = arith.constant 1008 : index
        %swap3A_935 = tpu.vector_load %arg5[%swap3A_933, %swap3A_934] {strides = array<i32>} : memref<32x1024xf32, #tpu.memory_space<vmem>>, vector<1x16xf32>,
        %swap3A_936 = vector.shape_cast %swap3A_935 : vector<1x16xf32> to vector<16xf32>
        %swap3A_937 = vector.shape_cast %add3A_932 : vector<16xf32> to vector<1x16xf32>
        tpu.vector_store %arg5[%swap3A_933, %swap3A_934], %swap3A_937 {strides = array<i32>} : memref<32x1024xf32, #tpu.memory_space<vmem>>, vector<1x16xf32>,
      }
      %scan3A_33 = arith.constant 32 : i32
      %run_scoped3A_34 = arith.constant 2 : i32
      "tpu.region"() ({
        %run_scoped3A_43 = tpu.sem_alloc : memref<!tpu.dma_semaphore, #tpu.memory_space<semaphore_mem>>
        %dma_start3A = arith.constant 0 : i32
        %dma_start3A_44 = tpu.memref_slice %arg4[%run_scoped3A_34, %add3A_11, %dma_start3A] : memref<4x8192x1024xf32, #tpu.memory_space<hbm>> -> memref<1x32x1024xf32, #tpu.memory_space<hbm>>
        %dma_start3A_45 = tpu.memref_squeeze %dma_start3A_44 : memref<1x32x1024xf32, #tpu.memory_space<hbm>> -> memref<32x1024xf32, #tpu.memory_space<hbm>>
        %dma_start3A_46 = arith.constant 0 : i32
        %dma_start3A_47 = tpu.memref_slice %arg4[%run_scoped3A_34, %add3A_11, %dma_start3A_46] : memref<4x8192x1024xf32, #tpu.memory_space<hbm>> -> memref<1x32x1024xf32, #tpu.memory_space<hbm>>
        %dma_start3A_48 = tpu.memref_squeeze %dma_start3A_47 : memref<1x32x1024xf32, #tpu.memory_space<hbm>> -> memref<32x1024xf32, #tpu.memory_space<hbm>>
        tpu.enqueue_dma source(%arg5 : memref<32x1024xf32, #tpu.memory_space<vmem>>) target(%dma_start3A_48 : memref<32x1024xf32, #tpu.memory_space<hbm>>) target_semaphore(%run_scoped3A_43 : memref<!tpu.dma_semaphore, #tpu.memory_space<semaphore_mem>>)
        %dma_wait3A = arith.constant 0 : i32
        %dma_wait3A_49 = tpu.memref_slice %arg4[%run_scoped3A_34, %add3A_11, %dma_wait3A] : memref<4x8192x1024xf32, #tpu.memory_space<hbm>> -> memref<1x32x1024xf32, #tpu.memory_space<hbm>>
        %dma_wait3A_50 = tpu.memref_squeeze %dma_wait3A_49 : memref<1x32x1024xf32, #tpu.memory_space<hbm>> -> memref<32x1024xf32, #tpu.memory_space<hbm>>
        %dma_wait3A_51 = arith.constant 0 : i32
        %dma_wait3A_52 = tpu.memref_slice %arg4[%run_scoped3A_34, %add3A_11, %dma_wait3A_51] : memref<4x8192x1024xf32, #tpu.memory_space<hbm>> -> memref<1x32x1024xf32, #tpu.memory_space<hbm>>
        %dma_wait3A_53 = tpu.memref_squeeze %dma_wait3A_52 : memref<1x32x1024xf32, #tpu.memory_space<hbm>> -> memref<32x1024xf32, #tpu.memory_space<hbm>>
        tpu.wait_dma2 semaphore(%run_scoped3A_43 : memref<!tpu.dma_semaphore, #tpu.memory_space<semaphore_mem>>) src(%arg5 : memref<32x1024xf32, #tpu.memory_space<vmem>>) dst(%dma_wait3A_53 : memref<32x1024xf32, #tpu.memory_space<hbm>>)
        tpu.yield
      }) : () -> ()
      %run_scoped3A_35 = arith.constant 3 : i32
      "tpu.region"() ({
        %run_scoped3A_43 = tpu.sem_alloc : memref<!tpu.dma_semaphore, #tpu.memory_space<semaphore_mem>>
        %dma_start3A = arith.constant 0 : i32
        %dma_start3A_44 = tpu.memref_slice %arg2[%run_scoped3A_35, %add3A_11, %dma_start3A] : memref<4x8192x1024xf32, #tpu.memory_space<hbm>> -> memref<1x32x1024xf32, #tpu.memory_space<hbm>>
        %dma_start3A_45 = tpu.memref_squeeze %dma_start3A_44 : memref<1x32x1024xf32, #tpu.memory_space<hbm>> -> memref<32x1024xf32, #tpu.memory_space<hbm>>
        %dma_start3A_46 = arith.constant 0 : i32
        %dma_start3A_47 = tpu.memref_slice %arg2[%run_scoped3A_35, %add3A_11, %dma_start3A_46] : memref<4x8192x1024xf32, #tpu.memory_space<hbm>> -> memref<1x32x1024xf32, #tpu.memory_space<hbm>>
        %dma_start3A_48 = tpu.memref_squeeze %dma_start3A_47 : memref<1x32x1024xf32, #tpu.memory_space<hbm>> -> memref<32x1024xf32, #tpu.memory_space<hbm>>
        tpu.enqueue_dma source(%dma_start3A_48 : memref<32x1024xf32, #tpu.memory_space<hbm>>) target(%arg5 : memref<32x1024xf32, #tpu.memory_space<vmem>>) target_semaphore(%run_scoped3A_43 : memref<!tpu.dma_semaphore, #tpu.memory_space<semaphore_mem>>)
        %dma_wait3A = arith.constant 0 : i32
        %dma_wait3A_49 = tpu.memref_slice %arg2[%run_scoped3A_35, %add3A_11, %dma_wait3A] : memref<4x8192x1024xf32, #tpu.memory_space<hbm>> -> memref<1x32x1024xf32, #tpu.memory_space<hbm>>
        %dma_wait3A_50 = tpu.memref_squeeze %dma_wait3A_49 : memref<1x32x1024xf32, #tpu.memory_space<hbm>> -> memref<32x1024xf32, #tpu.memory_space<hbm>>
        %dma_wait3A_51 = arith.constant 0 : i32
        %dma_wait3A_52 = tpu.memref_slice %arg2[%run_scoped3A_35, %add3A_11, %dma_wait3A_51] : memref<4x8192x1024xf32, #tpu.memory_space<hbm>> -> memref<1x32x1024xf32, #tpu.memory_space<hbm>>
        %dma_wait3A_53 = tpu.memref_squeeze %dma_wait3A_52 : memref<1x32x1024xf32, #tpu.memory_space<hbm>> -> memref<32x1024xf32, #tpu.memory_space<hbm>>
        tpu.wait_dma2 semaphore(%run_scoped3A_43 : memref<!tpu.dma_semaphore, #tpu.memory_space<semaphore_mem>>) src(%dma_wait3A_53 : memref<32x1024xf32, #tpu.memory_space<hbm>>) dst(%arg5 : memref<32x1024xf32, #tpu.memory_space<vmem>>)
        tpu.yield
      }) : () -> ()
      %scan3A_36 = arith.constant 0 : i32
      %scan3A_37 = arith.constant 0 : i32
      %scan3A_38 = arith.constant 32 : i32
      %scan3A_39 = arith.addi %scan3A_37, %scan3A_38 : i32
      %scan3A_40 = arith.constant 1 : i32
      scf.for %scan3A_43 = %scan3A_37 to %scan3A_39 step %scan3A_40  : i32 {
        %get3A = arith.index_cast %scan3A_43 : i32 to index
        %get3A_44 = arith.constant 0 : index
        %get3A_45 = tpu.vector_load %arg5[%get3A, %get3A_44] {strides = array<i32>} : memref<32x1024xf32, #tpu.memory_space<vmem>>, vector<1x16xf32>,
        %get3A_46 = vector.shape_cast %get3A_45 : vector<1x16xf32> to vector<16xf32>
        %get3A_47 = arith.index_cast %scan3A_43 : i32 to index
        %get3A_48 = arith.constant 0 : index
        %get3A_49 = tpu.vector_load %arg6[%get3A_47, %get3A_48] {strides = array<i32>} : memref<32x1024xf32, #tpu.memory_space<vmem>>, vector<1x16xf32>,
        %get3A_50 = vector.shape_cast %get3A_49 : vector<1x16xf32> to vector<16xf32>
        %add3A_51 = arith.addf %get3A_46, %get3A_50 : vector<16xf32>
        %swap3A = arith.index_cast %scan3A_43 : i32 to index
        %swap3A_52 = arith.constant 0 : index
        %swap3A_53 = tpu.vector_load %arg5[%swap3A, %swap3A_52] {strides = array<i32>} : memref<32x1024xf32, #tpu.memory_space<vmem>>, vector<1x16xf32>,
        %swap3A_54 = vector.shape_cast %swap3A_53 : vector<1x16xf32> to vector<16xf32>
        %swap3A_55 = vector.shape_cast %add3A_51 : vector<16xf32> to vector<1x16xf32>
        tpu.vector_store %arg5[%swap3A, %swap3A_52], %swap3A_55 {strides = array<i32>} : memref<32x1024xf32, #tpu.memory_space<vmem>>, vector<1x16xf32>,
        %get3A_56 = arith.index_cast %scan3A_43 : i32 to index
        %get3A_57 = arith.constant 16 : index
        %get3A_58 = tpu.vector_load %arg5[%get3A_56, %get3A_57] {strides = array<i32>} : memref<32x1024xf32, #tpu.memory_space<vmem>>, vector<1x16xf32>,
        %get3A_59 = vector.shape_cast %get3A_58 : vector<1x16xf32> to vector<16xf32>
        %get3A_60 = arith.index_cast %scan3A_43 : i32 to index
        %get3A_61 = arith.constant 16 : index
        %get3A_62 = tpu.vector_load %arg6[%get3A_60, %get3A_61] {strides = array<i32>} : memref<32x1024xf32, #tpu.memory_space<vmem>>, vector<1x16xf32>,
        %get3A_63 = vector.shape_cast %get3A_62 : vector<1x16xf32> to vector<16xf32>
        %add3A_64 = arith.addf %get3A_59, %get3A_63 : vector<16xf32>
        %swap3A_65 = arith.index_cast %scan3A_43 : i32 to index
        %swap3A_66 = arith.constant 16 : index
        %swap3A_67 = tpu.vector_load %arg5[%swap3A_65, %swap3A_66] {strides = array<i32>} : memref<32x1024xf32, #tpu.memory_space<vmem>>, vector<1x16xf32>,
        %swap3A_68 = vector.shape_cast %swap3A_67 : vector<1x16xf32> to vector<16xf32>
        %swap3A_69 = vector.shape_cast %add3A_64 : vector<16xf32> to vector<1x16xf32>
        tpu.vector_store %arg5[%swap3A_65, %swap3A_66], %swap3A_69 {strides = array<i32>} : memref<32x1024xf32, #tpu.memory_space<vmem>>, vector<1x16xf32>,
        %get3A_70 = arith.index_cast %scan3A_43 : i32 to index
        %get3A_71 = arith.constant 32 : index
        %get3A_72 = tpu.vector_load %arg5[%get3A_70, %get3A_71] {strides = array<i32>} : memref<32x1024xf32, #tpu.memory_space<vmem>>, vector<1x16xf32>,
        %get3A_73 = vector.shape_cast %get3A_72 : vector<1x16xf32> to vector<16xf32>
        %get3A_74 = arith.index_cast %scan3A_43 : i32 to index
        %get3A_75 = arith.constant 32 : index
        %get3A_76 = tpu.vector_load %arg6[%get3A_74, %get3A_75] {strides = array<i32>} : memref<32x1024xf32, #tpu.memory_space<vmem>>, vector<1x16xf32>,
        %get3A_77 = vector.shape_cast %get3A_76 : vector<1x16xf32> to vector<16xf32>
        %add3A_78 = arith.addf %get3A_73, %get3A_77 : vector<16xf32>
        %swap3A_79 = arith.index_cast %scan3A_43 : i32 to index
        %swap3A_80 = arith.constant 32 : index
        %swap3A_81 = tpu.vector_load %arg5[%swap3A_79, %swap3A_80] {strides = array<i32>} : memref<32x1024xf32, #tpu.memory_space<vmem>>, vector<1x16xf32>,
        %swap3A_82 = vector.shape_cast %swap3A_81 : vector<1x16xf32> to vector<16xf32>
        %swap3A_83 = vector.shape_cast %add3A_78 : vector<16xf32> to vector<1x16xf32>
        tpu.vector_store %arg5[%swap3A_79, %swap3A_80], %swap3A_83 {strides = array<i32>} : memref<32x1024xf32, #tpu.memory_space<vmem>>, vector<1x16xf32>,
        %get3A_84 = arith.index_cast %scan3A_43 : i32 to index
        %get3A_85 = arith.constant 48 : index
        %get3A_86 = tpu.vector_load %arg5[%get3A_84, %get3A_85] {strides = array<i32>} : memref<32x1024xf32, #tpu.memory_space<vmem>>, vector<1x16xf32>,
        %get3A_87 = vector.shape_cast %get3A_86 : vector<1x16xf32> to vector<16xf32>
        %get3A_88 = arith.index_cast %scan3A_43 : i32 to index
        %get3A_89 = arith.constant 48 : index
        %get3A_90 = tpu.vector_load %arg6[%get3A_88, %get3A_89] {strides = array<i32>} : memref<32x1024xf32, #tpu.memory_space<vmem>>, vector<1x16xf32>,
        %get3A_91 = vector.shape_cast %get3A_90 : vector<1x16xf32> to vector<16xf32>
        %add3A_92 = arith.addf %get3A_87, %get3A_91 : vector<16xf32>
        %swap3A_93 = arith.index_cast %scan3A_43 : i32 to index
        %swap3A_94 = arith.constant 48 : index
        %swap3A_95 = tpu.vector_load %arg5[%swap3A_93, %swap3A_94] {strides = array<i32>} : memref<32x1024xf32, #tpu.memory_space<vmem>>, vector<1x16xf32>,
        %swap3A_96 = vector.shape_cast %swap3A_95 : vector<1x16xf32> to vector<16xf32>
        %swap3A_97 = vector.shape_cast %add3A_92 : vector<16xf32> to vector<1x16xf32>
        tpu.vector_store %arg5[%swap3A_93, %swap3A_94], %swap3A_97 {strides = array<i32>} : memref<32x1024xf32, #tpu.memory_space<vmem>>, vector<1x16xf32>,
        %get3A_98 = arith.index_cast %scan3A_43 : i32 to index
        %get3A_99 = arith.constant 64 : index
        %get3A_100 = tpu.vector_load %arg5[%get3A_98, %get3A_99] {strides = array<i32>} : memref<32x1024xf32, #tpu.memory_space<vmem>>, vector<1x16xf32>,
        %get3A_101 = vector.shape_cast %get3A_100 : vector<1x16xf32> to vector<16xf32>
        %get3A_102 = arith.index_cast %scan3A_43 : i32 to index
        %get3A_103 = arith.constant 64 : index
        %get3A_104 = tpu.vector_load %arg6[%get3A_102, %get3A_103] {strides = array<i32>} : memref<32x1024xf32, #tpu.memory_space<vmem>>, vector<1x16xf32>,
        %get3A_105 = vector.shape_cast %get3A_104 : vector<1x16xf32> to vector<16xf32>
        %add3A_106 = arith.addf %get3A_101, %get3A_105 : vector<16xf32>
        %swap3A_107 = arith.index_cast %scan3A_43 : i32 to index
        %swap3A_108 = arith.constant 64 : index
        %swap3A_109 = tpu.vector_load %arg5[%swap3A_107, %swap3A_108] {strides = array<i32>} : memref<32x1024xf32, #tpu.memory_space<vmem>>, vector<1x16xf32>,
        %swap3A_110 = vector.shape_cast %swap3A_109 : vector<1x16xf32> to vector<16xf32>
        %swap3A_111 = vector.shape_cast %add3A_106 : vector<16xf32> to vector<1x16xf32>
        tpu.vector_store %arg5[%swap3A_107, %swap3A_108], %swap3A_111 {strides = array<i32>} : memref<32x1024xf32, #tpu.memory_space<vmem>>, vector<1x16xf32>,
        %get3A_112 = arith.index_cast %scan3A_43 : i32 to index
        %get3A_113 = arith.constant 80 : index
        %get3A_114 = tpu.vector_load %arg5[%get3A_112, %get3A_113] {strides = array<i32>} : memref<32x1024xf32, #tpu.memory_space<vmem>>, vector<1x16xf32>,
        %get3A_115 = vector.shape_cast %get3A_114 : vector<1x16xf32> to vector<16xf32>
        %get3A_116 = arith.index_cast %scan3A_43 : i32 to index
        %get3A_117 = arith.constant 80 : index
        %get3A_118 = tpu.vector_load %arg6[%get3A_116, %get3A_117] {strides = array<i32>} : memref<32x1024xf32, #tpu.memory_space<vmem>>, vector<1x16xf32>,
        %get3A_119 = vector.shape_cast %get3A_118 : vector<1x16xf32> to vector<16xf32>
        %add3A_120 = arith.addf %get3A_115, %get3A_119 : vector<16xf32>
        %swap3A_121 = arith.index_cast %scan3A_43 : i32 to index
        %swap3A_122 = arith.constant 80 : index
        %swap3A_123 = tpu.vector_load %arg5[%swap3A_121, %swap3A_122] {strides = array<i32>} : memref<32x1024xf32, #tpu.memory_space<vmem>>, vector<1x16xf32>,
        %swap3A_124 = vector.shape_cast %swap3A_123 : vector<1x16xf32> to vector<16xf32>
        %swap3A_125 = vector.shape_cast %add3A_120 : vector<16xf32> to vector<1x16xf32>
        tpu.vector_store %arg5[%swap3A_121, %swap3A_122], %swap3A_125 {strides = array<i32>} : memref<32x1024xf32, #tpu.memory_space<vmem>>, vector<1x16xf32>,
        %get3A_126 = arith.index_cast %scan3A_43 : i32 to index
        %get3A_127 = arith.constant 96 : index
        %get3A_128 = tpu.vector_load %arg5[%get3A_126, %get3A_127] {strides = array<i32>} : memref<32x1024xf32, #tpu.memory_space<vmem>>, vector<1x16xf32>,
        %get3A_129 = vector.shape_cast %get3A_128 : vector<1x16xf32> to vector<16xf32>
        %get3A_130 = arith.index_cast %scan3A_43 : i32 to index
        %get3A_131 = arith.constant 96 : index
        %get3A_132 = tpu.vector_load %arg6[%get3A_130, %get3A_131] {strides = array<i32>} : memref<32x1024xf32, #tpu.memory_space<vmem>>, vector<1x16xf32>,
        %get3A_133 = vector.shape_cast %get3A_132 : vector<1x16xf32> to vector<16xf32>
        %add3A_134 = arith.addf %get3A_129, %get3A_133 : vector<16xf32>
        %swap3A_135 = arith.index_cast %scan3A_43 : i32 to index
        %swap3A_136 = arith.constant 96 : index
        %swap3A_137 = tpu.vector_load %arg5[%swap3A_135, %swap3A_136] {strides = array<i32>} : memref<32x1024xf32, #tpu.memory_space<vmem>>, vector<1x16xf32>,
        %swap3A_138 = vector.shape_cast %swap3A_137 : vector<1x16xf32> to vector<16xf32>
        %swap3A_139 = vector.shape_cast %add3A_134 : vector<16xf32> to vector<1x16xf32>
        tpu.vector_store %arg5[%swap3A_135, %swap3A_136], %swap3A_139 {strides = array<i32>} : memref<32x1024xf32, #tpu.memory_space<vmem>>, vector<1x16xf32>,
        %get3A_140 = arith.index_cast %scan3A_43 : i32 to index
        %get3A_141 = arith.constant 112 : index
        %get3A_142 = tpu.vector_load %arg5[%get3A_140, %get3A_141] {strides = array<i32>} : memref<32x1024xf32, #tpu.memory_space<vmem>>, vector<1x16xf32>,
        %get3A_143 = vector.shape_cast %get3A_142 : vector<1x16xf32> to vector<16xf32>
        %get3A_144 = arith.index_cast %scan3A_43 : i32 to index
        %get3A_145 = arith.constant 112 : index
        %get3A_146 = tpu.vector_load %arg6[%get3A_144, %get3A_145] {strides = array<i32>} : memref<32x1024xf32, #tpu.memory_space<vmem>>, vector<1x16xf32>,
        %get3A_147 = vector.shape_cast %get3A_146 : vector<1x16xf32> to vector<16xf32>
        %add3A_148 = arith.addf %get3A_143, %get3A_147 : vector<16xf32>
        %swap3A_149 = arith.index_cast %scan3A_43 : i32 to index
        %swap3A_150 = arith.constant 112 : index
        %swap3A_151 = tpu.vector_load %arg5[%swap3A_149, %swap3A_150] {strides = array<i32>} : memref<32x1024xf32, #tpu.memory_space<vmem>>, vector<1x16xf32>,
        %swap3A_152 = vector.shape_cast %swap3A_151 : vector<1x16xf32> to vector<16xf32>
        %swap3A_153 = vector.shape_cast %add3A_148 : vector<16xf32> to vector<1x16xf32>
        tpu.vector_store %arg5[%swap3A_149, %swap3A_150], %swap3A_153 {strides = array<i32>} : memref<32x1024xf32, #tpu.memory_space<vmem>>, vector<1x16xf32>,
        %get3A_154 = arith.index_cast %scan3A_43 : i32 to index
        %get3A_155 = arith.constant 128 : index
        %get3A_156 = tpu.vector_load %arg5[%get3A_154, %get3A_155] {strides = array<i32>} : memref<32x1024xf32, #tpu.memory_space<vmem>>, vector<1x16xf32>,
        %get3A_157 = vector.shape_cast %get3A_156 : vector<1x16xf32> to vector<16xf32>
        %get3A_158 = arith.index_cast %scan3A_43 : i32 to index
        %get3A_159 = arith.constant 128 : index
        %get3A_160 = tpu.vector_load %arg6[%get3A_158, %get3A_159] {strides = array<i32>} : memref<32x1024xf32, #tpu.memory_space<vmem>>, vector<1x16xf32>,
        %get3A_161 = vector.shape_cast %get3A_160 : vector<1x16xf32> to vector<16xf32>
        %add3A_162 = arith.addf %get3A_157, %get3A_161 : vector<16xf32>
        %swap3A_163 = arith.index_cast %scan3A_43 : i32 to index
        %swap3A_164 = arith.constant 128 : index
        %swap3A_165 = tpu.vector_load %arg5[%swap3A_163, %swap3A_164] {strides = array<i32>} : memref<32x1024xf32, #tpu.memory_space<vmem>>, vector<1x16xf32>,
        %swap3A_166 = vector.shape_cast %swap3A_165 : vector<1x16xf32> to vector<16xf32>
        %swap3A_167 = vector.shape_cast %add3A_162 : vector<16xf32> to vector<1x16xf32>
        tpu.vector_store %arg5[%swap3A_163, %swap3A_164], %swap3A_167 {strides = array<i32>} : memref<32x1024xf32, #tpu.memory_space<vmem>>, vector<1x16xf32>,
        %get3A_168 = arith.index_cast %scan3A_43 : i32 to index
        %get3A_169 = arith.constant 144 : index
        %get3A_170 = tpu.vector_load %arg5[%get3A_168, %get3A_169] {strides = array<i32>} : memref<32x1024xf32, #tpu.memory_space<vmem>>, vector<1x16xf32>,
        %get3A_171 = vector.shape_cast %get3A_170 : vector<1x16xf32> to vector<16xf32>
        %get3A_172 = arith.index_cast %scan3A_43 : i32 to index
        %get3A_173 = arith.constant 144 : index
        %get3A_174 = tpu.vector_load %arg6[%get3A_172, %get3A_173] {strides = array<i32>} : memref<32x1024xf32, #tpu.memory_space<vmem>>, vector<1x16xf32>,
        %get3A_175 = vector.shape_cast %get3A_174 : vector<1x16xf32> to vector<16xf32>
        %add3A_176 = arith.addf %get3A_171, %get3A_175 : vector<16xf32>
        %swap3A_177 = arith.index_cast %scan3A_43 : i32 to index
        %swap3A_178 = arith.constant 144 : index
        %swap3A_179 = tpu.vector_load %arg5[%swap3A_177, %swap3A_178] {strides = array<i32>} : memref<32x1024xf32, #tpu.memory_space<vmem>>, vector<1x16xf32>,
        %swap3A_180 = vector.shape_cast %swap3A_179 : vector<1x16xf32> to vector<16xf32>
        %swap3A_181 = vector.shape_cast %add3A_176 : vector<16xf32> to vector<1x16xf32>
        tpu.vector_store %arg5[%swap3A_177, %swap3A_178], %swap3A_181 {strides = array<i32>} : memref<32x1024xf32, #tpu.memory_space<vmem>>, vector<1x16xf32>,
        %get3A_182 = arith.index_cast %scan3A_43 : i32 to index
        %get3A_183 = arith.constant 160 : index
        %get3A_184 = tpu.vector_load %arg5[%get3A_182, %get3A_183] {strides = array<i32>} : memref<32x1024xf32, #tpu.memory_space<vmem>>, vector<1x16xf32>,
        %get3A_185 = vector.shape_cast %get3A_184 : vector<1x16xf32> to vector<16xf32>
        %get3A_186 = arith.index_cast %scan3A_43 : i32 to index
        %get3A_187 = arith.constant 160 : index
        %get3A_188 = tpu.vector_load %arg6[%get3A_186, %get3A_187] {strides = array<i32>} : memref<32x1024xf32, #tpu.memory_space<vmem>>, vector<1x16xf32>,
        %get3A_189 = vector.shape_cast %get3A_188 : vector<1x16xf32> to vector<16xf32>
        %add3A_190 = arith.addf %get3A_185, %get3A_189 : vector<16xf32>
        %swap3A_191 = arith.index_cast %scan3A_43 : i32 to index
        %swap3A_192 = arith.constant 160 : index
        %swap3A_193 = tpu.vector_load %arg5[%swap3A_191, %swap3A_192] {strides = array<i32>} : memref<32x1024xf32, #tpu.memory_space<vmem>>, vector<1x16xf32>,
        %swap3A_194 = vector.shape_cast %swap3A_193 : vector<1x16xf32> to vector<16xf32>
        %swap3A_195 = vector.shape_cast %add3A_190 : vector<16xf32> to vector<1x16xf32>
        tpu.vector_store %arg5[%swap3A_191, %swap3A_192], %swap3A_195 {strides = array<i32>} : memref<32x1024xf32, #tpu.memory_space<vmem>>, vector<1x16xf32>,
        %get3A_196 = arith.index_cast %scan3A_43 : i32 to index
        %get3A_197 = arith.constant 176 : index
        %get3A_198 = tpu.vector_load %arg5[%get3A_196, %get3A_197] {strides = array<i32>} : memref<32x1024xf32, #tpu.memory_space<vmem>>, vector<1x16xf32>,
        %get3A_199 = vector.shape_cast %get3A_198 : vector<1x16xf32> to vector<16xf32>
        %get3A_200 = arith.index_cast %scan3A_43 : i32 to index
        %get3A_201 = arith.constant 176 : index
        %get3A_202 = tpu.vector_load %arg6[%get3A_200, %get3A_201] {strides = array<i32>} : memref<32x1024xf32, #tpu.memory_space<vmem>>, vector<1x16xf32>,
        %get3A_203 = vector.shape_cast %get3A_202 : vector<1x16xf32> to vector<16xf32>
        %add3A_204 = arith.addf %get3A_199, %get3A_203 : vector<16xf32>
        %swap3A_205 = arith.index_cast %scan3A_43 : i32 to index
        %swap3A_206 = arith.constant 176 : index
        %swap3A_207 = tpu.vector_load %arg5[%swap3A_205, %swap3A_206] {strides = array<i32>} : memref<32x1024xf32, #tpu.memory_space<vmem>>, vector<1x16xf32>,
        %swap3A_208 = vector.shape_cast %swap3A_207 : vector<1x16xf32> to vector<16xf32>
        %swap3A_209 = vector.shape_cast %add3A_204 : vector<16xf32> to vector<1x16xf32>
        tpu.vector_store %arg5[%swap3A_205, %swap3A_206], %swap3A_209 {strides = array<i32>} : memref<32x1024xf32, #tpu.memory_space<vmem>>, vector<1x16xf32>,
        %get3A_210 = arith.index_cast %scan3A_43 : i32 to index
        %get3A_211 = arith.constant 192 : index
        %get3A_212 = tpu.vector_load %arg5[%get3A_210, %get3A_211] {strides = array<i32>} : memref<32x1024xf32, #tpu.memory_space<vmem>>, vector<1x16xf32>,
        %get3A_213 = vector.shape_cast %get3A_212 : vector<1x16xf32> to vector<16xf32>
        %get3A_214 = arith.index_cast %scan3A_43 : i32 to index
        %get3A_215 = arith.constant 192 : index
        %get3A_216 = tpu.vector_load %arg6[%get3A_214, %get3A_215] {strides = array<i32>} : memref<32x1024xf32, #tpu.memory_space<vmem>>, vector<1x16xf32>,
        %get3A_217 = vector.shape_cast %get3A_216 : vector<1x16xf32> to vector<16xf32>
        %add3A_218 = arith.addf %get3A_213, %get3A_217 : vector<16xf32>
        %swap3A_219 = arith.index_cast %scan3A_43 : i32 to index
        %swap3A_220 = arith.constant 192 : index
        %swap3A_221 = tpu.vector_load %arg5[%swap3A_219, %swap3A_220] {strides = array<i32>} : memref<32x1024xf32, #tpu.memory_space<vmem>>, vector<1x16xf32>,
        %swap3A_222 = vector.shape_cast %swap3A_221 : vector<1x16xf32> to vector<16xf32>
        %swap3A_223 = vector.shape_cast %add3A_218 : vector<16xf32> to vector<1x16xf32>
        tpu.vector_store %arg5[%swap3A_219, %swap3A_220], %swap3A_223 {strides = array<i32>} : memref<32x1024xf32, #tpu.memory_space<vmem>>, vector<1x16xf32>,
        %get3A_224 = arith.index_cast %scan3A_43 : i32 to index
        %get3A_225 = arith.constant 208 : index
        %get3A_226 = tpu.vector_load %arg5[%get3A_224, %get3A_225] {strides = array<i32>} : memref<32x1024xf32, #tpu.memory_space<vmem>>, vector<1x16xf32>,
        %get3A_227 = vector.shape_cast %get3A_226 : vector<1x16xf32> to vector<16xf32>
        %get3A_228 = arith.index_cast %scan3A_43 : i32 to index
        %get3A_229 = arith.constant 208 : index
        %get3A_230 = tpu.vector_load %arg6[%get3A_228, %get3A_229] {strides = array<i32>} : memref<32x1024xf32, #tpu.memory_space<vmem>>, vector<1x16xf32>,
        %get3A_231 = vector.shape_cast %get3A_230 : vector<1x16xf32> to vector<16xf32>
        %add3A_232 = arith.addf %get3A_227, %get3A_231 : vector<16xf32>
        %swap3A_233 = arith.index_cast %scan3A_43 : i32 to index
        %swap3A_234 = arith.constant 208 : index
        %swap3A_235 = tpu.vector_load %arg5[%swap3A_233, %swap3A_234] {strides = array<i32>} : memref<32x1024xf32, #tpu.memory_space<vmem>>, vector<1x16xf32>,
        %swap3A_236 = vector.shape_cast %swap3A_235 : vector<1x16xf32> to vector<16xf32>
        %swap3A_237 = vector.shape_cast %add3A_232 : vector<16xf32> to vector<1x16xf32>
        tpu.vector_store %arg5[%swap3A_233, %swap3A_234], %swap3A_237 {strides = array<i32>} : memref<32x1024xf32, #tpu.memory_space<vmem>>, vector<1x16xf32>,
        %get3A_238 = arith.index_cast %scan3A_43 : i32 to index
        %get3A_239 = arith.constant 224 : index
        %get3A_240 = tpu.vector_load %arg5[%get3A_238, %get3A_239] {strides = array<i32>} : memref<32x1024xf32, #tpu.memory_space<vmem>>, vector<1x16xf32>,
        %get3A_241 = vector.shape_cast %get3A_240 : vector<1x16xf32> to vector<16xf32>
        %get3A_242 = arith.index_cast %scan3A_43 : i32 to index
        %get3A_243 = arith.constant 224 : index
        %get3A_244 = tpu.vector_load %arg6[%get3A_242, %get3A_243] {strides = array<i32>} : memref<32x1024xf32, #tpu.memory_space<vmem>>, vector<1x16xf32>,
        %get3A_245 = vector.shape_cast %get3A_244 : vector<1x16xf32> to vector<16xf32>
        %add3A_246 = arith.addf %get3A_241, %get3A_245 : vector<16xf32>
        %swap3A_247 = arith.index_cast %scan3A_43 : i32 to index
        %swap3A_248 = arith.constant 224 : index
        %swap3A_249 = tpu.vector_load %arg5[%swap3A_247, %swap3A_248] {strides = array<i32>} : memref<32x1024xf32, #tpu.memory_space<vmem>>, vector<1x16xf32>,
        %swap3A_250 = vector.shape_cast %swap3A_249 : vector<1x16xf32> to vector<16xf32>
        %swap3A_251 = vector.shape_cast %add3A_246 : vector<16xf32> to vector<1x16xf32>
        tpu.vector_store %arg5[%swap3A_247, %swap3A_248], %swap3A_251 {strides = array<i32>} : memref<32x1024xf32, #tpu.memory_space<vmem>>, vector<1x16xf32>,
        %get3A_252 = arith.index_cast %scan3A_43 : i32 to index
        %get3A_253 = arith.constant 240 : index
        %get3A_254 = tpu.vector_load %arg5[%get3A_252, %get3A_253] {strides = array<i32>} : memref<32x1024xf32, #tpu.memory_space<vmem>>, vector<1x16xf32>,
        %get3A_255 = vector.shape_cast %get3A_254 : vector<1x16xf32> to vector<16xf32>
        %get3A_256 = arith.index_cast %scan3A_43 : i32 to index
        %get3A_257 = arith.constant 240 : index
        %get3A_258 = tpu.vector_load %arg6[%get3A_256, %get3A_257] {strides = array<i32>} : memref<32x1024xf32, #tpu.memory_space<vmem>>, vector<1x16xf32>,
        %get3A_259 = vector.shape_cast %get3A_258 : vector<1x16xf32> to vector<16xf32>
        %add3A_260 = arith.addf %get3A_255, %get3A_259 : vector<16xf32>
        %swap3A_261 = arith.index_cast %scan3A_43 : i32 to index
        %swap3A_262 = arith.constant 240 : index
        %swap3A_263 = tpu.vector_load %arg5[%swap3A_261, %swap3A_262] {strides = array<i32>} : memref<32x1024xf32, #tpu.memory_space<vmem>>, vector<1x16xf32>,
        %swap3A_264 = vector.shape_cast %swap3A_263 : vector<1x16xf32> to vector<16xf32>
        %swap3A_265 = vector.shape_cast %add3A_260 : vector<16xf32> to vector<1x16xf32>
        tpu.vector_store %arg5[%swap3A_261, %swap3A_262], %swap3A_265 {strides = array<i32>} : memref<32x1024xf32, #tpu.memory_space<vmem>>, vector<1x16xf32>,
        %get3A_266 = arith.index_cast %scan3A_43 : i32 to index
        %get3A_267 = arith.constant 256 : index
        %get3A_268 = tpu.vector_load %arg5[%get3A_266, %get3A_267] {strides = array<i32>} : memref<32x1024xf32, #tpu.memory_space<vmem>>, vector<1x16xf32>,
        %get3A_269 = vector.shape_cast %get3A_268 : vector<1x16xf32> to vector<16xf32>
        %get3A_270 = arith.index_cast %scan3A_43 : i32 to index
        %get3A_271 = arith.constant 256 : index
        %get3A_272 = tpu.vector_load %arg6[%get3A_270, %get3A_271] {strides = array<i32>} : memref<32x1024xf32, #tpu.memory_space<vmem>>, vector<1x16xf32>,
        %get3A_273 = vector.shape_cast %get3A_272 : vector<1x16xf32> to vector<16xf32>
        %add3A_274 = arith.addf %get3A_269, %get3A_273 : vector<16xf32>
        %swap3A_275 = arith.index_cast %scan3A_43 : i32 to index
        %swap3A_276 = arith.constant 256 : index
        %swap3A_277 = tpu.vector_load %arg5[%swap3A_275, %swap3A_276] {strides = array<i32>} : memref<32x1024xf32, #tpu.memory_space<vmem>>, vector<1x16xf32>,
        %swap3A_278 = vector.shape_cast %swap3A_277 : vector<1x16xf32> to vector<16xf32>
        %swap3A_279 = vector.shape_cast %add3A_274 : vector<16xf32> to vector<1x16xf32>
        tpu.vector_store %arg5[%swap3A_275, %swap3A_276], %swap3A_279 {strides = array<i32>} : memref<32x1024xf32, #tpu.memory_space<vmem>>, vector<1x16xf32>,
        %get3A_280 = arith.index_cast %scan3A_43 : i32 to index
        %get3A_281 = arith.constant 272 : index
        %get3A_282 = tpu.vector_load %arg5[%get3A_280, %get3A_281] {strides = array<i32>} : memref<32x1024xf32, #tpu.memory_space<vmem>>, vector<1x16xf32>,
        %get3A_283 = vector.shape_cast %get3A_282 : vector<1x16xf32> to vector<16xf32>
        %get3A_284 = arith.index_cast %scan3A_43 : i32 to index
        %get3A_285 = arith.constant 272 : index
        %get3A_286 = tpu.vector_load %arg6[%get3A_284, %get3A_285] {strides = array<i32>} : memref<32x1024xf32, #tpu.memory_space<vmem>>, vector<1x16xf32>,
        %get3A_287 = vector.shape_cast %get3A_286 : vector<1x16xf32> to vector<16xf32>
        %add3A_288 = arith.addf %get3A_283, %get3A_287 : vector<16xf32>
        %swap3A_289 = arith.index_cast %scan3A_43 : i32 to index
        %swap3A_290 = arith.constant 272 : index
        %swap3A_291 = tpu.vector_load %arg5[%swap3A_289, %swap3A_290] {strides = array<i32>} : memref<32x1024xf32, #tpu.memory_space<vmem>>, vector<1x16xf32>,
        %swap3A_292 = vector.shape_cast %swap3A_291 : vector<1x16xf32> to vector<16xf32>
        %swap3A_293 = vector.shape_cast %add3A_288 : vector<16xf32> to vector<1x16xf32>
        tpu.vector_store %arg5[%swap3A_289, %swap3A_290], %swap3A_293 {strides = array<i32>} : memref<32x1024xf32, #tpu.memory_space<vmem>>, vector<1x16xf32>,
        %get3A_294 = arith.index_cast %scan3A_43 : i32 to index
        %get3A_295 = arith.constant 288 : index
        %get3A_296 = tpu.vector_load %arg5[%get3A_294, %get3A_295] {strides = array<i32>} : memref<32x1024xf32, #tpu.memory_space<vmem>>, vector<1x16xf32>,
        %get3A_297 = vector.shape_cast %get3A_296 : vector<1x16xf32> to vector<16xf32>
        %get3A_298 = arith.index_cast %scan3A_43 : i32 to index
        %get3A_299 = arith.constant 288 : index
        %get3A_300 = tpu.vector_load %arg6[%get3A_298, %get3A_299] {strides = array<i32>} : memref<32x1024xf32, #tpu.memory_space<vmem>>, vector<1x16xf32>,
        %get3A_301 = vector.shape_cast %get3A_300 : vector<1x16xf32> to vector<16xf32>
        %add3A_302 = arith.addf %get3A_297, %get3A_301 : vector<16xf32>
        %swap3A_303 = arith.index_cast %scan3A_43 : i32 to index
        %swap3A_304 = arith.constant 288 : index
        %swap3A_305 = tpu.vector_load %arg5[%swap3A_303, %swap3A_304] {strides = array<i32>} : memref<32x1024xf32, #tpu.memory_space<vmem>>, vector<1x16xf32>,
        %swap3A_306 = vector.shape_cast %swap3A_305 : vector<1x16xf32> to vector<16xf32>
        %swap3A_307 = vector.shape_cast %add3A_302 : vector<16xf32> to vector<1x16xf32>
        tpu.vector_store %arg5[%swap3A_303, %swap3A_304], %swap3A_307 {strides = array<i32>} : memref<32x1024xf32, #tpu.memory_space<vmem>>, vector<1x16xf32>,
        %get3A_308 = arith.index_cast %scan3A_43 : i32 to index
        %get3A_309 = arith.constant 304 : index
        %get3A_310 = tpu.vector_load %arg5[%get3A_308, %get3A_309] {strides = array<i32>} : memref<32x1024xf32, #tpu.memory_space<vmem>>, vector<1x16xf32>,
        %get3A_311 = vector.shape_cast %get3A_310 : vector<1x16xf32> to vector<16xf32>
        %get3A_312 = arith.index_cast %scan3A_43 : i32 to index
        %get3A_313 = arith.constant 304 : index
        %get3A_314 = tpu.vector_load %arg6[%get3A_312, %get3A_313] {strides = array<i32>} : memref<32x1024xf32, #tpu.memory_space<vmem>>, vector<1x16xf32>,
        %get3A_315 = vector.shape_cast %get3A_314 : vector<1x16xf32> to vector<16xf32>
        %add3A_316 = arith.addf %get3A_311, %get3A_315 : vector<16xf32>
        %swap3A_317 = arith.index_cast %scan3A_43 : i32 to index
        %swap3A_318 = arith.constant 304 : index
        %swap3A_319 = tpu.vector_load %arg5[%swap3A_317, %swap3A_318] {strides = array<i32>} : memref<32x1024xf32, #tpu.memory_space<vmem>>, vector<1x16xf32>,
        %swap3A_320 = vector.shape_cast %swap3A_319 : vector<1x16xf32> to vector<16xf32>
        %swap3A_321 = vector.shape_cast %add3A_316 : vector<16xf32> to vector<1x16xf32>
        tpu.vector_store %arg5[%swap3A_317, %swap3A_318], %swap3A_321 {strides = array<i32>} : memref<32x1024xf32, #tpu.memory_space<vmem>>, vector<1x16xf32>,
        %get3A_322 = arith.index_cast %scan3A_43 : i32 to index
        %get3A_323 = arith.constant 320 : index
        %get3A_324 = tpu.vector_load %arg5[%get3A_322, %get3A_323] {strides = array<i32>} : memref<32x1024xf32, #tpu.memory_space<vmem>>, vector<1x16xf32>,
        %get3A_325 = vector.shape_cast %get3A_324 : vector<1x16xf32> to vector<16xf32>
        %get3A_326 = arith.index_cast %scan3A_43 : i32 to index
        %get3A_327 = arith.constant 320 : index
        %get3A_328 = tpu.vector_load %arg6[%get3A_326, %get3A_327] {strides = array<i32>} : memref<32x1024xf32, #tpu.memory_space<vmem>>, vector<1x16xf32>,
        %get3A_329 = vector.shape_cast %get3A_328 : vector<1x16xf32> to vector<16xf32>
        %add3A_330 = arith.addf %get3A_325, %get3A_329 : vector<16xf32>
        %swap3A_331 = arith.index_cast %scan3A_43 : i32 to index
        %swap3A_332 = arith.constant 320 : index
        %swap3A_333 = tpu.vector_load %arg5[%swap3A_331, %swap3A_332] {strides = array<i32>} : memref<32x1024xf32, #tpu.memory_space<vmem>>, vector<1x16xf32>,
        %swap3A_334 = vector.shape_cast %swap3A_333 : vector<1x16xf32> to vector<16xf32>
        %swap3A_335 = vector.shape_cast %add3A_330 : vector<16xf32> to vector<1x16xf32>
        tpu.vector_store %arg5[%swap3A_331, %swap3A_332], %swap3A_335 {strides = array<i32>} : memref<32x1024xf32, #tpu.memory_space<vmem>>, vector<1x16xf32>,
        %get3A_336 = arith.index_cast %scan3A_43 : i32 to index
        %get3A_337 = arith.constant 336 : index
        %get3A_338 = tpu.vector_load %arg5[%get3A_336, %get3A_337] {strides = array<i32>} : memref<32x1024xf32, #tpu.memory_space<vmem>>, vector<1x16xf32>,
        %get3A_339 = vector.shape_cast %get3A_338 : vector<1x16xf32> to vector<16xf32>
        %get3A_340 = arith.index_cast %scan3A_43 : i32 to index
        %get3A_341 = arith.constant 336 : index
        %get3A_342 = tpu.vector_load %arg6[%get3A_340, %get3A_341] {strides = array<i32>} : memref<32x1024xf32, #tpu.memory_space<vmem>>, vector<1x16xf32>,
        %get3A_343 = vector.shape_cast %get3A_342 : vector<1x16xf32> to vector<16xf32>
        %add3A_344 = arith.addf %get3A_339, %get3A_343 : vector<16xf32>
        %swap3A_345 = arith.index_cast %scan3A_43 : i32 to index
        %swap3A_346 = arith.constant 336 : index
        %swap3A_347 = tpu.vector_load %arg5[%swap3A_345, %swap3A_346] {strides = array<i32>} : memref<32x1024xf32, #tpu.memory_space<vmem>>, vector<1x16xf32>,
        %swap3A_348 = vector.shape_cast %swap3A_347 : vector<1x16xf32> to vector<16xf32>
        %swap3A_349 = vector.shape_cast %add3A_344 : vector<16xf32> to vector<1x16xf32>
        tpu.vector_store %arg5[%swap3A_345, %swap3A_346], %swap3A_349 {strides = array<i32>} : memref<32x1024xf32, #tpu.memory_space<vmem>>, vector<1x16xf32>,
        %get3A_350 = arith.index_cast %scan3A_43 : i32 to index
        %get3A_351 = arith.constant 352 : index
        %get3A_352 = tpu.vector_load %arg5[%get3A_350, %get3A_351] {strides = array<i32>} : memref<32x1024xf32, #tpu.memory_space<vmem>>, vector<1x16xf32>,
        %get3A_353 = vector.shape_cast %get3A_352 : vector<1x16xf32> to vector<16xf32>
        %get3A_354 = arith.index_cast %scan3A_43 : i32 to index
        %get3A_355 = arith.constant 352 : index
        %get3A_356 = tpu.vector_load %arg6[%get3A_354, %get3A_355] {strides = array<i32>} : memref<32x1024xf32, #tpu.memory_space<vmem>>, vector<1x16xf32>,
        %get3A_357 = vector.shape_cast %get3A_356 : vector<1x16xf32> to vector<16xf32>
        %add3A_358 = arith.addf %get3A_353, %get3A_357 : vector<16xf32>
        %swap3A_359 = arith.index_cast %scan3A_43 : i32 to index
        %swap3A_360 = arith.constant 352 : index
        %swap3A_361 = tpu.vector_load %arg5[%swap3A_359, %swap3A_360] {strides = array<i32>} : memref<32x1024xf32, #tpu.memory_space<vmem>>, vector<1x16xf32>,
        %swap3A_362 = vector.shape_cast %swap3A_361 : vector<1x16xf32> to vector<16xf32>
        %swap3A_363 = vector.shape_cast %add3A_358 : vector<16xf32> to vector<1x16xf32>
        tpu.vector_store %arg5[%swap3A_359, %swap3A_360], %swap3A_363 {strides = array<i32>} : memref<32x1024xf32, #tpu.memory_space<vmem>>, vector<1x16xf32>,
        %get3A_364 = arith.index_cast %scan3A_43 : i32 to index
        %get3A_365 = arith.constant 368 : index
        %get3A_366 = tpu.vector_load %arg5[%get3A_364, %get3A_365] {strides = array<i32>} : memref<32x1024xf32, #tpu.memory_space<vmem>>, vector<1x16xf32>,
        %get3A_367 = vector.shape_cast %get3A_366 : vector<1x16xf32> to vector<16xf32>
        %get3A_368 = arith.index_cast %scan3A_43 : i32 to index
        %get3A_369 = arith.constant 368 : index
        %get3A_370 = tpu.vector_load %arg6[%get3A_368, %get3A_369] {strides = array<i32>} : memref<32x1024xf32, #tpu.memory_space<vmem>>, vector<1x16xf32>,
        %get3A_371 = vector.shape_cast %get3A_370 : vector<1x16xf32> to vector<16xf32>
        %add3A_372 = arith.addf %get3A_367, %get3A_371 : vector<16xf32>
        %swap3A_373 = arith.index_cast %scan3A_43 : i32 to index
        %swap3A_374 = arith.constant 368 : index
        %swap3A_375 = tpu.vector_load %arg5[%swap3A_373, %swap3A_374] {strides = array<i32>} : memref<32x1024xf32, #tpu.memory_space<vmem>>, vector<1x16xf32>,
        %swap3A_376 = vector.shape_cast %swap3A_375 : vector<1x16xf32> to vector<16xf32>
        %swap3A_377 = vector.shape_cast %add3A_372 : vector<16xf32> to vector<1x16xf32>
        tpu.vector_store %arg5[%swap3A_373, %swap3A_374], %swap3A_377 {strides = array<i32>} : memref<32x1024xf32, #tpu.memory_space<vmem>>, vector<1x16xf32>,
        %get3A_378 = arith.index_cast %scan3A_43 : i32 to index
        %get3A_379 = arith.constant 384 : index
        %get3A_380 = tpu.vector_load %arg5[%get3A_378, %get3A_379] {strides = array<i32>} : memref<32x1024xf32, #tpu.memory_space<vmem>>, vector<1x16xf32>,
        %get3A_381 = vector.shape_cast %get3A_380 : vector<1x16xf32> to vector<16xf32>
        %get3A_382 = arith.index_cast %scan3A_43 : i32 to index
        %get3A_383 = arith.constant 384 : index
        %get3A_384 = tpu.vector_load %arg6[%get3A_382, %get3A_383] {strides = array<i32>} : memref<32x1024xf32, #tpu.memory_space<vmem>>, vector<1x16xf32>,
        %get3A_385 = vector.shape_cast %get3A_384 : vector<1x16xf32> to vector<16xf32>
        %add3A_386 = arith.addf %get3A_381, %get3A_385 : vector<16xf32>
        %swap3A_387 = arith.index_cast %scan3A_43 : i32 to index
        %swap3A_388 = arith.constant 384 : index
        %swap3A_389 = tpu.vector_load %arg5[%swap3A_387, %swap3A_388] {strides = array<i32>} : memref<32x1024xf32, #tpu.memory_space<vmem>>, vector<1x16xf32>,
        %swap3A_390 = vector.shape_cast %swap3A_389 : vector<1x16xf32> to vector<16xf32>
        %swap3A_391 = vector.shape_cast %add3A_386 : vector<16xf32> to vector<1x16xf32>
        tpu.vector_store %arg5[%swap3A_387, %swap3A_388], %swap3A_391 {strides = array<i32>} : memref<32x1024xf32, #tpu.memory_space<vmem>>, vector<1x16xf32>,
        %get3A_392 = arith.index_cast %scan3A_43 : i32 to index
        %get3A_393 = arith.constant 400 : index
        %get3A_394 = tpu.vector_load %arg5[%get3A_392, %get3A_393] {strides = array<i32>} : memref<32x1024xf32, #tpu.memory_space<vmem>>, vector<1x16xf32>,
        %get3A_395 = vector.shape_cast %get3A_394 : vector<1x16xf32> to vector<16xf32>
        %get3A_396 = arith.index_cast %scan3A_43 : i32 to index
        %get3A_397 = arith.constant 400 : index
        %get3A_398 = tpu.vector_load %arg6[%get3A_396, %get3A_397] {strides = array<i32>} : memref<32x1024xf32, #tpu.memory_space<vmem>>, vector<1x16xf32>,
        %get3A_399 = vector.shape_cast %get3A_398 : vector<1x16xf32> to vector<16xf32>
        %add3A_400 = arith.addf %get3A_395, %get3A_399 : vector<16xf32>
        %swap3A_401 = arith.index_cast %scan3A_43 : i32 to index
        %swap3A_402 = arith.constant 400 : index
        %swap3A_403 = tpu.vector_load %arg5[%swap3A_401, %swap3A_402] {strides = array<i32>} : memref<32x1024xf32, #tpu.memory_space<vmem>>, vector<1x16xf32>,
        %swap3A_404 = vector.shape_cast %swap3A_403 : vector<1x16xf32> to vector<16xf32>
        %swap3A_405 = vector.shape_cast %add3A_400 : vector<16xf32> to vector<1x16xf32>
        tpu.vector_store %arg5[%swap3A_401, %swap3A_402], %swap3A_405 {strides = array<i32>} : memref<32x1024xf32, #tpu.memory_space<vmem>>, vector<1x16xf32>,
        %get3A_406 = arith.index_cast %scan3A_43 : i32 to index
        %get3A_407 = arith.constant 416 : index
        %get3A_408 = tpu.vector_load %arg5[%get3A_406, %get3A_407] {strides = array<i32>} : memref<32x1024xf32, #tpu.memory_space<vmem>>, vector<1x16xf32>,
        %get3A_409 = vector.shape_cast %get3A_408 : vector<1x16xf32> to vector<16xf32>
        %get3A_410 = arith.index_cast %scan3A_43 : i32 to index
        %get3A_411 = arith.constant 416 : index
        %get3A_412 = tpu.vector_load %arg6[%get3A_410, %get3A_411] {strides = array<i32>} : memref<32x1024xf32, #tpu.memory_space<vmem>>, vector<1x16xf32>,
        %get3A_413 = vector.shape_cast %get3A_412 : vector<1x16xf32> to vector<16xf32>
        %add3A_414 = arith.addf %get3A_409, %get3A_413 : vector<16xf32>
        %swap3A_415 = arith.index_cast %scan3A_43 : i32 to index
        %swap3A_416 = arith.constant 416 : index
        %swap3A_417 = tpu.vector_load %arg5[%swap3A_415, %swap3A_416] {strides = array<i32>} : memref<32x1024xf32, #tpu.memory_space<vmem>>, vector<1x16xf32>,
        %swap3A_418 = vector.shape_cast %swap3A_417 : vector<1x16xf32> to vector<16xf32>
        %swap3A_419 = vector.shape_cast %add3A_414 : vector<16xf32> to vector<1x16xf32>
        tpu.vector_store %arg5[%swap3A_415, %swap3A_416], %swap3A_419 {strides = array<i32>} : memref<32x1024xf32, #tpu.memory_space<vmem>>, vector<1x16xf32>,
        %get3A_420 = arith.index_cast %scan3A_43 : i32 to index
        %get3A_421 = arith.constant 432 : index
        %get3A_422 = tpu.vector_load %arg5[%get3A_420, %get3A_421] {strides = array<i32>} : memref<32x1024xf32, #tpu.memory_space<vmem>>, vector<1x16xf32>,
        %get3A_423 = vector.shape_cast %get3A_422 : vector<1x16xf32> to vector<16xf32>
        %get3A_424 = arith.index_cast %scan3A_43 : i32 to index
        %get3A_425 = arith.constant 432 : index
        %get3A_426 = tpu.vector_load %arg6[%get3A_424, %get3A_425] {strides = array<i32>} : memref<32x1024xf32, #tpu.memory_space<vmem>>, vector<1x16xf32>,
        %get3A_427 = vector.shape_cast %get3A_426 : vector<1x16xf32> to vector<16xf32>
        %add3A_428 = arith.addf %get3A_423, %get3A_427 : vector<16xf32>
        %swap3A_429 = arith.index_cast %scan3A_43 : i32 to index
        %swap3A_430 = arith.constant 432 : index
        %swap3A_431 = tpu.vector_load %arg5[%swap3A_429, %swap3A_430] {strides = array<i32>} : memref<32x1024xf32, #tpu.memory_space<vmem>>, vector<1x16xf32>,
        %swap3A_432 = vector.shape_cast %swap3A_431 : vector<1x16xf32> to vector<16xf32>
        %swap3A_433 = vector.shape_cast %add3A_428 : vector<16xf32> to vector<1x16xf32>
        tpu.vector_store %arg5[%swap3A_429, %swap3A_430], %swap3A_433 {strides = array<i32>} : memref<32x1024xf32, #tpu.memory_space<vmem>>, vector<1x16xf32>,
        %get3A_434 = arith.index_cast %scan3A_43 : i32 to index
        %get3A_435 = arith.constant 448 : index
        %get3A_436 = tpu.vector_load %arg5[%get3A_434, %get3A_435] {strides = array<i32>} : memref<32x1024xf32, #tpu.memory_space<vmem>>, vector<1x16xf32>,
        %get3A_437 = vector.shape_cast %get3A_436 : vector<1x16xf32> to vector<16xf32>
        %get3A_438 = arith.index_cast %scan3A_43 : i32 to index
        %get3A_439 = arith.constant 448 : index
        %get3A_440 = tpu.vector_load %arg6[%get3A_438, %get3A_439] {strides = array<i32>} : memref<32x1024xf32, #tpu.memory_space<vmem>>, vector<1x16xf32>,
        %get3A_441 = vector.shape_cast %get3A_440 : vector<1x16xf32> to vector<16xf32>
        %add3A_442 = arith.addf %get3A_437, %get3A_441 : vector<16xf32>
        %swap3A_443 = arith.index_cast %scan3A_43 : i32 to index
        %swap3A_444 = arith.constant 448 : index
        %swap3A_445 = tpu.vector_load %arg5[%swap3A_443, %swap3A_444] {strides = array<i32>} : memref<32x1024xf32, #tpu.memory_space<vmem>>, vector<1x16xf32>,
        %swap3A_446 = vector.shape_cast %swap3A_445 : vector<1x16xf32> to vector<16xf32>
        %swap3A_447 = vector.shape_cast %add3A_442 : vector<16xf32> to vector<1x16xf32>
        tpu.vector_store %arg5[%swap3A_443, %swap3A_444], %swap3A_447 {strides = array<i32>} : memref<32x1024xf32, #tpu.memory_space<vmem>>, vector<1x16xf32>,
        %get3A_448 = arith.index_cast %scan3A_43 : i32 to index
        %get3A_449 = arith.constant 464 : index
        %get3A_450 = tpu.vector_load %arg5[%get3A_448, %get3A_449] {strides = array<i32>} : memref<32x1024xf32, #tpu.memory_space<vmem>>, vector<1x16xf32>,
        %get3A_451 = vector.shape_cast %get3A_450 : vector<1x16xf32> to vector<16xf32>
        %get3A_452 = arith.index_cast %scan3A_43 : i32 to index
        %get3A_453 = arith.constant 464 : index
        %get3A_454 = tpu.vector_load %arg6[%get3A_452, %get3A_453] {strides = array<i32>} : memref<32x1024xf32, #tpu.memory_space<vmem>>, vector<1x16xf32>,
        %get3A_455 = vector.shape_cast %get3A_454 : vector<1x16xf32> to vector<16xf32>
        %add3A_456 = arith.addf %get3A_451, %get3A_455 : vector<16xf32>
        %swap3A_457 = arith.index_cast %scan3A_43 : i32 to index
        %swap3A_458 = arith.constant 464 : index
        %swap3A_459 = tpu.vector_load %arg5[%swap3A_457, %swap3A_458] {strides = array<i32>} : memref<32x1024xf32, #tpu.memory_space<vmem>>, vector<1x16xf32>,
        %swap3A_460 = vector.shape_cast %swap3A_459 : vector<1x16xf32> to vector<16xf32>
        %swap3A_461 = vector.shape_cast %add3A_456 : vector<16xf32> to vector<1x16xf32>
        tpu.vector_store %arg5[%swap3A_457, %swap3A_458], %swap3A_461 {strides = array<i32>} : memref<32x1024xf32, #tpu.memory_space<vmem>>, vector<1x16xf32>,
        %get3A_462 = arith.index_cast %scan3A_43 : i32 to index
        %get3A_463 = arith.constant 480 : index
        %get3A_464 = tpu.vector_load %arg5[%get3A_462, %get3A_463] {strides = array<i32>} : memref<32x1024xf32, #tpu.memory_space<vmem>>, vector<1x16xf32>,
        %get3A_465 = vector.shape_cast %get3A_464 : vector<1x16xf32> to vector<16xf32>
        %get3A_466 = arith.index_cast %scan3A_43 : i32 to index
        %get3A_467 = arith.constant 480 : index
        %get3A_468 = tpu.vector_load %arg6[%get3A_466, %get3A_467] {strides = array<i32>} : memref<32x1024xf32, #tpu.memory_space<vmem>>, vector<1x16xf32>,
        %get3A_469 = vector.shape_cast %get3A_468 : vector<1x16xf32> to vector<16xf32>
        %add3A_470 = arith.addf %get3A_465, %get3A_469 : vector<16xf32>
        %swap3A_471 = arith.index_cast %scan3A_43 : i32 to index
        %swap3A_472 = arith.constant 480 : index
        %swap3A_473 = tpu.vector_load %arg5[%swap3A_471, %swap3A_472] {strides = array<i32>} : memref<32x1024xf32, #tpu.memory_space<vmem>>, vector<1x16xf32>,
        %swap3A_474 = vector.shape_cast %swap3A_473 : vector<1x16xf32> to vector<16xf32>
        %swap3A_475 = vector.shape_cast %add3A_470 : vector<16xf32> to vector<1x16xf32>
        tpu.vector_store %arg5[%swap3A_471, %swap3A_472], %swap3A_475 {strides = array<i32>} : memref<32x1024xf32, #tpu.memory_space<vmem>>, vector<1x16xf32>,
        %get3A_476 = arith.index_cast %scan3A_43 : i32 to index
        %get3A_477 = arith.constant 496 : index
        %get3A_478 = tpu.vector_load %arg5[%get3A_476, %get3A_477] {strides = array<i32>} : memref<32x1024xf32, #tpu.memory_space<vmem>>, vector<1x16xf32>,
        %get3A_479 = vector.shape_cast %get3A_478 : vector<1x16xf32> to vector<16xf32>
        %get3A_480 = arith.index_cast %scan3A_43 : i32 to index
        %get3A_481 = arith.constant 496 : index
        %get3A_482 = tpu.vector_load %arg6[%get3A_480, %get3A_481] {strides = array<i32>} : memref<32x1024xf32, #tpu.memory_space<vmem>>, vector<1x16xf32>,
        %get3A_483 = vector.shape_cast %get3A_482 : vector<1x16xf32> to vector<16xf32>
        %add3A_484 = arith.addf %get3A_479, %get3A_483 : vector<16xf32>
        %swap3A_485 = arith.index_cast %scan3A_43 : i32 to index
        %swap3A_486 = arith.constant 496 : index
        %swap3A_487 = tpu.vector_load %arg5[%swap3A_485, %swap3A_486] {strides = array<i32>} : memref<32x1024xf32, #tpu.memory_space<vmem>>, vector<1x16xf32>,
        %swap3A_488 = vector.shape_cast %swap3A_487 : vector<1x16xf32> to vector<16xf32>
        %swap3A_489 = vector.shape_cast %add3A_484 : vector<16xf32> to vector<1x16xf32>
        tpu.vector_store %arg5[%swap3A_485, %swap3A_486], %swap3A_489 {strides = array<i32>} : memref<32x1024xf32, #tpu.memory_space<vmem>>, vector<1x16xf32>,
        %get3A_490 = arith.index_cast %scan3A_43 : i32 to index
        %get3A_491 = arith.constant 512 : index
        %get3A_492 = tpu.vector_load %arg5[%get3A_490, %get3A_491] {strides = array<i32>} : memref<32x1024xf32, #tpu.memory_space<vmem>>, vector<1x16xf32>,
        %get3A_493 = vector.shape_cast %get3A_492 : vector<1x16xf32> to vector<16xf32>
        %get3A_494 = arith.index_cast %scan3A_43 : i32 to index
        %get3A_495 = arith.constant 512 : index
        %get3A_496 = tpu.vector_load %arg6[%get3A_494, %get3A_495] {strides = array<i32>} : memref<32x1024xf32, #tpu.memory_space<vmem>>, vector<1x16xf32>,
        %get3A_497 = vector.shape_cast %get3A_496 : vector<1x16xf32> to vector<16xf32>
        %add3A_498 = arith.addf %get3A_493, %get3A_497 : vector<16xf32>
        %swap3A_499 = arith.index_cast %scan3A_43 : i32 to index
        %swap3A_500 = arith.constant 512 : index
        %swap3A_501 = tpu.vector_load %arg5[%swap3A_499, %swap3A_500] {strides = array<i32>} : memref<32x1024xf32, #tpu.memory_space<vmem>>, vector<1x16xf32>,
        %swap3A_502 = vector.shape_cast %swap3A_501 : vector<1x16xf32> to vector<16xf32>
        %swap3A_503 = vector.shape_cast %add3A_498 : vector<16xf32> to vector<1x16xf32>
        tpu.vector_store %arg5[%swap3A_499, %swap3A_500], %swap3A_503 {strides = array<i32>} : memref<32x1024xf32, #tpu.memory_space<vmem>>, vector<1x16xf32>,
        %get3A_504 = arith.index_cast %scan3A_43 : i32 to index
        %get3A_505 = arith.constant 528 : index
        %get3A_506 = tpu.vector_load %arg5[%get3A_504, %get3A_505] {strides = array<i32>} : memref<32x1024xf32, #tpu.memory_space<vmem>>, vector<1x16xf32>,
        %get3A_507 = vector.shape_cast %get3A_506 : vector<1x16xf32> to vector<16xf32>
        %get3A_508 = arith.index_cast %scan3A_43 : i32 to index
        %get3A_509 = arith.constant 528 : index
        %get3A_510 = tpu.vector_load %arg6[%get3A_508, %get3A_509] {strides = array<i32>} : memref<32x1024xf32, #tpu.memory_space<vmem>>, vector<1x16xf32>,
        %get3A_511 = vector.shape_cast %get3A_510 : vector<1x16xf32> to vector<16xf32>
        %add3A_512 = arith.addf %get3A_507, %get3A_511 : vector<16xf32>
        %swap3A_513 = arith.index_cast %scan3A_43 : i32 to index
        %swap3A_514 = arith.constant 528 : index
        %swap3A_515 = tpu.vector_load %arg5[%swap3A_513, %swap3A_514] {strides = array<i32>} : memref<32x1024xf32, #tpu.memory_space<vmem>>, vector<1x16xf32>,
        %swap3A_516 = vector.shape_cast %swap3A_515 : vector<1x16xf32> to vector<16xf32>
        %swap3A_517 = vector.shape_cast %add3A_512 : vector<16xf32> to vector<1x16xf32>
        tpu.vector_store %arg5[%swap3A_513, %swap3A_514], %swap3A_517 {strides = array<i32>} : memref<32x1024xf32, #tpu.memory_space<vmem>>, vector<1x16xf32>,
        %get3A_518 = arith.index_cast %scan3A_43 : i32 to index
        %get3A_519 = arith.constant 544 : index
        %get3A_520 = tpu.vector_load %arg5[%get3A_518, %get3A_519] {strides = array<i32>} : memref<32x1024xf32, #tpu.memory_space<vmem>>, vector<1x16xf32>,
        %get3A_521 = vector.shape_cast %get3A_520 : vector<1x16xf32> to vector<16xf32>
        %get3A_522 = arith.index_cast %scan3A_43 : i32 to index
        %get3A_523 = arith.constant 544 : index
        %get3A_524 = tpu.vector_load %arg6[%get3A_522, %get3A_523] {strides = array<i32>} : memref<32x1024xf32, #tpu.memory_space<vmem>>, vector<1x16xf32>,
        %get3A_525 = vector.shape_cast %get3A_524 : vector<1x16xf32> to vector<16xf32>
        %add3A_526 = arith.addf %get3A_521, %get3A_525 : vector<16xf32>
        %swap3A_527 = arith.index_cast %scan3A_43 : i32 to index
        %swap3A_528 = arith.constant 544 : index
        %swap3A_529 = tpu.vector_load %arg5[%swap3A_527, %swap3A_528] {strides = array<i32>} : memref<32x1024xf32, #tpu.memory_space<vmem>>, vector<1x16xf32>,
        %swap3A_530 = vector.shape_cast %swap3A_529 : vector<1x16xf32> to vector<16xf32>
        %swap3A_531 = vector.shape_cast %add3A_526 : vector<16xf32> to vector<1x16xf32>
        tpu.vector_store %arg5[%swap3A_527, %swap3A_528], %swap3A_531 {strides = array<i32>} : memref<32x1024xf32, #tpu.memory_space<vmem>>, vector<1x16xf32>,
        %get3A_532 = arith.index_cast %scan3A_43 : i32 to index
        %get3A_533 = arith.constant 560 : index
        %get3A_534 = tpu.vector_load %arg5[%get3A_532, %get3A_533] {strides = array<i32>} : memref<32x1024xf32, #tpu.memory_space<vmem>>, vector<1x16xf32>,
        %get3A_535 = vector.shape_cast %get3A_534 : vector<1x16xf32> to vector<16xf32>
        %get3A_536 = arith.index_cast %scan3A_43 : i32 to index
        %get3A_537 = arith.constant 560 : index
        %get3A_538 = tpu.vector_load %arg6[%get3A_536, %get3A_537] {strides = array<i32>} : memref<32x1024xf32, #tpu.memory_space<vmem>>, vector<1x16xf32>,
        %get3A_539 = vector.shape_cast %get3A_538 : vector<1x16xf32> to vector<16xf32>
        %add3A_540 = arith.addf %get3A_535, %get3A_539 : vector<16xf32>
        %swap3A_541 = arith.index_cast %scan3A_43 : i32 to index
        %swap3A_542 = arith.constant 560 : index
        %swap3A_543 = tpu.vector_load %arg5[%swap3A_541, %swap3A_542] {strides = array<i32>} : memref<32x1024xf32, #tpu.memory_space<vmem>>, vector<1x16xf32>,
        %swap3A_544 = vector.shape_cast %swap3A_543 : vector<1x16xf32> to vector<16xf32>
        %swap3A_545 = vector.shape_cast %add3A_540 : vector<16xf32> to vector<1x16xf32>
        tpu.vector_store %arg5[%swap3A_541, %swap3A_542], %swap3A_545 {strides = array<i32>} : memref<32x1024xf32, #tpu.memory_space<vmem>>, vector<1x16xf32>,
        %get3A_546 = arith.index_cast %scan3A_43 : i32 to index
        %get3A_547 = arith.constant 576 : index
        %get3A_548 = tpu.vector_load %arg5[%get3A_546, %get3A_547] {strides = array<i32>} : memref<32x1024xf32, #tpu.memory_space<vmem>>, vector<1x16xf32>,
        %get3A_549 = vector.shape_cast %get3A_548 : vector<1x16xf32> to vector<16xf32>
        %get3A_550 = arith.index_cast %scan3A_43 : i32 to index
        %get3A_551 = arith.constant 576 : index
        %get3A_552 = tpu.vector_load %arg6[%get3A_550, %get3A_551] {strides = array<i32>} : memref<32x1024xf32, #tpu.memory_space<vmem>>, vector<1x16xf32>,
        %get3A_553 = vector.shape_cast %get3A_552 : vector<1x16xf32> to vector<16xf32>
        %add3A_554 = arith.addf %get3A_549, %get3A_553 : vector<16xf32>
        %swap3A_555 = arith.index_cast %scan3A_43 : i32 to index
        %swap3A_556 = arith.constant 576 : index
        %swap3A_557 = tpu.vector_load %arg5[%swap3A_555, %swap3A_556] {strides = array<i32>} : memref<32x1024xf32, #tpu.memory_space<vmem>>, vector<1x16xf32>,
        %swap3A_558 = vector.shape_cast %swap3A_557 : vector<1x16xf32> to vector<16xf32>
        %swap3A_559 = vector.shape_cast %add3A_554 : vector<16xf32> to vector<1x16xf32>
        tpu.vector_store %arg5[%swap3A_555, %swap3A_556], %swap3A_559 {strides = array<i32>} : memref<32x1024xf32, #tpu.memory_space<vmem>>, vector<1x16xf32>,
        %get3A_560 = arith.index_cast %scan3A_43 : i32 to index
        %get3A_561 = arith.constant 592 : index
        %get3A_562 = tpu.vector_load %arg5[%get3A_560, %get3A_561] {strides = array<i32>} : memref<32x1024xf32, #tpu.memory_space<vmem>>, vector<1x16xf32>,
        %get3A_563 = vector.shape_cast %get3A_562 : vector<1x16xf32> to vector<16xf32>
        %get3A_564 = arith.index_cast %scan3A_43 : i32 to index
        %get3A_565 = arith.constant 592 : index
        %get3A_566 = tpu.vector_load %arg6[%get3A_564, %get3A_565] {strides = array<i32>} : memref<32x1024xf32, #tpu.memory_space<vmem>>, vector<1x16xf32>,
        %get3A_567 = vector.shape_cast %get3A_566 : vector<1x16xf32> to vector<16xf32>
        %add3A_568 = arith.addf %get3A_563, %get3A_567 : vector<16xf32>
        %swap3A_569 = arith.index_cast %scan3A_43 : i32 to index
        %swap3A_570 = arith.constant 592 : index
        %swap3A_571 = tpu.vector_load %arg5[%swap3A_569, %swap3A_570] {strides = array<i32>} : memref<32x1024xf32, #tpu.memory_space<vmem>>, vector<1x16xf32>,
        %swap3A_572 = vector.shape_cast %swap3A_571 : vector<1x16xf32> to vector<16xf32>
        %swap3A_573 = vector.shape_cast %add3A_568 : vector<16xf32> to vector<1x16xf32>
        tpu.vector_store %arg5[%swap3A_569, %swap3A_570], %swap3A_573 {strides = array<i32>} : memref<32x1024xf32, #tpu.memory_space<vmem>>, vector<1x16xf32>,
        %get3A_574 = arith.index_cast %scan3A_43 : i32 to index
        %get3A_575 = arith.constant 608 : index
        %get3A_576 = tpu.vector_load %arg5[%get3A_574, %get3A_575] {strides = array<i32>} : memref<32x1024xf32, #tpu.memory_space<vmem>>, vector<1x16xf32>,
        %get3A_577 = vector.shape_cast %get3A_576 : vector<1x16xf32> to vector<16xf32>
        %get3A_578 = arith.index_cast %scan3A_43 : i32 to index
        %get3A_579 = arith.constant 608 : index
        %get3A_580 = tpu.vector_load %arg6[%get3A_578, %get3A_579] {strides = array<i32>} : memref<32x1024xf32, #tpu.memory_space<vmem>>, vector<1x16xf32>,
        %get3A_581 = vector.shape_cast %get3A_580 : vector<1x16xf32> to vector<16xf32>
        %add3A_582 = arith.addf %get3A_577, %get3A_581 : vector<16xf32>
        %swap3A_583 = arith.index_cast %scan3A_43 : i32 to index
        %swap3A_584 = arith.constant 608 : index
        %swap3A_585 = tpu.vector_load %arg5[%swap3A_583, %swap3A_584] {strides = array<i32>} : memref<32x1024xf32, #tpu.memory_space<vmem>>, vector<1x16xf32>,
        %swap3A_586 = vector.shape_cast %swap3A_585 : vector<1x16xf32> to vector<16xf32>
        %swap3A_587 = vector.shape_cast %add3A_582 : vector<16xf32> to vector<1x16xf32>
        tpu.vector_store %arg5[%swap3A_583, %swap3A_584], %swap3A_587 {strides = array<i32>} : memref<32x1024xf32, #tpu.memory_space<vmem>>, vector<1x16xf32>,
        %get3A_588 = arith.index_cast %scan3A_43 : i32 to index
        %get3A_589 = arith.constant 624 : index
        %get3A_590 = tpu.vector_load %arg5[%get3A_588, %get3A_589] {strides = array<i32>} : memref<32x1024xf32, #tpu.memory_space<vmem>>, vector<1x16xf32>,
        %get3A_591 = vector.shape_cast %get3A_590 : vector<1x16xf32> to vector<16xf32>
        %get3A_592 = arith.index_cast %scan3A_43 : i32 to index
        %get3A_593 = arith.constant 624 : index
        %get3A_594 = tpu.vector_load %arg6[%get3A_592, %get3A_593] {strides = array<i32>} : memref<32x1024xf32, #tpu.memory_space<vmem>>, vector<1x16xf32>,
        %get3A_595 = vector.shape_cast %get3A_594 : vector<1x16xf32> to vector<16xf32>
        %add3A_596 = arith.addf %get3A_591, %get3A_595 : vector<16xf32>
        %swap3A_597 = arith.index_cast %scan3A_43 : i32 to index
        %swap3A_598 = arith.constant 624 : index
        %swap3A_599 = tpu.vector_load %arg5[%swap3A_597, %swap3A_598] {strides = array<i32>} : memref<32x1024xf32, #tpu.memory_space<vmem>>, vector<1x16xf32>,
        %swap3A_600 = vector.shape_cast %swap3A_599 : vector<1x16xf32> to vector<16xf32>
        %swap3A_601 = vector.shape_cast %add3A_596 : vector<16xf32> to vector<1x16xf32>
        tpu.vector_store %arg5[%swap3A_597, %swap3A_598], %swap3A_601 {strides = array<i32>} : memref<32x1024xf32, #tpu.memory_space<vmem>>, vector<1x16xf32>,
        %get3A_602 = arith.index_cast %scan3A_43 : i32 to index
        %get3A_603 = arith.constant 640 : index
        %get3A_604 = tpu.vector_load %arg5[%get3A_602, %get3A_603] {strides = array<i32>} : memref<32x1024xf32, #tpu.memory_space<vmem>>, vector<1x16xf32>,
        %get3A_605 = vector.shape_cast %get3A_604 : vector<1x16xf32> to vector<16xf32>
        %get3A_606 = arith.index_cast %scan3A_43 : i32 to index
        %get3A_607 = arith.constant 640 : index
        %get3A_608 = tpu.vector_load %arg6[%get3A_606, %get3A_607] {strides = array<i32>} : memref<32x1024xf32, #tpu.memory_space<vmem>>, vector<1x16xf32>,
        %get3A_609 = vector.shape_cast %get3A_608 : vector<1x16xf32> to vector<16xf32>
        %add3A_610 = arith.addf %get3A_605, %get3A_609 : vector<16xf32>
        %swap3A_611 = arith.index_cast %scan3A_43 : i32 to index
        %swap3A_612 = arith.constant 640 : index
        %swap3A_613 = tpu.vector_load %arg5[%swap3A_611, %swap3A_612] {strides = array<i32>} : memref<32x1024xf32, #tpu.memory_space<vmem>>, vector<1x16xf32>,
        %swap3A_614 = vector.shape_cast %swap3A_613 : vector<1x16xf32> to vector<16xf32>
        %swap3A_615 = vector.shape_cast %add3A_610 : vector<16xf32> to vector<1x16xf32>
        tpu.vector_store %arg5[%swap3A_611, %swap3A_612], %swap3A_615 {strides = array<i32>} : memref<32x1024xf32, #tpu.memory_space<vmem>>, vector<1x16xf32>,
        %get3A_616 = arith.index_cast %scan3A_43 : i32 to index
        %get3A_617 = arith.constant 656 : index
        %get3A_618 = tpu.vector_load %arg5[%get3A_616, %get3A_617] {strides = array<i32>} : memref<32x1024xf32, #tpu.memory_space<vmem>>, vector<1x16xf32>,
        %get3A_619 = vector.shape_cast %get3A_618 : vector<1x16xf32> to vector<16xf32>
        %get3A_620 = arith.index_cast %scan3A_43 : i32 to index
        %get3A_621 = arith.constant 656 : index
        %get3A_622 = tpu.vector_load %arg6[%get3A_620, %get3A_621] {strides = array<i32>} : memref<32x1024xf32, #tpu.memory_space<vmem>>, vector<1x16xf32>,
        %get3A_623 = vector.shape_cast %get3A_622 : vector<1x16xf32> to vector<16xf32>
        %add3A_624 = arith.addf %get3A_619, %get3A_623 : vector<16xf32>
        %swap3A_625 = arith.index_cast %scan3A_43 : i32 to index
        %swap3A_626 = arith.constant 656 : index
        %swap3A_627 = tpu.vector_load %arg5[%swap3A_625, %swap3A_626] {strides = array<i32>} : memref<32x1024xf32, #tpu.memory_space<vmem>>, vector<1x16xf32>,
        %swap3A_628 = vector.shape_cast %swap3A_627 : vector<1x16xf32> to vector<16xf32>
        %swap3A_629 = vector.shape_cast %add3A_624 : vector<16xf32> to vector<1x16xf32>
        tpu.vector_store %arg5[%swap3A_625, %swap3A_626], %swap3A_629 {strides = array<i32>} : memref<32x1024xf32, #tpu.memory_space<vmem>>, vector<1x16xf32>,
        %get3A_630 = arith.index_cast %scan3A_43 : i32 to index
        %get3A_631 = arith.constant 672 : index
        %get3A_632 = tpu.vector_load %arg5[%get3A_630, %get3A_631] {strides = array<i32>} : memref<32x1024xf32, #tpu.memory_space<vmem>>, vector<1x16xf32>,
        %get3A_633 = vector.shape_cast %get3A_632 : vector<1x16xf32> to vector<16xf32>
        %get3A_634 = arith.index_cast %scan3A_43 : i32 to index
        %get3A_635 = arith.constant 672 : index
        %get3A_636 = tpu.vector_load %arg6[%get3A_634, %get3A_635] {strides = array<i32>} : memref<32x1024xf32, #tpu.memory_space<vmem>>, vector<1x16xf32>,
        %get3A_637 = vector.shape_cast %get3A_636 : vector<1x16xf32> to vector<16xf32>
        %add3A_638 = arith.addf %get3A_633, %get3A_637 : vector<16xf32>
        %swap3A_639 = arith.index_cast %scan3A_43 : i32 to index
        %swap3A_640 = arith.constant 672 : index
        %swap3A_641 = tpu.vector_load %arg5[%swap3A_639, %swap3A_640] {strides = array<i32>} : memref<32x1024xf32, #tpu.memory_space<vmem>>, vector<1x16xf32>,
        %swap3A_642 = vector.shape_cast %swap3A_641 : vector<1x16xf32> to vector<16xf32>
        %swap3A_643 = vector.shape_cast %add3A_638 : vector<16xf32> to vector<1x16xf32>
        tpu.vector_store %arg5[%swap3A_639, %swap3A_640], %swap3A_643 {strides = array<i32>} : memref<32x1024xf32, #tpu.memory_space<vmem>>, vector<1x16xf32>,
        %get3A_644 = arith.index_cast %scan3A_43 : i32 to index
        %get3A_645 = arith.constant 688 : index
        %get3A_646 = tpu.vector_load %arg5[%get3A_644, %get3A_645] {strides = array<i32>} : memref<32x1024xf32, #tpu.memory_space<vmem>>, vector<1x16xf32>,
        %get3A_647 = vector.shape_cast %get3A_646 : vector<1x16xf32> to vector<16xf32>
        %get3A_648 = arith.index_cast %scan3A_43 : i32 to index
        %get3A_649 = arith.constant 688 : index
        %get3A_650 = tpu.vector_load %arg6[%get3A_648, %get3A_649] {strides = array<i32>} : memref<32x1024xf32, #tpu.memory_space<vmem>>, vector<1x16xf32>,
        %get3A_651 = vector.shape_cast %get3A_650 : vector<1x16xf32> to vector<16xf32>
        %add3A_652 = arith.addf %get3A_647, %get3A_651 : vector<16xf32>
        %swap3A_653 = arith.index_cast %scan3A_43 : i32 to index
        %swap3A_654 = arith.constant 688 : index
        %swap3A_655 = tpu.vector_load %arg5[%swap3A_653, %swap3A_654] {strides = array<i32>} : memref<32x1024xf32, #tpu.memory_space<vmem>>, vector<1x16xf32>,
        %swap3A_656 = vector.shape_cast %swap3A_655 : vector<1x16xf32> to vector<16xf32>
        %swap3A_657 = vector.shape_cast %add3A_652 : vector<16xf32> to vector<1x16xf32>
        tpu.vector_store %arg5[%swap3A_653, %swap3A_654], %swap3A_657 {strides = array<i32>} : memref<32x1024xf32, #tpu.memory_space<vmem>>, vector<1x16xf32>,
        %get3A_658 = arith.index_cast %scan3A_43 : i32 to index
        %get3A_659 = arith.constant 704 : index
        %get3A_660 = tpu.vector_load %arg5[%get3A_658, %get3A_659] {strides = array<i32>} : memref<32x1024xf32, #tpu.memory_space<vmem>>, vector<1x16xf32>,
        %get3A_661 = vector.shape_cast %get3A_660 : vector<1x16xf32> to vector<16xf32>
        %get3A_662 = arith.index_cast %scan3A_43 : i32 to index
        %get3A_663 = arith.constant 704 : index
        %get3A_664 = tpu.vector_load %arg6[%get3A_662, %get3A_663] {strides = array<i32>} : memref<32x1024xf32, #tpu.memory_space<vmem>>, vector<1x16xf32>,
        %get3A_665 = vector.shape_cast %get3A_664 : vector<1x16xf32> to vector<16xf32>
        %add3A_666 = arith.addf %get3A_661, %get3A_665 : vector<16xf32>
        %swap3A_667 = arith.index_cast %scan3A_43 : i32 to index
        %swap3A_668 = arith.constant 704 : index
        %swap3A_669 = tpu.vector_load %arg5[%swap3A_667, %swap3A_668] {strides = array<i32>} : memref<32x1024xf32, #tpu.memory_space<vmem>>, vector<1x16xf32>,
        %swap3A_670 = vector.shape_cast %swap3A_669 : vector<1x16xf32> to vector<16xf32>
        %swap3A_671 = vector.shape_cast %add3A_666 : vector<16xf32> to vector<1x16xf32>
        tpu.vector_store %arg5[%swap3A_667, %swap3A_668], %swap3A_671 {strides = array<i32>} : memref<32x1024xf32, #tpu.memory_space<vmem>>, vector<1x16xf32>,
        %get3A_672 = arith.index_cast %scan3A_43 : i32 to index
        %get3A_673 = arith.constant 720 : index
        %get3A_674 = tpu.vector_load %arg5[%get3A_672, %get3A_673] {strides = array<i32>} : memref<32x1024xf32, #tpu.memory_space<vmem>>, vector<1x16xf32>,
        %get3A_675 = vector.shape_cast %get3A_674 : vector<1x16xf32> to vector<16xf32>
        %get3A_676 = arith.index_cast %scan3A_43 : i32 to index
        %get3A_677 = arith.constant 720 : index
        %get3A_678 = tpu.vector_load %arg6[%get3A_676, %get3A_677] {strides = array<i32>} : memref<32x1024xf32, #tpu.memory_space<vmem>>, vector<1x16xf32>,
        %get3A_679 = vector.shape_cast %get3A_678 : vector<1x16xf32> to vector<16xf32>
        %add3A_680 = arith.addf %get3A_675, %get3A_679 : vector<16xf32>
        %swap3A_681 = arith.index_cast %scan3A_43 : i32 to index
        %swap3A_682 = arith.constant 720 : index
        %swap3A_683 = tpu.vector_load %arg5[%swap3A_681, %swap3A_682] {strides = array<i32>} : memref<32x1024xf32, #tpu.memory_space<vmem>>, vector<1x16xf32>,
        %swap3A_684 = vector.shape_cast %swap3A_683 : vector<1x16xf32> to vector<16xf32>
        %swap3A_685 = vector.shape_cast %add3A_680 : vector<16xf32> to vector<1x16xf32>
        tpu.vector_store %arg5[%swap3A_681, %swap3A_682], %swap3A_685 {strides = array<i32>} : memref<32x1024xf32, #tpu.memory_space<vmem>>, vector<1x16xf32>,
        %get3A_686 = arith.index_cast %scan3A_43 : i32 to index
        %get3A_687 = arith.constant 736 : index
        %get3A_688 = tpu.vector_load %arg5[%get3A_686, %get3A_687] {strides = array<i32>} : memref<32x1024xf32, #tpu.memory_space<vmem>>, vector<1x16xf32>,
        %get3A_689 = vector.shape_cast %get3A_688 : vector<1x16xf32> to vector<16xf32>
        %get3A_690 = arith.index_cast %scan3A_43 : i32 to index
        %get3A_691 = arith.constant 736 : index
        %get3A_692 = tpu.vector_load %arg6[%get3A_690, %get3A_691] {strides = array<i32>} : memref<32x1024xf32, #tpu.memory_space<vmem>>, vector<1x16xf32>,
        %get3A_693 = vector.shape_cast %get3A_692 : vector<1x16xf32> to vector<16xf32>
        %add3A_694 = arith.addf %get3A_689, %get3A_693 : vector<16xf32>
        %swap3A_695 = arith.index_cast %scan3A_43 : i32 to index
        %swap3A_696 = arith.constant 736 : index
        %swap3A_697 = tpu.vector_load %arg5[%swap3A_695, %swap3A_696] {strides = array<i32>} : memref<32x1024xf32, #tpu.memory_space<vmem>>, vector<1x16xf32>,
        %swap3A_698 = vector.shape_cast %swap3A_697 : vector<1x16xf32> to vector<16xf32>
        %swap3A_699 = vector.shape_cast %add3A_694 : vector<16xf32> to vector<1x16xf32>
        tpu.vector_store %arg5[%swap3A_695, %swap3A_696], %swap3A_699 {strides = array<i32>} : memref<32x1024xf32, #tpu.memory_space<vmem>>, vector<1x16xf32>,
        %get3A_700 = arith.index_cast %scan3A_43 : i32 to index
        %get3A_701 = arith.constant 752 : index
        %get3A_702 = tpu.vector_load %arg5[%get3A_700, %get3A_701] {strides = array<i32>} : memref<32x1024xf32, #tpu.memory_space<vmem>>, vector<1x16xf32>,
        %get3A_703 = vector.shape_cast %get3A_702 : vector<1x16xf32> to vector<16xf32>
        %get3A_704 = arith.index_cast %scan3A_43 : i32 to index
        %get3A_705 = arith.constant 752 : index
        %get3A_706 = tpu.vector_load %arg6[%get3A_704, %get3A_705] {strides = array<i32>} : memref<32x1024xf32, #tpu.memory_space<vmem>>, vector<1x16xf32>,
        %get3A_707 = vector.shape_cast %get3A_706 : vector<1x16xf32> to vector<16xf32>
        %add3A_708 = arith.addf %get3A_703, %get3A_707 : vector<16xf32>
        %swap3A_709 = arith.index_cast %scan3A_43 : i32 to index
        %swap3A_710 = arith.constant 752 : index
        %swap3A_711 = tpu.vector_load %arg5[%swap3A_709, %swap3A_710] {strides = array<i32>} : memref<32x1024xf32, #tpu.memory_space<vmem>>, vector<1x16xf32>,
        %swap3A_712 = vector.shape_cast %swap3A_711 : vector<1x16xf32> to vector<16xf32>
        %swap3A_713 = vector.shape_cast %add3A_708 : vector<16xf32> to vector<1x16xf32>
        tpu.vector_store %arg5[%swap3A_709, %swap3A_710], %swap3A_713 {strides = array<i32>} : memref<32x1024xf32, #tpu.memory_space<vmem>>, vector<1x16xf32>,
        %get3A_714 = arith.index_cast %scan3A_43 : i32 to index
        %get3A_715 = arith.constant 768 : index
        %get3A_716 = tpu.vector_load %arg5[%get3A_714, %get3A_715] {strides = array<i32>} : memref<32x1024xf32, #tpu.memory_space<vmem>>, vector<1x16xf32>,
        %get3A_717 = vector.shape_cast %get3A_716 : vector<1x16xf32> to vector<16xf32>
        %get3A_718 = arith.index_cast %scan3A_43 : i32 to index
        %get3A_719 = arith.constant 768 : index
        %get3A_720 = tpu.vector_load %arg6[%get3A_718, %get3A_719] {strides = array<i32>} : memref<32x1024xf32, #tpu.memory_space<vmem>>, vector<1x16xf32>,
        %get3A_721 = vector.shape_cast %get3A_720 : vector<1x16xf32> to vector<16xf32>
        %add3A_722 = arith.addf %get3A_717, %get3A_721 : vector<16xf32>
        %swap3A_723 = arith.index_cast %scan3A_43 : i32 to index
        %swap3A_724 = arith.constant 768 : index
        %swap3A_725 = tpu.vector_load %arg5[%swap3A_723, %swap3A_724] {strides = array<i32>} : memref<32x1024xf32, #tpu.memory_space<vmem>>, vector<1x16xf32>,
        %swap3A_726 = vector.shape_cast %swap3A_725 : vector<1x16xf32> to vector<16xf32>
        %swap3A_727 = vector.shape_cast %add3A_722 : vector<16xf32> to vector<1x16xf32>
        tpu.vector_store %arg5[%swap3A_723, %swap3A_724], %swap3A_727 {strides = array<i32>} : memref<32x1024xf32, #tpu.memory_space<vmem>>, vector<1x16xf32>,
        %get3A_728 = arith.index_cast %scan3A_43 : i32 to index
        %get3A_729 = arith.constant 784 : index
        %get3A_730 = tpu.vector_load %arg5[%get3A_728, %get3A_729] {strides = array<i32>} : memref<32x1024xf32, #tpu.memory_space<vmem>>, vector<1x16xf32>,
        %get3A_731 = vector.shape_cast %get3A_730 : vector<1x16xf32> to vector<16xf32>
        %get3A_732 = arith.index_cast %scan3A_43 : i32 to index
        %get3A_733 = arith.constant 784 : index
        %get3A_734 = tpu.vector_load %arg6[%get3A_732, %get3A_733] {strides = array<i32>} : memref<32x1024xf32, #tpu.memory_space<vmem>>, vector<1x16xf32>,
        %get3A_735 = vector.shape_cast %get3A_734 : vector<1x16xf32> to vector<16xf32>
        %add3A_736 = arith.addf %get3A_731, %get3A_735 : vector<16xf32>
        %swap3A_737 = arith.index_cast %scan3A_43 : i32 to index
        %swap3A_738 = arith.constant 784 : index
        %swap3A_739 = tpu.vector_load %arg5[%swap3A_737, %swap3A_738] {strides = array<i32>} : memref<32x1024xf32, #tpu.memory_space<vmem>>, vector<1x16xf32>,
        %swap3A_740 = vector.shape_cast %swap3A_739 : vector<1x16xf32> to vector<16xf32>
        %swap3A_741 = vector.shape_cast %add3A_736 : vector<16xf32> to vector<1x16xf32>
        tpu.vector_store %arg5[%swap3A_737, %swap3A_738], %swap3A_741 {strides = array<i32>} : memref<32x1024xf32, #tpu.memory_space<vmem>>, vector<1x16xf32>,
        %get3A_742 = arith.index_cast %scan3A_43 : i32 to index
        %get3A_743 = arith.constant 800 : index
        %get3A_744 = tpu.vector_load %arg5[%get3A_742, %get3A_743] {strides = array<i32>} : memref<32x1024xf32, #tpu.memory_space<vmem>>, vector<1x16xf32>,
        %get3A_745 = vector.shape_cast %get3A_744 : vector<1x16xf32> to vector<16xf32>
        %get3A_746 = arith.index_cast %scan3A_43 : i32 to index
        %get3A_747 = arith.constant 800 : index
        %get3A_748 = tpu.vector_load %arg6[%get3A_746, %get3A_747] {strides = array<i32>} : memref<32x1024xf32, #tpu.memory_space<vmem>>, vector<1x16xf32>,
        %get3A_749 = vector.shape_cast %get3A_748 : vector<1x16xf32> to vector<16xf32>
        %add3A_750 = arith.addf %get3A_745, %get3A_749 : vector<16xf32>
        %swap3A_751 = arith.index_cast %scan3A_43 : i32 to index
        %swap3A_752 = arith.constant 800 : index
        %swap3A_753 = tpu.vector_load %arg5[%swap3A_751, %swap3A_752] {strides = array<i32>} : memref<32x1024xf32, #tpu.memory_space<vmem>>, vector<1x16xf32>,
        %swap3A_754 = vector.shape_cast %swap3A_753 : vector<1x16xf32> to vector<16xf32>
        %swap3A_755 = vector.shape_cast %add3A_750 : vector<16xf32> to vector<1x16xf32>
        tpu.vector_store %arg5[%swap3A_751, %swap3A_752], %swap3A_755 {strides = array<i32>} : memref<32x1024xf32, #tpu.memory_space<vmem>>, vector<1x16xf32>,
        %get3A_756 = arith.index_cast %scan3A_43 : i32 to index
        %get3A_757 = arith.constant 816 : index
        %get3A_758 = tpu.vector_load %arg5[%get3A_756, %get3A_757] {strides = array<i32>} : memref<32x1024xf32, #tpu.memory_space<vmem>>, vector<1x16xf32>,
        %get3A_759 = vector.shape_cast %get3A_758 : vector<1x16xf32> to vector<16xf32>
        %get3A_760 = arith.index_cast %scan3A_43 : i32 to index
        %get3A_761 = arith.constant 816 : index
        %get3A_762 = tpu.vector_load %arg6[%get3A_760, %get3A_761] {strides = array<i32>} : memref<32x1024xf32, #tpu.memory_space<vmem>>, vector<1x16xf32>,
        %get3A_763 = vector.shape_cast %get3A_762 : vector<1x16xf32> to vector<16xf32>
        %add3A_764 = arith.addf %get3A_759, %get3A_763 : vector<16xf32>
        %swap3A_765 = arith.index_cast %scan3A_43 : i32 to index
        %swap3A_766 = arith.constant 816 : index
        %swap3A_767 = tpu.vector_load %arg5[%swap3A_765, %swap3A_766] {strides = array<i32>} : memref<32x1024xf32, #tpu.memory_space<vmem>>, vector<1x16xf32>,
        %swap3A_768 = vector.shape_cast %swap3A_767 : vector<1x16xf32> to vector<16xf32>
        %swap3A_769 = vector.shape_cast %add3A_764 : vector<16xf32> to vector<1x16xf32>
        tpu.vector_store %arg5[%swap3A_765, %swap3A_766], %swap3A_769 {strides = array<i32>} : memref<32x1024xf32, #tpu.memory_space<vmem>>, vector<1x16xf32>,
        %get3A_770 = arith.index_cast %scan3A_43 : i32 to index
        %get3A_771 = arith.constant 832 : index
        %get3A_772 = tpu.vector_load %arg5[%get3A_770, %get3A_771] {strides = array<i32>} : memref<32x1024xf32, #tpu.memory_space<vmem>>, vector<1x16xf32>,
        %get3A_773 = vector.shape_cast %get3A_772 : vector<1x16xf32> to vector<16xf32>
        %get3A_774 = arith.index_cast %scan3A_43 : i32 to index
        %get3A_775 = arith.constant 832 : index
        %get3A_776 = tpu.vector_load %arg6[%get3A_774, %get3A_775] {strides = array<i32>} : memref<32x1024xf32, #tpu.memory_space<vmem>>, vector<1x16xf32>,
        %get3A_777 = vector.shape_cast %get3A_776 : vector<1x16xf32> to vector<16xf32>
        %add3A_778 = arith.addf %get3A_773, %get3A_777 : vector<16xf32>
        %swap3A_779 = arith.index_cast %scan3A_43 : i32 to index
        %swap3A_780 = arith.constant 832 : index
        %swap3A_781 = tpu.vector_load %arg5[%swap3A_779, %swap3A_780] {strides = array<i32>} : memref<32x1024xf32, #tpu.memory_space<vmem>>, vector<1x16xf32>,
        %swap3A_782 = vector.shape_cast %swap3A_781 : vector<1x16xf32> to vector<16xf32>
        %swap3A_783 = vector.shape_cast %add3A_778 : vector<16xf32> to vector<1x16xf32>
        tpu.vector_store %arg5[%swap3A_779, %swap3A_780], %swap3A_783 {strides = array<i32>} : memref<32x1024xf32, #tpu.memory_space<vmem>>, vector<1x16xf32>,
        %get3A_784 = arith.index_cast %scan3A_43 : i32 to index
        %get3A_785 = arith.constant 848 : index
        %get3A_786 = tpu.vector_load %arg5[%get3A_784, %get3A_785] {strides = array<i32>} : memref<32x1024xf32, #tpu.memory_space<vmem>>, vector<1x16xf32>,
        %get3A_787 = vector.shape_cast %get3A_786 : vector<1x16xf32> to vector<16xf32>
        %get3A_788 = arith.index_cast %scan3A_43 : i32 to index
        %get3A_789 = arith.constant 848 : index
        %get3A_790 = tpu.vector_load %arg6[%get3A_788, %get3A_789] {strides = array<i32>} : memref<32x1024xf32, #tpu.memory_space<vmem>>, vector<1x16xf32>,
        %get3A_791 = vector.shape_cast %get3A_790 : vector<1x16xf32> to vector<16xf32>
        %add3A_792 = arith.addf %get3A_787, %get3A_791 : vector<16xf32>
        %swap3A_793 = arith.index_cast %scan3A_43 : i32 to index
        %swap3A_794 = arith.constant 848 : index
        %swap3A_795 = tpu.vector_load %arg5[%swap3A_793, %swap3A_794] {strides = array<i32>} : memref<32x1024xf32, #tpu.memory_space<vmem>>, vector<1x16xf32>,
        %swap3A_796 = vector.shape_cast %swap3A_795 : vector<1x16xf32> to vector<16xf32>
        %swap3A_797 = vector.shape_cast %add3A_792 : vector<16xf32> to vector<1x16xf32>
        tpu.vector_store %arg5[%swap3A_793, %swap3A_794], %swap3A_797 {strides = array<i32>} : memref<32x1024xf32, #tpu.memory_space<vmem>>, vector<1x16xf32>,
        %get3A_798 = arith.index_cast %scan3A_43 : i32 to index
        %get3A_799 = arith.constant 864 : index
        %get3A_800 = tpu.vector_load %arg5[%get3A_798, %get3A_799] {strides = array<i32>} : memref<32x1024xf32, #tpu.memory_space<vmem>>, vector<1x16xf32>,
        %get3A_801 = vector.shape_cast %get3A_800 : vector<1x16xf32> to vector<16xf32>
        %get3A_802 = arith.index_cast %scan3A_43 : i32 to index
        %get3A_803 = arith.constant 864 : index
        %get3A_804 = tpu.vector_load %arg6[%get3A_802, %get3A_803] {strides = array<i32>} : memref<32x1024xf32, #tpu.memory_space<vmem>>, vector<1x16xf32>,
        %get3A_805 = vector.shape_cast %get3A_804 : vector<1x16xf32> to vector<16xf32>
        %add3A_806 = arith.addf %get3A_801, %get3A_805 : vector<16xf32>
        %swap3A_807 = arith.index_cast %scan3A_43 : i32 to index
        %swap3A_808 = arith.constant 864 : index
        %swap3A_809 = tpu.vector_load %arg5[%swap3A_807, %swap3A_808] {strides = array<i32>} : memref<32x1024xf32, #tpu.memory_space<vmem>>, vector<1x16xf32>,
        %swap3A_810 = vector.shape_cast %swap3A_809 : vector<1x16xf32> to vector<16xf32>
        %swap3A_811 = vector.shape_cast %add3A_806 : vector<16xf32> to vector<1x16xf32>
        tpu.vector_store %arg5[%swap3A_807, %swap3A_808], %swap3A_811 {strides = array<i32>} : memref<32x1024xf32, #tpu.memory_space<vmem>>, vector<1x16xf32>,
        %get3A_812 = arith.index_cast %scan3A_43 : i32 to index
        %get3A_813 = arith.constant 880 : index
        %get3A_814 = tpu.vector_load %arg5[%get3A_812, %get3A_813] {strides = array<i32>} : memref<32x1024xf32, #tpu.memory_space<vmem>>, vector<1x16xf32>,
        %get3A_815 = vector.shape_cast %get3A_814 : vector<1x16xf32> to vector<16xf32>
        %get3A_816 = arith.index_cast %scan3A_43 : i32 to index
        %get3A_817 = arith.constant 880 : index
        %get3A_818 = tpu.vector_load %arg6[%get3A_816, %get3A_817] {strides = array<i32>} : memref<32x1024xf32, #tpu.memory_space<vmem>>, vector<1x16xf32>,
        %get3A_819 = vector.shape_cast %get3A_818 : vector<1x16xf32> to vector<16xf32>
        %add3A_820 = arith.addf %get3A_815, %get3A_819 : vector<16xf32>
        %swap3A_821 = arith.index_cast %scan3A_43 : i32 to index
        %swap3A_822 = arith.constant 880 : index
        %swap3A_823 = tpu.vector_load %arg5[%swap3A_821, %swap3A_822] {strides = array<i32>} : memref<32x1024xf32, #tpu.memory_space<vmem>>, vector<1x16xf32>,
        %swap3A_824 = vector.shape_cast %swap3A_823 : vector<1x16xf32> to vector<16xf32>
        %swap3A_825 = vector.shape_cast %add3A_820 : vector<16xf32> to vector<1x16xf32>
        tpu.vector_store %arg5[%swap3A_821, %swap3A_822], %swap3A_825 {strides = array<i32>} : memref<32x1024xf32, #tpu.memory_space<vmem>>, vector<1x16xf32>,
        %get3A_826 = arith.index_cast %scan3A_43 : i32 to index
        %get3A_827 = arith.constant 896 : index
        %get3A_828 = tpu.vector_load %arg5[%get3A_826, %get3A_827] {strides = array<i32>} : memref<32x1024xf32, #tpu.memory_space<vmem>>, vector<1x16xf32>,
        %get3A_829 = vector.shape_cast %get3A_828 : vector<1x16xf32> to vector<16xf32>
        %get3A_830 = arith.index_cast %scan3A_43 : i32 to index
        %get3A_831 = arith.constant 896 : index
        %get3A_832 = tpu.vector_load %arg6[%get3A_830, %get3A_831] {strides = array<i32>} : memref<32x1024xf32, #tpu.memory_space<vmem>>, vector<1x16xf32>,
        %get3A_833 = vector.shape_cast %get3A_832 : vector<1x16xf32> to vector<16xf32>
        %add3A_834 = arith.addf %get3A_829, %get3A_833 : vector<16xf32>
        %swap3A_835 = arith.index_cast %scan3A_43 : i32 to index
        %swap3A_836 = arith.constant 896 : index
        %swap3A_837 = tpu.vector_load %arg5[%swap3A_835, %swap3A_836] {strides = array<i32>} : memref<32x1024xf32, #tpu.memory_space<vmem>>, vector<1x16xf32>,
        %swap3A_838 = vector.shape_cast %swap3A_837 : vector<1x16xf32> to vector<16xf32>
        %swap3A_839 = vector.shape_cast %add3A_834 : vector<16xf32> to vector<1x16xf32>
        tpu.vector_store %arg5[%swap3A_835, %swap3A_836], %swap3A_839 {strides = array<i32>} : memref<32x1024xf32, #tpu.memory_space<vmem>>, vector<1x16xf32>,
        %get3A_840 = arith.index_cast %scan3A_43 : i32 to index
        %get3A_841 = arith.constant 912 : index
        %get3A_842 = tpu.vector_load %arg5[%get3A_840, %get3A_841] {strides = array<i32>} : memref<32x1024xf32, #tpu.memory_space<vmem>>, vector<1x16xf32>,
        %get3A_843 = vector.shape_cast %get3A_842 : vector<1x16xf32> to vector<16xf32>
        %get3A_844 = arith.index_cast %scan3A_43 : i32 to index
        %get3A_845 = arith.constant 912 : index
        %get3A_846 = tpu.vector_load %arg6[%get3A_844, %get3A_845] {strides = array<i32>} : memref<32x1024xf32, #tpu.memory_space<vmem>>, vector<1x16xf32>,
        %get3A_847 = vector.shape_cast %get3A_846 : vector<1x16xf32> to vector<16xf32>
        %add3A_848 = arith.addf %get3A_843, %get3A_847 : vector<16xf32>
        %swap3A_849 = arith.index_cast %scan3A_43 : i32 to index
        %swap3A_850 = arith.constant 912 : index
        %swap3A_851 = tpu.vector_load %arg5[%swap3A_849, %swap3A_850] {strides = array<i32>} : memref<32x1024xf32, #tpu.memory_space<vmem>>, vector<1x16xf32>,
        %swap3A_852 = vector.shape_cast %swap3A_851 : vector<1x16xf32> to vector<16xf32>
        %swap3A_853 = vector.shape_cast %add3A_848 : vector<16xf32> to vector<1x16xf32>
        tpu.vector_store %arg5[%swap3A_849, %swap3A_850], %swap3A_853 {strides = array<i32>} : memref<32x1024xf32, #tpu.memory_space<vmem>>, vector<1x16xf32>,
        %get3A_854 = arith.index_cast %scan3A_43 : i32 to index
        %get3A_855 = arith.constant 928 : index
        %get3A_856 = tpu.vector_load %arg5[%get3A_854, %get3A_855] {strides = array<i32>} : memref<32x1024xf32, #tpu.memory_space<vmem>>, vector<1x16xf32>,
        %get3A_857 = vector.shape_cast %get3A_856 : vector<1x16xf32> to vector<16xf32>
        %get3A_858 = arith.index_cast %scan3A_43 : i32 to index
        %get3A_859 = arith.constant 928 : index
        %get3A_860 = tpu.vector_load %arg6[%get3A_858, %get3A_859] {strides = array<i32>} : memref<32x1024xf32, #tpu.memory_space<vmem>>, vector<1x16xf32>,
        %get3A_861 = vector.shape_cast %get3A_860 : vector<1x16xf32> to vector<16xf32>
        %add3A_862 = arith.addf %get3A_857, %get3A_861 : vector<16xf32>
        %swap3A_863 = arith.index_cast %scan3A_43 : i32 to index
        %swap3A_864 = arith.constant 928 : index
        %swap3A_865 = tpu.vector_load %arg5[%swap3A_863, %swap3A_864] {strides = array<i32>} : memref<32x1024xf32, #tpu.memory_space<vmem>>, vector<1x16xf32>,
        %swap3A_866 = vector.shape_cast %swap3A_865 : vector<1x16xf32> to vector<16xf32>
        %swap3A_867 = vector.shape_cast %add3A_862 : vector<16xf32> to vector<1x16xf32>
        tpu.vector_store %arg5[%swap3A_863, %swap3A_864], %swap3A_867 {strides = array<i32>} : memref<32x1024xf32, #tpu.memory_space<vmem>>, vector<1x16xf32>,
        %get3A_868 = arith.index_cast %scan3A_43 : i32 to index
        %get3A_869 = arith.constant 944 : index
        %get3A_870 = tpu.vector_load %arg5[%get3A_868, %get3A_869] {strides = array<i32>} : memref<32x1024xf32, #tpu.memory_space<vmem>>, vector<1x16xf32>,
        %get3A_871 = vector.shape_cast %get3A_870 : vector<1x16xf32> to vector<16xf32>
        %get3A_872 = arith.index_cast %scan3A_43 : i32 to index
        %get3A_873 = arith.constant 944 : index
        %get3A_874 = tpu.vector_load %arg6[%get3A_872, %get3A_873] {strides = array<i32>} : memref<32x1024xf32, #tpu.memory_space<vmem>>, vector<1x16xf32>,
        %get3A_875 = vector.shape_cast %get3A_874 : vector<1x16xf32> to vector<16xf32>
        %add3A_876 = arith.addf %get3A_871, %get3A_875 : vector<16xf32>
        %swap3A_877 = arith.index_cast %scan3A_43 : i32 to index
        %swap3A_878 = arith.constant 944 : index
        %swap3A_879 = tpu.vector_load %arg5[%swap3A_877, %swap3A_878] {strides = array<i32>} : memref<32x1024xf32, #tpu.memory_space<vmem>>, vector<1x16xf32>,
        %swap3A_880 = vector.shape_cast %swap3A_879 : vector<1x16xf32> to vector<16xf32>
        %swap3A_881 = vector.shape_cast %add3A_876 : vector<16xf32> to vector<1x16xf32>
        tpu.vector_store %arg5[%swap3A_877, %swap3A_878], %swap3A_881 {strides = array<i32>} : memref<32x1024xf32, #tpu.memory_space<vmem>>, vector<1x16xf32>,
        %get3A_882 = arith.index_cast %scan3A_43 : i32 to index
        %get3A_883 = arith.constant 960 : index
        %get3A_884 = tpu.vector_load %arg5[%get3A_882, %get3A_883] {strides = array<i32>} : memref<32x1024xf32, #tpu.memory_space<vmem>>, vector<1x16xf32>,
        %get3A_885 = vector.shape_cast %get3A_884 : vector<1x16xf32> to vector<16xf32>
        %get3A_886 = arith.index_cast %scan3A_43 : i32 to index
        %get3A_887 = arith.constant 960 : index
        %get3A_888 = tpu.vector_load %arg6[%get3A_886, %get3A_887] {strides = array<i32>} : memref<32x1024xf32, #tpu.memory_space<vmem>>, vector<1x16xf32>,
        %get3A_889 = vector.shape_cast %get3A_888 : vector<1x16xf32> to vector<16xf32>
        %add3A_890 = arith.addf %get3A_885, %get3A_889 : vector<16xf32>
        %swap3A_891 = arith.index_cast %scan3A_43 : i32 to index
        %swap3A_892 = arith.constant 960 : index
        %swap3A_893 = tpu.vector_load %arg5[%swap3A_891, %swap3A_892] {strides = array<i32>} : memref<32x1024xf32, #tpu.memory_space<vmem>>, vector<1x16xf32>,
        %swap3A_894 = vector.shape_cast %swap3A_893 : vector<1x16xf32> to vector<16xf32>
        %swap3A_895 = vector.shape_cast %add3A_890 : vector<16xf32> to vector<1x16xf32>
        tpu.vector_store %arg5[%swap3A_891, %swap3A_892], %swap3A_895 {strides = array<i32>} : memref<32x1024xf32, #tpu.memory_space<vmem>>, vector<1x16xf32>,
        %get3A_896 = arith.index_cast %scan3A_43 : i32 to index
        %get3A_897 = arith.constant 976 : index
        %get3A_898 = tpu.vector_load %arg5[%get3A_896, %get3A_897] {strides = array<i32>} : memref<32x1024xf32, #tpu.memory_space<vmem>>, vector<1x16xf32>,
        %get3A_899 = vector.shape_cast %get3A_898 : vector<1x16xf32> to vector<16xf32>
        %get3A_900 = arith.index_cast %scan3A_43 : i32 to index
        %get3A_901 = arith.constant 976 : index
        %get3A_902 = tpu.vector_load %arg6[%get3A_900, %get3A_901] {strides = array<i32>} : memref<32x1024xf32, #tpu.memory_space<vmem>>, vector<1x16xf32>,
        %get3A_903 = vector.shape_cast %get3A_902 : vector<1x16xf32> to vector<16xf32>
        %add3A_904 = arith.addf %get3A_899, %get3A_903 : vector<16xf32>
        %swap3A_905 = arith.index_cast %scan3A_43 : i32 to index
        %swap3A_906 = arith.constant 976 : index
        %swap3A_907 = tpu.vector_load %arg5[%swap3A_905, %swap3A_906] {strides = array<i32>} : memref<32x1024xf32, #tpu.memory_space<vmem>>, vector<1x16xf32>,
        %swap3A_908 = vector.shape_cast %swap3A_907 : vector<1x16xf32> to vector<16xf32>
        %swap3A_909 = vector.shape_cast %add3A_904 : vector<16xf32> to vector<1x16xf32>
        tpu.vector_store %arg5[%swap3A_905, %swap3A_906], %swap3A_909 {strides = array<i32>} : memref<32x1024xf32, #tpu.memory_space<vmem>>, vector<1x16xf32>,
        %get3A_910 = arith.index_cast %scan3A_43 : i32 to index
        %get3A_911 = arith.constant 992 : index
        %get3A_912 = tpu.vector_load %arg5[%get3A_910, %get3A_911] {strides = array<i32>} : memref<32x1024xf32, #tpu.memory_space<vmem>>, vector<1x16xf32>,
        %get3A_913 = vector.shape_cast %get3A_912 : vector<1x16xf32> to vector<16xf32>
        %get3A_914 = arith.index_cast %scan3A_43 : i32 to index
        %get3A_915 = arith.constant 992 : index
        %get3A_916 = tpu.vector_load %arg6[%get3A_914, %get3A_915] {strides = array<i32>} : memref<32x1024xf32, #tpu.memory_space<vmem>>, vector<1x16xf32>,
        %get3A_917 = vector.shape_cast %get3A_916 : vector<1x16xf32> to vector<16xf32>
        %add3A_918 = arith.addf %get3A_913, %get3A_917 : vector<16xf32>
        %swap3A_919 = arith.index_cast %scan3A_43 : i32 to index
        %swap3A_920 = arith.constant 992 : index
        %swap3A_921 = tpu.vector_load %arg5[%swap3A_919, %swap3A_920] {strides = array<i32>} : memref<32x1024xf32, #tpu.memory_space<vmem>>, vector<1x16xf32>,
        %swap3A_922 = vector.shape_cast %swap3A_921 : vector<1x16xf32> to vector<16xf32>
        %swap3A_923 = vector.shape_cast %add3A_918 : vector<16xf32> to vector<1x16xf32>
        tpu.vector_store %arg5[%swap3A_919, %swap3A_920], %swap3A_923 {strides = array<i32>} : memref<32x1024xf32, #tpu.memory_space<vmem>>, vector<1x16xf32>,
        %get3A_924 = arith.index_cast %scan3A_43 : i32 to index
        %get3A_925 = arith.constant 1008 : index
        %get3A_926 = tpu.vector_load %arg5[%get3A_924, %get3A_925] {strides = array<i32>} : memref<32x1024xf32, #tpu.memory_space<vmem>>, vector<1x16xf32>,
        %get3A_927 = vector.shape_cast %get3A_926 : vector<1x16xf32> to vector<16xf32>
        %get3A_928 = arith.index_cast %scan3A_43 : i32 to index
        %get3A_929 = arith.constant 1008 : index
        %get3A_930 = tpu.vector_load %arg6[%get3A_928, %get3A_929] {strides = array<i32>} : memref<32x1024xf32, #tpu.memory_space<vmem>>, vector<1x16xf32>,
        %get3A_931 = vector.shape_cast %get3A_930 : vector<1x16xf32> to vector<16xf32>
        %add3A_932 = arith.addf %get3A_927, %get3A_931 : vector<16xf32>
        %swap3A_933 = arith.index_cast %scan3A_43 : i32 to index
        %swap3A_934 = arith.constant 1008 : index
        %swap3A_935 = tpu.vector_load %arg5[%swap3A_933, %swap3A_934] {strides = array<i32>} : memref<32x1024xf32, #tpu.memory_space<vmem>>, vector<1x16xf32>,
        %swap3A_936 = vector.shape_cast %swap3A_935 : vector<1x16xf32> to vector<16xf32>
        %swap3A_937 = vector.shape_cast %add3A_932 : vector<16xf32> to vector<1x16xf32>
        tpu.vector_store %arg5[%swap3A_933, %swap3A_934], %swap3A_937 {strides = array<i32>} : memref<32x1024xf32, #tpu.memory_space<vmem>>, vector<1x16xf32>,
      }
      %scan3A_41 = arith.constant 32 : i32
      %run_scoped3A_42 = arith.constant 3 : i32
      "tpu.region"() ({
        %run_scoped3A_43 = tpu.sem_alloc : memref<!tpu.dma_semaphore, #tpu.memory_space<semaphore_mem>>
        %dma_start3A = arith.constant 0 : i32
        %dma_start3A_44 = tpu.memref_slice %arg4[%run_scoped3A_42, %add3A_11, %dma_start3A] : memref<4x8192x1024xf32, #tpu.memory_space<hbm>> -> memref<1x32x1024xf32, #tpu.memory_space<hbm>>
        %dma_start3A_45 = tpu.memref_squeeze %dma_start3A_44 : memref<1x32x1024xf32, #tpu.memory_space<hbm>> -> memref<32x1024xf32, #tpu.memory_space<hbm>>
        %dma_start3A_46 = arith.constant 0 : i32
        %dma_start3A_47 = tpu.memref_slice %arg4[%run_scoped3A_42, %add3A_11, %dma_start3A_46] : memref<4x8192x1024xf32, #tpu.memory_space<hbm>> -> memref<1x32x1024xf32, #tpu.memory_space<hbm>>
        %dma_start3A_48 = tpu.memref_squeeze %dma_start3A_47 : memref<1x32x1024xf32, #tpu.memory_space<hbm>> -> memref<32x1024xf32, #tpu.memory_space<hbm>>
        tpu.enqueue_dma source(%arg5 : memref<32x1024xf32, #tpu.memory_space<vmem>>) target(%dma_start3A_48 : memref<32x1024xf32, #tpu.memory_space<hbm>>) target_semaphore(%run_scoped3A_43 : memref<!tpu.dma_semaphore, #tpu.memory_space<semaphore_mem>>)
        %dma_wait3A = arith.constant 0 : i32
        %dma_wait3A_49 = tpu.memref_slice %arg4[%run_scoped3A_42, %add3A_11, %dma_wait3A] : memref<4x8192x1024xf32, #tpu.memory_space<hbm>> -> memref<1x32x1024xf32, #tpu.memory_space<hbm>>
        %dma_wait3A_50 = tpu.memref_squeeze %dma_wait3A_49 : memref<1x32x1024xf32, #tpu.memory_space<hbm>> -> memref<32x1024xf32, #tpu.memory_space<hbm>>
        %dma_wait3A_51 = arith.constant 0 : i32
        %dma_wait3A_52 = tpu.memref_slice %arg4[%run_scoped3A_42, %add3A_11, %dma_wait3A_51] : memref<4x8192x1024xf32, #tpu.memory_space<hbm>> -> memref<1x32x1024xf32, #tpu.memory_space<hbm>>
        %dma_wait3A_53 = tpu.memref_squeeze %dma_wait3A_52 : memref<1x32x1024xf32, #tpu.memory_space<hbm>> -> memref<32x1024xf32, #tpu.memory_space<hbm>>
        tpu.wait_dma2 semaphore(%run_scoped3A_43 : memref<!tpu.dma_semaphore, #tpu.memory_space<semaphore_mem>>) src(%arg5 : memref<32x1024xf32, #tpu.memory_space<vmem>>) dst(%dma_wait3A_53 : memref<32x1024xf32, #tpu.memory_space<hbm>>)
        tpu.yield
      }) : () -> ()
    }
    %scan3A_5 = arith.constant 8 : i32
    return
  }
}

</mosaic_0001>

<sc_bundles>
// kernel: kernel.3.cloned.1.call-start
scs
__scs_entry_jumppad:
0x0: {  	(pc) =	sbr.rel $0x88, $3  }
0x1: {  	(tag) =	ssettag $0x0;
	lr =	simm.s32 $0x1  }
0x2: {  	[smem:$0x3F9F] =	sst lr;
	_ =	strace $0xD0000000  }
0x3: {  	_ = 	snop  }
0x4: {  	_ = 	snop  }
0x5: {  	_ = 	snop  }
0x6: {  	_ = 	snop  }
0x7: {  	_ = 	snop  }
__scs_overlays_trampoline_lowered:
0x8: {  	[smem:$0x3FAE] =	sst s0  }
0x9: {  	[smem:$0x3FAF] =	sst s1  }
0xa: {  	[smem:$0x3FB0] =	sst s2  }
0xb: {  	[smem:$0x3FB1] =	sst s3  }
0xc: {  	[smem:$0x3FB2] =	sst s4  }
0xd: {  	[smem:$0x3FB3] =	sst s5  }
0xe: {  	[smem:$0x3FB4] =	sst s6  }
0xf: {  	[smem:$0x3FB5] =	sst s7  }
0x10: {  	[smem:$0x3FB6] =	sst s8  }
0x11: {  	[smem:$0x3FB7] =	sst s9;
	s0 =	simm.s32 @!p0 $0x0  }
0x12: {  	s1 =	sld [smem:$0x3F9D];
	s0 =	simm.s32 @p0 $0x1  }
0x13: {  	[smem:$0x3FB8] =	sst s0;
	s0 =	simm.s32 @!p1 $0x0  }
0x14: {  	s2 =	sld [smem:$0x3F9C];
	s0 =	simm.s32 @p1 $0x1  }
0x15: {  	[smem:$0x3FB9] =	sst s0;
	s0 =	simm.s32 @!p2 $0x0  }
0x16: {  	s3 =	sld [smem:$0x3FDB];
	s0 =	simm.s32 @p2 $0x1  }
0x17: {  	s4 =	simm.s32 $0x1BF5;
	[smem:$0x3FBB] =	sst s0  }
0x18: {  	s0 =	sld [smem:$0x3F9E];
	_ =	swait.ge [sflag:s4], $0x0  }
0x19: {  	s7 =	sld [smem:$0x3F9F]  }
0x1a: {  	s8 =	sadd.s32 $0xFFFFE003, lr  }
0x1b: {  	s9 =	sadd.s32 $0xFFFFFEF7, lr;
	s5 =	simm.s32 $0xFFFFFFFF;
	p2 =	slt.u32 s8, $0xFFFFF086  }
0x1c: {  	p1 =	slt.u32 s9, $0xF7A;
	s5 =	simm.s32 @!p2 $0x0  }
0x1d: {  	s5 =	simm.s32 @p1 $0x1;
	p0 =	seq.s32 s7, s2  }
0x1e: {  	s7 =	smul.u32 @!p0 $0xF7A, s2;
	p2 =	seq.s32 @!p0 s5, $0x0  }
0x1f: {  	s9 =	smul.u32 $0xF7A, s1;
	s8 =	simm.s32 @!p0 $0x1BF5;
	p2 =	por !p2, p0  }
0x20: {  	[sflag:s8] =	ssyncset.s32 @!p0 $0xFFFFF086;
	s6 =	sadd.s32 @!p0 s3, s7;
	s7 =	simm.s32 @!p0 $0x108  }
0x21: {  	s3 =	sadd.s32 s3, s9;
	s6 =	sadd.s32 @!p0 $0x88, s6;
	s7 =	simm.s32 @p2 $0x1082  }
0x22: {  	[simem:s7], [sflag:s8] =	dma.local @!p0 [hbm:s6], $0xF7A  }
0x23: {  	s9 =	sor.u32 $0xD0000000, s2;
	s6 =	simm.s32 $0x108;
	_ =	swait.ge @!p0 [sflag:s8], $0x0  }
0x24: {  	s3 =	sadd.s32 $0x88, s3;
	s6 =	simm.s32 @!p1 $0x1082;
	[sflag:s4] =	ssyncset.s32 $0xFFFFF086  }
0x25: {  	[simem:s6], [sflag:s4] =	dma.local [hbm:s3], $0xF7A  }
0x26: {  	[smem:$0x3F9F] =	sst s1;
	(tag) =	ssettag s2;
	_ =	strace s9  }
0x27: {  	s1 =	sld [smem:$0x3FAF]  }
0x28: {  	s2 =	sld [smem:$0x3FB0]  }
0x29: {  	s4 =	sld [smem:$0x3FB2]  }
0x2a: {  	p0 =	seq.s32 s5, $0x0;
	s5 =	sld [smem:$0x3FB3]  }
0x2b: {  	s6 =	sld [smem:$0x3FB4]  }
0x2c: {  	s7 =	sld [smem:$0x3FB5]  }
0x2d: {  	s3 =	simm.s32 $0x108;
	s8 =	sld [smem:$0x3FB6]  }
0x2e: {  	s3 =	simm.s32 @!p0 $0x1082;
	s9 =	sld [smem:$0x3FB7]  }
0x2f: {  	lr =	sadd.s32 s0, s3;
	s0 =	sld [smem:$0x3FAE]  }
0x30: {  	s3 =	sld [smem:$0x3FB1]  }
0x31: {  	[smem:$0x3FBA] =	sst s10  }
0x32: {  	s10 =	sld [smem:$0x3FB8];
	_ =	sdelay $0x3  }
0x33: {  	p0 =	seq.s32 s10, $0x1;
	s10 =	sld [smem:$0x3FBA];
	_ =	sdelay $0x3  }
0x34: {  	[smem:$0x3FBA] =	sst s10  }
0x35: {  	s10 =	sld [smem:$0x3FB9];
	_ =	sdelay $0x3  }
0x36: {  	p1 =	seq.s32 s10, $0x1;
	s10 =	sld [smem:$0x3FBA];
	_ =	sdelay $0x3  }
0x37: {  	[smem:$0x3FBA] =	sst s10  }
0x38: {  	s10 =	sld [smem:$0x3FBB]  }
0x39: {  	_ = 	snop;
	(pc) =	sbr.ind lr, $3  }
0x3a: {  	_ = 	snop  }
0x3b: {  	_ = 	snop  }
0x3c: {  	p2 =	seq.s32 s10, $0x1;
	s10 =	sld [smem:$0x3FBA]  }
0x3d: {  	_ =	shalt  }
0x3e: {  	_ =	shalt  }
0x3f: {  	_ =	shalt  }
0x40: {  	_ =	shalt  }
0x41: {  	_ =	shalt  }
0x42: {  	_ =	shalt  }
0x43: {  	_ =	shalt  }
0x44: {  	_ =	shalt  }
0x45: {  	_ =	shalt  }
0x46: {  	_ =	shalt  }
0x47: {  	_ =	shalt  }
0x48: {  	_ =	shalt  }
0x49: {  	_ =	shalt  }
0x4a: {  	_ =	shalt  }
0x4b: {  	_ =	shalt  }
0x4c: {  	_ =	shalt  }
0x4d: {  	_ =	shalt  }
0x4e: {  	_ =	shalt  }
0x4f: {  	_ =	shalt  }
0x50: {  	_ =	shalt  }
0x51: {  	_ =	shalt  }
0x52: {  	_ =	shalt  }
0x53: {  	_ =	shalt  }
0x54: {  	_ =	shalt  }
0x55: {  	_ =	shalt  }
0x56: {  	_ =	shalt  }
0x57: {  	_ =	shalt  }
0x58: {  	_ =	shalt  }
0x59: {  	_ =	shalt  }
0x5a: {  	_ =	shalt  }
0x5b: {  	_ =	shalt  }
0x5c: {  	_ =	shalt  }
0x5d: {  	_ =	shalt  }
0x5e: {  	_ =	shalt  }
0x5f: {  	_ =	shalt  }
0x60: {  	_ =	shalt  }
0x61: {  	_ =	shalt  }
0x62: {  	_ =	shalt  }
0x63: {  	_ =	shalt  }
0x64: {  	_ =	shalt  }
0x65: {  	_ =	shalt  }
0x66: {  	_ =	shalt  }
0x67: {  	_ =	shalt  }
0x68: {  	_ =	shalt  }
0x69: {  	_ =	shalt  }
0x6a: {  	_ =	shalt  }
0x6b: {  	_ =	shalt  }
0x6c: {  	_ =	shalt  }
0x6d: {  	_ =	shalt  }
0x6e: {  	_ =	shalt  }
0x6f: {  	_ =	shalt  }
0x70: {  	_ =	shalt  }
0x71: {  	_ =	shalt  }
0x72: {  	_ =	shalt  }
0x73: {  	_ =	shalt  }
0x74: {  	_ =	shalt  }
0x75: {  	_ =	shalt  }
0x76: {  	_ =	shalt  }
0x77: {  	_ =	shalt  }
0x78: {  	_ =	shalt  }
0x79: {  	_ =	shalt  }
0x7a: {  	_ =	shalt  }
0x7b: {  	_ =	shalt  }
0x7c: {  	_ =	shalt  }
0x7d: {  	_ =	shalt  }
0x7e: {  	_ =	shalt  }
0x7f: {  	_ =	shalt  }
0x80: {  	_ =	shalt  }
0x81: {  	_ =	shalt  }
0x82: {  	_ =	shalt  }
0x83: {  	_ =	shalt  }
0x84: {  	_ =	shalt  }
0x85: {  	_ =	shalt  }
0x86: {  	_ =	shalt  }
0x87: {  	_ =	shalt  }
.Lfunc_end0:
.L_simem_size_0:
called_computation_lowered:
.L_overlay_start_0:
0x88: {  	s2 =	sld [smem:$0x3FD9]  }
0x89: {  	s3 =	sld [smem:$0x3FFE];
	_ =	sdelay $0x1  }
0x8a: {  	s1 =	srdreg.scid  }
0x8b: {  	s0 =	sand.u32 $0x1, s1  }
0x8c: {  	s18 =	sshll.u32 s0, $0xA;
	s2 =	sadd.s32 s3, s2  }
0x8d: {  	s2 =	sadd.s32 s2, s18  }
0x8e: {  	[smem:$0x3FC6] =	sst s2  }
0x8f: {  	_ = 	snop  }
0x90: {  	s2 =	sld [smem:$0x3FC9]  }
0x91: {  	s19 =	sld [smem:$0x3FC8]  }
0x92: {  	s4 =	sld [smem:$0x3FD0];
	(tm) =	ssettm $0x1  }
0x93: {  	s5 =	sld [smem:$0x3FFB];
	_ =	sdelay $0x3  }
0x94: {  	_ =	strace s5  }
0x95: {  	s5 =	sld [smem:$0x3FFC];
	_ =	sdelay $0x3  }
0x96: {  	_ =	strace s5  }
0x97: {  	s5 =	sld [smem:$0x3FFD];
	_ =	sdelay $0x3  }
0x98: {  	_ =	strace s5  }
0x99: {  	_ =	strace $0x8FFFFFFF  }
0x9a: {  	s20 =	sld [smem:$0x3FDB];
	_ =	sdelay $0x1  }
0x9b: {  	s6 =	simm.s32 $_scs_section_size  }
0x9c: {  	s7 =	simm.s32 $_size__tile_overlayer_lowered;
	s8 =	simm.s32 $_tile_overlayer_lowered  }
0x9d: {  	s23 =	simm.s32 $0x1BFF;
	s22 =	sshll.u32 s8, $0x1;
	s5 =	sadd.s32 s6, s20  }
0x9e: {  	s9 =	simm.s32 $0x0;
	s21 =	sshll.u32 s7, $0x1;
	s7 =	sadd.s32 s22, s5  }
0x9f: {  	[timem:s9], [sflag:s23] =	dma.local [hbm:s7], s21  }
0xa0: {  	_ =	swait.ge [sflag:s23], s21  }
0xa1: {  	s6 =	ssub.s32 $0x0, s21;
	[sflag:s23] =	ssyncset.done $0x0  }
0xa2: {  	[sflag:s23] =	ssyncadd.s32 s6;
	_ =	sdelay $0x1  }
0xa3: {  	s24 =	simm.s32 $0x1B8B  }
0xa4: {  	_ =	swait.ge [sflag:s24], $0x1  }
0xa5: {  	[sflag:s24] =	ssyncset.done $0x0  }
0xa6: {  	s25 =	simm.s32 $0x1B8E;
	[sflag:s24] =	ssyncadd.s32 $0xFFFFFFFF  }
0xa7: {  	s26 =	simm.s32 $execute0_lowered;
	[smem:$0x3FD2] =	sst s25  }
0xa8: {  	s6 =	sshll.u32 s26, $0x1;
	_ =	strace $0x80000046;
	[dreg:$0x1] =	wrdreg $0xFFFFFFFF  }
0xa9: {  	s28 =	simm.s32 $_size_execute0_lowered;
	s5 =	sadd.s32 s5, s6;
	[dreg:$0x0] =	wrdreg $0x0  }
0xaa: {  	s6 =	sshll.u32 s28, $0x1;
	[dreg:$0x2] =	wrdreg s5  }
0xab: {  	[dreg:$0x3] =	wrdreg s6  }
0xac: {  	[dreg:$0x4] =	wrdreg $0xC0  }
0xad: {  	_ =	task [dreg:s9], $0x5FFFF  }
0xae: {  	[dreg:$0x1] =	wrdreg $0xFFFFFFFF  }
0xaf: {  	[dreg:$0x0] =	wrdreg $0x60  }
0xb0: {  	[dreg:$0x2] =	wrdreg s2  }
0xb1: {  	[dreg:$0x3] =	wrdreg s19  }
0xb2: {  	[dreg:$0x4] =	wrdreg s4  }
0xb3: {  	[dreg:$0x5] =	wrdreg $0x9  }
0xb4: {  	_ =	task.clear_ibuf [dreg:s9], $0x6FFFF;
	_ =	strace $0x90000046  }
0xb5: {  	s29 =	simm.s32 $0x9;
	_ =	strace $0x80000048  }
0xb6: {  	_ =	swait.ge [sflag:s29], $0x1  }
0xb7: {  	[sflag:s29] =	ssyncadd.s32 $0xFFFFFFFF  }
0xb8: {  	_ =	strace $0x90000048  }
0xb9: {  	_ =	sfence  }
0xba: {  	s30 =	sld [smem:$0x0];
	_ =	sdelay $0x2  }
0xbb: {  	s31 =	sshll.u32 s1, $0xD;
	s1 =	sshrl.u32 s1, $0x2  }
0xbc: {  	s3 =	sand.u32 $0x4000, s31;
	s1 =	sadd.s32 s1, s30  }
0xbd: {  	s0 =	sor.u32 s3, s0;
	s1 =	sshll.u32 s1, $0x11  }
0xbe: {  	s0 =	sor.u32 s1, s0  }
0xbf: {  	s0 =	sadd.s32 $0x8F2B, s0  }
0xc0: {  	[sflag:s0] =	ssyncadd.remote.s32 $0x1  }
0xc1: {  	_ =	sfence.sel $0xFFFF  }
0xc2: {  	[dreg:$0x0] =	wrdreg $0xFFFFFFFF;
	(pc) =	sbr.abs _section_cstart, $3  }
0xc3: {  	[dreg:$0x1] =	wrdreg $0xFFFFFFFF  }
0xc4: {  	_ =	task.clear_ibuf [dreg:s9], $0x2FFFF;
	_ =	strace $0x9FFFFFFF  }
0xc5: {  	(tm) =	ssettm $0x7FFFFFFF  }
tec
execute0_lowered:
.L_overlay_start_1:
0x0: {  	(tag) =	ssettag $0x1  }
0x1: {  	s1 =	rddreg [dreg:$0x0]  }
0x2: {  	s2 =	rddreg [dreg:$0x1]  }
0x3: {  	s0 =	srdreg.scid;
	s3 =	rddreg [dreg:$0x2];
	s5 =	simm.s32 $0x0  }
0x4: {  	s4 =	stileid.u32;
	s9 =	simm.s32 $0x1;
	s6 =	sand.u32 $0x1, s0  }
0x5: {  	s10 =	simm.s32 $0x0;
	s0 =	rddreg [dreg:$0x3];
	s7 =	ssub.s32 $0x2, s6  }
0x6: {  	[smem:$0x7FF] =	sst s5;
	s31 =	sshll.u32 s4, $0x10;
	s8 =	sshrl.u32 s7, $0x1  }
0x7: {  	s6 =	sshll.u32 s6, $0xF;
	_ =	strace $0x80000047;
	s7 =	ssub.s32 s7, s8  }
0x8: {  	s6 =	sor.u32 s6, s31;
	s8 =	simm.s32 $0x8000;
	s7 =	smax.u32 s7, $0x1  }
.LBB2_1:
0x9: {  	s11 =	simm.s32 $0x0  }
.LBB2_2:
0xa: {  	s12 =	sshll.u32 s11, $0xC  }
0xb: {  	s12 =	sadd.s32 s6, s12  }
0xc: {  	s13 =	simm.s32 $0x0;
	s14 =	sadd.s32 s2, s12  }
0xd: {  	[tilespmem:s8], [sflag:$0x1] =	stream.linear.gather [hbm4b:s14+s13], $0x8000, $0x38;
	[tilespmem:$0x10000] =	vst v63  }
0xe: {  	_ =	swait.ge [sflag:s9], $0x8000  }
0xf: {  	[sflag:s9] =	ssyncset.done $0x0  }
0x10: {  	s31 =	sadd.s32 s1, s12;
	[sflag:s9] =	ssyncadd.s32 $0xFFFF8000  }
0x11: {  	[tilespmem:s13], [sflag:$0x1] =	stream.linear.gather [hbm4b:s31+s13], $0x8000, $0x38;
	[tilespmem:$0x10000] =	vst v63  }
0x12: {  	_ =	swait.ge [sflag:s9], $0x8000  }
0x13: {  	s15 =	simm.s32 $0x0;
	[sflag:s9] =	ssyncset.done $0x0  }
0x14: {  	s16 =	simm.s32 $0x0;
	s14 =	simm.s32 $0xFFFF8000;
	[sflag:s9] =	ssyncadd.s32 $0xFFFF8000  }
.LBB2_3:
0x15: {  	s17 =	sadd.s32 $0x8000, s14  }
0x16: {  	s18 =	sand.u32 $0x380, s16;
	s17 =	sand.u32 $0x6000, s17  }
0x17: {  	s17 =	sor.u32 s18, s17  }
0x18: {  	v0 =	vld [tilespmem:s17+$0x0]  }
0x19: {  	v1 =	vld [tilespmem:s17+$0x8000]  }
0x1a: {  	v2 =	vld [tilespmem:s17+$0x10]  }
0x1b: {  	v3 =	vld [tilespmem:s17+$0x8010]  }
0x1c: {  	v4 =	vld [tilespmem:s17+$0x20]  }
0x1d: {  	v5 =	vld [tilespmem:s17+$0x8020]  }
0x1e: {  	v6 =	vld [tilespmem:s17+$0x30]  }
0x1f: {  	v7 =	vld [tilespmem:s17+$0x8030]  }
0x20: {  	v8 =	vld [tilespmem:s17+$0x40]  }
0x21: {  	v9 =	vld [tilespmem:s17+$0x8040]  }
0x22: {  	v10 =	vld [tilespmem:s17+$0x50]  }
0x23: {  	v11 =	vld [tilespmem:s17+$0x8050]  }
0x24: {  	v12 =	vld [tilespmem:s17+$0x60]  }
0x25: {  	v13 =	vld [tilespmem:s17+$0x8060]  }
0x26: {  	v14 =	vld [tilespmem:s17+$0x70]  }
0x27: {  	v15 =	vld [tilespmem:s17+$0x8070]  }
0x28: {  	v16 =	vld [tilespmem:s17+$0x400]  }
0x29: {  	v17 =	vld [tilespmem:s17+$0x8400]  }
0x2a: {  	v18 =	vld [tilespmem:s17+$0x410]  }
0x2b: {  	v19 =	vld [tilespmem:s17+$0x8410]  }
0x2c: {  	v20 =	vld [tilespmem:s17+$0x420]  }
0x2d: {  	v21 =	vld [tilespmem:s17+$0x8420]  }
0x2e: {  	v22 =	vld [tilespmem:s17+$0x430]  }
0x2f: {  	v23 =	vld [tilespmem:s17+$0x8430]  }
0x30: {  	v24 =	vld [tilespmem:s17+$0x440]  }
0x31: {  	v25 =	vld [tilespmem:s17+$0x8440]  }
0x32: {  	v26 =	vld [tilespmem:s17+$0x450]  }
0x33: {  	v27 =	vld [tilespmem:s17+$0x8450]  }
0x34: {  	v28 =	vld [tilespmem:s17+$0x460]  }
0x35: {  	v29 =	vld [tilespmem:s17+$0x8460]  }
0x36: {  	v30 =	vld [tilespmem:s17+$0x470]  }
0x37: {  	v31 =	vld [tilespmem:s17+$0x8470]  }
0x38: {  	v32 =	vld [tilespmem:s17+$0x800]  }
0x39: {  	v33 =	vld [tilespmem:s17+$0x8800]  }
0x3a: {  	v34 =	vld [tilespmem:s17+$0x810]  }
0x3b: {  	v35 =	vld [tilespmem:s17+$0x8810]  }
0x3c: {  	v36 =	vld [tilespmem:s17+$0x820]  }
0x3d: {  	v37 =	vld [tilespmem:s17+$0x8820]  }
0x3e: {  	v38 =	vld [tilespmem:s17+$0x830]  }
0x3f: {  	v39 =	vld [tilespmem:s17+$0x8830]  }
0x40: {  	v40 =	vld [tilespmem:s17+$0x840]  }
0x41: {  	v41 =	vld [tilespmem:s17+$0x8840]  }
0x42: {  	v42 =	vld [tilespmem:s17+$0x850]  }
0x43: {  	v43 =	vld [tilespmem:s17+$0x8850]  }
0x44: {  	v44 =	vld [tilespmem:s17+$0x860]  }
0x45: {  	v45 =	vld [tilespmem:s17+$0x8860]  }
0x46: {  	v46 =	vld [tilespmem:s17+$0x870]  }
0x47: {  	v47 =	vld [tilespmem:s17+$0x8870]  }
0x48: {  	v48 =	vld [tilespmem:s17+$0xC00]  }
0x49: {  	v49 =	vld [tilespmem:s17+$0x8C00]  }
0x4a: {  	v50 =	vld [tilespmem:s17+$0xC10]  }
0x4b: {  	v51 =	vld [tilespmem:s17+$0x8C10]  }
0x4c: {  	v52 =	vld [tilespmem:s17+$0xC20]  }
0x4d: {  	v53 =	vld [tilespmem:s17+$0x8C20]  }
0x4e: {  	v54 =	vld [tilespmem:s17+$0xC30]  }
0x4f: {  	v55 =	vld [tilespmem:s17+$0x8C30]  }
0x50: {  	v56 =	vld [tilespmem:s17+$0xC40]  }
0x51: {  	v57 =	vld [tilespmem:s17+$0x8C40]  }
0x52: {  	v58 =	vld [tilespmem:s17+$0xC50]  }
0x53: {  	v59 =	vld [tilespmem:s17+$0x8C50]  }
0x54: {  	v60 =	vld [tilespmem:s17+$0xC60]  }
0x55: {  	v0 =	vadd.f32 v1, v0;
	v1 =	vld [tilespmem:s17+$0x8C60]  }
0x56: {  	v2 =	vadd.f32 v3, v2;
	v3 =	vld [tilespmem:s17+$0xC70]  }
0x57: {  	v63 =	vadd.f32 v5, v4;
	v4 =	vld [tilespmem:s17+$0x8C70];
	[tilespmem:s17+$0x0] =	vst v0  }
0x58: {  	v61 =	vadd.f32 v7, v6;
	v5 =	vld [tilespmem:s17+$0x1000];
	[tilespmem:s17+$0x10] =	vst v2  }
0x59: {  	v62 =	vadd.f32 v9, v8;
	v6 =	vld [tilespmem:s17+$0x9000];
	[tilespmem:s17+$0x20] =	vst v63  }
0x5a: {  	v7 =	vld [tilespmem:s17+$0x1010];
	v13 =	vadd.f32 v13, v12;
	[tilespmem:s17+$0x30] =	vst v61  }
0x5b: {  	v8 =	vld [tilespmem:s17+$0x9010];
	v15 =	vadd.f32 v15, v14;
	[tilespmem:s17+$0x40] =	vst v62  }
0x5c: {  	v9 =	vld [tilespmem:s17+$0x1020];
	v17 =	vadd.f32 v17, v16;
	[tilespmem:s17+$0x60] =	vst v13  }
0x5d: {  	v19 =	vadd.f32 v19, v18;
	v12 =	vld [tilespmem:s17+$0x9030];
	[tilespmem:s17+$0x70] =	vst v15  }
0x5e: {  	v21 =	vadd.f32 v21, v20;
	v14 =	vld [tilespmem:s17+$0x9040];
	[tilespmem:s17+$0x400] =	vst v17  }
0x5f: {  	v23 =	vadd.f32 v23, v22;
	v16 =	vld [tilespmem:s17+$0x9050];
	[tilespmem:s17+$0x410] =	vst v19  }
0x60: {  	v25 =	vadd.f32 v25, v24;
	v20 =	vld [tilespmem:s17+$0x9070];
	[tilespmem:s17+$0x420] =	vst v21  }
0x61: {  	v27 =	vadd.f32 v27, v26;
	v22 =	vld [tilespmem:s17+$0x9400];
	[tilespmem:s17+$0x430] =	vst v23  }
0x62: {  	v29 =	vadd.f32 v29, v28;
	v24 =	vld [tilespmem:s17+$0x9410];
	[tilespmem:s17+$0x440] =	vst v25  }
0x63: {  	v28 =	vadd.f32 v37, v36;
	v37 =	vld [tilespmem:s17+$0x1430];
	[tilespmem:s17+$0x450] =	vst v27  }
0x64: {  	v36 =	vadd.f32 v51, v50;
	v51 =	vld [tilespmem:s17+$0x9460];
	[tilespmem:s17+$0x460] =	vst v29  }
0x65: {  	v63 =	vadd.f32 v11, v10;
	v10 =	vld [tilespmem:s17+$0x9020];
	[tilespmem:s17+$0x820] =	vst v28  }
0x66: {  	v11 =	vld [tilespmem:s17+$0x1030];
	v61 =	vadd.f32 v31, v30;
	[tilespmem:s17+$0xC10] =	vst v36  }
0x67: {  	v13 =	vld [tilespmem:s17+$0x1040];
	v62 =	vadd.f32 v33, v32;
	[tilespmem:s17+$0x50] =	vst v63  }
0x68: {  	v15 =	vld [tilespmem:s17+$0x1050];
	v27 =	vadd.f32 v35, v34;
	[tilespmem:s17+$0x470] =	vst v61  }
0x69: {  	v17 =	vld [tilespmem:s17+$0x1060];
	v29 =	vadd.f32 v39, v38;
	[tilespmem:s17+$0x800] =	vst v62  }
0x6a: {  	v19 =	vld [tilespmem:s17+$0x1070];
	v30 =	vadd.f32 v41, v40;
	[tilespmem:s17+$0x810] =	vst v27  }
0x6b: {  	v21 =	vld [tilespmem:s17+$0x1400];
	v31 =	vadd.f32 v43, v42;
	[tilespmem:s17+$0x830] =	vst v29  }
0x6c: {  	v23 =	vld [tilespmem:s17+$0x1410];
	v32 =	vadd.f32 v45, v44;
	[tilespmem:s17+$0x840] =	vst v30  }
0x6d: {  	v33 =	vadd.f32 v47, v46;
	v25 =	vld [tilespmem:s17+$0x1420];
	[tilespmem:s17+$0x850] =	vst v31  }
0x6e: {  	v34 =	vadd.f32 v49, v48;
	v35 =	vld [tilespmem:s17+$0x9420];
	[tilespmem:s17+$0x860] =	vst v32  }
0x6f: {  	v38 =	vadd.f32 v53, v52;
	v39 =	vld [tilespmem:s17+$0x9430];
	[tilespmem:s17+$0x870] =	vst v33  }
0x70: {  	v40 =	vadd.f32 v55, v54;
	v41 =	vld [tilespmem:s17+$0x1440];
	[tilespmem:s17+$0xC00] =	vst v34  }
0x71: {  	v42 =	vadd.f32 v57, v56;
	v43 =	vld [tilespmem:s17+$0x9440];
	[tilespmem:s17+$0xC20] =	vst v38  }
0x72: {  	v44 =	vadd.f32 v59, v58;
	v45 =	vld [tilespmem:s17+$0x1450];
	[tilespmem:s17+$0xC30] =	vst v40  }
0x73: {  	v47 =	vld [tilespmem:s17+$0x9450];
	[tilespmem:s17+$0xC40] =	vst v42;
	v46 =	vadd.f32 v1, v60  }
0x74: {  	v49 =	vld [tilespmem:s17+$0x1460];
	[tilespmem:s17+$0xC50] =	vst v44;
	v48 =	vadd.f32 v4, v3  }
0x75: {  	v53 =	vld [tilespmem:s17+$0x1470];
	v50 =	vadd.f32 v6, v5;
	[tilespmem:s17+$0xC60] =	vst v46  }
0x76: {  	v55 =	vld [tilespmem:s17+$0x9470];
	v52 =	vadd.f32 v8, v7;
	[tilespmem:s17+$0xC70] =	vst v48  }
0x77: {  	v57 =	vld [tilespmem:s17+$0x1800];
	[tilespmem:s17+$0x1000] =	vst v50;
	v54 =	vadd.f32 v10, v9  }
0x78: {  	v59 =	vld [tilespmem:s17+$0x9800];
	[tilespmem:s17+$0x1010] =	vst v52;
	v56 =	vadd.f32 v12, v11  }
0x79: {  	v36 =	vld [tilespmem:s17+$0x9830];
	v58 =	vadd.f32 v14, v13;
	[tilespmem:s17+$0x1020] =	vst v54  }
0x7a: {  	v63 =	vld [tilespmem:s17+$0x9060];
	v60 =	vadd.f32 v16, v15;
	[tilespmem:s17+$0x1030] =	vst v56  }
0x7b: {  	v61 =	vld [tilespmem:s17+$0x1810];
	v19 =	vadd.f32 v20, v19;
	[tilespmem:s17+$0x1040] =	vst v58  }
0x7c: {  	v32 =	vld [tilespmem:s17+$0x9820];
	v22 =	vadd.f32 v22, v21;
	[tilespmem:s17+$0x1050] =	vst v60  }
0x7d: {  	v34 =	vld [tilespmem:s17+$0x1830];
	v33 =	vadd.f32 v24, v23;
	[tilespmem:s17+$0x1070] =	vst v19  }
0x7e: {  	v38 =	vld [tilespmem:s17+$0x1840];
	v35 =	vadd.f32 v35, v25;
	[tilespmem:s17+$0x1400] =	vst v22  }
0x7f: {  	v40 =	vld [tilespmem:s17+$0x1850];
	v37 =	vadd.f32 v39, v37;
	[tilespmem:s17+$0x1410] =	vst v33  }
0x80: {  	v20 =	vld [tilespmem:s17+$0x1820];
	v39 =	vadd.f32 v43, v41;
	[tilespmem:s17+$0x1420] =	vst v35  }
0x81: {  	v1 =	vadd.f32 v47, v45;
	v41 =	vld [tilespmem:s17+$0x9850];
	[tilespmem:s17+$0x1430] =	vst v37  }
0x82: {  	v42 =	vadd.f32 v51, v49;
	v43 =	vld [tilespmem:s17+$0x1860];
	[tilespmem:s17+$0x1440] =	vst v39  }
0x83: {  	v44 =	vadd.f32 v55, v53;
	v45 =	vld [tilespmem:s17+$0x9860];
	[tilespmem:s17+$0x1450] =	vst v1  }
0x84: {  	v46 =	vadd.f32 v59, v57;
	v47 =	vld [tilespmem:s17+$0x1870];
	[tilespmem:s17+$0x1460] =	vst v42  }
0x85: {  	v49 =	vld [tilespmem:s17+$0x9870];
	v62 =	vadd.f32 v63, v17;
	[tilespmem:s17+$0x1470] =	vst v44  }
0x86: {  	v63 =	vld [tilespmem:s17+$0x9810];
	[tilespmem:s17+$0x1800] =	vst v46;
	v52 =	vadd.f32 v36, v34  }
0x87: {  	v51 =	vld [tilespmem:s17+$0x9840];
	[tilespmem:s17+$0x1060] =	vst v62;
	v50 =	vadd.f32 v32, v20  }
0x88: {  	[tilespmem:s17+$0x1830] =	vst v52;
	v53 =	vadd.f32 v41, v40  }
0x89: {  	v54 =	vadd.f32 v45, v43;
	[tilespmem:s17+$0x1820] =	vst v50  }
0x8a: {  	s23 =	sand.u32 $0x7, s13;
	v55 =	vadd.f32 v49, v47;
	[tilespmem:s17+$0x1850] =	vst v53  }
0x8b: {  	s18 =	sshll.u32 s23, $0x7;
	v48 =	vadd.f32 v63, v61;
	[tilespmem:s17+$0x1860] =	vst v54  }
0x8c: {  	s18 =	sadd.s32 s18, s15;
	v56 =	vadd.f32 v51, v38;
	[tilespmem:s17+$0x1870] =	vst v55  }
0x8d: {  	s19 =	sor.u32 $0x1C00, s18;
	[tilespmem:s17+$0x1810] =	vst v48  }
0x8e: {  	[tilespmem:s17+$0x1840] =	vst v56;
	v0 =	vld [tilespmem:s19+$0x0]  }
0x8f: {  	v1 =	vld [tilespmem:s19+$0x8000];
	_ =	sdelay $0x4  }
0x90: {  	v0 =	vadd.f32 v1, v0;
	_ =	sdelay $0x1  }
0x91: {  	s24 =	sor.u32 $0x1C10, s18;
	[tilespmem:s19+$0x0] =	vst v0  }
0x92: {  	v0 =	vld [tilespmem:s24+$0x0]  }
0x93: {  	v57 =	vld [tilespmem:s24+$0x8000];
	_ =	sdelay $0x4  }
0x94: {  	v0 =	vadd.f32 v57, v0;
	_ =	sdelay $0x1  }
0x95: {  	s25 =	sor.u32 $0x1C20, s18;
	[tilespmem:s24+$0x0] =	vst v0  }
0x96: {  	v0 =	vld [tilespmem:s25+$0x0]  }
0x97: {  	v58 =	vld [tilespmem:s25+$0x8000];
	_ =	sdelay $0x4  }
0x98: {  	v0 =	vadd.f32 v58, v0;
	_ =	sdelay $0x1  }
0x99: {  	s26 =	sor.u32 $0x1C30, s18;
	[tilespmem:s25+$0x0] =	vst v0  }
0x9a: {  	v0 =	vld [tilespmem:s26+$0x0]  }
0x9b: {  	v59 =	vld [tilespmem:s26+$0x8000];
	_ =	sdelay $0x4  }
0x9c: {  	v0 =	vadd.f32 v59, v0;
	_ =	sdelay $0x1  }
0x9d: {  	s28 =	sor.u32 $0x1C40, s18;
	[tilespmem:s26+$0x0] =	vst v0  }
0x9e: {  	v0 =	vld [tilespmem:s28+$0x0]  }
0x9f: {  	v60 =	vld [tilespmem:s28+$0x8000];
	_ =	sdelay $0x4  }
0xa0: {  	v0 =	vadd.f32 v60, v0;
	_ =	sdelay $0x1  }
0xa1: {  	s29 =	sor.u32 $0x1C50, s18;
	[tilespmem:s28+$0x0] =	vst v0  }
0xa2: {  	v0 =	vld [tilespmem:s29+$0x0]  }
0xa3: {  	v61 =	vld [tilespmem:s29+$0x8000];
	_ =	sdelay $0x4  }
0xa4: {  	v0 =	vadd.f32 v61, v0;
	_ =	sdelay $0x1  }
0xa5: {  	s30 =	sor.u32 $0x1C60, s18;
	[tilespmem:s29+$0x0] =	vst v0  }
0xa6: {  	v0 =	vld [tilespmem:s30+$0x0]  }
0xa7: {  	v62 =	vld [tilespmem:s30+$0x8000];
	_ =	sdelay $0x4  }
0xa8: {  	v0 =	vadd.f32 v62, v0;
	_ =	sdelay $0x1  }
0xa9: {  	s31 =	sor.u32 $0x1C70, s18;
	[tilespmem:s30+$0x0] =	vst v0  }
0xaa: {  	v0 =	vld [tilespmem:s31+$0x0]  }
0xab: {  	v63 =	vld [tilespmem:s31+$0x8000];
	_ =	sdelay $0x1  }
0xac: {  	p0 =	sne.s32 s16, $0xF80  }
.Ltmp0:
0xad: {  	_ = 	snop;
	(pc) =	sbr.rel @p0 .LBB2_3-.Ltmp0, $4  }
0xae: {  	_ = 	snop  }
0xaf: {  	v0 =	vadd.f32 v63, v0  }
0xb0: {  	s13 =	sadd.s32 $0x1, s13  }
0xb1: {  	s14 =	sadd.s32 $0x400, s14;
	s16 =	sadd.s32 $0x80, s16;
	s15 =	sadd.s32 $0x400, s15;
	[tilespmem:s31+$0x0] =	vst v0  }
0xb2: {  	s14 =	sadd.s32 s3, s12;
	s13 =	simm.s32 $0x0  }
0xb3: {  	[hbm4b:s14+s13] =	stream.linear.scatter [tilespmem:s13], [sflag:$0x1], $0x8000, $0x38;
	[tilespmem:$0x10000] =	vst v63  }
0xb4: {  	_ =	swait.ge [sflag:s9], $0x8000  }
0xb5: {  	s14 =	sor.u32 $0x100000, s12;
	[sflag:s9] =	ssyncset.done $0x0  }
0xb6: {  	s15 =	sadd.s32 s1, s14;
	[sflag:s9] =	ssyncadd.s32 $0xFFFF8000  }
0xb7: {  	[tilespmem:s13], [sflag:$0x1] =	stream.linear.gather [hbm4b:s15+s13], $0x8000, $0x38;
	[tilespmem:$0x10000] =	vst v63  }
0xb8: {  	_ =	swait.ge [sflag:s9], $0x8000  }
0xb9: {  	s16 =	simm.s32 $0x0;
	[sflag:s9] =	ssyncset.done $0x0  }
0xba: {  	s17 =	simm.s32 $0x0;
	s15 =	simm.s32 $0xFFFF8000;
	[sflag:s9] =	ssyncadd.s32 $0xFFFF8000  }
.LBB2_5:
0xbb: {  	s18 =	sadd.s32 $0x8000, s15  }
0xbc: {  	s19 =	sand.u32 $0x380, s17;
	s18 =	sand.u32 $0x6000, s18  }
0xbd: {  	s18 =	sor.u32 s19, s18  }
0xbe: {  	v0 =	vld [tilespmem:s18+$0x0]  }
0xbf: {  	v1 =	vld [tilespmem:s18+$0x8000]  }
0xc0: {  	v2 =	vld [tilespmem:s18+$0x10]  }
0xc1: {  	v3 =	vld [tilespmem:s18+$0x8010]  }
0xc2: {  	v4 =	vld [tilespmem:s18+$0x20]  }
0xc3: {  	v5 =	vld [tilespmem:s18+$0x8020]  }
0xc4: {  	v6 =	vld [tilespmem:s18+$0x30]  }
0xc5: {  	v7 =	vld [tilespmem:s18+$0x8030]  }
0xc6: {  	v8 =	vld [tilespmem:s18+$0x40]  }
0xc7: {  	v9 =	vld [tilespmem:s18+$0x8040]  }
0xc8: {  	v10 =	vld [tilespmem:s18+$0x50]  }
0xc9: {  	v11 =	vld [tilespmem:s18+$0x8050]  }
0xca: {  	v12 =	vld [tilespmem:s18+$0x60]  }
0xcb: {  	v13 =	vld [tilespmem:s18+$0x8060]  }
0xcc: {  	v14 =	vld [tilespmem:s18+$0x70]  }
0xcd: {  	v15 =	vld [tilespmem:s18+$0x8070]  }
0xce: {  	v16 =	vld [tilespmem:s18+$0x400]  }
0xcf: {  	v17 =	vld [tilespmem:s18+$0x8400]  }
0xd0: {  	v18 =	vld [tilespmem:s18+$0x410]  }
0xd1: {  	v19 =	vld [tilespmem:s18+$0x8410]  }
0xd2: {  	v20 =	vld [tilespmem:s18+$0x420]  }
0xd3: {  	v21 =	vld [tilespmem:s18+$0x8420]  }
0xd4: {  	v22 =	vld [tilespmem:s18+$0x430]  }
0xd5: {  	v23 =	vld [tilespmem:s18+$0x8430]  }
0xd6: {  	v24 =	vld [tilespmem:s18+$0x440]  }
0xd7: {  	v25 =	vld [tilespmem:s18+$0x8440]  }
0xd8: {  	v26 =	vld [tilespmem:s18+$0x450]  }
0xd9: {  	v27 =	vld [tilespmem:s18+$0x8450]  }
0xda: {  	v28 =	vld [tilespmem:s18+$0x460]  }
0xdb: {  	v29 =	vld [tilespmem:s18+$0x8460]  }
0xdc: {  	v30 =	vld [tilespmem:s18+$0x470]  }
0xdd: {  	v31 =	vld [tilespmem:s18+$0x8470]  }
0xde: {  	v32 =	vld [tilespmem:s18+$0x800]  }
0xdf: {  	v33 =	vld [tilespmem:s18+$0x8800]  }
0xe0: {  	v34 =	vld [tilespmem:s18+$0x810]  }
0xe1: {  	v35 =	vld [tilespmem:s18+$0x8810]  }
0xe2: {  	v36 =	vld [tilespmem:s18+$0x820]  }
0xe3: {  	v37 =	vld [tilespmem:s18+$0x8820]  }
0xe4: {  	v38 =	vld [tilespmem:s18+$0x830]  }
0xe5: {  	v39 =	vld [tilespmem:s18+$0x8830]  }
0xe6: {  	v40 =	vld [tilespmem:s18+$0x840]  }
0xe7: {  	v41 =	vld [tilespmem:s18+$0x8840]  }
0xe8: {  	v42 =	vld [tilespmem:s18+$0x850]  }
0xe9: {  	v43 =	vld [tilespmem:s18+$0x8850]  }
0xea: {  	v44 =	vld [tilespmem:s18+$0x860]  }
0xeb: {  	v45 =	vld [tilespmem:s18+$0x8860]  }
0xec: {  	v46 =	vld [tilespmem:s18+$0x870]  }
0xed: {  	v47 =	vld [tilespmem:s18+$0x8870]  }
0xee: {  	v48 =	vld [tilespmem:s18+$0xC00]  }
0xef: {  	v49 =	vld [tilespmem:s18+$0x8C00]  }
0xf0: {  	v50 =	vld [tilespmem:s18+$0xC10]  }
0xf1: {  	v51 =	vld [tilespmem:s18+$0x8C10]  }
0xf2: {  	v52 =	vld [tilespmem:s18+$0xC20]  }
0xf3: {  	v53 =	vld [tilespmem:s18+$0x8C20]  }
0xf4: {  	v54 =	vld [tilespmem:s18+$0xC30]  }
0xf5: {  	v55 =	vld [tilespmem:s18+$0x8C30]  }
0xf6: {  	v56 =	vld [tilespmem:s18+$0xC40]  }
0xf7: {  	v57 =	vld [tilespmem:s18+$0x8C40]  }
0xf8: {  	v58 =	vld [tilespmem:s18+$0xC50]  }
0xf9: {  	v59 =	vld [tilespmem:s18+$0x8C50]  }
0xfa: {  	v60 =	vld [tilespmem:s18+$0xC60]  }
0xfb: {  	v0 =	vadd.f32 v1, v0;
	v1 =	vld [tilespmem:s18+$0x8C60]  }
0xfc: {  	v2 =	vadd.f32 v3, v2;
	v3 =	vld [tilespmem:s18+$0xC70]  }
0xfd: {  	v63 =	vadd.f32 v5, v4;
	v4 =	vld [tilespmem:s18+$0x8C70];
	[tilespmem:s18+$0x0] =	vst v0  }
0xfe: {  	v61 =	vadd.f32 v7, v6;
	v5 =	vld [tilespmem:s18+$0x1000];
	[tilespmem:s18+$0x10] =	vst v2  }
0xff: {  	v62 =	vadd.f32 v9, v8;
	v6 =	vld [tilespmem:s18+$0x9000];
	[tilespmem:s18+$0x20] =	vst v63  }
0x100: {  	v7 =	vld [tilespmem:s18+$0x1010];
	v13 =	vadd.f32 v13, v12;
	[tilespmem:s18+$0x30] =	vst v61  }
0x101: {  	v8 =	vld [tilespmem:s18+$0x9010];
	v15 =	vadd.f32 v15, v14;
	[tilespmem:s18+$0x40] =	vst v62  }
0x102: {  	v9 =	vld [tilespmem:s18+$0x1020];
	v17 =	vadd.f32 v17, v16;
	[tilespmem:s18+$0x60] =	vst v13  }
0x103: {  	v19 =	vadd.f32 v19, v18;
	v12 =	vld [tilespmem:s18+$0x9030];
	[tilespmem:s18+$0x70] =	vst v15  }
0x104: {  	v21 =	vadd.f32 v21, v20;
	v14 =	vld [tilespmem:s18+$0x9040];
	[tilespmem:s18+$0x400] =	vst v17  }
0x105: {  	v23 =	vadd.f32 v23, v22;
	v16 =	vld [tilespmem:s18+$0x9050];
	[tilespmem:s18+$0x410] =	vst v19  }
0x106: {  	v25 =	vadd.f32 v25, v24;
	v20 =	vld [tilespmem:s18+$0x9070];
	[tilespmem:s18+$0x420] =	vst v21  }
0x107: {  	v27 =	vadd.f32 v27, v26;
	v22 =	vld [tilespmem:s18+$0x9400];
	[tilespmem:s18+$0x430] =	vst v23  }
0x108: {  	v29 =	vadd.f32 v29, v28;
	v24 =	vld [tilespmem:s18+$0x9410];
	[tilespmem:s18+$0x440] =	vst v25  }
0x109: {  	v28 =	vadd.f32 v37, v36;
	v37 =	vld [tilespmem:s18+$0x1430];
	[tilespmem:s18+$0x450] =	vst v27  }
0x10a: {  	v36 =	vadd.f32 v51, v50;
	v51 =	vld [tilespmem:s18+$0x9460];
	[tilespmem:s18+$0x460] =	vst v29  }
0x10b: {  	v63 =	vadd.f32 v11, v10;
	v10 =	vld [tilespmem:s18+$0x9020];
	[tilespmem:s18+$0x820] =	vst v28  }
0x10c: {  	v11 =	vld [tilespmem:s18+$0x1030];
	v61 =	vadd.f32 v31, v30;
	[tilespmem:s18+$0xC10] =	vst v36  }
0x10d: {  	v13 =	vld [tilespmem:s18+$0x1040];
	v62 =	vadd.f32 v33, v32;
	[tilespmem:s18+$0x50] =	vst v63  }
0x10e: {  	v15 =	vld [tilespmem:s18+$0x1050];
	v27 =	vadd.f32 v35, v34;
	[tilespmem:s18+$0x470] =	vst v61  }
0x10f: {  	v17 =	vld [tilespmem:s18+$0x1060];
	v29 =	vadd.f32 v39, v38;
	[tilespmem:s18+$0x800] =	vst v62  }
0x110: {  	v19 =	vld [tilespmem:s18+$0x1070];
	v30 =	vadd.f32 v41, v40;
	[tilespmem:s18+$0x810] =	vst v27  }
0x111: {  	v21 =	vld [tilespmem:s18+$0x1400];
	v31 =	vadd.f32 v43, v42;
	[tilespmem:s18+$0x830] =	vst v29  }
0x112: {  	v23 =	vld [tilespmem:s18+$0x1410];
	v32 =	vadd.f32 v45, v44;
	[tilespmem:s18+$0x840] =	vst v30  }
0x113: {  	v33 =	vadd.f32 v47, v46;
	v25 =	vld [tilespmem:s18+$0x1420];
	[tilespmem:s18+$0x850] =	vst v31  }
0x114: {  	v34 =	vadd.f32 v49, v48;
	v35 =	vld [tilespmem:s18+$0x9420];
	[tilespmem:s18+$0x860] =	vst v32  }
0x115: {  	v38 =	vadd.f32 v53, v52;
	v39 =	vld [tilespmem:s18+$0x9430];
	[tilespmem:s18+$0x870] =	vst v33  }
0x116: {  	v40 =	vadd.f32 v55, v54;
	v41 =	vld [tilespmem:s18+$0x1440];
	[tilespmem:s18+$0xC00] =	vst v34  }
0x117: {  	v42 =	vadd.f32 v57, v56;
	v43 =	vld [tilespmem:s18+$0x9440];
	[tilespmem:s18+$0xC20] =	vst v38  }
0x118: {  	v44 =	vadd.f32 v59, v58;
	v45 =	vld [tilespmem:s18+$0x1450];
	[tilespmem:s18+$0xC30] =	vst v40  }
0x119: {  	v47 =	vld [tilespmem:s18+$0x9450];
	[tilespmem:s18+$0xC40] =	vst v42;
	v46 =	vadd.f32 v1, v60  }
0x11a: {  	v49 =	vld [tilespmem:s18+$0x1460];
	[tilespmem:s18+$0xC50] =	vst v44;
	v48 =	vadd.f32 v4, v3  }
0x11b: {  	v53 =	vld [tilespmem:s18+$0x1470];
	v50 =	vadd.f32 v6, v5;
	[tilespmem:s18+$0xC60] =	vst v46  }
0x11c: {  	v55 =	vld [tilespmem:s18+$0x9470];
	v52 =	vadd.f32 v8, v7;
	[tilespmem:s18+$0xC70] =	vst v48  }
0x11d: {  	v57 =	vld [tilespmem:s18+$0x1800];
	[tilespmem:s18+$0x1000] =	vst v50;
	v54 =	vadd.f32 v10, v9  }
0x11e: {  	v59 =	vld [tilespmem:s18+$0x9800];
	[tilespmem:s18+$0x1010] =	vst v52;
	v56 =	vadd.f32 v12, v11  }
0x11f: {  	v36 =	vld [tilespmem:s18+$0x9830];
	v58 =	vadd.f32 v14, v13;
	[tilespmem:s18+$0x1020] =	vst v54  }
0x120: {  	v63 =	vld [tilespmem:s18+$0x9060];
	v60 =	vadd.f32 v16, v15;
	[tilespmem:s18+$0x1030] =	vst v56  }
0x121: {  	v61 =	vld [tilespmem:s18+$0x1810];
	v19 =	vadd.f32 v20, v19;
	[tilespmem:s18+$0x1040] =	vst v58  }
0x122: {  	v32 =	vld [tilespmem:s18+$0x9820];
	v22 =	vadd.f32 v22, v21;
	[tilespmem:s18+$0x1050] =	vst v60  }
0x123: {  	v34 =	vld [tilespmem:s18+$0x1830];
	v33 =	vadd.f32 v24, v23;
	[tilespmem:s18+$0x1070] =	vst v19  }
0x124: {  	v38 =	vld [tilespmem:s18+$0x1840];
	v35 =	vadd.f32 v35, v25;
	[tilespmem:s18+$0x1400] =	vst v22  }
0x125: {  	v40 =	vld [tilespmem:s18+$0x1850];
	v37 =	vadd.f32 v39, v37;
	[tilespmem:s18+$0x1410] =	vst v33  }
0x126: {  	v20 =	vld [tilespmem:s18+$0x1820];
	v39 =	vadd.f32 v43, v41;
	[tilespmem:s18+$0x1420] =	vst v35  }
0x127: {  	v1 =	vadd.f32 v47, v45;
	v41 =	vld [tilespmem:s18+$0x9850];
	[tilespmem:s18+$0x1430] =	vst v37  }
0x128: {  	v42 =	vadd.f32 v51, v49;
	v43 =	vld [tilespmem:s18+$0x1860];
	[tilespmem:s18+$0x1440] =	vst v39  }
0x129: {  	v44 =	vadd.f32 v55, v53;
	v45 =	vld [tilespmem:s18+$0x9860];
	[tilespmem:s18+$0x1450] =	vst v1  }
0x12a: {  	v46 =	vadd.f32 v59, v57;
	v47 =	vld [tilespmem:s18+$0x1870];
	[tilespmem:s18+$0x1460] =	vst v42  }
0x12b: {  	v49 =	vld [tilespmem:s18+$0x9870];
	v62 =	vadd.f32 v63, v17;
	[tilespmem:s18+$0x1470] =	vst v44  }
0x12c: {  	v63 =	vld [tilespmem:s18+$0x9810];
	[tilespmem:s18+$0x1800] =	vst v46;
	v52 =	vadd.f32 v36, v34  }
0x12d: {  	v51 =	vld [tilespmem:s18+$0x9840];
	[tilespmem:s18+$0x1060] =	vst v62;
	v50 =	vadd.f32 v32, v20  }
0x12e: {  	[tilespmem:s18+$0x1830] =	vst v52;
	v53 =	vadd.f32 v41, v40  }
0x12f: {  	v54 =	vadd.f32 v45, v43;
	[tilespmem:s18+$0x1820] =	vst v50  }
0x130: {  	s23 =	sand.u32 $0x7, s13;
	v55 =	vadd.f32 v49, v47;
	[tilespmem:s18+$0x1850] =	vst v53  }
0x131: {  	s19 =	sshll.u32 s23, $0x7;
	v48 =	vadd.f32 v63, v61;
	[tilespmem:s18+$0x1860] =	vst v54  }
0x132: {  	s19 =	sadd.s32 s19, s16;
	v56 =	vadd.f32 v51, v38;
	[tilespmem:s18+$0x1870] =	vst v55  }
0x133: {  	s20 =	sor.u32 $0x1C00, s19;
	[tilespmem:s18+$0x1810] =	vst v48  }
0x134: {  	[tilespmem:s18+$0x1840] =	vst v56;
	v0 =	vld [tilespmem:s20+$0x0]  }
0x135: {  	v1 =	vld [tilespmem:s20+$0x8000];
	_ =	sdelay $0x4  }
0x136: {  	v0 =	vadd.f32 v1, v0;
	_ =	sdelay $0x1  }
0x137: {  	s24 =	sor.u32 $0x1C10, s19;
	[tilespmem:s20+$0x0] =	vst v0  }
0x138: {  	v0 =	vld [tilespmem:s24+$0x0]  }
0x139: {  	v57 =	vld [tilespmem:s24+$0x8000];
	_ =	sdelay $0x4  }
0x13a: {  	v0 =	vadd.f32 v57, v0;
	_ =	sdelay $0x1  }
0x13b: {  	s25 =	sor.u32 $0x1C20, s19;
	[tilespmem:s24+$0x0] =	vst v0  }
0x13c: {  	v0 =	vld [tilespmem:s25+$0x0]  }
0x13d: {  	v58 =	vld [tilespmem:s25+$0x8000];
	_ =	sdelay $0x4  }
0x13e: {  	v0 =	vadd.f32 v58, v0;
	_ =	sdelay $0x1  }
0x13f: {  	s26 =	sor.u32 $0x1C30, s19;
	[tilespmem:s25+$0x0] =	vst v0  }
0x140: {  	v0 =	vld [tilespmem:s26+$0x0]  }
0x141: {  	v59 =	vld [tilespmem:s26+$0x8000];
	_ =	sdelay $0x4  }
0x142: {  	v0 =	vadd.f32 v59, v0;
	_ =	sdelay $0x1  }
0x143: {  	s28 =	sor.u32 $0x1C40, s19;
	[tilespmem:s26+$0x0] =	vst v0  }
0x144: {  	v0 =	vld [tilespmem:s28+$0x0]  }
0x145: {  	v60 =	vld [tilespmem:s28+$0x8000];
	_ =	sdelay $0x4  }
0x146: {  	v0 =	vadd.f32 v60, v0;
	_ =	sdelay $0x1  }
0x147: {  	s29 =	sor.u32 $0x1C50, s19;
	[tilespmem:s28+$0x0] =	vst v0  }
0x148: {  	v0 =	vld [tilespmem:s29+$0x0]  }
0x149: {  	v61 =	vld [tilespmem:s29+$0x8000];
	_ =	sdelay $0x4  }
0x14a: {  	v0 =	vadd.f32 v61, v0;
	_ =	sdelay $0x1  }
0x14b: {  	s30 =	sor.u32 $0x1C60, s19;
	[tilespmem:s29+$0x0] =	vst v0  }
0x14c: {  	v0 =	vld [tilespmem:s30+$0x0]  }
0x14d: {  	v62 =	vld [tilespmem:s30+$0x8000];
	_ =	sdelay $0x4  }
0x14e: {  	v0 =	vadd.f32 v62, v0;
	_ =	sdelay $0x1  }
0x14f: {  	s31 =	sor.u32 $0x1C70, s19;
	[tilespmem:s30+$0x0] =	vst v0  }
0x150: {  	v0 =	vld [tilespmem:s31+$0x0]  }
0x151: {  	v63 =	vld [tilespmem:s31+$0x8000];
	_ =	sdelay $0x1  }
0x152: {  	p0 =	sne.s32 s17, $0xF80  }
.Ltmp1:
0x153: {  	_ = 	snop;
	(pc) =	sbr.rel @p0 .LBB2_5-.Ltmp1, $4  }
0x154: {  	_ = 	snop  }
0x155: {  	v0 =	vadd.f32 v63, v0  }
0x156: {  	s13 =	sadd.s32 $0x1, s13  }
0x157: {  	s15 =	sadd.s32 $0x400, s15;
	s17 =	sadd.s32 $0x80, s17;
	s16 =	sadd.s32 $0x400, s16;
	[tilespmem:s31+$0x0] =	vst v0  }
0x158: {  	s14 =	sadd.s32 s3, s14;
	s13 =	simm.s32 $0x0  }
0x159: {  	[hbm4b:s14+s13] =	stream.linear.scatter [tilespmem:s13], [sflag:$0x1], $0x8000, $0x38;
	[tilespmem:$0x10000] =	vst v63  }
0x15a: {  	_ =	swait.ge [sflag:s9], $0x8000  }
0x15b: {  	s14 =	sor.u32 $0x200000, s12;
	[sflag:s9] =	ssyncset.done $0x0  }
0x15c: {  	s15 =	sadd.s32 s1, s14;
	[sflag:s9] =	ssyncadd.s32 $0xFFFF8000  }
0x15d: {  	[tilespmem:s13], [sflag:$0x1] =	stream.linear.gather [hbm4b:s15+s13], $0x8000, $0x38;
	[tilespmem:$0x10000] =	vst v63  }
0x15e: {  	_ =	swait.ge [sflag:s9], $0x8000  }
0x15f: {  	s16 =	simm.s32 $0x0;
	[sflag:s9] =	ssyncset.done $0x0  }
0x160: {  	s17 =	simm.s32 $0x0;
	s15 =	simm.s32 $0xFFFF8000;
	[sflag:s9] =	ssyncadd.s32 $0xFFFF8000  }
.LBB2_7:
0x161: {  	s18 =	sadd.s32 $0x8000, s15  }
0x162: {  	s19 =	sand.u32 $0x380, s17;
	s18 =	sand.u32 $0x6000, s18  }
0x163: {  	s18 =	sor.u32 s19, s18  }
0x164: {  	v0 =	vld [tilespmem:s18+$0x0]  }
0x165: {  	v1 =	vld [tilespmem:s18+$0x8000]  }
0x166: {  	v2 =	vld [tilespmem:s18+$0x10]  }
0x167: {  	v3 =	vld [tilespmem:s18+$0x8010]  }
0x168: {  	v4 =	vld [tilespmem:s18+$0x20]  }
0x169: {  	v5 =	vld [tilespmem:s18+$0x8020]  }
0x16a: {  	v6 =	vld [tilespmem:s18+$0x30]  }
0x16b: {  	v7 =	vld [tilespmem:s18+$0x8030]  }
0x16c: {  	v8 =	vld [tilespmem:s18+$0x40]  }
0x16d: {  	v9 =	vld [tilespmem:s18+$0x8040]  }
0x16e: {  	v10 =	vld [tilespmem:s18+$0x50]  }
0x16f: {  	v11 =	vld [tilespmem:s18+$0x8050]  }
0x170: {  	v12 =	vld [tilespmem:s18+$0x60]  }
0x171: {  	v13 =	vld [tilespmem:s18+$0x8060]  }
0x172: {  	v14 =	vld [tilespmem:s18+$0x70]  }
0x173: {  	v15 =	vld [tilespmem:s18+$0x8070]  }
0x174: {  	v16 =	vld [tilespmem:s18+$0x400]  }
0x175: {  	v17 =	vld [tilespmem:s18+$0x8400]  }
0x176: {  	v18 =	vld [tilespmem:s18+$0x410]  }
0x177: {  	v19 =	vld [tilespmem:s18+$0x8410]  }
0x178: {  	v20 =	vld [tilespmem:s18+$0x420]  }
0x179: {  	v21 =	vld [tilespmem:s18+$0x8420]  }
0x17a: {  	v22 =	vld [tilespmem:s18+$0x430]  }
0x17b: {  	v23 =	vld [tilespmem:s18+$0x8430]  }
0x17c: {  	v24 =	vld [tilespmem:s18+$0x440]  }
0x17d: {  	v25 =	vld [tilespmem:s18+$0x8440]  }
0x17e: {  	v26 =	vld [tilespmem:s18+$0x450]  }
0x17f: {  	v27 =	vld [tilespmem:s18+$0x8450]  }
0x180: {  	v28 =	vld [tilespmem:s18+$0x460]  }
0x181: {  	v29 =	vld [tilespmem:s18+$0x8460]  }
0x182: {  	v30 =	vld [tilespmem:s18+$0x470]  }
0x183: {  	v31 =	vld [tilespmem:s18+$0x8470]  }
0x184: {  	v32 =	vld [tilespmem:s18+$0x800]  }
0x185: {  	v33 =	vld [tilespmem:s18+$0x8800]  }
0x186: {  	v34 =	vld [tilespmem:s18+$0x810]  }
0x187: {  	v35 =	vld [tilespmem:s18+$0x8810]  }
0x188: {  	v36 =	vld [tilespmem:s18+$0x820]  }
0x189: {  	v37 =	vld [tilespmem:s18+$0x8820]  }
0x18a: {  	v38 =	vld [tilespmem:s18+$0x830]  }
0x18b: {  	v39 =	vld [tilespmem:s18+$0x8830]  }
0x18c: {  	v40 =	vld [tilespmem:s18+$0x840]  }
0x18d: {  	v41 =	vld [tilespmem:s18+$0x8840]  }
0x18e: {  	v42 =	vld [tilespmem:s18+$0x850]  }
0x18f: {  	v43 =	vld [tilespmem:s18+$0x8850]  }
0x190: {  	v44 =	vld [tilespmem:s18+$0x860]  }
0x191: {  	v45 =	vld [tilespmem:s18+$0x8860]  }
0x192: {  	v46 =	vld [tilespmem:s18+$0x870]  }
0x193: {  	v47 =	vld [tilespmem:s18+$0x8870]  }
0x194: {  	v48 =	vld [tilespmem:s18+$0xC00]  }
0x195: {  	v49 =	vld [tilespmem:s18+$0x8C00]  }
0x196: {  	v50 =	vld [tilespmem:s18+$0xC10]  }
0x197: {  	v51 =	vld [tilespmem:s18+$0x8C10]  }
0x198: {  	v52 =	vld [tilespmem:s18+$0xC20]  }
0x199: {  	v53 =	vld [tilespmem:s18+$0x8C20]  }
0x19a: {  	v54 =	vld [tilespmem:s18+$0xC30]  }
0x19b: {  	v55 =	vld [tilespmem:s18+$0x8C30]  }
0x19c: {  	v56 =	vld [tilespmem:s18+$0xC40]  }
0x19d: {  	v57 =	vld [tilespmem:s18+$0x8C40]  }
0x19e: {  	v58 =	vld [tilespmem:s18+$0xC50]  }
0x19f: {  	v59 =	vld [tilespmem:s18+$0x8C50]  }
0x1a0: {  	v60 =	vld [tilespmem:s18+$0xC60]  }
0x1a1: {  	v0 =	vadd.f32 v1, v0;
	v1 =	vld [tilespmem:s18+$0x8C60]  }
0x1a2: {  	v2 =	vadd.f32 v3, v2;
	v3 =	vld [tilespmem:s18+$0xC70]  }
0x1a3: {  	v63 =	vadd.f32 v5, v4;
	v4 =	vld [tilespmem:s18+$0x8C70];
	[tilespmem:s18+$0x0] =	vst v0  }
0x1a4: {  	v61 =	vadd.f32 v7, v6;
	v5 =	vld [tilespmem:s18+$0x1000];
	[tilespmem:s18+$0x10] =	vst v2  }
0x1a5: {  	v62 =	vadd.f32 v9, v8;
	v6 =	vld [tilespmem:s18+$0x9000];
	[tilespmem:s18+$0x20] =	vst v63  }
0x1a6: {  	v7 =	vld [tilespmem:s18+$0x1010];
	v13 =	vadd.f32 v13, v12;
	[tilespmem:s18+$0x30] =	vst v61  }
0x1a7: {  	v8 =	vld [tilespmem:s18+$0x9010];
	v15 =	vadd.f32 v15, v14;
	[tilespmem:s18+$0x40] =	vst v62  }
0x1a8: {  	v9 =	vld [tilespmem:s18+$0x1020];
	v17 =	vadd.f32 v17, v16;
	[tilespmem:s18+$0x60] =	vst v13  }
0x1a9: {  	v19 =	vadd.f32 v19, v18;
	v12 =	vld [tilespmem:s18+$0x9030];
	[tilespmem:s18+$0x70] =	vst v15  }
0x1aa: {  	v21 =	vadd.f32 v21, v20;
	v14 =	vld [tilespmem:s18+$0x9040];
	[tilespmem:s18+$0x400] =	vst v17  }
0x1ab: {  	v23 =	vadd.f32 v23, v22;
	v16 =	vld [tilespmem:s18+$0x9050];
	[tilespmem:s18+$0x410] =	vst v19  }
0x1ac: {  	v25 =	vadd.f32 v25, v24;
	v20 =	vld [tilespmem:s18+$0x9070];
	[tilespmem:s18+$0x420] =	vst v21  }
0x1ad: {  	v27 =	vadd.f32 v27, v26;
	v22 =	vld [tilespmem:s18+$0x9400];
	[tilespmem:s18+$0x430] =	vst v23  }
0x1ae: {  	v29 =	vadd.f32 v29, v28;
	v24 =	vld [tilespmem:s18+$0x9410];
	[tilespmem:s18+$0x440] =	vst v25  }
0x1af: {  	v28 =	vadd.f32 v37, v36;
	v37 =	vld [tilespmem:s18+$0x1430];
	[tilespmem:s18+$0x450] =	vst v27  }
0x1b0: {  	v36 =	vadd.f32 v51, v50;
	v51 =	vld [tilespmem:s18+$0x9460];
	[tilespmem:s18+$0x460] =	vst v29  }
0x1b1: {  	v63 =	vadd.f32 v11, v10;
	v10 =	vld [tilespmem:s18+$0x9020];
	[tilespmem:s18+$0x820] =	vst v28  }
0x1b2: {  	v11 =	vld [tilespmem:s18+$0x1030];
	v61 =	vadd.f32 v31, v30;
	[tilespmem:s18+$0xC10] =	vst v36  }
0x1b3: {  	v13 =	vld [tilespmem:s18+$0x1040];
	v62 =	vadd.f32 v33, v32;
	[tilespmem:s18+$0x50] =	vst v63  }
0x1b4: {  	v15 =	vld [tilespmem:s18+$0x1050];
	v27 =	vadd.f32 v35, v34;
	[tilespmem:s18+$0x470] =	vst v61  }
0x1b5: {  	v17 =	vld [tilespmem:s18+$0x1060];
	v29 =	vadd.f32 v39, v38;
	[tilespmem:s18+$0x800] =	vst v62  }
0x1b6: {  	v19 =	vld [tilespmem:s18+$0x1070];
	v30 =	vadd.f32 v41, v40;
	[tilespmem:s18+$0x810] =	vst v27  }
0x1b7: {  	v21 =	vld [tilespmem:s18+$0x1400];
	v31 =	vadd.f32 v43, v42;
	[tilespmem:s18+$0x830] =	vst v29  }
0x1b8: {  	v23 =	vld [tilespmem:s18+$0x1410];
	v32 =	vadd.f32 v45, v44;
	[tilespmem:s18+$0x840] =	vst v30  }
0x1b9: {  	v33 =	vadd.f32 v47, v46;
	v25 =	vld [tilespmem:s18+$0x1420];
	[tilespmem:s18+$0x850] =	vst v31  }
0x1ba: {  	v34 =	vadd.f32 v49, v48;
	v35 =	vld [tilespmem:s18+$0x9420];
	[tilespmem:s18+$0x860] =	vst v32  }
0x1bb: {  	v38 =	vadd.f32 v53, v52;
	v39 =	vld [tilespmem:s18+$0x9430];
	[tilespmem:s18+$0x870] =	vst v33  }
0x1bc: {  	v40 =	vadd.f32 v55, v54;
	v41 =	vld [tilespmem:s18+$0x1440];
	[tilespmem:s18+$0xC00] =	vst v34  }
0x1bd: {  	v42 =	vadd.f32 v57, v56;
	v43 =	vld [tilespmem:s18+$0x9440];
	[tilespmem:s18+$0xC20] =	vst v38  }
0x1be: {  	v44 =	vadd.f32 v59, v58;
	v45 =	vld [tilespmem:s18+$0x1450];
	[tilespmem:s18+$0xC30] =	vst v40  }
0x1bf: {  	v47 =	vld [tilespmem:s18+$0x9450];
	[tilespmem:s18+$0xC40] =	vst v42;
	v46 =	vadd.f32 v1, v60  }
0x1c0: {  	v49 =	vld [tilespmem:s18+$0x1460];
	[tilespmem:s18+$0xC50] =	vst v44;
	v48 =	vadd.f32 v4, v3  }
0x1c1: {  	v53 =	vld [tilespmem:s18+$0x1470];
	v50 =	vadd.f32 v6, v5;
	[tilespmem:s18+$0xC60] =	vst v46  }
0x1c2: {  	v55 =	vld [tilespmem:s18+$0x9470];
	v52 =	vadd.f32 v8, v7;
	[tilespmem:s18+$0xC70] =	vst v48  }
0x1c3: {  	v57 =	vld [tilespmem:s18+$0x1800];
	[tilespmem:s18+$0x1000] =	vst v50;
	v54 =	vadd.f32 v10, v9  }
0x1c4: {  	v59 =	vld [tilespmem:s18+$0x9800];
	[tilespmem:s18+$0x1010] =	vst v52;
	v56 =	vadd.f32 v12, v11  }
0x1c5: {  	v36 =	vld [tilespmem:s18+$0x9830];
	v58 =	vadd.f32 v14, v13;
	[tilespmem:s18+$0x1020] =	vst v54  }
0x1c6: {  	v63 =	vld [tilespmem:s18+$0x9060];
	v60 =	vadd.f32 v16, v15;
	[tilespmem:s18+$0x1030] =	vst v56  }
0x1c7: {  	v61 =	vld [tilespmem:s18+$0x1810];
	v19 =	vadd.f32 v20, v19;
	[tilespmem:s18+$0x1040] =	vst v58  }
0x1c8: {  	v32 =	vld [tilespmem:s18+$0x9820];
	v22 =	vadd.f32 v22, v21;
	[tilespmem:s18+$0x1050] =	vst v60  }
0x1c9: {  	v34 =	vld [tilespmem:s18+$0x1830];
	v33 =	vadd.f32 v24, v23;
	[tilespmem:s18+$0x1070] =	vst v19  }
0x1ca: {  	v38 =	vld [tilespmem:s18+$0x1840];
	v35 =	vadd.f32 v35, v25;
	[tilespmem:s18+$0x1400] =	vst v22  }
0x1cb: {  	v40 =	vld [tilespmem:s18+$0x1850];
	v37 =	vadd.f32 v39, v37;
	[tilespmem:s18+$0x1410] =	vst v33  }
0x1cc: {  	v20 =	vld [tilespmem:s18+$0x1820];
	v39 =	vadd.f32 v43, v41;
	[tilespmem:s18+$0x1420] =	vst v35  }
0x1cd: {  	v1 =	vadd.f32 v47, v45;
	v41 =	vld [tilespmem:s18+$0x9850];
	[tilespmem:s18+$0x1430] =	vst v37  }
0x1ce: {  	v42 =	vadd.f32 v51, v49;
	v43 =	vld [tilespmem:s18+$0x1860];
	[tilespmem:s18+$0x1440] =	vst v39  }
0x1cf: {  	v44 =	vadd.f32 v55, v53;
	v45 =	vld [tilespmem:s18+$0x9860];
	[tilespmem:s18+$0x1450] =	vst v1  }
0x1d0: {  	v46 =	vadd.f32 v59, v57;
	v47 =	vld [tilespmem:s18+$0x1870];
	[tilespmem:s18+$0x1460] =	vst v42  }
0x1d1: {  	v49 =	vld [tilespmem:s18+$0x9870];
	v62 =	vadd.f32 v63, v17;
	[tilespmem:s18+$0x1470] =	vst v44  }
0x1d2: {  	v63 =	vld [tilespmem:s18+$0x9810];
	[tilespmem:s18+$0x1800] =	vst v46;
	v52 =	vadd.f32 v36, v34  }
0x1d3: {  	v51 =	vld [tilespmem:s18+$0x9840];
	[tilespmem:s18+$0x1060] =	vst v62;
	v50 =	vadd.f32 v32, v20  }
0x1d4: {  	[tilespmem:s18+$0x1830] =	vst v52;
	v53 =	vadd.f32 v41, v40  }
0x1d5: {  	v54 =	vadd.f32 v45, v43;
	[tilespmem:s18+$0x1820] =	vst v50  }
0x1d6: {  	s23 =	sand.u32 $0x7, s13;
	v55 =	vadd.f32 v49, v47;
	[tilespmem:s18+$0x1850] =	vst v53  }
0x1d7: {  	s19 =	sshll.u32 s23, $0x7;
	v48 =	vadd.f32 v63, v61;
	[tilespmem:s18+$0x1860] =	vst v54  }
0x1d8: {  	s19 =	sadd.s32 s19, s16;
	v56 =	vadd.f32 v51, v38;
	[tilespmem:s18+$0x1870] =	vst v55  }
0x1d9: {  	s20 =	sor.u32 $0x1C00, s19;
	[tilespmem:s18+$0x1810] =	vst v48  }
0x1da: {  	[tilespmem:s18+$0x1840] =	vst v56;
	v0 =	vld [tilespmem:s20+$0x0]  }
0x1db: {  	v1 =	vld [tilespmem:s20+$0x8000];
	_ =	sdelay $0x4  }
0x1dc: {  	v0 =	vadd.f32 v1, v0;
	_ =	sdelay $0x1  }
0x1dd: {  	s24 =	sor.u32 $0x1C10, s19;
	[tilespmem:s20+$0x0] =	vst v0  }
0x1de: {  	v0 =	vld [tilespmem:s24+$0x0]  }
0x1df: {  	v57 =	vld [tilespmem:s24+$0x8000];
	_ =	sdelay $0x4  }
0x1e0: {  	v0 =	vadd.f32 v57, v0;
	_ =	sdelay $0x1  }
0x1e1: {  	s25 =	sor.u32 $0x1C20, s19;
	[tilespmem:s24+$0x0] =	vst v0  }
0x1e2: {  	v0 =	vld [tilespmem:s25+$0x0]  }
0x1e3: {  	v58 =	vld [tilespmem:s25+$0x8000];
	_ =	sdelay $0x4  }
0x1e4: {  	v0 =	vadd.f32 v58, v0;
	_ =	sdelay $0x1  }
0x1e5: {  	s26 =	sor.u32 $0x1C30, s19;
	[tilespmem:s25+$0x0] =	vst v0  }
0x1e6: {  	v0 =	vld [tilespmem:s26+$0x0]  }
0x1e7: {  	v59 =	vld [tilespmem:s26+$0x8000];
	_ =	sdelay $0x4  }
0x1e8: {  	v0 =	vadd.f32 v59, v0;
	_ =	sdelay $0x1  }
0x1e9: {  	s28 =	sor.u32 $0x1C40, s19;
	[tilespmem:s26+$0x0] =	vst v0  }
0x1ea: {  	v0 =	vld [tilespmem:s28+$0x0]  }
0x1eb: {  	v60 =	vld [tilespmem:s28+$0x8000];
	_ =	sdelay $0x4  }
0x1ec: {  	v0 =	vadd.f32 v60, v0;
	_ =	sdelay $0x1  }
0x1ed: {  	s29 =	sor.u32 $0x1C50, s19;
	[tilespmem:s28+$0x0] =	vst v0  }
0x1ee: {  	v0 =	vld [tilespmem:s29+$0x0]  }
0x1ef: {  	v61 =	vld [tilespmem:s29+$0x8000];
	_ =	sdelay $0x4  }
0x1f0: {  	v0 =	vadd.f32 v61, v0;
	_ =	sdelay $0x1  }
0x1f1: {  	s30 =	sor.u32 $0x1C60, s19;
	[tilespmem:s29+$0x0] =	vst v0  }
0x1f2: {  	v0 =	vld [tilespmem:s30+$0x0]  }
0x1f3: {  	v62 =	vld [tilespmem:s30+$0x8000];
	_ =	sdelay $0x4  }
0x1f4: {  	v0 =	vadd.f32 v62, v0;
	_ =	sdelay $0x1  }
0x1f5: {  	s31 =	sor.u32 $0x1C70, s19;
	[tilespmem:s30+$0x0] =	vst v0  }
0x1f6: {  	v0 =	vld [tilespmem:s31+$0x0]  }
0x1f7: {  	v63 =	vld [tilespmem:s31+$0x8000];
	_ =	sdelay $0x1  }
0x1f8: {  	p0 =	sne.s32 s17, $0xF80  }
.Ltmp2:
0x1f9: {  	_ = 	snop;
	(pc) =	sbr.rel @p0 .LBB2_7-.Ltmp2, $4  }
0x1fa: {  	_ = 	snop  }
0x1fb: {  	v0 =	vadd.f32 v63, v0  }
0x1fc: {  	s13 =	sadd.s32 $0x1, s13  }
0x1fd: {  	s15 =	sadd.s32 $0x400, s15;
	s17 =	sadd.s32 $0x80, s17;
	s16 =	sadd.s32 $0x400, s16;
	[tilespmem:s31+$0x0] =	vst v0  }
0x1fe: {  	s14 =	sadd.s32 s3, s14;
	s13 =	simm.s32 $0x0  }
0x1ff: {  	[hbm4b:s14+s13] =	stream.linear.scatter [tilespmem:s13], [sflag:$0x1], $0x8000, $0x38;
	[tilespmem:$0x10000] =	vst v63  }
0x200: {  	_ =	swait.ge [sflag:s9], $0x8000  }
0x201: {  	s12 =	sor.u32 $0x300000, s12;
	[sflag:s9] =	ssyncset.done $0x0  }
0x202: {  	s31 =	sadd.s32 s1, s12;
	[sflag:s9] =	ssyncadd.s32 $0xFFFF8000  }
0x203: {  	[tilespmem:s13], [sflag:$0x1] =	stream.linear.gather [hbm4b:s31+s13], $0x8000, $0x38;
	[tilespmem:$0x10000] =	vst v63  }
0x204: {  	_ =	swait.ge [sflag:s9], $0x8000  }
0x205: {  	s15 =	simm.s32 $0x0;
	[sflag:s9] =	ssyncset.done $0x0  }
0x206: {  	s16 =	simm.s32 $0x0;
	s14 =	simm.s32 $0xFFFF8000;
	[sflag:s9] =	ssyncadd.s32 $0xFFFF8000  }
.LBB2_9:
0x207: {  	s17 =	sadd.s32 $0x8000, s14  }
0x208: {  	s18 =	sand.u32 $0x380, s16;
	s17 =	sand.u32 $0x6000, s17  }
0x209: {  	s17 =	sor.u32 s18, s17  }
0x20a: {  	v0 =	vld [tilespmem:s17+$0x0]  }
0x20b: {  	v1 =	vld [tilespmem:s17+$0x8000]  }
0x20c: {  	v2 =	vld [tilespmem:s17+$0x10]  }
0x20d: {  	v3 =	vld [tilespmem:s17+$0x8010]  }
0x20e: {  	v4 =	vld [tilespmem:s17+$0x20]  }
0x20f: {  	v5 =	vld [tilespmem:s17+$0x8020]  }
0x210: {  	v6 =	vld [tilespmem:s17+$0x30]  }
0x211: {  	v7 =	vld [tilespmem:s17+$0x8030]  }
0x212: {  	v8 =	vld [tilespmem:s17+$0x40]  }
0x213: {  	v9 =	vld [tilespmem:s17+$0x8040]  }
0x214: {  	v10 =	vld [tilespmem:s17+$0x50]  }
0x215: {  	v11 =	vld [tilespmem:s17+$0x8050]  }
0x216: {  	v12 =	vld [tilespmem:s17+$0x60]  }
0x217: {  	v13 =	vld [tilespmem:s17+$0x8060]  }
0x218: {  	v14 =	vld [tilespmem:s17+$0x70]  }
0x219: {  	v15 =	vld [tilespmem:s17+$0x8070]  }
0x21a: {  	v16 =	vld [tilespmem:s17+$0x400]  }
0x21b: {  	v17 =	vld [tilespmem:s17+$0x8400]  }
0x21c: {  	v18 =	vld [tilespmem:s17+$0x410]  }
0x21d: {  	v19 =	vld [tilespmem:s17+$0x8410]  }
0x21e: {  	v20 =	vld [tilespmem:s17+$0x420]  }
0x21f: {  	v21 =	vld [tilespmem:s17+$0x8420]  }
0x220: {  	v22 =	vld [tilespmem:s17+$0x430]  }
0x221: {  	v23 =	vld [tilespmem:s17+$0x8430]  }
0x222: {  	v24 =	vld [tilespmem:s17+$0x440]  }
0x223: {  	v25 =	vld [tilespmem:s17+$0x8440]  }
0x224: {  	v26 =	vld [tilespmem:s17+$0x450]  }
0x225: {  	v27 =	vld [tilespmem:s17+$0x8450]  }
0x226: {  	v28 =	vld [tilespmem:s17+$0x460]  }
0x227: {  	v29 =	vld [tilespmem:s17+$0x8460]  }
0x228: {  	v30 =	vld [tilespmem:s17+$0x470]  }
0x229: {  	v31 =	vld [tilespmem:s17+$0x8470]  }
0x22a: {  	v32 =	vld [tilespmem:s17+$0x800]  }
0x22b: {  	v33 =	vld [tilespmem:s17+$0x8800]  }
0x22c: {  	v34 =	vld [tilespmem:s17+$0x810]  }
0x22d: {  	v35 =	vld [tilespmem:s17+$0x8810]  }
0x22e: {  	v36 =	vld [tilespmem:s17+$0x820]  }
0x22f: {  	v37 =	vld [tilespmem:s17+$0x8820]  }
0x230: {  	v38 =	vld [tilespmem:s17+$0x830]  }
0x231: {  	v39 =	vld [tilespmem:s17+$0x8830]  }
0x232: {  	v40 =	vld [tilespmem:s17+$0x840]  }
0x233: {  	v41 =	vld [tilespmem:s17+$0x8840]  }
0x234: {  	v42 =	vld [tilespmem:s17+$0x850]  }
0x235: {  	v43 =	vld [tilespmem:s17+$0x8850]  }
0x236: {  	v44 =	vld [tilespmem:s17+$0x860]  }
0x237: {  	v45 =	vld [tilespmem:s17+$0x8860]  }
0x238: {  	v46 =	vld [tilespmem:s17+$0x870]  }
0x239: {  	v47 =	vld [tilespmem:s17+$0x8870]  }
0x23a: {  	v48 =	vld [tilespmem:s17+$0xC00]  }
0x23b: {  	v49 =	vld [tilespmem:s17+$0x8C00]  }
0x23c: {  	v50 =	vld [tilespmem:s17+$0xC10]  }
0x23d: {  	v51 =	vld [tilespmem:s17+$0x8C10]  }
0x23e: {  	v52 =	vld [tilespmem:s17+$0xC20]  }
0x23f: {  	v53 =	vld [tilespmem:s17+$0x8C20]  }
0x240: {  	v54 =	vld [tilespmem:s17+$0xC30]  }
0x241: {  	v55 =	vld [tilespmem:s17+$0x8C30]  }
0x242: {  	v56 =	vld [tilespmem:s17+$0xC40]  }
0x243: {  	v57 =	vld [tilespmem:s17+$0x8C40]  }
0x244: {  	v58 =	vld [tilespmem:s17+$0xC50]  }
0x245: {  	v59 =	vld [tilespmem:s17+$0x8C50]  }
0x246: {  	v60 =	vld [tilespmem:s17+$0xC60]  }
0x247: {  	v0 =	vadd.f32 v1, v0;
	v1 =	vld [tilespmem:s17+$0x8C60]  }
0x248: {  	v2 =	vadd.f32 v3, v2;
	v3 =	vld [tilespmem:s17+$0xC70]  }
0x249: {  	v63 =	vadd.f32 v5, v4;
	v4 =	vld [tilespmem:s17+$0x8C70];
	[tilespmem:s17+$0x0] =	vst v0  }
0x24a: {  	v61 =	vadd.f32 v7, v6;
	v5 =	vld [tilespmem:s17+$0x1000];
	[tilespmem:s17+$0x10] =	vst v2  }
0x24b: {  	v62 =	vadd.f32 v9, v8;
	v6 =	vld [tilespmem:s17+$0x9000];
	[tilespmem:s17+$0x20] =	vst v63  }
0x24c: {  	v7 =	vld [tilespmem:s17+$0x1010];
	v13 =	vadd.f32 v13, v12;
	[tilespmem:s17+$0x30] =	vst v61  }
0x24d: {  	v8 =	vld [tilespmem:s17+$0x9010];
	v15 =	vadd.f32 v15, v14;
	[tilespmem:s17+$0x40] =	vst v62  }
0x24e: {  	v9 =	vld [tilespmem:s17+$0x1020];
	v17 =	vadd.f32 v17, v16;
	[tilespmem:s17+$0x60] =	vst v13  }
0x24f: {  	v19 =	vadd.f32 v19, v18;
	v12 =	vld [tilespmem:s17+$0x9030];
	[tilespmem:s17+$0x70] =	vst v15  }
0x250: {  	v21 =	vadd.f32 v21, v20;
	v14 =	vld [tilespmem:s17+$0x9040];
	[tilespmem:s17+$0x400] =	vst v17  }
0x251: {  	v23 =	vadd.f32 v23, v22;
	v16 =	vld [tilespmem:s17+$0x9050];
	[tilespmem:s17+$0x410] =	vst v19  }
0x252: {  	v25 =	vadd.f32 v25, v24;
	v20 =	vld [tilespmem:s17+$0x9070];
	[tilespmem:s17+$0x420] =	vst v21  }
0x253: {  	v27 =	vadd.f32 v27, v26;
	v22 =	vld [tilespmem:s17+$0x9400];
	[tilespmem:s17+$0x430] =	vst v23  }
0x254: {  	v29 =	vadd.f32 v29, v28;
	v24 =	vld [tilespmem:s17+$0x9410];
	[tilespmem:s17+$0x440] =	vst v25  }
0x255: {  	v28 =	vadd.f32 v37, v36;
	v37 =	vld [tilespmem:s17+$0x1430];
	[tilespmem:s17+$0x450] =	vst v27  }
0x256: {  	v36 =	vadd.f32 v51, v50;
	v51 =	vld [tilespmem:s17+$0x9460];
	[tilespmem:s17+$0x460] =	vst v29  }
0x257: {  	v63 =	vadd.f32 v11, v10;
	v10 =	vld [tilespmem:s17+$0x9020];
	[tilespmem:s17+$0x820] =	vst v28  }
0x258: {  	v11 =	vld [tilespmem:s17+$0x1030];
	v61 =	vadd.f32 v31, v30;
	[tilespmem:s17+$0xC10] =	vst v36  }
0x259: {  	v13 =	vld [tilespmem:s17+$0x1040];
	v62 =	vadd.f32 v33, v32;
	[tilespmem:s17+$0x50] =	vst v63  }
0x25a: {  	v15 =	vld [tilespmem:s17+$0x1050];
	v27 =	vadd.f32 v35, v34;
	[tilespmem:s17+$0x470] =	vst v61  }
0x25b: {  	v17 =	vld [tilespmem:s17+$0x1060];
	v29 =	vadd.f32 v39, v38;
	[tilespmem:s17+$0x800] =	vst v62  }
0x25c: {  	v19 =	vld [tilespmem:s17+$0x1070];
	v30 =	vadd.f32 v41, v40;
	[tilespmem:s17+$0x810] =	vst v27  }
0x25d: {  	v21 =	vld [tilespmem:s17+$0x1400];
	v31 =	vadd.f32 v43, v42;
	[tilespmem:s17+$0x830] =	vst v29  }
0x25e: {  	v23 =	vld [tilespmem:s17+$0x1410];
	v32 =	vadd.f32 v45, v44;
	[tilespmem:s17+$0x840] =	vst v30  }
0x25f: {  	v33 =	vadd.f32 v47, v46;
	v25 =	vld [tilespmem:s17+$0x1420];
	[tilespmem:s17+$0x850] =	vst v31  }
0x260: {  	v34 =	vadd.f32 v49, v48;
	v35 =	vld [tilespmem:s17+$0x9420];
	[tilespmem:s17+$0x860] =	vst v32  }
0x261: {  	v38 =	vadd.f32 v53, v52;
	v39 =	vld [tilespmem:s17+$0x9430];
	[tilespmem:s17+$0x870] =	vst v33  }
0x262: {  	v40 =	vadd.f32 v55, v54;
	v41 =	vld [tilespmem:s17+$0x1440];
	[tilespmem:s17+$0xC00] =	vst v34  }
0x263: {  	v42 =	vadd.f32 v57, v56;
	v43 =	vld [tilespmem:s17+$0x9440];
	[tilespmem:s17+$0xC20] =	vst v38  }
0x264: {  	v44 =	vadd.f32 v59, v58;
	v45 =	vld [tilespmem:s17+$0x1450];
	[tilespmem:s17+$0xC30] =	vst v40  }
0x265: {  	v47 =	vld [tilespmem:s17+$0x9450];
	[tilespmem:s17+$0xC40] =	vst v42;
	v46 =	vadd.f32 v1, v60  }
0x266: {  	v49 =	vld [tilespmem:s17+$0x1460];
	[tilespmem:s17+$0xC50] =	vst v44;
	v48 =	vadd.f32 v4, v3  }
0x267: {  	v53 =	vld [tilespmem:s17+$0x1470];
	v50 =	vadd.f32 v6, v5;
	[tilespmem:s17+$0xC60] =	vst v46  }
0x268: {  	v55 =	vld [tilespmem:s17+$0x9470];
	v52 =	vadd.f32 v8, v7;
	[tilespmem:s17+$0xC70] =	vst v48  }
0x269: {  	v57 =	vld [tilespmem:s17+$0x1800];
	[tilespmem:s17+$0x1000] =	vst v50;
	v54 =	vadd.f32 v10, v9  }
0x26a: {  	v59 =	vld [tilespmem:s17+$0x9800];
	[tilespmem:s17+$0x1010] =	vst v52;
	v56 =	vadd.f32 v12, v11  }
0x26b: {  	v36 =	vld [tilespmem:s17+$0x9830];
	v58 =	vadd.f32 v14, v13;
	[tilespmem:s17+$0x1020] =	vst v54  }
0x26c: {  	v63 =	vld [tilespmem:s17+$0x9060];
	v60 =	vadd.f32 v16, v15;
	[tilespmem:s17+$0x1030] =	vst v56  }
0x26d: {  	v61 =	vld [tilespmem:s17+$0x1810];
	v19 =	vadd.f32 v20, v19;
	[tilespmem:s17+$0x1040] =	vst v58  }
0x26e: {  	v32 =	vld [tilespmem:s17+$0x9820];
	v22 =	vadd.f32 v22, v21;
	[tilespmem:s17+$0x1050] =	vst v60  }
0x26f: {  	v34 =	vld [tilespmem:s17+$0x1830];
	v33 =	vadd.f32 v24, v23;
	[tilespmem:s17+$0x1070] =	vst v19  }
0x270: {  	v38 =	vld [tilespmem:s17+$0x1840];
	v35 =	vadd.f32 v35, v25;
	[tilespmem:s17+$0x1400] =	vst v22  }
0x271: {  	v40 =	vld [tilespmem:s17+$0x1850];
	v37 =	vadd.f32 v39, v37;
	[tilespmem:s17+$0x1410] =	vst v33  }
0x272: {  	v20 =	vld [tilespmem:s17+$0x1820];
	v39 =	vadd.f32 v43, v41;
	[tilespmem:s17+$0x1420] =	vst v35  }
0x273: {  	v1 =	vadd.f32 v47, v45;
	v41 =	vld [tilespmem:s17+$0x9850];
	[tilespmem:s17+$0x1430] =	vst v37  }
0x274: {  	v42 =	vadd.f32 v51, v49;
	v43 =	vld [tilespmem:s17+$0x1860];
	[tilespmem:s17+$0x1440] =	vst v39  }
0x275: {  	v44 =	vadd.f32 v55, v53;
	v45 =	vld [tilespmem:s17+$0x9860];
	[tilespmem:s17+$0x1450] =	vst v1  }
0x276: {  	v46 =	vadd.f32 v59, v57;
	v47 =	vld [tilespmem:s17+$0x1870];
	[tilespmem:s17+$0x1460] =	vst v42  }
0x277: {  	v49 =	vld [tilespmem:s17+$0x9870];
	v62 =	vadd.f32 v63, v17;
	[tilespmem:s17+$0x1470] =	vst v44  }
0x278: {  	v63 =	vld [tilespmem:s17+$0x9810];
	[tilespmem:s17+$0x1800] =	vst v46;
	v52 =	vadd.f32 v36, v34  }
0x279: {  	v51 =	vld [tilespmem:s17+$0x9840];
	[tilespmem:s17+$0x1060] =	vst v62;
	v50 =	vadd.f32 v32, v20  }
0x27a: {  	[tilespmem:s17+$0x1830] =	vst v52;
	v53 =	vadd.f32 v41, v40  }
0x27b: {  	v54 =	vadd.f32 v45, v43;
	[tilespmem:s17+$0x1820] =	vst v50  }
0x27c: {  	s23 =	sand.u32 $0x7, s13;
	v55 =	vadd.f32 v49, v47;
	[tilespmem:s17+$0x1850] =	vst v53  }
0x27d: {  	s18 =	sshll.u32 s23, $0x7;
	v48 =	vadd.f32 v63, v61;
	[tilespmem:s17+$0x1860] =	vst v54  }
0x27e: {  	s18 =	sadd.s32 s18, s15;
	v56 =	vadd.f32 v51, v38;
	[tilespmem:s17+$0x1870] =	vst v55  }
0x27f: {  	s19 =	sor.u32 $0x1C00, s18;
	[tilespmem:s17+$0x1810] =	vst v48  }
0x280: {  	[tilespmem:s17+$0x1840] =	vst v56;
	v0 =	vld [tilespmem:s19+$0x0]  }
0x281: {  	v1 =	vld [tilespmem:s19+$0x8000];
	_ =	sdelay $0x4  }
0x282: {  	v0 =	vadd.f32 v1, v0;
	_ =	sdelay $0x1  }
0x283: {  	s24 =	sor.u32 $0x1C10, s18;
	[tilespmem:s19+$0x0] =	vst v0  }
0x284: {  	v0 =	vld [tilespmem:s24+$0x0]  }
0x285: {  	v57 =	vld [tilespmem:s24+$0x8000];
	_ =	sdelay $0x4  }
0x286: {  	v0 =	vadd.f32 v57, v0;
	_ =	sdelay $0x1  }
0x287: {  	s25 =	sor.u32 $0x1C20, s18;
	[tilespmem:s24+$0x0] =	vst v0  }
0x288: {  	v0 =	vld [tilespmem:s25+$0x0]  }
0x289: {  	v58 =	vld [tilespmem:s25+$0x8000];
	_ =	sdelay $0x4  }
0x28a: {  	v0 =	vadd.f32 v58, v0;
	_ =	sdelay $0x1  }
0x28b: {  	s26 =	sor.u32 $0x1C30, s18;
	[tilespmem:s25+$0x0] =	vst v0  }
0x28c: {  	v0 =	vld [tilespmem:s26+$0x0]  }
0x28d: {  	v59 =	vld [tilespmem:s26+$0x8000];
	_ =	sdelay $0x4  }
0x28e: {  	v0 =	vadd.f32 v59, v0;
	_ =	sdelay $0x1  }
0x28f: {  	s28 =	sor.u32 $0x1C40, s18;
	[tilespmem:s26+$0x0] =	vst v0  }
0x290: {  	v0 =	vld [tilespmem:s28+$0x0]  }
0x291: {  	v60 =	vld [tilespmem:s28+$0x8000];
	_ =	sdelay $0x4  }
0x292: {  	v0 =	vadd.f32 v60, v0;
	_ =	sdelay $0x1  }
0x293: {  	s29 =	sor.u32 $0x1C50, s18;
	[tilespmem:s28+$0x0] =	vst v0  }
0x294: {  	v0 =	vld [tilespmem:s29+$0x0]  }
0x295: {  	v61 =	vld [tilespmem:s29+$0x8000];
	_ =	sdelay $0x4  }
0x296: {  	v0 =	vadd.f32 v61, v0;
	_ =	sdelay $0x1  }
0x297: {  	s30 =	sor.u32 $0x1C60, s18;
	[tilespmem:s29+$0x0] =	vst v0  }
0x298: {  	v0 =	vld [tilespmem:s30+$0x0]  }
0x299: {  	v62 =	vld [tilespmem:s30+$0x8000];
	_ =	sdelay $0x4  }
0x29a: {  	v0 =	vadd.f32 v62, v0;
	_ =	sdelay $0x1  }
0x29b: {  	s31 =	sor.u32 $0x1C70, s18;
	[tilespmem:s30+$0x0] =	vst v0  }
0x29c: {  	v0 =	vld [tilespmem:s31+$0x0]  }
0x29d: {  	v63 =	vld [tilespmem:s31+$0x8000];
	_ =	sdelay $0x1  }
0x29e: {  	p0 =	sne.s32 s16, $0xF80  }
.Ltmp3:
0x29f: {  	_ = 	snop;
	(pc) =	sbr.rel @p0 .LBB2_9-.Ltmp3, $4  }
0x2a0: {  	_ = 	snop  }
0x2a1: {  	v0 =	vadd.f32 v63, v0  }
0x2a2: {  	s13 =	sadd.s32 $0x1, s13  }
0x2a3: {  	s14 =	sadd.s32 $0x400, s14;
	s16 =	sadd.s32 $0x80, s16;
	s15 =	sadd.s32 $0x400, s15;
	[tilespmem:s31+$0x0] =	vst v0  }
0x2a4: {  	s11 =	sadd.s32 $0x1, s11  }
0x2a5: {  	p0 =	sne.s32 s11, $0x8  }
.Ltmp4:
0x2a6: {  	s12 =	sadd.s32 s3, s12;
	(pc) =	sbr.rel @p0 .LBB2_2-.Ltmp4, $4  }
0x2a7: {  	[hbm4b:s12+s5] =	stream.linear.scatter [tilespmem:s5], [sflag:$0x1], $0x8000, $0x38;
	[tilespmem:$0x10000] =	vst v63  }
0x2a8: {  	_ =	swait.ge [sflag:s9], $0x8000  }
0x2a9: {  	[sflag:s9] =	ssyncset.done $0x0  }
0x2aa: {  	[sflag:s9] =	ssyncadd.s32 $0xFFFF8000  }
0x2ab: {  	s10 =	sadd.s32 $0x1, s10  }
0x2ac: {  	p0 =	sne.s32 s10, s7  }
.Ltmp5:
0x2ad: {  	_ = 	snop;
	(pc) =	sbr.rel @p0 .LBB2_1-.Ltmp5, $1  }
0x2ae: {  	_ =	sdelay $0x3  }
0x2af: {  	_ =	sfence.sel $0x180000  }
0x2b0: {  	[bflag:$0x0] =	sbarrier.arrive $0xFFFF  }
0x2b1: {  	p0 =	sne.s32 s4, $0x0;
	_ =	strace $0x90000047  }
0x2b2: {  	s0 =	sadd.s32 @!p0 $0x100000, s0;
	[bflag:$0x2] =	sbarrier.arrive $0xFFFF  }
0x2b3: {  	[sflag:s0] =	ssyncadd.tile.s32 @!p0 $0x1;
	_ =	shalt  }
.Lfunc_end2:
_tile_overlayer_lowered:
.L_overlay_start_2:
0x2b4: {  	(tag) =	ssettag $0x2  }
0x2b5: {  	s0 =	rddreg [dreg:$0x0];
	s2 =	stileid.u32  }
0x2b6: {  	s1 =	rddreg [dreg:$0x1];
	p0 =	sne.s32 s2, $0x0  }
0x2b7: {  	s3 =	rddreg [dreg:$0x2];
	[bflag:$0x3] =	sbarrier.arrive $0xFFFF;
	s2 =	simm.s32 @!p0 $0x1C01  }
0x2b8: {  	[timem:s3], [sflag:s2] =	dma.local @!p0 [hbm:s0], s1  }
0x2b9: {  	s0 =	simm.s32 @!p0 $0x1  }
0x2ba: {  	_ =	swait.ge @!p0 [sflag:s0], s1  }
0x2bb: {  	s1 =	ssub.s32 @!p0 $0x0, s1;
	[sflag:s0] =	ssyncset.done @!p0 $0x0  }
0x2bc: {  	[sflag:s0] =	ssyncadd.s32 @!p0 s1  }
0x2bd: {  	[bflag:$0x3] =	sbarrier.arrive $0xFFFF  }
0x2be: {  	_ =	shalt  }

</sc_bundles>
